<compile_context>
chip_gen: v7x
topology: tpu7x:2x2x1
jax: 0.10.2.dev20260603
libtpu: 0.0.44.dev20260713+nightly
codegen_flags: <defaults>
</compile_context>

<pallas_src>
import functools

import jax
import jax.numpy as jnp
from jax import lax
from jax.experimental import pallas as pl
from jax.experimental.pallas import tpu as pltpu
from jax.experimental.pallas import tpu_sc as plsc

B = 16384
CTX = 128
G = 64
D = 3000

BB = 1024
NB = B // BB

NC = 2
NS = 16
NWB = 8
NWK = 4
BW = B // NWB
JW = BW // 128
KW = 752
IT = KW // 8
ROW = JW * 8 * 128
ZN = (D // 8) * 128 * 8 * 128


def _argmin_body(x_ref, c_ref, out_ref):
    xb = x_ref[...]
    best = jnp.full((BB,), jnp.inf, dtype=jnp.float32)
    bidx = jnp.zeros((BB,), dtype=jnp.int32)
    for g in range(G):
        diff = c_ref[g, :][None, :] - xb
        dist = jnp.sqrt(jnp.sum(diff * diff, axis=1))
        upd = dist < best
        best = jnp.where(upd, dist, best)
        bidx = jnp.where(upd, g, bidx)
    out_ref[...] = bidx.reshape(1, 1, BB)


def _nearest(x, centers):
    out3 = pl.pallas_call(
        _argmin_body,
        grid=(NB,),
        in_specs=[
            pl.BlockSpec((BB, CTX), lambda i: (i, 0)),
            pl.BlockSpec((G, CTX), lambda i: (0, 0)),
        ],
        out_specs=pl.BlockSpec((1, 1, BB), lambda i: (i, 0, 0)),
        out_shape=jax.ShapeDtypeStruct((NB, 1, BB), jnp.int32),
    )(x, centers)
    return out3.reshape(B)


@functools.cache
def _make_gather():
    mesh = plsc.VectorSubcoreMesh(core_axis_name="c", subcore_axis_name="s")

    @functools.partial(
        pl.kernel,
        mesh=mesh,
        out_type=jax.ShapeDtypeStruct((ZN,), jnp.float32),
        scratch_types=[
            pltpu.VMEM((KW, G), jnp.float32),
            pltpu.VMEM((BW,), jnp.int32),
            pltpu.VMEM((ROW,), jnp.float32),
            pltpu.VMEM((ROW,), jnp.float32),
            pltpu.SemaphoreType.DMA,
            pltpu.SemaphoreType.DMA,
        ],
        compiler_params=pltpu.CompilerParams(
            use_tc_tiling_on_sc=False, needs_layout_passes=False),
    )
    def _gather(cv_hbm, idx_hbm, z_hbm, tab_v, idx_v, buf0, buf1, sem0, sem1):
        wid = lax.axis_index("s") * NC + lax.axis_index("c")
        wb = wid % NWB
        wk = wid // NWB
        b0 = wb * BW
        j0 = wb * JW
        k0 = jnp.minimum(wk * KW, D - KW)
        i0 = k0 // 8
        pltpu.sync_copy(cv_hbm.at[pl.ds(k0, KW)], tab_v)
        pltpu.sync_copy(idx_hbm.at[pl.ds(b0, BW)], idx_v)

        def zoff(i):
            return ((i0 + i) * 128 + j0) * 1024

        def fill(i, buf):
            kvs = [jnp.broadcast_to(i * 8 + r, (16,)).astype(jnp.int32)
                   for r in range(8)]

            def jbody(jj, carry):
                base = jj * 1024
                gvs = [idx_v[pl.ds(jj * 128 + 16 * c, 16)] for c in range(8)]
                for r in range(8):
                    for c in range(8):
                        vals = plsc.load_gather(tab_v, [kvs[r], gvs[c]])
                        buf[pl.ds(base + r * 128 + 16 * c, 16)] = vals
                return carry

            lax.fori_loop(0, JW, jbody, 0)

        fill(0, buf0)
        pltpu.async_copy(buf0, z_hbm.at[pl.ds(zoff(0), ROW)], sem0)
        fill(1, buf1)
        pltpu.async_copy(buf1, z_hbm.at[pl.ds(zoff(1), ROW)], sem1)

        def body(t, carry):
            i = 2 * t
            pltpu.make_async_copy(
                buf0, z_hbm.at[pl.ds(zoff(i - 2), ROW)], sem0).wait()
            fill(i, buf0)
            pltpu.async_copy(buf0, z_hbm.at[pl.ds(zoff(i), ROW)], sem0)
            pltpu.make_async_copy(
                buf1, z_hbm.at[pl.ds(zoff(i - 1), ROW)], sem1).wait()
            fill(i + 1, buf1)
            pltpu.async_copy(buf1, z_hbm.at[pl.ds(zoff(i + 1), ROW)], sem1)
            return carry

        lax.fori_loop(1, IT // 2, body, 0)
        pltpu.make_async_copy(
            buf0, z_hbm.at[pl.ds(zoff(IT - 2), ROW)], sem0).wait()
        pltpu.make_async_copy(
            buf1, z_hbm.at[pl.ds(zoff(IT - 1), ROW)], sem1).wait()

    return _gather


def kernel(x, centers, center_values):
    nearest = _nearest(x, centers)
    z = _make_gather()(center_values, nearest)
    z4 = z.reshape(D // 8, 128, 8, 128)
    return jnp.transpose(z4, (1, 3, 0, 2)).reshape(B, D)

# --- scband reference (transcript-rebuilt; emitter-appended) ---
"""Pipeline reference for scband-nearest-center-26482768347710 (READ-ONLY COPY).

The authoritative reference and input builder live on the scoring server;
editing this copy changes nothing except your own understanding.
"""

import jax, jax.numpy as jnp
import numpy as np

B = 16384
CTX = 128
K = 1000
G = 64

def setup_inputs(seed: int = 0) -> dict:
    key = jax.random.key(seed)
    k1, k2, k3 = jax.random.split(key, 3)
    x = jax.random.normal(k1, (B, CTX), dtype=jnp.float32)
    centers = jax.random.normal(k2, (G, CTX), dtype=jnp.float32)
    center_values = jax.random.normal(k3, (3 * K, G), dtype=jnp.float32)
    return {"x": x, "centers": centers, "center_values": center_values}

def reference(x, centers, center_values):
    # torch: vector_norm(centers.repeat(B,1,1) - x.unsqueeze(1), dim=2).argmin(dim=1)
    diff = centers[None, :, :] - x[:, None, :]          # [B, G, CTX]
    dist = jnp.sqrt(jnp.sum(diff * diff, axis=2))        # [B, G]
    nearest = jnp.argmin(dist, axis=1)                   # [B]
    # torch: self.center_values[:, nearest].T  -> [B, 3K]
    out = jnp.take(center_values, nearest, axis=1).T     # [B, 3K]
    return out

if __name__ == "__main__":
    import jax
    _d = setup_inputs()
    print(jax.jit(kernel)(*tuple(_d.values())))

</pallas_src>

<mosaic_0001>
#map = affine_map<(d0, d1) -> (0, 0)>
#map1 = affine_map<(d0, d1) -> (0)>
module attributes {stable_mosaic.version = 14 : i64} {
  func.func @_gather(%arg0: i32, %arg1: i32, %arg2: memref<3000x64xf32, #tpu.memory_space<hbm>>, %arg3: memref<16384xi32, #tpu.memory_space<hbm>>, %arg4: memref<49152000xf32, #tpu.memory_space<hbm>>, %arg5: memref<752x64xf32, #tpu.memory_space<vmem>>, %arg6: memref<2048xi32, #tpu.memory_space<vmem>>, %arg7: memref<16384xf32, #tpu.memory_space<vmem>>, %arg8: memref<16384xf32, #tpu.memory_space<vmem>>, %arg9: memref<!tpu.dma_semaphore, #tpu.memory_space<semaphore_mem>>, %arg10: memref<!tpu.dma_semaphore, #tpu.memory_space<semaphore_mem>>) attributes {dimension_semantics = [#tpu.dimension_semantics<core_parallel>, #tpu.dimension_semantics<subcore_parallel>], iteration_bounds = array<i64: 2, 16>, scalar_prefetch = 0 : i64, scratch_operands = 6 : i64, tpu.core_type = #tpu.core_type<sc_vector_subcore>, window_params = [{transform_indices = #map}, {transform_indices = #map1}, {transform_indices = #map1}]} {
    %mul3A = arith.constant 2 : i32
    %mul3A_0 = arith.muli %arg1, %mul3A : i32
    %add3A = arith.addi %mul3A_0, %arg0 : i32
    %jit3A = arith.constant 8 : i32
    %eq3A = arith.constant 0 : i32
    %eq3A_1 = arith.cmpi eq, %jit3A, %eq3A : i32
    %jit3A_2 = arith.constant 1 : i32
    %select_n3A = arith.select %eq3A_1, %jit3A_2, %jit3A : i32
    %rem3A = arith.remsi %add3A, %select_n3A : i32
    %ne3A = arith.constant 0 : i32
    %ne3A_3 = arith.cmpi ne, %rem3A, %ne3A : i32
    %lt3A = arith.constant 0 : i32
    %lt3A_4 = arith.cmpi slt, %rem3A, %lt3A : i32
    %lt3A_5 = arith.constant 0 : i32
    %lt3A_6 = arith.cmpi slt, %select_n3A, %lt3A_5 : i32
    %ne3A_7 = arith.xori %lt3A_4, %lt3A_6 : i1
    %and3A = arith.andi %ne3A_7, %ne3A_3 : i1
    %add3A_8 = arith.addi %rem3A, %select_n3A : i32
    %select_n3A_9 = arith.select %and3A, %add3A_8, %rem3A : i32
    %jit3A_10 = arith.constant 8 : i32
    %div3A = arith.divsi %add3A, %jit3A_10 : i32
    %sign3A = arith.constant 0 : i32
    %sign3A_11 = arith.cmpi sgt, %add3A, %sign3A : i32
    %sign3A_12 = arith.extui %sign3A_11 : i1 to i32
    %sign3A_13 = arith.constant 0 : i32
    %sign3A_14 = arith.cmpi slt, %add3A, %sign3A_13 : i32
    %sign3A_15 = arith.extui %sign3A_14 : i1 to i32
    %sign3A_16 = arith.subi %sign3A_12, %sign3A_15 : i32
    %sign3A_17 = arith.constant 0 : i32
    %sign3A_18 = arith.cmpi sgt, %jit3A_10, %sign3A_17 : i32
    %sign3A_19 = arith.extui %sign3A_18 : i1 to i32
    %sign3A_20 = arith.constant 0 : i32
    %sign3A_21 = arith.cmpi slt, %jit3A_10, %sign3A_20 : i32
    %sign3A_22 = arith.extui %sign3A_21 : i1 to i32
    %sign3A_23 = arith.subi %sign3A_19, %sign3A_22 : i32
    %ne3A_24 = arith.cmpi ne, %sign3A_16, %sign3A_23 : i32
    %rem3A_25 = arith.remsi %add3A, %jit3A_10 : i32
    %ne3A_26 = arith.constant 0 : i32
    %ne3A_27 = arith.cmpi ne, %rem3A_25, %ne3A_26 : i32
    %and3A_28 = arith.andi %ne3A_24, %ne3A_27 : i1
    %sub3A = arith.constant 1 : i32
    %sub3A_29 = arith.subi %div3A, %sub3A : i32
    %select_n3A_30 = arith.select %and3A_28, %sub3A_29, %div3A : i32
    %mul3A_31 = arith.constant 2048 : i32
    %mul3A_32 = arith.muli %select_n3A_9, %mul3A_31 : i32
    %mul3A_33 = arith.constant 16 : i32
    %mul3A_34 = arith.muli %select_n3A_9, %mul3A_33 : i32
    %mul3A_35 = arith.constant 752 : i32
    %mul3A_36 = arith.muli %select_n3A_30, %mul3A_35 : i32
    %min3A = arith.constant 2248 : i32
    %min3A_37 = arith.minsi %mul3A_36, %min3A : i32
    %jit3A_38 = arith.constant 8 : i32
    %div3A_39 = arith.divsi %min3A_37, %jit3A_38 : i32
    %sign3A_40 = arith.constant 0 : i32
    %sign3A_41 = arith.cmpi sgt, %min3A_37, %sign3A_40 : i32
    %sign3A_42 = arith.extui %sign3A_41 : i1 to i32
    %sign3A_43 = arith.constant 0 : i32
    %sign3A_44 = arith.cmpi slt, %min3A_37, %sign3A_43 : i32
    %sign3A_45 = arith.extui %sign3A_44 : i1 to i32
    %sign3A_46 = arith.subi %sign3A_42, %sign3A_45 : i32
    %sign3A_47 = arith.constant 0 : i32
    %sign3A_48 = arith.cmpi sgt, %jit3A_38, %sign3A_47 : i32
    %sign3A_49 = arith.extui %sign3A_48 : i1 to i32
    %sign3A_50 = arith.constant 0 : i32
    %sign3A_51 = arith.cmpi slt, %jit3A_38, %sign3A_50 : i32
    %sign3A_52 = arith.extui %sign3A_51 : i1 to i32
    %sign3A_53 = arith.subi %sign3A_49, %sign3A_52 : i32
    %ne3A_54 = arith.cmpi ne, %sign3A_46, %sign3A_53 : i32
    %rem3A_55 = arith.remsi %min3A_37, %jit3A_38 : i32
    %ne3A_56 = arith.constant 0 : i32
    %ne3A_57 = arith.cmpi ne, %rem3A_55, %ne3A_56 : i32
    %and3A_58 = arith.andi %ne3A_54, %ne3A_57 : i1
    %sub3A_59 = arith.constant 1 : i32
    %sub3A_60 = arith.subi %div3A_39, %sub3A_59 : i32
    %select_n3A_61 = arith.select %and3A_58, %sub3A_60, %div3A_39 : i32
    "tpu.region"() ({
      %run_scoped3A = tpu.sem_alloc : memref<!tpu.dma_semaphore, #tpu.memory_space<semaphore_mem>>
      %dma_start3A_144 = arith.constant 0 : i32
      %dma_start3A_145 = tpu.memref_slice %arg2[%min3A_37, %dma_start3A_144] : memref<3000x64xf32, #tpu.memory_space<hbm>> -> memref<752x64xf32, #tpu.memory_space<hbm>>
      %dma_start3A_146 = arith.constant 0 : i32
      %dma_start3A_147 = tpu.memref_slice %arg2[%min3A_37, %dma_start3A_146] : memref<3000x64xf32, #tpu.memory_space<hbm>> -> memref<752x64xf32, #tpu.memory_space<hbm>>
      tpu.enqueue_dma source(%dma_start3A_147 : memref<752x64xf32, #tpu.memory_space<hbm>>) target(%arg5 : memref<752x64xf32, #tpu.memory_space<vmem>>) target_semaphore(%run_scoped3A : memref<!tpu.dma_semaphore, #tpu.memory_space<semaphore_mem>>)
      %dma_wait3A_148 = arith.constant 0 : i32
      %dma_wait3A_149 = tpu.memref_slice %arg2[%min3A_37, %dma_wait3A_148] : memref<3000x64xf32, #tpu.memory_space<hbm>> -> memref<752x64xf32, #tpu.memory_space<hbm>>
      %dma_wait3A_150 = arith.constant 0 : i32
      %dma_wait3A_151 = tpu.memref_slice %arg2[%min3A_37, %dma_wait3A_150] : memref<3000x64xf32, #tpu.memory_space<hbm>> -> memref<752x64xf32, #tpu.memory_space<hbm>>
      tpu.wait_dma2 semaphore(%run_scoped3A : memref<!tpu.dma_semaphore, #tpu.memory_space<semaphore_mem>>) src(%dma_wait3A_151 : memref<752x64xf32, #tpu.memory_space<hbm>>) dst(%arg5 : memref<752x64xf32, #tpu.memory_space<vmem>>)
      tpu.yield
    }) : () -> ()
    "tpu.region"() ({
      %run_scoped3A = tpu.sem_alloc : memref<!tpu.dma_semaphore, #tpu.memory_space<semaphore_mem>>
      %dma_start3A_144 = tpu.memref_slice %arg3[%mul3A_32] : memref<16384xi32, #tpu.memory_space<hbm>> -> memref<2048xi32, #tpu.memory_space<hbm>>
      %dma_start3A_145 = tpu.memref_slice %arg3[%mul3A_32] : memref<16384xi32, #tpu.memory_space<hbm>> -> memref<2048xi32, #tpu.memory_space<hbm>>
      tpu.enqueue_dma source(%dma_start3A_145 : memref<2048xi32, #tpu.memory_space<hbm>>) target(%arg6 : memref<2048xi32, #tpu.memory_space<vmem>>) target_semaphore(%run_scoped3A : memref<!tpu.dma_semaphore, #tpu.memory_space<semaphore_mem>>)
      %dma_wait3A_146 = tpu.memref_slice %arg3[%mul3A_32] : memref<16384xi32, #tpu.memory_space<hbm>> -> memref<2048xi32, #tpu.memory_space<hbm>>
      %dma_wait3A_147 = tpu.memref_slice %arg3[%mul3A_32] : memref<16384xi32, #tpu.memory_space<hbm>> -> memref<2048xi32, #tpu.memory_space<hbm>>
      tpu.wait_dma2 semaphore(%run_scoped3A : memref<!tpu.dma_semaphore, #tpu.memory_space<semaphore_mem>>) src(%dma_wait3A_147 : memref<2048xi32, #tpu.memory_space<hbm>>) dst(%arg6 : memref<2048xi32, #tpu.memory_space<vmem>>)
      tpu.yield
    }) : () -> ()
    %broadcast_in_dim3A = arith.constant 0 : i32
    %broadcast_in_dim3A_62 = vector.broadcast %broadcast_in_dim3A : i32 to vector<16xi32>
    %broadcast_in_dim3A_63 = arith.constant 1 : i32
    %broadcast_in_dim3A_64 = vector.broadcast %broadcast_in_dim3A_63 : i32 to vector<16xi32>
    %broadcast_in_dim3A_65 = arith.constant 2 : i32
    %broadcast_in_dim3A_66 = vector.broadcast %broadcast_in_dim3A_65 : i32 to vector<16xi32>
    %broadcast_in_dim3A_67 = arith.constant 3 : i32
    %broadcast_in_dim3A_68 = vector.broadcast %broadcast_in_dim3A_67 : i32 to vector<16xi32>
    %broadcast_in_dim3A_69 = arith.constant 4 : i32
    %broadcast_in_dim3A_70 = vector.broadcast %broadcast_in_dim3A_69 : i32 to vector<16xi32>
    %broadcast_in_dim3A_71 = arith.constant 5 : i32
    %broadcast_in_dim3A_72 = vector.broadcast %broadcast_in_dim3A_71 : i32 to vector<16xi32>
    %broadcast_in_dim3A_73 = arith.constant 6 : i32
    %broadcast_in_dim3A_74 = vector.broadcast %broadcast_in_dim3A_73 : i32 to vector<16xi32>
    %broadcast_in_dim3A_75 = arith.constant 7 : i32
    %broadcast_in_dim3A_76 = vector.broadcast %broadcast_in_dim3A_75 : i32 to vector<16xi32>
    %scan3A = arith.constant 0 : i32
    %scan3A_77 = arith.constant 0 : i32
    %scan3A_78 = arith.constant 16 : i32
    %scan3A_79 = arith.addi %scan3A_77, %scan3A_78 : i32
    %scan3A_80 = arith.constant 1 : i32
    scf.for %scan3A_144 = %scan3A_77 to %scan3A_79 step %scan3A_80  : i32 {
      %mul3A_145 = arith.constant 1024 : i32
      %mul3A_146 = arith.muli %scan3A_144, %mul3A_145 : i32
      %mul3A_147 = arith.constant 128 : i32
      %mul3A_148 = arith.muli %scan3A_144, %mul3A_147 : i32
      %add3A_149 = arith.constant 0 : i32
      %add3A_150 = arith.addi %mul3A_148, %add3A_149 : i32
      %get3A = arith.index_cast %add3A_150 : i32 to index
      %get3A_151 = tpu.vector_load %arg6[%get3A] {strides = array<i32>} : memref<2048xi32, #tpu.memory_space<vmem>>, vector<16xi32>,
      %mul3A_152 = arith.constant 128 : i32
      %mul3A_153 = arith.muli %scan3A_144, %mul3A_152 : i32
      %add3A_154 = arith.constant 16 : i32
      %add3A_155 = arith.addi %mul3A_153, %add3A_154 : i32
      %get3A_156 = arith.index_cast %add3A_155 : i32 to index
      %get3A_157 = tpu.vector_load %arg6[%get3A_156] {strides = array<i32>} : memref<2048xi32, #tpu.memory_space<vmem>>, vector<16xi32>,
      %mul3A_158 = arith.constant 128 : i32
      %mul3A_159 = arith.muli %scan3A_144, %mul3A_158 : i32
      %add3A_160 = arith.constant 32 : i32
      %add3A_161 = arith.addi %mul3A_159, %add3A_160 : i32
      %get3A_162 = arith.index_cast %add3A_161 : i32 to index
      %get3A_163 = tpu.vector_load %arg6[%get3A_162] {strides = array<i32>} : memref<2048xi32, #tpu.memory_space<vmem>>, vector<16xi32>,
      %mul3A_164 = arith.constant 128 : i32
      %mul3A_165 = arith.muli %scan3A_144, %mul3A_164 : i32
      %add3A_166 = arith.constant 48 : i32
      %add3A_167 = arith.addi %mul3A_165, %add3A_166 : i32
      %get3A_168 = arith.index_cast %add3A_167 : i32 to index
      %get3A_169 = tpu.vector_load %arg6[%get3A_168] {strides = array<i32>} : memref<2048xi32, #tpu.memory_space<vmem>>, vector<16xi32>,
      %mul3A_170 = arith.constant 128 : i32
      %mul3A_171 = arith.muli %scan3A_144, %mul3A_170 : i32
      %add3A_172 = arith.constant 64 : i32
      %add3A_173 = arith.addi %mul3A_171, %add3A_172 : i32
      %get3A_174 = arith.index_cast %add3A_173 : i32 to index
      %get3A_175 = tpu.vector_load %arg6[%get3A_174] {strides = array<i32>} : memref<2048xi32, #tpu.memory_space<vmem>>, vector<16xi32>,
      %mul3A_176 = arith.constant 128 : i32
      %mul3A_177 = arith.muli %scan3A_144, %mul3A_176 : i32
      %add3A_178 = arith.constant 80 : i32
      %add3A_179 = arith.addi %mul3A_177, %add3A_178 : i32
      %get3A_180 = arith.index_cast %add3A_179 : i32 to index
      %get3A_181 = tpu.vector_load %arg6[%get3A_180] {strides = array<i32>} : memref<2048xi32, #tpu.memory_space<vmem>>, vector<16xi32>,
      %mul3A_182 = arith.constant 128 : i32
      %mul3A_183 = arith.muli %scan3A_144, %mul3A_182 : i32
      %add3A_184 = arith.constant 96 : i32
      %add3A_185 = arith.addi %mul3A_183, %add3A_184 : i32
      %get3A_186 = arith.index_cast %add3A_185 : i32 to index
      %get3A_187 = tpu.vector_load %arg6[%get3A_186] {strides = array<i32>} : memref<2048xi32, #tpu.memory_space<vmem>>, vector<16xi32>,
      %mul3A_188 = arith.constant 128 : i32
      %mul3A_189 = arith.muli %scan3A_144, %mul3A_188 : i32
      %add3A_190 = arith.constant 112 : i32
      %add3A_191 = arith.addi %mul3A_189, %add3A_190 : i32
      %get3A_192 = arith.index_cast %add3A_191 : i32 to index
      %get3A_193 = tpu.vector_load %arg6[%get3A_192] {strides = array<i32>} : memref<2048xi32, #tpu.memory_space<vmem>>, vector<16xi32>,
      %gather3A = tpu.vector_load_idx %arg5[%broadcast_in_dim3A_62, %get3A_151] : memref<752x64xf32, #tpu.memory_space<vmem>>[vector<16xi32>, vector<16xi32>], vector<16xf32>,
      %add3A_194 = arith.constant 0 : i32
      %add3A_195 = arith.addi %mul3A_146, %add3A_194 : i32
      %add3A_196 = arith.constant 0 : i32
      %add3A_197 = arith.addi %add3A_195, %add3A_196 : i32
      %swap3A = arith.index_cast %add3A_197 : i32 to index
      %swap3A_198 = tpu.vector_load %arg7[%swap3A] {strides = array<i32>} : memref<16384xf32, #tpu.memory_space<vmem>>, vector<16xf32>,
      tpu.vector_store %arg7[%swap3A], %gather3A {strides = array<i32>} : memref<16384xf32, #tpu.memory_space<vmem>>, vector<16xf32>,
      %gather3A_199 = tpu.vector_load_idx %arg5[%broadcast_in_dim3A_62, %get3A_157] : memref<752x64xf32, #tpu.memory_space<vmem>>[vector<16xi32>, vector<16xi32>], vector<16xf32>,
      %add3A_200 = arith.constant 0 : i32
      %add3A_201 = arith.addi %mul3A_146, %add3A_200 : i32
      %add3A_202 = arith.constant 16 : i32
      %add3A_203 = arith.addi %add3A_201, %add3A_202 : i32
      %swap3A_204 = arith.index_cast %add3A_203 : i32 to index
      %swap3A_205 = tpu.vector_load %arg7[%swap3A_204] {strides = array<i32>} : memref<16384xf32, #tpu.memory_space<vmem>>, vector<16xf32>,
      tpu.vector_store %arg7[%swap3A_204], %gather3A_199 {strides = array<i32>} : memref<16384xf32, #tpu.memory_space<vmem>>, vector<16xf32>,
      %gather3A_206 = tpu.vector_load_idx %arg5[%broadcast_in_dim3A_62, %get3A_163] : memref<752x64xf32, #tpu.memory_space<vmem>>[vector<16xi32>, vector<16xi32>], vector<16xf32>,
      %add3A_207 = arith.constant 0 : i32
      %add3A_208 = arith.addi %mul3A_146, %add3A_207 : i32
      %add3A_209 = arith.constant 32 : i32
      %add3A_210 = arith.addi %add3A_208, %add3A_209 : i32
      %swap3A_211 = arith.index_cast %add3A_210 : i32 to index
      %swap3A_212 = tpu.vector_load %arg7[%swap3A_211] {strides = array<i32>} : memref<16384xf32, #tpu.memory_space<vmem>>, vector<16xf32>,
      tpu.vector_store %arg7[%swap3A_211], %gather3A_206 {strides = array<i32>} : memref<16384xf32, #tpu.memory_space<vmem>>, vector<16xf32>,
      %gather3A_213 = tpu.vector_load_idx %arg5[%broadcast_in_dim3A_62, %get3A_169] : memref<752x64xf32, #tpu.memory_space<vmem>>[vector<16xi32>, vector<16xi32>], vector<16xf32>,
      %add3A_214 = arith.constant 0 : i32
      %add3A_215 = arith.addi %mul3A_146, %add3A_214 : i32
      %add3A_216 = arith.constant 48 : i32
      %add3A_217 = arith.addi %add3A_215, %add3A_216 : i32
      %swap3A_218 = arith.index_cast %add3A_217 : i32 to index
      %swap3A_219 = tpu.vector_load %arg7[%swap3A_218] {strides = array<i32>} : memref<16384xf32, #tpu.memory_space<vmem>>, vector<16xf32>,
      tpu.vector_store %arg7[%swap3A_218], %gather3A_213 {strides = array<i32>} : memref<16384xf32, #tpu.memory_space<vmem>>, vector<16xf32>,
      %gather3A_220 = tpu.vector_load_idx %arg5[%broadcast_in_dim3A_62, %get3A_175] : memref<752x64xf32, #tpu.memory_space<vmem>>[vector<16xi32>, vector<16xi32>], vector<16xf32>,
      %add3A_221 = arith.constant 0 : i32
      %add3A_222 = arith.addi %mul3A_146, %add3A_221 : i32
      %add3A_223 = arith.constant 64 : i32
      %add3A_224 = arith.addi %add3A_222, %add3A_223 : i32
      %swap3A_225 = arith.index_cast %add3A_224 : i32 to index
      %swap3A_226 = tpu.vector_load %arg7[%swap3A_225] {strides = array<i32>} : memref<16384xf32, #tpu.memory_space<vmem>>, vector<16xf32>,
      tpu.vector_store %arg7[%swap3A_225], %gather3A_220 {strides = array<i32>} : memref<16384xf32, #tpu.memory_space<vmem>>, vector<16xf32>,
      %gather3A_227 = tpu.vector_load_idx %arg5[%broadcast_in_dim3A_62, %get3A_181] : memref<752x64xf32, #tpu.memory_space<vmem>>[vector<16xi32>, vector<16xi32>], vector<16xf32>,
      %add3A_228 = arith.constant 0 : i32
      %add3A_229 = arith.addi %mul3A_146, %add3A_228 : i32
      %add3A_230 = arith.constant 80 : i32
      %add3A_231 = arith.addi %add3A_229, %add3A_230 : i32
      %swap3A_232 = arith.index_cast %add3A_231 : i32 to index
      %swap3A_233 = tpu.vector_load %arg7[%swap3A_232] {strides = array<i32>} : memref<16384xf32, #tpu.memory_space<vmem>>, vector<16xf32>,
      tpu.vector_store %arg7[%swap3A_232], %gather3A_227 {strides = array<i32>} : memref<16384xf32, #tpu.memory_space<vmem>>, vector<16xf32>,
      %gather3A_234 = tpu.vector_load_idx %arg5[%broadcast_in_dim3A_62, %get3A_187] : memref<752x64xf32, #tpu.memory_space<vmem>>[vector<16xi32>, vector<16xi32>], vector<16xf32>,
      %add3A_235 = arith.constant 0 : i32
      %add3A_236 = arith.addi %mul3A_146, %add3A_235 : i32
      %add3A_237 = arith.constant 96 : i32
      %add3A_238 = arith.addi %add3A_236, %add3A_237 : i32
      %swap3A_239 = arith.index_cast %add3A_238 : i32 to index
      %swap3A_240 = tpu.vector_load %arg7[%swap3A_239] {strides = array<i32>} : memref<16384xf32, #tpu.memory_space<vmem>>, vector<16xf32>,
      tpu.vector_store %arg7[%swap3A_239], %gather3A_234 {strides = array<i32>} : memref<16384xf32, #tpu.memory_space<vmem>>, vector<16xf32>,
      %gather3A_241 = tpu.vector_load_idx %arg5[%broadcast_in_dim3A_62, %get3A_193] : memref<752x64xf32, #tpu.memory_space<vmem>>[vector<16xi32>, vector<16xi32>], vector<16xf32>,
      %add3A_242 = arith.constant 0 : i32
      %add3A_243 = arith.addi %mul3A_146, %add3A_242 : i32
      %add3A_244 = arith.constant 112 : i32
      %add3A_245 = arith.addi %add3A_243, %add3A_244 : i32
      %swap3A_246 = arith.index_cast %add3A_245 : i32 to index
      %swap3A_247 = tpu.vector_load %arg7[%swap3A_246] {strides = array<i32>} : memref<16384xf32, #tpu.memory_space<vmem>>, vector<16xf32>,
      tpu.vector_store %arg7[%swap3A_246], %gather3A_241 {strides = array<i32>} : memref<16384xf32, #tpu.memory_space<vmem>>, vector<16xf32>,
      %gather3A_248 = tpu.vector_load_idx %arg5[%broadcast_in_dim3A_64, %get3A_151] : memref<752x64xf32, #tpu.memory_space<vmem>>[vector<16xi32>, vector<16xi32>], vector<16xf32>,
      %add3A_249 = arith.constant 128 : i32
      %add3A_250 = arith.addi %mul3A_146, %add3A_249 : i32
      %add3A_251 = arith.constant 0 : i32
      %add3A_252 = arith.addi %add3A_250, %add3A_251 : i32
      %swap3A_253 = arith.index_cast %add3A_252 : i32 to index
      %swap3A_254 = tpu.vector_load %arg7[%swap3A_253] {strides = array<i32>} : memref<16384xf32, #tpu.memory_space<vmem>>, vector<16xf32>,
      tpu.vector_store %arg7[%swap3A_253], %gather3A_248 {strides = array<i32>} : memref<16384xf32, #tpu.memory_space<vmem>>, vector<16xf32>,
      %gather3A_255 = tpu.vector_load_idx %arg5[%broadcast_in_dim3A_64, %get3A_157] : memref<752x64xf32, #tpu.memory_space<vmem>>[vector<16xi32>, vector<16xi32>], vector<16xf32>,
      %add3A_256 = arith.constant 128 : i32
      %add3A_257 = arith.addi %mul3A_146, %add3A_256 : i32
      %add3A_258 = arith.constant 16 : i32
      %add3A_259 = arith.addi %add3A_257, %add3A_258 : i32
      %swap3A_260 = arith.index_cast %add3A_259 : i32 to index
      %swap3A_261 = tpu.vector_load %arg7[%swap3A_260] {strides = array<i32>} : memref<16384xf32, #tpu.memory_space<vmem>>, vector<16xf32>,
      tpu.vector_store %arg7[%swap3A_260], %gather3A_255 {strides = array<i32>} : memref<16384xf32, #tpu.memory_space<vmem>>, vector<16xf32>,
      %gather3A_262 = tpu.vector_load_idx %arg5[%broadcast_in_dim3A_64, %get3A_163] : memref<752x64xf32, #tpu.memory_space<vmem>>[vector<16xi32>, vector<16xi32>], vector<16xf32>,
      %add3A_263 = arith.constant 128 : i32
      %add3A_264 = arith.addi %mul3A_146, %add3A_263 : i32
      %add3A_265 = arith.constant 32 : i32
      %add3A_266 = arith.addi %add3A_264, %add3A_265 : i32
      %swap3A_267 = arith.index_cast %add3A_266 : i32 to index
      %swap3A_268 = tpu.vector_load %arg7[%swap3A_267] {strides = array<i32>} : memref<16384xf32, #tpu.memory_space<vmem>>, vector<16xf32>,
      tpu.vector_store %arg7[%swap3A_267], %gather3A_262 {strides = array<i32>} : memref<16384xf32, #tpu.memory_space<vmem>>, vector<16xf32>,
      %gather3A_269 = tpu.vector_load_idx %arg5[%broadcast_in_dim3A_64, %get3A_169] : memref<752x64xf32, #tpu.memory_space<vmem>>[vector<16xi32>, vector<16xi32>], vector<16xf32>,
      %add3A_270 = arith.constant 128 : i32
      %add3A_271 = arith.addi %mul3A_146, %add3A_270 : i32
      %add3A_272 = arith.constant 48 : i32
      %add3A_273 = arith.addi %add3A_271, %add3A_272 : i32
      %swap3A_274 = arith.index_cast %add3A_273 : i32 to index
      %swap3A_275 = tpu.vector_load %arg7[%swap3A_274] {strides = array<i32>} : memref<16384xf32, #tpu.memory_space<vmem>>, vector<16xf32>,
      tpu.vector_store %arg7[%swap3A_274], %gather3A_269 {strides = array<i32>} : memref<16384xf32, #tpu.memory_space<vmem>>, vector<16xf32>,
      %gather3A_276 = tpu.vector_load_idx %arg5[%broadcast_in_dim3A_64, %get3A_175] : memref<752x64xf32, #tpu.memory_space<vmem>>[vector<16xi32>, vector<16xi32>], vector<16xf32>,
      %add3A_277 = arith.constant 128 : i32
      %add3A_278 = arith.addi %mul3A_146, %add3A_277 : i32
      %add3A_279 = arith.constant 64 : i32
      %add3A_280 = arith.addi %add3A_278, %add3A_279 : i32
      %swap3A_281 = arith.index_cast %add3A_280 : i32 to index
      %swap3A_282 = tpu.vector_load %arg7[%swap3A_281] {strides = array<i32>} : memref<16384xf32, #tpu.memory_space<vmem>>, vector<16xf32>,
      tpu.vector_store %arg7[%swap3A_281], %gather3A_276 {strides = array<i32>} : memref<16384xf32, #tpu.memory_space<vmem>>, vector<16xf32>,
      %gather3A_283 = tpu.vector_load_idx %arg5[%broadcast_in_dim3A_64, %get3A_181] : memref<752x64xf32, #tpu.memory_space<vmem>>[vector<16xi32>, vector<16xi32>], vector<16xf32>,
      %add3A_284 = arith.constant 128 : i32
      %add3A_285 = arith.addi %mul3A_146, %add3A_284 : i32
      %add3A_286 = arith.constant 80 : i32
      %add3A_287 = arith.addi %add3A_285, %add3A_286 : i32
      %swap3A_288 = arith.index_cast %add3A_287 : i32 to index
      %swap3A_289 = tpu.vector_load %arg7[%swap3A_288] {strides = array<i32>} : memref<16384xf32, #tpu.memory_space<vmem>>, vector<16xf32>,
      tpu.vector_store %arg7[%swap3A_288], %gather3A_283 {strides = array<i32>} : memref<16384xf32, #tpu.memory_space<vmem>>, vector<16xf32>,
      %gather3A_290 = tpu.vector_load_idx %arg5[%broadcast_in_dim3A_64, %get3A_187] : memref<752x64xf32, #tpu.memory_space<vmem>>[vector<16xi32>, vector<16xi32>], vector<16xf32>,
      %add3A_291 = arith.constant 128 : i32
      %add3A_292 = arith.addi %mul3A_146, %add3A_291 : i32
      %add3A_293 = arith.constant 96 : i32
      %add3A_294 = arith.addi %add3A_292, %add3A_293 : i32
      %swap3A_295 = arith.index_cast %add3A_294 : i32 to index
      %swap3A_296 = tpu.vector_load %arg7[%swap3A_295] {strides = array<i32>} : memref<16384xf32, #tpu.memory_space<vmem>>, vector<16xf32>,
      tpu.vector_store %arg7[%swap3A_295], %gather3A_290 {strides = array<i32>} : memref<16384xf32, #tpu.memory_space<vmem>>, vector<16xf32>,
      %gather3A_297 = tpu.vector_load_idx %arg5[%broadcast_in_dim3A_64, %get3A_193] : memref<752x64xf32, #tpu.memory_space<vmem>>[vector<16xi32>, vector<16xi32>], vector<16xf32>,
      %add3A_298 = arith.constant 128 : i32
      %add3A_299 = arith.addi %mul3A_146, %add3A_298 : i32
      %add3A_300 = arith.constant 112 : i32
      %add3A_301 = arith.addi %add3A_299, %add3A_300 : i32
      %swap3A_302 = arith.index_cast %add3A_301 : i32 to index
      %swap3A_303 = tpu.vector_load %arg7[%swap3A_302] {strides = array<i32>} : memref<16384xf32, #tpu.memory_space<vmem>>, vector<16xf32>,
      tpu.vector_store %arg7[%swap3A_302], %gather3A_297 {strides = array<i32>} : memref<16384xf32, #tpu.memory_space<vmem>>, vector<16xf32>,
      %gather3A_304 = tpu.vector_load_idx %arg5[%broadcast_in_dim3A_66, %get3A_151] : memref<752x64xf32, #tpu.memory_space<vmem>>[vector<16xi32>, vector<16xi32>], vector<16xf32>,
      %add3A_305 = arith.constant 256 : i32
      %add3A_306 = arith.addi %mul3A_146, %add3A_305 : i32
      %add3A_307 = arith.constant 0 : i32
      %add3A_308 = arith.addi %add3A_306, %add3A_307 : i32
      %swap3A_309 = arith.index_cast %add3A_308 : i32 to index
      %swap3A_310 = tpu.vector_load %arg7[%swap3A_309] {strides = array<i32>} : memref<16384xf32, #tpu.memory_space<vmem>>, vector<16xf32>,
      tpu.vector_store %arg7[%swap3A_309], %gather3A_304 {strides = array<i32>} : memref<16384xf32, #tpu.memory_space<vmem>>, vector<16xf32>,
      %gather3A_311 = tpu.vector_load_idx %arg5[%broadcast_in_dim3A_66, %get3A_157] : memref<752x64xf32, #tpu.memory_space<vmem>>[vector<16xi32>, vector<16xi32>], vector<16xf32>,
      %add3A_312 = arith.constant 256 : i32
      %add3A_313 = arith.addi %mul3A_146, %add3A_312 : i32
      %add3A_314 = arith.constant 16 : i32
      %add3A_315 = arith.addi %add3A_313, %add3A_314 : i32
      %swap3A_316 = arith.index_cast %add3A_315 : i32 to index
      %swap3A_317 = tpu.vector_load %arg7[%swap3A_316] {strides = array<i32>} : memref<16384xf32, #tpu.memory_space<vmem>>, vector<16xf32>,
      tpu.vector_store %arg7[%swap3A_316], %gather3A_311 {strides = array<i32>} : memref<16384xf32, #tpu.memory_space<vmem>>, vector<16xf32>,
      %gather3A_318 = tpu.vector_load_idx %arg5[%broadcast_in_dim3A_66, %get3A_163] : memref<752x64xf32, #tpu.memory_space<vmem>>[vector<16xi32>, vector<16xi32>], vector<16xf32>,
      %add3A_319 = arith.constant 256 : i32
      %add3A_320 = arith.addi %mul3A_146, %add3A_319 : i32
      %add3A_321 = arith.constant 32 : i32
      %add3A_322 = arith.addi %add3A_320, %add3A_321 : i32
      %swap3A_323 = arith.index_cast %add3A_322 : i32 to index
      %swap3A_324 = tpu.vector_load %arg7[%swap3A_323] {strides = array<i32>} : memref<16384xf32, #tpu.memory_space<vmem>>, vector<16xf32>,
      tpu.vector_store %arg7[%swap3A_323], %gather3A_318 {strides = array<i32>} : memref<16384xf32, #tpu.memory_space<vmem>>, vector<16xf32>,
      %gather3A_325 = tpu.vector_load_idx %arg5[%broadcast_in_dim3A_66, %get3A_169] : memref<752x64xf32, #tpu.memory_space<vmem>>[vector<16xi32>, vector<16xi32>], vector<16xf32>,
      %add3A_326 = arith.constant 256 : i32
      %add3A_327 = arith.addi %mul3A_146, %add3A_326 : i32
      %add3A_328 = arith.constant 48 : i32
      %add3A_329 = arith.addi %add3A_327, %add3A_328 : i32
      %swap3A_330 = arith.index_cast %add3A_329 : i32 to index
      %swap3A_331 = tpu.vector_load %arg7[%swap3A_330] {strides = array<i32>} : memref<16384xf32, #tpu.memory_space<vmem>>, vector<16xf32>,
      tpu.vector_store %arg7[%swap3A_330], %gather3A_325 {strides = array<i32>} : memref<16384xf32, #tpu.memory_space<vmem>>, vector<16xf32>,
      %gather3A_332 = tpu.vector_load_idx %arg5[%broadcast_in_dim3A_66, %get3A_175] : memref<752x64xf32, #tpu.memory_space<vmem>>[vector<16xi32>, vector<16xi32>], vector<16xf32>,
      %add3A_333 = arith.constant 256 : i32
      %add3A_334 = arith.addi %mul3A_146, %add3A_333 : i32
      %add3A_335 = arith.constant 64 : i32
      %add3A_336 = arith.addi %add3A_334, %add3A_335 : i32
      %swap3A_337 = arith.index_cast %add3A_336 : i32 to index
      %swap3A_338 = tpu.vector_load %arg7[%swap3A_337] {strides = array<i32>} : memref<16384xf32, #tpu.memory_space<vmem>>, vector<16xf32>,
      tpu.vector_store %arg7[%swap3A_337], %gather3A_332 {strides = array<i32>} : memref<16384xf32, #tpu.memory_space<vmem>>, vector<16xf32>,
      %gather3A_339 = tpu.vector_load_idx %arg5[%broadcast_in_dim3A_66, %get3A_181] : memref<752x64xf32, #tpu.memory_space<vmem>>[vector<16xi32>, vector<16xi32>], vector<16xf32>,
      %add3A_340 = arith.constant 256 : i32
      %add3A_341 = arith.addi %mul3A_146, %add3A_340 : i32
      %add3A_342 = arith.constant 80 : i32
      %add3A_343 = arith.addi %add3A_341, %add3A_342 : i32
      %swap3A_344 = arith.index_cast %add3A_343 : i32 to index
      %swap3A_345 = tpu.vector_load %arg7[%swap3A_344] {strides = array<i32>} : memref<16384xf32, #tpu.memory_space<vmem>>, vector<16xf32>,
      tpu.vector_store %arg7[%swap3A_344], %gather3A_339 {strides = array<i32>} : memref<16384xf32, #tpu.memory_space<vmem>>, vector<16xf32>,
      %gather3A_346 = tpu.vector_load_idx %arg5[%broadcast_in_dim3A_66, %get3A_187] : memref<752x64xf32, #tpu.memory_space<vmem>>[vector<16xi32>, vector<16xi32>], vector<16xf32>,
      %add3A_347 = arith.constant 256 : i32
      %add3A_348 = arith.addi %mul3A_146, %add3A_347 : i32
      %add3A_349 = arith.constant 96 : i32
      %add3A_350 = arith.addi %add3A_348, %add3A_349 : i32
      %swap3A_351 = arith.index_cast %add3A_350 : i32 to index
      %swap3A_352 = tpu.vector_load %arg7[%swap3A_351] {strides = array<i32>} : memref<16384xf32, #tpu.memory_space<vmem>>, vector<16xf32>,
      tpu.vector_store %arg7[%swap3A_351], %gather3A_346 {strides = array<i32>} : memref<16384xf32, #tpu.memory_space<vmem>>, vector<16xf32>,
      %gather3A_353 = tpu.vector_load_idx %arg5[%broadcast_in_dim3A_66, %get3A_193] : memref<752x64xf32, #tpu.memory_space<vmem>>[vector<16xi32>, vector<16xi32>], vector<16xf32>,
      %add3A_354 = arith.constant 256 : i32
      %add3A_355 = arith.addi %mul3A_146, %add3A_354 : i32
      %add3A_356 = arith.constant 112 : i32
      %add3A_357 = arith.addi %add3A_355, %add3A_356 : i32
      %swap3A_358 = arith.index_cast %add3A_357 : i32 to index
      %swap3A_359 = tpu.vector_load %arg7[%swap3A_358] {strides = array<i32>} : memref<16384xf32, #tpu.memory_space<vmem>>, vector<16xf32>,
      tpu.vector_store %arg7[%swap3A_358], %gather3A_353 {strides = array<i32>} : memref<16384xf32, #tpu.memory_space<vmem>>, vector<16xf32>,
      %gather3A_360 = tpu.vector_load_idx %arg5[%broadcast_in_dim3A_68, %get3A_151] : memref<752x64xf32, #tpu.memory_space<vmem>>[vector<16xi32>, vector<16xi32>], vector<16xf32>,
      %add3A_361 = arith.constant 384 : i32
      %add3A_362 = arith.addi %mul3A_146, %add3A_361 : i32
      %add3A_363 = arith.constant 0 : i32
      %add3A_364 = arith.addi %add3A_362, %add3A_363 : i32
      %swap3A_365 = arith.index_cast %add3A_364 : i32 to index
      %swap3A_366 = tpu.vector_load %arg7[%swap3A_365] {strides = array<i32>} : memref<16384xf32, #tpu.memory_space<vmem>>, vector<16xf32>,
      tpu.vector_store %arg7[%swap3A_365], %gather3A_360 {strides = array<i32>} : memref<16384xf32, #tpu.memory_space<vmem>>, vector<16xf32>,
      %gather3A_367 = tpu.vector_load_idx %arg5[%broadcast_in_dim3A_68, %get3A_157] : memref<752x64xf32, #tpu.memory_space<vmem>>[vector<16xi32>, vector<16xi32>], vector<16xf32>,
      %add3A_368 = arith.constant 384 : i32
      %add3A_369 = arith.addi %mul3A_146, %add3A_368 : i32
      %add3A_370 = arith.constant 16 : i32
      %add3A_371 = arith.addi %add3A_369, %add3A_370 : i32
      %swap3A_372 = arith.index_cast %add3A_371 : i32 to index
      %swap3A_373 = tpu.vector_load %arg7[%swap3A_372] {strides = array<i32>} : memref<16384xf32, #tpu.memory_space<vmem>>, vector<16xf32>,
      tpu.vector_store %arg7[%swap3A_372], %gather3A_367 {strides = array<i32>} : memref<16384xf32, #tpu.memory_space<vmem>>, vector<16xf32>,
      %gather3A_374 = tpu.vector_load_idx %arg5[%broadcast_in_dim3A_68, %get3A_163] : memref<752x64xf32, #tpu.memory_space<vmem>>[vector<16xi32>, vector<16xi32>], vector<16xf32>,
      %add3A_375 = arith.constant 384 : i32
      %add3A_376 = arith.addi %mul3A_146, %add3A_375 : i32
      %add3A_377 = arith.constant 32 : i32
      %add3A_378 = arith.addi %add3A_376, %add3A_377 : i32
      %swap3A_379 = arith.index_cast %add3A_378 : i32 to index
      %swap3A_380 = tpu.vector_load %arg7[%swap3A_379] {strides = array<i32>} : memref<16384xf32, #tpu.memory_space<vmem>>, vector<16xf32>,
      tpu.vector_store %arg7[%swap3A_379], %gather3A_374 {strides = array<i32>} : memref<16384xf32, #tpu.memory_space<vmem>>, vector<16xf32>,
      %gather3A_381 = tpu.vector_load_idx %arg5[%broadcast_in_dim3A_68, %get3A_169] : memref<752x64xf32, #tpu.memory_space<vmem>>[vector<16xi32>, vector<16xi32>], vector<16xf32>,
      %add3A_382 = arith.constant 384 : i32
      %add3A_383 = arith.addi %mul3A_146, %add3A_382 : i32
      %add3A_384 = arith.constant 48 : i32
      %add3A_385 = arith.addi %add3A_383, %add3A_384 : i32
      %swap3A_386 = arith.index_cast %add3A_385 : i32 to index
      %swap3A_387 = tpu.vector_load %arg7[%swap3A_386] {strides = array<i32>} : memref<16384xf32, #tpu.memory_space<vmem>>, vector<16xf32>,
      tpu.vector_store %arg7[%swap3A_386], %gather3A_381 {strides = array<i32>} : memref<16384xf32, #tpu.memory_space<vmem>>, vector<16xf32>,
      %gather3A_388 = tpu.vector_load_idx %arg5[%broadcast_in_dim3A_68, %get3A_175] : memref<752x64xf32, #tpu.memory_space<vmem>>[vector<16xi32>, vector<16xi32>], vector<16xf32>,
      %add3A_389 = arith.constant 384 : i32
      %add3A_390 = arith.addi %mul3A_146, %add3A_389 : i32
      %add3A_391 = arith.constant 64 : i32
      %add3A_392 = arith.addi %add3A_390, %add3A_391 : i32
      %swap3A_393 = arith.index_cast %add3A_392 : i32 to index
      %swap3A_394 = tpu.vector_load %arg7[%swap3A_393] {strides = array<i32>} : memref<16384xf32, #tpu.memory_space<vmem>>, vector<16xf32>,
      tpu.vector_store %arg7[%swap3A_393], %gather3A_388 {strides = array<i32>} : memref<16384xf32, #tpu.memory_space<vmem>>, vector<16xf32>,
      %gather3A_395 = tpu.vector_load_idx %arg5[%broadcast_in_dim3A_68, %get3A_181] : memref<752x64xf32, #tpu.memory_space<vmem>>[vector<16xi32>, vector<16xi32>], vector<16xf32>,
      %add3A_396 = arith.constant 384 : i32
      %add3A_397 = arith.addi %mul3A_146, %add3A_396 : i32
      %add3A_398 = arith.constant 80 : i32
      %add3A_399 = arith.addi %add3A_397, %add3A_398 : i32
      %swap3A_400 = arith.index_cast %add3A_399 : i32 to index
      %swap3A_401 = tpu.vector_load %arg7[%swap3A_400] {strides = array<i32>} : memref<16384xf32, #tpu.memory_space<vmem>>, vector<16xf32>,
      tpu.vector_store %arg7[%swap3A_400], %gather3A_395 {strides = array<i32>} : memref<16384xf32, #tpu.memory_space<vmem>>, vector<16xf32>,
      %gather3A_402 = tpu.vector_load_idx %arg5[%broadcast_in_dim3A_68, %get3A_187] : memref<752x64xf32, #tpu.memory_space<vmem>>[vector<16xi32>, vector<16xi32>], vector<16xf32>,
      %add3A_403 = arith.constant 384 : i32
      %add3A_404 = arith.addi %mul3A_146, %add3A_403 : i32
      %add3A_405 = arith.constant 96 : i32
      %add3A_406 = arith.addi %add3A_404, %add3A_405 : i32
      %swap3A_407 = arith.index_cast %add3A_406 : i32 to index
      %swap3A_408 = tpu.vector_load %arg7[%swap3A_407] {strides = array<i32>} : memref<16384xf32, #tpu.memory_space<vmem>>, vector<16xf32>,
      tpu.vector_store %arg7[%swap3A_407], %gather3A_402 {strides = array<i32>} : memref<16384xf32, #tpu.memory_space<vmem>>, vector<16xf32>,
      %gather3A_409 = tpu.vector_load_idx %arg5[%broadcast_in_dim3A_68, %get3A_193] : memref<752x64xf32, #tpu.memory_space<vmem>>[vector<16xi32>, vector<16xi32>], vector<16xf32>,
      %add3A_410 = arith.constant 384 : i32
      %add3A_411 = arith.addi %mul3A_146, %add3A_410 : i32
      %add3A_412 = arith.constant 112 : i32
      %add3A_413 = arith.addi %add3A_411, %add3A_412 : i32
      %swap3A_414 = arith.index_cast %add3A_413 : i32 to index
      %swap3A_415 = tpu.vector_load %arg7[%swap3A_414] {strides = array<i32>} : memref<16384xf32, #tpu.memory_space<vmem>>, vector<16xf32>,
      tpu.vector_store %arg7[%swap3A_414], %gather3A_409 {strides = array<i32>} : memref<16384xf32, #tpu.memory_space<vmem>>, vector<16xf32>,
      %gather3A_416 = tpu.vector_load_idx %arg5[%broadcast_in_dim3A_70, %get3A_151] : memref<752x64xf32, #tpu.memory_space<vmem>>[vector<16xi32>, vector<16xi32>], vector<16xf32>,
      %add3A_417 = arith.constant 512 : i32
      %add3A_418 = arith.addi %mul3A_146, %add3A_417 : i32
      %add3A_419 = arith.constant 0 : i32
      %add3A_420 = arith.addi %add3A_418, %add3A_419 : i32
      %swap3A_421 = arith.index_cast %add3A_420 : i32 to index
      %swap3A_422 = tpu.vector_load %arg7[%swap3A_421] {strides = array<i32>} : memref<16384xf32, #tpu.memory_space<vmem>>, vector<16xf32>,
      tpu.vector_store %arg7[%swap3A_421], %gather3A_416 {strides = array<i32>} : memref<16384xf32, #tpu.memory_space<vmem>>, vector<16xf32>,
      %gather3A_423 = tpu.vector_load_idx %arg5[%broadcast_in_dim3A_70, %get3A_157] : memref<752x64xf32, #tpu.memory_space<vmem>>[vector<16xi32>, vector<16xi32>], vector<16xf32>,
      %add3A_424 = arith.constant 512 : i32
      %add3A_425 = arith.addi %mul3A_146, %add3A_424 : i32
      %add3A_426 = arith.constant 16 : i32
      %add3A_427 = arith.addi %add3A_425, %add3A_426 : i32
      %swap3A_428 = arith.index_cast %add3A_427 : i32 to index
      %swap3A_429 = tpu.vector_load %arg7[%swap3A_428] {strides = array<i32>} : memref<16384xf32, #tpu.memory_space<vmem>>, vector<16xf32>,
      tpu.vector_store %arg7[%swap3A_428], %gather3A_423 {strides = array<i32>} : memref<16384xf32, #tpu.memory_space<vmem>>, vector<16xf32>,
      %gather3A_430 = tpu.vector_load_idx %arg5[%broadcast_in_dim3A_70, %get3A_163] : memref<752x64xf32, #tpu.memory_space<vmem>>[vector<16xi32>, vector<16xi32>], vector<16xf32>,
      %add3A_431 = arith.constant 512 : i32
      %add3A_432 = arith.addi %mul3A_146, %add3A_431 : i32
      %add3A_433 = arith.constant 32 : i32
      %add3A_434 = arith.addi %add3A_432, %add3A_433 : i32
      %swap3A_435 = arith.index_cast %add3A_434 : i32 to index
      %swap3A_436 = tpu.vector_load %arg7[%swap3A_435] {strides = array<i32>} : memref<16384xf32, #tpu.memory_space<vmem>>, vector<16xf32>,
      tpu.vector_store %arg7[%swap3A_435], %gather3A_430 {strides = array<i32>} : memref<16384xf32, #tpu.memory_space<vmem>>, vector<16xf32>,
      %gather3A_437 = tpu.vector_load_idx %arg5[%broadcast_in_dim3A_70, %get3A_169] : memref<752x64xf32, #tpu.memory_space<vmem>>[vector<16xi32>, vector<16xi32>], vector<16xf32>,
      %add3A_438 = arith.constant 512 : i32
      %add3A_439 = arith.addi %mul3A_146, %add3A_438 : i32
      %add3A_440 = arith.constant 48 : i32
      %add3A_441 = arith.addi %add3A_439, %add3A_440 : i32
      %swap3A_442 = arith.index_cast %add3A_441 : i32 to index
      %swap3A_443 = tpu.vector_load %arg7[%swap3A_442] {strides = array<i32>} : memref<16384xf32, #tpu.memory_space<vmem>>, vector<16xf32>,
      tpu.vector_store %arg7[%swap3A_442], %gather3A_437 {strides = array<i32>} : memref<16384xf32, #tpu.memory_space<vmem>>, vector<16xf32>,
      %gather3A_444 = tpu.vector_load_idx %arg5[%broadcast_in_dim3A_70, %get3A_175] : memref<752x64xf32, #tpu.memory_space<vmem>>[vector<16xi32>, vector<16xi32>], vector<16xf32>,
      %add3A_445 = arith.constant 512 : i32
      %add3A_446 = arith.addi %mul3A_146, %add3A_445 : i32
      %add3A_447 = arith.constant 64 : i32
      %add3A_448 = arith.addi %add3A_446, %add3A_447 : i32
      %swap3A_449 = arith.index_cast %add3A_448 : i32 to index
      %swap3A_450 = tpu.vector_load %arg7[%swap3A_449] {strides = array<i32>} : memref<16384xf32, #tpu.memory_space<vmem>>, vector<16xf32>,
      tpu.vector_store %arg7[%swap3A_449], %gather3A_444 {strides = array<i32>} : memref<16384xf32, #tpu.memory_space<vmem>>, vector<16xf32>,
      %gather3A_451 = tpu.vector_load_idx %arg5[%broadcast_in_dim3A_70, %get3A_181] : memref<752x64xf32, #tpu.memory_space<vmem>>[vector<16xi32>, vector<16xi32>], vector<16xf32>,
      %add3A_452 = arith.constant 512 : i32
      %add3A_453 = arith.addi %mul3A_146, %add3A_452 : i32
      %add3A_454 = arith.constant 80 : i32
      %add3A_455 = arith.addi %add3A_453, %add3A_454 : i32
      %swap3A_456 = arith.index_cast %add3A_455 : i32 to index
      %swap3A_457 = tpu.vector_load %arg7[%swap3A_456] {strides = array<i32>} : memref<16384xf32, #tpu.memory_space<vmem>>, vector<16xf32>,
      tpu.vector_store %arg7[%swap3A_456], %gather3A_451 {strides = array<i32>} : memref<16384xf32, #tpu.memory_space<vmem>>, vector<16xf32>,
      %gather3A_458 = tpu.vector_load_idx %arg5[%broadcast_in_dim3A_70, %get3A_187] : memref<752x64xf32, #tpu.memory_space<vmem>>[vector<16xi32>, vector<16xi32>], vector<16xf32>,
      %add3A_459 = arith.constant 512 : i32
      %add3A_460 = arith.addi %mul3A_146, %add3A_459 : i32
      %add3A_461 = arith.constant 96 : i32
      %add3A_462 = arith.addi %add3A_460, %add3A_461 : i32
      %swap3A_463 = arith.index_cast %add3A_462 : i32 to index
      %swap3A_464 = tpu.vector_load %arg7[%swap3A_463] {strides = array<i32>} : memref<16384xf32, #tpu.memory_space<vmem>>, vector<16xf32>,
      tpu.vector_store %arg7[%swap3A_463], %gather3A_458 {strides = array<i32>} : memref<16384xf32, #tpu.memory_space<vmem>>, vector<16xf32>,
      %gather3A_465 = tpu.vector_load_idx %arg5[%broadcast_in_dim3A_70, %get3A_193] : memref<752x64xf32, #tpu.memory_space<vmem>>[vector<16xi32>, vector<16xi32>], vector<16xf32>,
      %add3A_466 = arith.constant 512 : i32
      %add3A_467 = arith.addi %mul3A_146, %add3A_466 : i32
      %add3A_468 = arith.constant 112 : i32
      %add3A_469 = arith.addi %add3A_467, %add3A_468 : i32
      %swap3A_470 = arith.index_cast %add3A_469 : i32 to index
      %swap3A_471 = tpu.vector_load %arg7[%swap3A_470] {strides = array<i32>} : memref<16384xf32, #tpu.memory_space<vmem>>, vector<16xf32>,
      tpu.vector_store %arg7[%swap3A_470], %gather3A_465 {strides = array<i32>} : memref<16384xf32, #tpu.memory_space<vmem>>, vector<16xf32>,
      %gather3A_472 = tpu.vector_load_idx %arg5[%broadcast_in_dim3A_72, %get3A_151] : memref<752x64xf32, #tpu.memory_space<vmem>>[vector<16xi32>, vector<16xi32>], vector<16xf32>,
      %add3A_473 = arith.constant 640 : i32
      %add3A_474 = arith.addi %mul3A_146, %add3A_473 : i32
      %add3A_475 = arith.constant 0 : i32
      %add3A_476 = arith.addi %add3A_474, %add3A_475 : i32
      %swap3A_477 = arith.index_cast %add3A_476 : i32 to index
      %swap3A_478 = tpu.vector_load %arg7[%swap3A_477] {strides = array<i32>} : memref<16384xf32, #tpu.memory_space<vmem>>, vector<16xf32>,
      tpu.vector_store %arg7[%swap3A_477], %gather3A_472 {strides = array<i32>} : memref<16384xf32, #tpu.memory_space<vmem>>, vector<16xf32>,
      %gather3A_479 = tpu.vector_load_idx %arg5[%broadcast_in_dim3A_72, %get3A_157] : memref<752x64xf32, #tpu.memory_space<vmem>>[vector<16xi32>, vector<16xi32>], vector<16xf32>,
      %add3A_480 = arith.constant 640 : i32
      %add3A_481 = arith.addi %mul3A_146, %add3A_480 : i32
      %add3A_482 = arith.constant 16 : i32
      %add3A_483 = arith.addi %add3A_481, %add3A_482 : i32
      %swap3A_484 = arith.index_cast %add3A_483 : i32 to index
      %swap3A_485 = tpu.vector_load %arg7[%swap3A_484] {strides = array<i32>} : memref<16384xf32, #tpu.memory_space<vmem>>, vector<16xf32>,
      tpu.vector_store %arg7[%swap3A_484], %gather3A_479 {strides = array<i32>} : memref<16384xf32, #tpu.memory_space<vmem>>, vector<16xf32>,
      %gather3A_486 = tpu.vector_load_idx %arg5[%broadcast_in_dim3A_72, %get3A_163] : memref<752x64xf32, #tpu.memory_space<vmem>>[vector<16xi32>, vector<16xi32>], vector<16xf32>,
      %add3A_487 = arith.constant 640 : i32
      %add3A_488 = arith.addi %mul3A_146, %add3A_487 : i32
      %add3A_489 = arith.constant 32 : i32
      %add3A_490 = arith.addi %add3A_488, %add3A_489 : i32
      %swap3A_491 = arith.index_cast %add3A_490 : i32 to index
      %swap3A_492 = tpu.vector_load %arg7[%swap3A_491] {strides = array<i32>} : memref<16384xf32, #tpu.memory_space<vmem>>, vector<16xf32>,
      tpu.vector_store %arg7[%swap3A_491], %gather3A_486 {strides = array<i32>} : memref<16384xf32, #tpu.memory_space<vmem>>, vector<16xf32>,
      %gather3A_493 = tpu.vector_load_idx %arg5[%broadcast_in_dim3A_72, %get3A_169] : memref<752x64xf32, #tpu.memory_space<vmem>>[vector<16xi32>, vector<16xi32>], vector<16xf32>,
      %add3A_494 = arith.constant 640 : i32
      %add3A_495 = arith.addi %mul3A_146, %add3A_494 : i32
      %add3A_496 = arith.constant 48 : i32
      %add3A_497 = arith.addi %add3A_495, %add3A_496 : i32
      %swap3A_498 = arith.index_cast %add3A_497 : i32 to index
      %swap3A_499 = tpu.vector_load %arg7[%swap3A_498] {strides = array<i32>} : memref<16384xf32, #tpu.memory_space<vmem>>, vector<16xf32>,
      tpu.vector_store %arg7[%swap3A_498], %gather3A_493 {strides = array<i32>} : memref<16384xf32, #tpu.memory_space<vmem>>, vector<16xf32>,
      %gather3A_500 = tpu.vector_load_idx %arg5[%broadcast_in_dim3A_72, %get3A_175] : memref<752x64xf32, #tpu.memory_space<vmem>>[vector<16xi32>, vector<16xi32>], vector<16xf32>,
      %add3A_501 = arith.constant 640 : i32
      %add3A_502 = arith.addi %mul3A_146, %add3A_501 : i32
      %add3A_503 = arith.constant 64 : i32
      %add3A_504 = arith.addi %add3A_502, %add3A_503 : i32
      %swap3A_505 = arith.index_cast %add3A_504 : i32 to index
      %swap3A_506 = tpu.vector_load %arg7[%swap3A_505] {strides = array<i32>} : memref<16384xf32, #tpu.memory_space<vmem>>, vector<16xf32>,
      tpu.vector_store %arg7[%swap3A_505], %gather3A_500 {strides = array<i32>} : memref<16384xf32, #tpu.memory_space<vmem>>, vector<16xf32>,
      %gather3A_507 = tpu.vector_load_idx %arg5[%broadcast_in_dim3A_72, %get3A_181] : memref<752x64xf32, #tpu.memory_space<vmem>>[vector<16xi32>, vector<16xi32>], vector<16xf32>,
      %add3A_508 = arith.constant 640 : i32
      %add3A_509 = arith.addi %mul3A_146, %add3A_508 : i32
      %add3A_510 = arith.constant 80 : i32
      %add3A_511 = arith.addi %add3A_509, %add3A_510 : i32
      %swap3A_512 = arith.index_cast %add3A_511 : i32 to index
      %swap3A_513 = tpu.vector_load %arg7[%swap3A_512] {strides = array<i32>} : memref<16384xf32, #tpu.memory_space<vmem>>, vector<16xf32>,
      tpu.vector_store %arg7[%swap3A_512], %gather3A_507 {strides = array<i32>} : memref<16384xf32, #tpu.memory_space<vmem>>, vector<16xf32>,
      %gather3A_514 = tpu.vector_load_idx %arg5[%broadcast_in_dim3A_72, %get3A_187] : memref<752x64xf32, #tpu.memory_space<vmem>>[vector<16xi32>, vector<16xi32>], vector<16xf32>,
      %add3A_515 = arith.constant 640 : i32
      %add3A_516 = arith.addi %mul3A_146, %add3A_515 : i32
      %add3A_517 = arith.constant 96 : i32
      %add3A_518 = arith.addi %add3A_516, %add3A_517 : i32
      %swap3A_519 = arith.index_cast %add3A_518 : i32 to index
      %swap3A_520 = tpu.vector_load %arg7[%swap3A_519] {strides = array<i32>} : memref<16384xf32, #tpu.memory_space<vmem>>, vector<16xf32>,
      tpu.vector_store %arg7[%swap3A_519], %gather3A_514 {strides = array<i32>} : memref<16384xf32, #tpu.memory_space<vmem>>, vector<16xf32>,
      %gather3A_521 = tpu.vector_load_idx %arg5[%broadcast_in_dim3A_72, %get3A_193] : memref<752x64xf32, #tpu.memory_space<vmem>>[vector<16xi32>, vector<16xi32>], vector<16xf32>,
      %add3A_522 = arith.constant 640 : i32
      %add3A_523 = arith.addi %mul3A_146, %add3A_522 : i32
      %add3A_524 = arith.constant 112 : i32
      %add3A_525 = arith.addi %add3A_523, %add3A_524 : i32
      %swap3A_526 = arith.index_cast %add3A_525 : i32 to index
      %swap3A_527 = tpu.vector_load %arg7[%swap3A_526] {strides = array<i32>} : memref<16384xf32, #tpu.memory_space<vmem>>, vector<16xf32>,
      tpu.vector_store %arg7[%swap3A_526], %gather3A_521 {strides = array<i32>} : memref<16384xf32, #tpu.memory_space<vmem>>, vector<16xf32>,
      %gather3A_528 = tpu.vector_load_idx %arg5[%broadcast_in_dim3A_74, %get3A_151] : memref<752x64xf32, #tpu.memory_space<vmem>>[vector<16xi32>, vector<16xi32>], vector<16xf32>,
      %add3A_529 = arith.constant 768 : i32
      %add3A_530 = arith.addi %mul3A_146, %add3A_529 : i32
      %add3A_531 = arith.constant 0 : i32
      %add3A_532 = arith.addi %add3A_530, %add3A_531 : i32
      %swap3A_533 = arith.index_cast %add3A_532 : i32 to index
      %swap3A_534 = tpu.vector_load %arg7[%swap3A_533] {strides = array<i32>} : memref<16384xf32, #tpu.memory_space<vmem>>, vector<16xf32>,
      tpu.vector_store %arg7[%swap3A_533], %gather3A_528 {strides = array<i32>} : memref<16384xf32, #tpu.memory_space<vmem>>, vector<16xf32>,
      %gather3A_535 = tpu.vector_load_idx %arg5[%broadcast_in_dim3A_74, %get3A_157] : memref<752x64xf32, #tpu.memory_space<vmem>>[vector<16xi32>, vector<16xi32>], vector<16xf32>,
      %add3A_536 = arith.constant 768 : i32
      %add3A_537 = arith.addi %mul3A_146, %add3A_536 : i32
      %add3A_538 = arith.constant 16 : i32
      %add3A_539 = arith.addi %add3A_537, %add3A_538 : i32
      %swap3A_540 = arith.index_cast %add3A_539 : i32 to index
      %swap3A_541 = tpu.vector_load %arg7[%swap3A_540] {strides = array<i32>} : memref<16384xf32, #tpu.memory_space<vmem>>, vector<16xf32>,
      tpu.vector_store %arg7[%swap3A_540], %gather3A_535 {strides = array<i32>} : memref<16384xf32, #tpu.memory_space<vmem>>, vector<16xf32>,
      %gather3A_542 = tpu.vector_load_idx %arg5[%broadcast_in_dim3A_74, %get3A_163] : memref<752x64xf32, #tpu.memory_space<vmem>>[vector<16xi32>, vector<16xi32>], vector<16xf32>,
      %add3A_543 = arith.constant 768 : i32
      %add3A_544 = arith.addi %mul3A_146, %add3A_543 : i32
      %add3A_545 = arith.constant 32 : i32
      %add3A_546 = arith.addi %add3A_544, %add3A_545 : i32
      %swap3A_547 = arith.index_cast %add3A_546 : i32 to index
      %swap3A_548 = tpu.vector_load %arg7[%swap3A_547] {strides = array<i32>} : memref<16384xf32, #tpu.memory_space<vmem>>, vector<16xf32>,
      tpu.vector_store %arg7[%swap3A_547], %gather3A_542 {strides = array<i32>} : memref<16384xf32, #tpu.memory_space<vmem>>, vector<16xf32>,
      %gather3A_549 = tpu.vector_load_idx %arg5[%broadcast_in_dim3A_74, %get3A_169] : memref<752x64xf32, #tpu.memory_space<vmem>>[vector<16xi32>, vector<16xi32>], vector<16xf32>,
      %add3A_550 = arith.constant 768 : i32
      %add3A_551 = arith.addi %mul3A_146, %add3A_550 : i32
      %add3A_552 = arith.constant 48 : i32
      %add3A_553 = arith.addi %add3A_551, %add3A_552 : i32
      %swap3A_554 = arith.index_cast %add3A_553 : i32 to index
      %swap3A_555 = tpu.vector_load %arg7[%swap3A_554] {strides = array<i32>} : memref<16384xf32, #tpu.memory_space<vmem>>, vector<16xf32>,
      tpu.vector_store %arg7[%swap3A_554], %gather3A_549 {strides = array<i32>} : memref<16384xf32, #tpu.memory_space<vmem>>, vector<16xf32>,
      %gather3A_556 = tpu.vector_load_idx %arg5[%broadcast_in_dim3A_74, %get3A_175] : memref<752x64xf32, #tpu.memory_space<vmem>>[vector<16xi32>, vector<16xi32>], vector<16xf32>,
      %add3A_557 = arith.constant 768 : i32
      %add3A_558 = arith.addi %mul3A_146, %add3A_557 : i32
      %add3A_559 = arith.constant 64 : i32
      %add3A_560 = arith.addi %add3A_558, %add3A_559 : i32
      %swap3A_561 = arith.index_cast %add3A_560 : i32 to index
      %swap3A_562 = tpu.vector_load %arg7[%swap3A_561] {strides = array<i32>} : memref<16384xf32, #tpu.memory_space<vmem>>, vector<16xf32>,
      tpu.vector_store %arg7[%swap3A_561], %gather3A_556 {strides = array<i32>} : memref<16384xf32, #tpu.memory_space<vmem>>, vector<16xf32>,
      %gather3A_563 = tpu.vector_load_idx %arg5[%broadcast_in_dim3A_74, %get3A_181] : memref<752x64xf32, #tpu.memory_space<vmem>>[vector<16xi32>, vector<16xi32>], vector<16xf32>,
      %add3A_564 = arith.constant 768 : i32
      %add3A_565 = arith.addi %mul3A_146, %add3A_564 : i32
      %add3A_566 = arith.constant 80 : i32
      %add3A_567 = arith.addi %add3A_565, %add3A_566 : i32
      %swap3A_568 = arith.index_cast %add3A_567 : i32 to index
      %swap3A_569 = tpu.vector_load %arg7[%swap3A_568] {strides = array<i32>} : memref<16384xf32, #tpu.memory_space<vmem>>, vector<16xf32>,
      tpu.vector_store %arg7[%swap3A_568], %gather3A_563 {strides = array<i32>} : memref<16384xf32, #tpu.memory_space<vmem>>, vector<16xf32>,
      %gather3A_570 = tpu.vector_load_idx %arg5[%broadcast_in_dim3A_74, %get3A_187] : memref<752x64xf32, #tpu.memory_space<vmem>>[vector<16xi32>, vector<16xi32>], vector<16xf32>,
      %add3A_571 = arith.constant 768 : i32
      %add3A_572 = arith.addi %mul3A_146, %add3A_571 : i32
      %add3A_573 = arith.constant 96 : i32
      %add3A_574 = arith.addi %add3A_572, %add3A_573 : i32
      %swap3A_575 = arith.index_cast %add3A_574 : i32 to index
      %swap3A_576 = tpu.vector_load %arg7[%swap3A_575] {strides = array<i32>} : memref<16384xf32, #tpu.memory_space<vmem>>, vector<16xf32>,
      tpu.vector_store %arg7[%swap3A_575], %gather3A_570 {strides = array<i32>} : memref<16384xf32, #tpu.memory_space<vmem>>, vector<16xf32>,
      %gather3A_577 = tpu.vector_load_idx %arg5[%broadcast_in_dim3A_74, %get3A_193] : memref<752x64xf32, #tpu.memory_space<vmem>>[vector<16xi32>, vector<16xi32>], vector<16xf32>,
      %add3A_578 = arith.constant 768 : i32
      %add3A_579 = arith.addi %mul3A_146, %add3A_578 : i32
      %add3A_580 = arith.constant 112 : i32
      %add3A_581 = arith.addi %add3A_579, %add3A_580 : i32
      %swap3A_582 = arith.index_cast %add3A_581 : i32 to index
      %swap3A_583 = tpu.vector_load %arg7[%swap3A_582] {strides = array<i32>} : memref<16384xf32, #tpu.memory_space<vmem>>, vector<16xf32>,
      tpu.vector_store %arg7[%swap3A_582], %gather3A_577 {strides = array<i32>} : memref<16384xf32, #tpu.memory_space<vmem>>, vector<16xf32>,
      %gather3A_584 = tpu.vector_load_idx %arg5[%broadcast_in_dim3A_76, %get3A_151] : memref<752x64xf32, #tpu.memory_space<vmem>>[vector<16xi32>, vector<16xi32>], vector<16xf32>,
      %add3A_585 = arith.constant 896 : i32
      %add3A_586 = arith.addi %mul3A_146, %add3A_585 : i32
      %add3A_587 = arith.constant 0 : i32
      %add3A_588 = arith.addi %add3A_586, %add3A_587 : i32
      %swap3A_589 = arith.index_cast %add3A_588 : i32 to index
      %swap3A_590 = tpu.vector_load %arg7[%swap3A_589] {strides = array<i32>} : memref<16384xf32, #tpu.memory_space<vmem>>, vector<16xf32>,
      tpu.vector_store %arg7[%swap3A_589], %gather3A_584 {strides = array<i32>} : memref<16384xf32, #tpu.memory_space<vmem>>, vector<16xf32>,
      %gather3A_591 = tpu.vector_load_idx %arg5[%broadcast_in_dim3A_76, %get3A_157] : memref<752x64xf32, #tpu.memory_space<vmem>>[vector<16xi32>, vector<16xi32>], vector<16xf32>,
      %add3A_592 = arith.constant 896 : i32
      %add3A_593 = arith.addi %mul3A_146, %add3A_592 : i32
      %add3A_594 = arith.constant 16 : i32
      %add3A_595 = arith.addi %add3A_593, %add3A_594 : i32
      %swap3A_596 = arith.index_cast %add3A_595 : i32 to index
      %swap3A_597 = tpu.vector_load %arg7[%swap3A_596] {strides = array<i32>} : memref<16384xf32, #tpu.memory_space<vmem>>, vector<16xf32>,
      tpu.vector_store %arg7[%swap3A_596], %gather3A_591 {strides = array<i32>} : memref<16384xf32, #tpu.memory_space<vmem>>, vector<16xf32>,
      %gather3A_598 = tpu.vector_load_idx %arg5[%broadcast_in_dim3A_76, %get3A_163] : memref<752x64xf32, #tpu.memory_space<vmem>>[vector<16xi32>, vector<16xi32>], vector<16xf32>,
      %add3A_599 = arith.constant 896 : i32
      %add3A_600 = arith.addi %mul3A_146, %add3A_599 : i32
      %add3A_601 = arith.constant 32 : i32
      %add3A_602 = arith.addi %add3A_600, %add3A_601 : i32
      %swap3A_603 = arith.index_cast %add3A_602 : i32 to index
      %swap3A_604 = tpu.vector_load %arg7[%swap3A_603] {strides = array<i32>} : memref<16384xf32, #tpu.memory_space<vmem>>, vector<16xf32>,
      tpu.vector_store %arg7[%swap3A_603], %gather3A_598 {strides = array<i32>} : memref<16384xf32, #tpu.memory_space<vmem>>, vector<16xf32>,
      %gather3A_605 = tpu.vector_load_idx %arg5[%broadcast_in_dim3A_76, %get3A_169] : memref<752x64xf32, #tpu.memory_space<vmem>>[vector<16xi32>, vector<16xi32>], vector<16xf32>,
      %add3A_606 = arith.constant 896 : i32
      %add3A_607 = arith.addi %mul3A_146, %add3A_606 : i32
      %add3A_608 = arith.constant 48 : i32
      %add3A_609 = arith.addi %add3A_607, %add3A_608 : i32
      %swap3A_610 = arith.index_cast %add3A_609 : i32 to index
      %swap3A_611 = tpu.vector_load %arg7[%swap3A_610] {strides = array<i32>} : memref<16384xf32, #tpu.memory_space<vmem>>, vector<16xf32>,
      tpu.vector_store %arg7[%swap3A_610], %gather3A_605 {strides = array<i32>} : memref<16384xf32, #tpu.memory_space<vmem>>, vector<16xf32>,
      %gather3A_612 = tpu.vector_load_idx %arg5[%broadcast_in_dim3A_76, %get3A_175] : memref<752x64xf32, #tpu.memory_space<vmem>>[vector<16xi32>, vector<16xi32>], vector<16xf32>,
      %add3A_613 = arith.constant 896 : i32
      %add3A_614 = arith.addi %mul3A_146, %add3A_613 : i32
      %add3A_615 = arith.constant 64 : i32
      %add3A_616 = arith.addi %add3A_614, %add3A_615 : i32
      %swap3A_617 = arith.index_cast %add3A_616 : i32 to index
      %swap3A_618 = tpu.vector_load %arg7[%swap3A_617] {strides = array<i32>} : memref<16384xf32, #tpu.memory_space<vmem>>, vector<16xf32>,
      tpu.vector_store %arg7[%swap3A_617], %gather3A_612 {strides = array<i32>} : memref<16384xf32, #tpu.memory_space<vmem>>, vector<16xf32>,
      %gather3A_619 = tpu.vector_load_idx %arg5[%broadcast_in_dim3A_76, %get3A_181] : memref<752x64xf32, #tpu.memory_space<vmem>>[vector<16xi32>, vector<16xi32>], vector<16xf32>,
      %add3A_620 = arith.constant 896 : i32
      %add3A_621 = arith.addi %mul3A_146, %add3A_620 : i32
      %add3A_622 = arith.constant 80 : i32
      %add3A_623 = arith.addi %add3A_621, %add3A_622 : i32
      %swap3A_624 = arith.index_cast %add3A_623 : i32 to index
      %swap3A_625 = tpu.vector_load %arg7[%swap3A_624] {strides = array<i32>} : memref<16384xf32, #tpu.memory_space<vmem>>, vector<16xf32>,
      tpu.vector_store %arg7[%swap3A_624], %gather3A_619 {strides = array<i32>} : memref<16384xf32, #tpu.memory_space<vmem>>, vector<16xf32>,
      %gather3A_626 = tpu.vector_load_idx %arg5[%broadcast_in_dim3A_76, %get3A_187] : memref<752x64xf32, #tpu.memory_space<vmem>>[vector<16xi32>, vector<16xi32>], vector<16xf32>,
      %add3A_627 = arith.constant 896 : i32
      %add3A_628 = arith.addi %mul3A_146, %add3A_627 : i32
      %add3A_629 = arith.constant 96 : i32
      %add3A_630 = arith.addi %add3A_628, %add3A_629 : i32
      %swap3A_631 = arith.index_cast %add3A_630 : i32 to index
      %swap3A_632 = tpu.vector_load %arg7[%swap3A_631] {strides = array<i32>} : memref<16384xf32, #tpu.memory_space<vmem>>, vector<16xf32>,
      tpu.vector_store %arg7[%swap3A_631], %gather3A_626 {strides = array<i32>} : memref<16384xf32, #tpu.memory_space<vmem>>, vector<16xf32>,
      %gather3A_633 = tpu.vector_load_idx %arg5[%broadcast_in_dim3A_76, %get3A_193] : memref<752x64xf32, #tpu.memory_space<vmem>>[vector<16xi32>, vector<16xi32>], vector<16xf32>,
      %add3A_634 = arith.constant 896 : i32
      %add3A_635 = arith.addi %mul3A_146, %add3A_634 : i32
      %add3A_636 = arith.constant 112 : i32
      %add3A_637 = arith.addi %add3A_635, %add3A_636 : i32
      %swap3A_638 = arith.index_cast %add3A_637 : i32 to index
      %swap3A_639 = tpu.vector_load %arg7[%swap3A_638] {strides = array<i32>} : memref<16384xf32, #tpu.memory_space<vmem>>, vector<16xf32>,
      tpu.vector_store %arg7[%swap3A_638], %gather3A_633 {strides = array<i32>} : memref<16384xf32, #tpu.memory_space<vmem>>, vector<16xf32>,
    }
    %scan3A_81 = arith.constant 16 : i32
    %add3A_82 = arith.constant 0 : i32
    %add3A_83 = arith.addi %select_n3A_61, %add3A_82 : i32
    %mul3A_84 = arith.constant 128 : i32
    %mul3A_85 = arith.muli %add3A_83, %mul3A_84 : i32
    %add3A_86 = arith.addi %mul3A_85, %mul3A_34 : i32
    %mul3A_87 = arith.constant 1024 : i32
    %mul3A_88 = arith.muli %add3A_86, %mul3A_87 : i32
    %dma_start3A = tpu.memref_slice %arg4[%mul3A_88] : memref<49152000xf32, #tpu.memory_space<hbm>> -> memref<16384xf32, #tpu.memory_space<hbm>>
    %dma_start3A_89 = tpu.memref_slice %arg4[%mul3A_88] : memref<49152000xf32, #tpu.memory_space<hbm>> -> memref<16384xf32, #tpu.memory_space<hbm>>
    tpu.enqueue_dma source(%arg7 : memref<16384xf32, #tpu.memory_space<vmem>>) target(%dma_start3A_89 : memref<16384xf32, #tpu.memory_space<hbm>>) target_semaphore(%arg9 : memref<!tpu.dma_semaphore, #tpu.memory_space<semaphore_mem>>)
    %broadcast_in_dim3A_90 = arith.constant 8 : i32
    %broadcast_in_dim3A_91 = vector.broadcast %broadcast_in_dim3A_90 : i32 to vector<16xi32>
    %broadcast_in_dim3A_92 = arith.constant 9 : i32
    %broadcast_in_dim3A_93 = vector.broadcast %broadcast_in_dim3A_92 : i32 to vector<16xi32>
    %broadcast_in_dim3A_94 = arith.constant 10 : i32
    %broadcast_in_dim3A_95 = vector.broadcast %broadcast_in_dim3A_94 : i32 to vector<16xi32>
    %broadcast_in_dim3A_96 = arith.constant 11 : i32
    %broadcast_in_dim3A_97 = vector.broadcast %broadcast_in_dim3A_96 : i32 to vector<16xi32>
    %broadcast_in_dim3A_98 = arith.constant 12 : i32
    %broadcast_in_dim3A_99 = vector.broadcast %broadcast_in_dim3A_98 : i32 to vector<16xi32>
    %broadcast_in_dim3A_100 = arith.constant 13 : i32
    %broadcast_in_dim3A_101 = vector.broadcast %broadcast_in_dim3A_100 : i32 to vector<16xi32>
    %broadcast_in_dim3A_102 = arith.constant 14 : i32
    %broadcast_in_dim3A_103 = vector.broadcast %broadcast_in_dim3A_102 : i32 to vector<16xi32>
    %broadcast_in_dim3A_104 = arith.constant 15 : i32
    %broadcast_in_dim3A_105 = vector.broadcast %broadcast_in_dim3A_104 : i32 to vector<16xi32>
    %scan3A_106 = arith.constant 0 : i32
    %scan3A_107 = arith.constant 0 : i32
    %scan3A_108 = arith.constant 16 : i32
    %scan3A_109 = arith.addi %scan3A_107, %scan3A_108 : i32
    %scan3A_110 = arith.constant 1 : i32
    scf.for %scan3A_144 = %scan3A_107 to %scan3A_109 step %scan3A_110  : i32 {
      %mul3A_145 = arith.constant 1024 : i32
      %mul3A_146 = arith.muli %scan3A_144, %mul3A_145 : i32
      %mul3A_147 = arith.constant 128 : i32
      %mul3A_148 = arith.muli %scan3A_144, %mul3A_147 : i32
      %add3A_149 = arith.constant 0 : i32
      %add3A_150 = arith.addi %mul3A_148, %add3A_149 : i32
      %get3A = arith.index_cast %add3A_150 : i32 to index
      %get3A_151 = tpu.vector_load %arg6[%get3A] {strides = array<i32>} : memref<2048xi32, #tpu.memory_space<vmem>>, vector<16xi32>,
      %mul3A_152 = arith.constant 128 : i32
      %mul3A_153 = arith.muli %scan3A_144, %mul3A_152 : i32
      %add3A_154 = arith.constant 16 : i32
      %add3A_155 = arith.addi %mul3A_153, %add3A_154 : i32
      %get3A_156 = arith.index_cast %add3A_155 : i32 to index
      %get3A_157 = tpu.vector_load %arg6[%get3A_156] {strides = array<i32>} : memref<2048xi32, #tpu.memory_space<vmem>>, vector<16xi32>,
      %mul3A_158 = arith.constant 128 : i32
      %mul3A_159 = arith.muli %scan3A_144, %mul3A_158 : i32
      %add3A_160 = arith.constant 32 : i32
      %add3A_161 = arith.addi %mul3A_159, %add3A_160 : i32
      %get3A_162 = arith.index_cast %add3A_161 : i32 to index
      %get3A_163 = tpu.vector_load %arg6[%get3A_162] {strides = array<i32>} : memref<2048xi32, #tpu.memory_space<vmem>>, vector<16xi32>,
      %mul3A_164 = arith.constant 128 : i32
      %mul3A_165 = arith.muli %scan3A_144, %mul3A_164 : i32
      %add3A_166 = arith.constant 48 : i32
      %add3A_167 = arith.addi %mul3A_165, %add3A_166 : i32
      %get3A_168 = arith.index_cast %add3A_167 : i32 to index
      %get3A_169 = tpu.vector_load %arg6[%get3A_168] {strides = array<i32>} : memref<2048xi32, #tpu.memory_space<vmem>>, vector<16xi32>,
      %mul3A_170 = arith.constant 128 : i32
      %mul3A_171 = arith.muli %scan3A_144, %mul3A_170 : i32
      %add3A_172 = arith.constant 64 : i32
      %add3A_173 = arith.addi %mul3A_171, %add3A_172 : i32
      %get3A_174 = arith.index_cast %add3A_173 : i32 to index
      %get3A_175 = tpu.vector_load %arg6[%get3A_174] {strides = array<i32>} : memref<2048xi32, #tpu.memory_space<vmem>>, vector<16xi32>,
      %mul3A_176 = arith.constant 128 : i32
      %mul3A_177 = arith.muli %scan3A_144, %mul3A_176 : i32
      %add3A_178 = arith.constant 80 : i32
      %add3A_179 = arith.addi %mul3A_177, %add3A_178 : i32
      %get3A_180 = arith.index_cast %add3A_179 : i32 to index
      %get3A_181 = tpu.vector_load %arg6[%get3A_180] {strides = array<i32>} : memref<2048xi32, #tpu.memory_space<vmem>>, vector<16xi32>,
      %mul3A_182 = arith.constant 128 : i32
      %mul3A_183 = arith.muli %scan3A_144, %mul3A_182 : i32
      %add3A_184 = arith.constant 96 : i32
      %add3A_185 = arith.addi %mul3A_183, %add3A_184 : i32
      %get3A_186 = arith.index_cast %add3A_185 : i32 to index
      %get3A_187 = tpu.vector_load %arg6[%get3A_186] {strides = array<i32>} : memref<2048xi32, #tpu.memory_space<vmem>>, vector<16xi32>,
      %mul3A_188 = arith.constant 128 : i32
      %mul3A_189 = arith.muli %scan3A_144, %mul3A_188 : i32
      %add3A_190 = arith.constant 112 : i32
      %add3A_191 = arith.addi %mul3A_189, %add3A_190 : i32
      %get3A_192 = arith.index_cast %add3A_191 : i32 to index
      %get3A_193 = tpu.vector_load %arg6[%get3A_192] {strides = array<i32>} : memref<2048xi32, #tpu.memory_space<vmem>>, vector<16xi32>,
      %gather3A = tpu.vector_load_idx %arg5[%broadcast_in_dim3A_91, %get3A_151] : memref<752x64xf32, #tpu.memory_space<vmem>>[vector<16xi32>, vector<16xi32>], vector<16xf32>,
      %add3A_194 = arith.constant 0 : i32
      %add3A_195 = arith.addi %mul3A_146, %add3A_194 : i32
      %add3A_196 = arith.constant 0 : i32
      %add3A_197 = arith.addi %add3A_195, %add3A_196 : i32
      %swap3A = arith.index_cast %add3A_197 : i32 to index
      %swap3A_198 = tpu.vector_load %arg8[%swap3A] {strides = array<i32>} : memref<16384xf32, #tpu.memory_space<vmem>>, vector<16xf32>,
      tpu.vector_store %arg8[%swap3A], %gather3A {strides = array<i32>} : memref<16384xf32, #tpu.memory_space<vmem>>, vector<16xf32>,
      %gather3A_199 = tpu.vector_load_idx %arg5[%broadcast_in_dim3A_91, %get3A_157] : memref<752x64xf32, #tpu.memory_space<vmem>>[vector<16xi32>, vector<16xi32>], vector<16xf32>,
      %add3A_200 = arith.constant 0 : i32
      %add3A_201 = arith.addi %mul3A_146, %add3A_200 : i32
      %add3A_202 = arith.constant 16 : i32
      %add3A_203 = arith.addi %add3A_201, %add3A_202 : i32
      %swap3A_204 = arith.index_cast %add3A_203 : i32 to index
      %swap3A_205 = tpu.vector_load %arg8[%swap3A_204] {strides = array<i32>} : memref<16384xf32, #tpu.memory_space<vmem>>, vector<16xf32>,
      tpu.vector_store %arg8[%swap3A_204], %gather3A_199 {strides = array<i32>} : memref<16384xf32, #tpu.memory_space<vmem>>, vector<16xf32>,
      %gather3A_206 = tpu.vector_load_idx %arg5[%broadcast_in_dim3A_91, %get3A_163] : memref<752x64xf32, #tpu.memory_space<vmem>>[vector<16xi32>, vector<16xi32>], vector<16xf32>,
      %add3A_207 = arith.constant 0 : i32
      %add3A_208 = arith.addi %mul3A_146, %add3A_207 : i32
      %add3A_209 = arith.constant 32 : i32
      %add3A_210 = arith.addi %add3A_208, %add3A_209 : i32
      %swap3A_211 = arith.index_cast %add3A_210 : i32 to index
      %swap3A_212 = tpu.vector_load %arg8[%swap3A_211] {strides = array<i32>} : memref<16384xf32, #tpu.memory_space<vmem>>, vector<16xf32>,
      tpu.vector_store %arg8[%swap3A_211], %gather3A_206 {strides = array<i32>} : memref<16384xf32, #tpu.memory_space<vmem>>, vector<16xf32>,
      %gather3A_213 = tpu.vector_load_idx %arg5[%broadcast_in_dim3A_91, %get3A_169] : memref<752x64xf32, #tpu.memory_space<vmem>>[vector<16xi32>, vector<16xi32>], vector<16xf32>,
      %add3A_214 = arith.constant 0 : i32
      %add3A_215 = arith.addi %mul3A_146, %add3A_214 : i32
      %add3A_216 = arith.constant 48 : i32
      %add3A_217 = arith.addi %add3A_215, %add3A_216 : i32
      %swap3A_218 = arith.index_cast %add3A_217 : i32 to index
      %swap3A_219 = tpu.vector_load %arg8[%swap3A_218] {strides = array<i32>} : memref<16384xf32, #tpu.memory_space<vmem>>, vector<16xf32>,
      tpu.vector_store %arg8[%swap3A_218], %gather3A_213 {strides = array<i32>} : memref<16384xf32, #tpu.memory_space<vmem>>, vector<16xf32>,
      %gather3A_220 = tpu.vector_load_idx %arg5[%broadcast_in_dim3A_91, %get3A_175] : memref<752x64xf32, #tpu.memory_space<vmem>>[vector<16xi32>, vector<16xi32>], vector<16xf32>,
      %add3A_221 = arith.constant 0 : i32
      %add3A_222 = arith.addi %mul3A_146, %add3A_221 : i32
      %add3A_223 = arith.constant 64 : i32
      %add3A_224 = arith.addi %add3A_222, %add3A_223 : i32
      %swap3A_225 = arith.index_cast %add3A_224 : i32 to index
      %swap3A_226 = tpu.vector_load %arg8[%swap3A_225] {strides = array<i32>} : memref<16384xf32, #tpu.memory_space<vmem>>, vector<16xf32>,
      tpu.vector_store %arg8[%swap3A_225], %gather3A_220 {strides = array<i32>} : memref<16384xf32, #tpu.memory_space<vmem>>, vector<16xf32>,
      %gather3A_227 = tpu.vector_load_idx %arg5[%broadcast_in_dim3A_91, %get3A_181] : memref<752x64xf32, #tpu.memory_space<vmem>>[vector<16xi32>, vector<16xi32>], vector<16xf32>,
      %add3A_228 = arith.constant 0 : i32
      %add3A_229 = arith.addi %mul3A_146, %add3A_228 : i32
      %add3A_230 = arith.constant 80 : i32
      %add3A_231 = arith.addi %add3A_229, %add3A_230 : i32
      %swap3A_232 = arith.index_cast %add3A_231 : i32 to index
      %swap3A_233 = tpu.vector_load %arg8[%swap3A_232] {strides = array<i32>} : memref<16384xf32, #tpu.memory_space<vmem>>, vector<16xf32>,
      tpu.vector_store %arg8[%swap3A_232], %gather3A_227 {strides = array<i32>} : memref<16384xf32, #tpu.memory_space<vmem>>, vector<16xf32>,
      %gather3A_234 = tpu.vector_load_idx %arg5[%broadcast_in_dim3A_91, %get3A_187] : memref<752x64xf32, #tpu.memory_space<vmem>>[vector<16xi32>, vector<16xi32>], vector<16xf32>,
      %add3A_235 = arith.constant 0 : i32
      %add3A_236 = arith.addi %mul3A_146, %add3A_235 : i32
      %add3A_237 = arith.constant 96 : i32
      %add3A_238 = arith.addi %add3A_236, %add3A_237 : i32
      %swap3A_239 = arith.index_cast %add3A_238 : i32 to index
      %swap3A_240 = tpu.vector_load %arg8[%swap3A_239] {strides = array<i32>} : memref<16384xf32, #tpu.memory_space<vmem>>, vector<16xf32>,
      tpu.vector_store %arg8[%swap3A_239], %gather3A_234 {strides = array<i32>} : memref<16384xf32, #tpu.memory_space<vmem>>, vector<16xf32>,
      %gather3A_241 = tpu.vector_load_idx %arg5[%broadcast_in_dim3A_91, %get3A_193] : memref<752x64xf32, #tpu.memory_space<vmem>>[vector<16xi32>, vector<16xi32>], vector<16xf32>,
      %add3A_242 = arith.constant 0 : i32
      %add3A_243 = arith.addi %mul3A_146, %add3A_242 : i32
      %add3A_244 = arith.constant 112 : i32
      %add3A_245 = arith.addi %add3A_243, %add3A_244 : i32
      %swap3A_246 = arith.index_cast %add3A_245 : i32 to index
      %swap3A_247 = tpu.vector_load %arg8[%swap3A_246] {strides = array<i32>} : memref<16384xf32, #tpu.memory_space<vmem>>, vector<16xf32>,
      tpu.vector_store %arg8[%swap3A_246], %gather3A_241 {strides = array<i32>} : memref<16384xf32, #tpu.memory_space<vmem>>, vector<16xf32>,
      %gather3A_248 = tpu.vector_load_idx %arg5[%broadcast_in_dim3A_93, %get3A_151] : memref<752x64xf32, #tpu.memory_space<vmem>>[vector<16xi32>, vector<16xi32>], vector<16xf32>,
      %add3A_249 = arith.constant 128 : i32
      %add3A_250 = arith.addi %mul3A_146, %add3A_249 : i32
      %add3A_251 = arith.constant 0 : i32
      %add3A_252 = arith.addi %add3A_250, %add3A_251 : i32
      %swap3A_253 = arith.index_cast %add3A_252 : i32 to index
      %swap3A_254 = tpu.vector_load %arg8[%swap3A_253] {strides = array<i32>} : memref<16384xf32, #tpu.memory_space<vmem>>, vector<16xf32>,
      tpu.vector_store %arg8[%swap3A_253], %gather3A_248 {strides = array<i32>} : memref<16384xf32, #tpu.memory_space<vmem>>, vector<16xf32>,
      %gather3A_255 = tpu.vector_load_idx %arg5[%broadcast_in_dim3A_93, %get3A_157] : memref<752x64xf32, #tpu.memory_space<vmem>>[vector<16xi32>, vector<16xi32>], vector<16xf32>,
      %add3A_256 = arith.constant 128 : i32
      %add3A_257 = arith.addi %mul3A_146, %add3A_256 : i32
      %add3A_258 = arith.constant 16 : i32
      %add3A_259 = arith.addi %add3A_257, %add3A_258 : i32
      %swap3A_260 = arith.index_cast %add3A_259 : i32 to index
      %swap3A_261 = tpu.vector_load %arg8[%swap3A_260] {strides = array<i32>} : memref<16384xf32, #tpu.memory_space<vmem>>, vector<16xf32>,
      tpu.vector_store %arg8[%swap3A_260], %gather3A_255 {strides = array<i32>} : memref<16384xf32, #tpu.memory_space<vmem>>, vector<16xf32>,
      %gather3A_262 = tpu.vector_load_idx %arg5[%broadcast_in_dim3A_93, %get3A_163] : memref<752x64xf32, #tpu.memory_space<vmem>>[vector<16xi32>, vector<16xi32>], vector<16xf32>,
      %add3A_263 = arith.constant 128 : i32
      %add3A_264 = arith.addi %mul3A_146, %add3A_263 : i32
      %add3A_265 = arith.constant 32 : i32
      %add3A_266 = arith.addi %add3A_264, %add3A_265 : i32
      %swap3A_267 = arith.index_cast %add3A_266 : i32 to index
      %swap3A_268 = tpu.vector_load %arg8[%swap3A_267] {strides = array<i32>} : memref<16384xf32, #tpu.memory_space<vmem>>, vector<16xf32>,
      tpu.vector_store %arg8[%swap3A_267], %gather3A_262 {strides = array<i32>} : memref<16384xf32, #tpu.memory_space<vmem>>, vector<16xf32>,
      %gather3A_269 = tpu.vector_load_idx %arg5[%broadcast_in_dim3A_93, %get3A_169] : memref<752x64xf32, #tpu.memory_space<vmem>>[vector<16xi32>, vector<16xi32>], vector<16xf32>,
      %add3A_270 = arith.constant 128 : i32
      %add3A_271 = arith.addi %mul3A_146, %add3A_270 : i32
      %add3A_272 = arith.constant 48 : i32
      %add3A_273 = arith.addi %add3A_271, %add3A_272 : i32
      %swap3A_274 = arith.index_cast %add3A_273 : i32 to index
      %swap3A_275 = tpu.vector_load %arg8[%swap3A_274] {strides = array<i32>} : memref<16384xf32, #tpu.memory_space<vmem>>, vector<16xf32>,
      tpu.vector_store %arg8[%swap3A_274], %gather3A_269 {strides = array<i32>} : memref<16384xf32, #tpu.memory_space<vmem>>, vector<16xf32>,
      %gather3A_276 = tpu.vector_load_idx %arg5[%broadcast_in_dim3A_93, %get3A_175] : memref<752x64xf32, #tpu.memory_space<vmem>>[vector<16xi32>, vector<16xi32>], vector<16xf32>,
      %add3A_277 = arith.constant 128 : i32
      %add3A_278 = arith.addi %mul3A_146, %add3A_277 : i32
      %add3A_279 = arith.constant 64 : i32
      %add3A_280 = arith.addi %add3A_278, %add3A_279 : i32
      %swap3A_281 = arith.index_cast %add3A_280 : i32 to index
      %swap3A_282 = tpu.vector_load %arg8[%swap3A_281] {strides = array<i32>} : memref<16384xf32, #tpu.memory_space<vmem>>, vector<16xf32>,
      tpu.vector_store %arg8[%swap3A_281], %gather3A_276 {strides = array<i32>} : memref<16384xf32, #tpu.memory_space<vmem>>, vector<16xf32>,
      %gather3A_283 = tpu.vector_load_idx %arg5[%broadcast_in_dim3A_93, %get3A_181] : memref<752x64xf32, #tpu.memory_space<vmem>>[vector<16xi32>, vector<16xi32>], vector<16xf32>,
      %add3A_284 = arith.constant 128 : i32
      %add3A_285 = arith.addi %mul3A_146, %add3A_284 : i32
      %add3A_286 = arith.constant 80 : i32
      %add3A_287 = arith.addi %add3A_285, %add3A_286 : i32
      %swap3A_288 = arith.index_cast %add3A_287 : i32 to index
      %swap3A_289 = tpu.vector_load %arg8[%swap3A_288] {strides = array<i32>} : memref<16384xf32, #tpu.memory_space<vmem>>, vector<16xf32>,
      tpu.vector_store %arg8[%swap3A_288], %gather3A_283 {strides = array<i32>} : memref<16384xf32, #tpu.memory_space<vmem>>, vector<16xf32>,
      %gather3A_290 = tpu.vector_load_idx %arg5[%broadcast_in_dim3A_93, %get3A_187] : memref<752x64xf32, #tpu.memory_space<vmem>>[vector<16xi32>, vector<16xi32>], vector<16xf32>,
      %add3A_291 = arith.constant 128 : i32
      %add3A_292 = arith.addi %mul3A_146, %add3A_291 : i32
      %add3A_293 = arith.constant 96 : i32
      %add3A_294 = arith.addi %add3A_292, %add3A_293 : i32
      %swap3A_295 = arith.index_cast %add3A_294 : i32 to index
      %swap3A_296 = tpu.vector_load %arg8[%swap3A_295] {strides = array<i32>} : memref<16384xf32, #tpu.memory_space<vmem>>, vector<16xf32>,
      tpu.vector_store %arg8[%swap3A_295], %gather3A_290 {strides = array<i32>} : memref<16384xf32, #tpu.memory_space<vmem>>, vector<16xf32>,
      %gather3A_297 = tpu.vector_load_idx %arg5[%broadcast_in_dim3A_93, %get3A_193] : memref<752x64xf32, #tpu.memory_space<vmem>>[vector<16xi32>, vector<16xi32>], vector<16xf32>,
      %add3A_298 = arith.constant 128 : i32
      %add3A_299 = arith.addi %mul3A_146, %add3A_298 : i32
      %add3A_300 = arith.constant 112 : i32
      %add3A_301 = arith.addi %add3A_299, %add3A_300 : i32
      %swap3A_302 = arith.index_cast %add3A_301 : i32 to index
      %swap3A_303 = tpu.vector_load %arg8[%swap3A_302] {strides = array<i32>} : memref<16384xf32, #tpu.memory_space<vmem>>, vector<16xf32>,
      tpu.vector_store %arg8[%swap3A_302], %gather3A_297 {strides = array<i32>} : memref<16384xf32, #tpu.memory_space<vmem>>, vector<16xf32>,
      %gather3A_304 = tpu.vector_load_idx %arg5[%broadcast_in_dim3A_95, %get3A_151] : memref<752x64xf32, #tpu.memory_space<vmem>>[vector<16xi32>, vector<16xi32>], vector<16xf32>,
      %add3A_305 = arith.constant 256 : i32
      %add3A_306 = arith.addi %mul3A_146, %add3A_305 : i32
      %add3A_307 = arith.constant 0 : i32
      %add3A_308 = arith.addi %add3A_306, %add3A_307 : i32
      %swap3A_309 = arith.index_cast %add3A_308 : i32 to index
      %swap3A_310 = tpu.vector_load %arg8[%swap3A_309] {strides = array<i32>} : memref<16384xf32, #tpu.memory_space<vmem>>, vector<16xf32>,
      tpu.vector_store %arg8[%swap3A_309], %gather3A_304 {strides = array<i32>} : memref<16384xf32, #tpu.memory_space<vmem>>, vector<16xf32>,
      %gather3A_311 = tpu.vector_load_idx %arg5[%broadcast_in_dim3A_95, %get3A_157] : memref<752x64xf32, #tpu.memory_space<vmem>>[vector<16xi32>, vector<16xi32>], vector<16xf32>,
      %add3A_312 = arith.constant 256 : i32
      %add3A_313 = arith.addi %mul3A_146, %add3A_312 : i32
      %add3A_314 = arith.constant 16 : i32
      %add3A_315 = arith.addi %add3A_313, %add3A_314 : i32
      %swap3A_316 = arith.index_cast %add3A_315 : i32 to index
      %swap3A_317 = tpu.vector_load %arg8[%swap3A_316] {strides = array<i32>} : memref<16384xf32, #tpu.memory_space<vmem>>, vector<16xf32>,
      tpu.vector_store %arg8[%swap3A_316], %gather3A_311 {strides = array<i32>} : memref<16384xf32, #tpu.memory_space<vmem>>, vector<16xf32>,
      %gather3A_318 = tpu.vector_load_idx %arg5[%broadcast_in_dim3A_95, %get3A_163] : memref<752x64xf32, #tpu.memory_space<vmem>>[vector<16xi32>, vector<16xi32>], vector<16xf32>,
      %add3A_319 = arith.constant 256 : i32
      %add3A_320 = arith.addi %mul3A_146, %add3A_319 : i32
      %add3A_321 = arith.constant 32 : i32
      %add3A_322 = arith.addi %add3A_320, %add3A_321 : i32
      %swap3A_323 = arith.index_cast %add3A_322 : i32 to index
      %swap3A_324 = tpu.vector_load %arg8[%swap3A_323] {strides = array<i32>} : memref<16384xf32, #tpu.memory_space<vmem>>, vector<16xf32>,
      tpu.vector_store %arg8[%swap3A_323], %gather3A_318 {strides = array<i32>} : memref<16384xf32, #tpu.memory_space<vmem>>, vector<16xf32>,
      %gather3A_325 = tpu.vector_load_idx %arg5[%broadcast_in_dim3A_95, %get3A_169] : memref<752x64xf32, #tpu.memory_space<vmem>>[vector<16xi32>, vector<16xi32>], vector<16xf32>,
      %add3A_326 = arith.constant 256 : i32
      %add3A_327 = arith.addi %mul3A_146, %add3A_326 : i32
      %add3A_328 = arith.constant 48 : i32
      %add3A_329 = arith.addi %add3A_327, %add3A_328 : i32
      %swap3A_330 = arith.index_cast %add3A_329 : i32 to index
      %swap3A_331 = tpu.vector_load %arg8[%swap3A_330] {strides = array<i32>} : memref<16384xf32, #tpu.memory_space<vmem>>, vector<16xf32>,
      tpu.vector_store %arg8[%swap3A_330], %gather3A_325 {strides = array<i32>} : memref<16384xf32, #tpu.memory_space<vmem>>, vector<16xf32>,
      %gather3A_332 = tpu.vector_load_idx %arg5[%broadcast_in_dim3A_95, %get3A_175] : memref<752x64xf32, #tpu.memory_space<vmem>>[vector<16xi32>, vector<16xi32>], vector<16xf32>,
      %add3A_333 = arith.constant 256 : i32
      %add3A_334 = arith.addi %mul3A_146, %add3A_333 : i32
      %add3A_335 = arith.constant 64 : i32
      %add3A_336 = arith.addi %add3A_334, %add3A_335 : i32
      %swap3A_337 = arith.index_cast %add3A_336 : i32 to index
      %swap3A_338 = tpu.vector_load %arg8[%swap3A_337] {strides = array<i32>} : memref<16384xf32, #tpu.memory_space<vmem>>, vector<16xf32>,
      tpu.vector_store %arg8[%swap3A_337], %gather3A_332 {strides = array<i32>} : memref<16384xf32, #tpu.memory_space<vmem>>, vector<16xf32>,
      %gather3A_339 = tpu.vector_load_idx %arg5[%broadcast_in_dim3A_95, %get3A_181] : memref<752x64xf32, #tpu.memory_space<vmem>>[vector<16xi32>, vector<16xi32>], vector<16xf32>,
      %add3A_340 = arith.constant 256 : i32
      %add3A_341 = arith.addi %mul3A_146, %add3A_340 : i32
      %add3A_342 = arith.constant 80 : i32
      %add3A_343 = arith.addi %add3A_341, %add3A_342 : i32
      %swap3A_344 = arith.index_cast %add3A_343 : i32 to index
      %swap3A_345 = tpu.vector_load %arg8[%swap3A_344] {strides = array<i32>} : memref<16384xf32, #tpu.memory_space<vmem>>, vector<16xf32>,
      tpu.vector_store %arg8[%swap3A_344], %gather3A_339 {strides = array<i32>} : memref<16384xf32, #tpu.memory_space<vmem>>, vector<16xf32>,
      %gather3A_346 = tpu.vector_load_idx %arg5[%broadcast_in_dim3A_95, %get3A_187] : memref<752x64xf32, #tpu.memory_space<vmem>>[vector<16xi32>, vector<16xi32>], vector<16xf32>,
      %add3A_347 = arith.constant 256 : i32
      %add3A_348 = arith.addi %mul3A_146, %add3A_347 : i32
      %add3A_349 = arith.constant 96 : i32
      %add3A_350 = arith.addi %add3A_348, %add3A_349 : i32
      %swap3A_351 = arith.index_cast %add3A_350 : i32 to index
      %swap3A_352 = tpu.vector_load %arg8[%swap3A_351] {strides = array<i32>} : memref<16384xf32, #tpu.memory_space<vmem>>, vector<16xf32>,
      tpu.vector_store %arg8[%swap3A_351], %gather3A_346 {strides = array<i32>} : memref<16384xf32, #tpu.memory_space<vmem>>, vector<16xf32>,
      %gather3A_353 = tpu.vector_load_idx %arg5[%broadcast_in_dim3A_95, %get3A_193] : memref<752x64xf32, #tpu.memory_space<vmem>>[vector<16xi32>, vector<16xi32>], vector<16xf32>,
      %add3A_354 = arith.constant 256 : i32
      %add3A_355 = arith.addi %mul3A_146, %add3A_354 : i32
      %add3A_356 = arith.constant 112 : i32
      %add3A_357 = arith.addi %add3A_355, %add3A_356 : i32
      %swap3A_358 = arith.index_cast %add3A_357 : i32 to index
      %swap3A_359 = tpu.vector_load %arg8[%swap3A_358] {strides = array<i32>} : memref<16384xf32, #tpu.memory_space<vmem>>, vector<16xf32>,
      tpu.vector_store %arg8[%swap3A_358], %gather3A_353 {strides = array<i32>} : memref<16384xf32, #tpu.memory_space<vmem>>, vector<16xf32>,
      %gather3A_360 = tpu.vector_load_idx %arg5[%broadcast_in_dim3A_97, %get3A_151] : memref<752x64xf32, #tpu.memory_space<vmem>>[vector<16xi32>, vector<16xi32>], vector<16xf32>,
      %add3A_361 = arith.constant 384 : i32
      %add3A_362 = arith.addi %mul3A_146, %add3A_361 : i32
      %add3A_363 = arith.constant 0 : i32
      %add3A_364 = arith.addi %add3A_362, %add3A_363 : i32
      %swap3A_365 = arith.index_cast %add3A_364 : i32 to index
      %swap3A_366 = tpu.vector_load %arg8[%swap3A_365] {strides = array<i32>} : memref<16384xf32, #tpu.memory_space<vmem>>, vector<16xf32>,
      tpu.vector_store %arg8[%swap3A_365], %gather3A_360 {strides = array<i32>} : memref<16384xf32, #tpu.memory_space<vmem>>, vector<16xf32>,
      %gather3A_367 = tpu.vector_load_idx %arg5[%broadcast_in_dim3A_97, %get3A_157] : memref<752x64xf32, #tpu.memory_space<vmem>>[vector<16xi32>, vector<16xi32>], vector<16xf32>,
      %add3A_368 = arith.constant 384 : i32
      %add3A_369 = arith.addi %mul3A_146, %add3A_368 : i32
      %add3A_370 = arith.constant 16 : i32
      %add3A_371 = arith.addi %add3A_369, %add3A_370 : i32
      %swap3A_372 = arith.index_cast %add3A_371 : i32 to index
      %swap3A_373 = tpu.vector_load %arg8[%swap3A_372] {strides = array<i32>} : memref<16384xf32, #tpu.memory_space<vmem>>, vector<16xf32>,
      tpu.vector_store %arg8[%swap3A_372], %gather3A_367 {strides = array<i32>} : memref<16384xf32, #tpu.memory_space<vmem>>, vector<16xf32>,
      %gather3A_374 = tpu.vector_load_idx %arg5[%broadcast_in_dim3A_97, %get3A_163] : memref<752x64xf32, #tpu.memory_space<vmem>>[vector<16xi32>, vector<16xi32>], vector<16xf32>,
      %add3A_375 = arith.constant 384 : i32
      %add3A_376 = arith.addi %mul3A_146, %add3A_375 : i32
      %add3A_377 = arith.constant 32 : i32
      %add3A_378 = arith.addi %add3A_376, %add3A_377 : i32
      %swap3A_379 = arith.index_cast %add3A_378 : i32 to index
      %swap3A_380 = tpu.vector_load %arg8[%swap3A_379] {strides = array<i32>} : memref<16384xf32, #tpu.memory_space<vmem>>, vector<16xf32>,
      tpu.vector_store %arg8[%swap3A_379], %gather3A_374 {strides = array<i32>} : memref<16384xf32, #tpu.memory_space<vmem>>, vector<16xf32>,
      %gather3A_381 = tpu.vector_load_idx %arg5[%broadcast_in_dim3A_97, %get3A_169] : memref<752x64xf32, #tpu.memory_space<vmem>>[vector<16xi32>, vector<16xi32>], vector<16xf32>,
      %add3A_382 = arith.constant 384 : i32
      %add3A_383 = arith.addi %mul3A_146, %add3A_382 : i32
      %add3A_384 = arith.constant 48 : i32
      %add3A_385 = arith.addi %add3A_383, %add3A_384 : i32
      %swap3A_386 = arith.index_cast %add3A_385 : i32 to index
      %swap3A_387 = tpu.vector_load %arg8[%swap3A_386] {strides = array<i32>} : memref<16384xf32, #tpu.memory_space<vmem>>, vector<16xf32>,
      tpu.vector_store %arg8[%swap3A_386], %gather3A_381 {strides = array<i32>} : memref<16384xf32, #tpu.memory_space<vmem>>, vector<16xf32>,
      %gather3A_388 = tpu.vector_load_idx %arg5[%broadcast_in_dim3A_97, %get3A_175] : memref<752x64xf32, #tpu.memory_space<vmem>>[vector<16xi32>, vector<16xi32>], vector<16xf32>,
      %add3A_389 = arith.constant 384 : i32
      %add3A_390 = arith.addi %mul3A_146, %add3A_389 : i32
      %add3A_391 = arith.constant 64 : i32
      %add3A_392 = arith.addi %add3A_390, %add3A_391 : i32
      %swap3A_393 = arith.index_cast %add3A_392 : i32 to index
      %swap3A_394 = tpu.vector_load %arg8[%swap3A_393] {strides = array<i32>} : memref<16384xf32, #tpu.memory_space<vmem>>, vector<16xf32>,
      tpu.vector_store %arg8[%swap3A_393], %gather3A_388 {strides = array<i32>} : memref<16384xf32, #tpu.memory_space<vmem>>, vector<16xf32>,
      %gather3A_395 = tpu.vector_load_idx %arg5[%broadcast_in_dim3A_97, %get3A_181] : memref<752x64xf32, #tpu.memory_space<vmem>>[vector<16xi32>, vector<16xi32>], vector<16xf32>,
      %add3A_396 = arith.constant 384 : i32
      %add3A_397 = arith.addi %mul3A_146, %add3A_396 : i32
      %add3A_398 = arith.constant 80 : i32
      %add3A_399 = arith.addi %add3A_397, %add3A_398 : i32
      %swap3A_400 = arith.index_cast %add3A_399 : i32 to index
      %swap3A_401 = tpu.vector_load %arg8[%swap3A_400] {strides = array<i32>} : memref<16384xf32, #tpu.memory_space<vmem>>, vector<16xf32>,
      tpu.vector_store %arg8[%swap3A_400], %gather3A_395 {strides = array<i32>} : memref<16384xf32, #tpu.memory_space<vmem>>, vector<16xf32>,
      %gather3A_402 = tpu.vector_load_idx %arg5[%broadcast_in_dim3A_97, %get3A_187] : memref<752x64xf32, #tpu.memory_space<vmem>>[vector<16xi32>, vector<16xi32>], vector<16xf32>,
      %add3A_403 = arith.constant 384 : i32
      %add3A_404 = arith.addi %mul3A_146, %add3A_403 : i32
      %add3A_405 = arith.constant 96 : i32
      %add3A_406 = arith.addi %add3A_404, %add3A_405 : i32
      %swap3A_407 = arith.index_cast %add3A_406 : i32 to index
      %swap3A_408 = tpu.vector_load %arg8[%swap3A_407] {strides = array<i32>} : memref<16384xf32, #tpu.memory_space<vmem>>, vector<16xf32>,
      tpu.vector_store %arg8[%swap3A_407], %gather3A_402 {strides = array<i32>} : memref<16384xf32, #tpu.memory_space<vmem>>, vector<16xf32>,
      %gather3A_409 = tpu.vector_load_idx %arg5[%broadcast_in_dim3A_97, %get3A_193] : memref<752x64xf32, #tpu.memory_space<vmem>>[vector<16xi32>, vector<16xi32>], vector<16xf32>,
      %add3A_410 = arith.constant 384 : i32
      %add3A_411 = arith.addi %mul3A_146, %add3A_410 : i32
      %add3A_412 = arith.constant 112 : i32
      %add3A_413 = arith.addi %add3A_411, %add3A_412 : i32
      %swap3A_414 = arith.index_cast %add3A_413 : i32 to index
      %swap3A_415 = tpu.vector_load %arg8[%swap3A_414] {strides = array<i32>} : memref<16384xf32, #tpu.memory_space<vmem>>, vector<16xf32>,
      tpu.vector_store %arg8[%swap3A_414], %gather3A_409 {strides = array<i32>} : memref<16384xf32, #tpu.memory_space<vmem>>, vector<16xf32>,
      %gather3A_416 = tpu.vector_load_idx %arg5[%broadcast_in_dim3A_99, %get3A_151] : memref<752x64xf32, #tpu.memory_space<vmem>>[vector<16xi32>, vector<16xi32>], vector<16xf32>,
      %add3A_417 = arith.constant 512 : i32
      %add3A_418 = arith.addi %mul3A_146, %add3A_417 : i32
      %add3A_419 = arith.constant 0 : i32
      %add3A_420 = arith.addi %add3A_418, %add3A_419 : i32
      %swap3A_421 = arith.index_cast %add3A_420 : i32 to index
      %swap3A_422 = tpu.vector_load %arg8[%swap3A_421] {strides = array<i32>} : memref<16384xf32, #tpu.memory_space<vmem>>, vector<16xf32>,
      tpu.vector_store %arg8[%swap3A_421], %gather3A_416 {strides = array<i32>} : memref<16384xf32, #tpu.memory_space<vmem>>, vector<16xf32>,
      %gather3A_423 = tpu.vector_load_idx %arg5[%broadcast_in_dim3A_99, %get3A_157] : memref<752x64xf32, #tpu.memory_space<vmem>>[vector<16xi32>, vector<16xi32>], vector<16xf32>,
      %add3A_424 = arith.constant 512 : i32
      %add3A_425 = arith.addi %mul3A_146, %add3A_424 : i32
      %add3A_426 = arith.constant 16 : i32
      %add3A_427 = arith.addi %add3A_425, %add3A_426 : i32
      %swap3A_428 = arith.index_cast %add3A_427 : i32 to index
      %swap3A_429 = tpu.vector_load %arg8[%swap3A_428] {strides = array<i32>} : memref<16384xf32, #tpu.memory_space<vmem>>, vector<16xf32>,
      tpu.vector_store %arg8[%swap3A_428], %gather3A_423 {strides = array<i32>} : memref<16384xf32, #tpu.memory_space<vmem>>, vector<16xf32>,
      %gather3A_430 = tpu.vector_load_idx %arg5[%broadcast_in_dim3A_99, %get3A_163] : memref<752x64xf32, #tpu.memory_space<vmem>>[vector<16xi32>, vector<16xi32>], vector<16xf32>,
      %add3A_431 = arith.constant 512 : i32
      %add3A_432 = arith.addi %mul3A_146, %add3A_431 : i32
      %add3A_433 = arith.constant 32 : i32
      %add3A_434 = arith.addi %add3A_432, %add3A_433 : i32
      %swap3A_435 = arith.index_cast %add3A_434 : i32 to index
      %swap3A_436 = tpu.vector_load %arg8[%swap3A_435] {strides = array<i32>} : memref<16384xf32, #tpu.memory_space<vmem>>, vector<16xf32>,
      tpu.vector_store %arg8[%swap3A_435], %gather3A_430 {strides = array<i32>} : memref<16384xf32, #tpu.memory_space<vmem>>, vector<16xf32>,
      %gather3A_437 = tpu.vector_load_idx %arg5[%broadcast_in_dim3A_99, %get3A_169] : memref<752x64xf32, #tpu.memory_space<vmem>>[vector<16xi32>, vector<16xi32>], vector<16xf32>,
      %add3A_438 = arith.constant 512 : i32
      %add3A_439 = arith.addi %mul3A_146, %add3A_438 : i32
      %add3A_440 = arith.constant 48 : i32
      %add3A_441 = arith.addi %add3A_439, %add3A_440 : i32
      %swap3A_442 = arith.index_cast %add3A_441 : i32 to index
      %swap3A_443 = tpu.vector_load %arg8[%swap3A_442] {strides = array<i32>} : memref<16384xf32, #tpu.memory_space<vmem>>, vector<16xf32>,
      tpu.vector_store %arg8[%swap3A_442], %gather3A_437 {strides = array<i32>} : memref<16384xf32, #tpu.memory_space<vmem>>, vector<16xf32>,
      %gather3A_444 = tpu.vector_load_idx %arg5[%broadcast_in_dim3A_99, %get3A_175] : memref<752x64xf32, #tpu.memory_space<vmem>>[vector<16xi32>, vector<16xi32>], vector<16xf32>,
      %add3A_445 = arith.constant 512 : i32
      %add3A_446 = arith.addi %mul3A_146, %add3A_445 : i32
      %add3A_447 = arith.constant 64 : i32
      %add3A_448 = arith.addi %add3A_446, %add3A_447 : i32
      %swap3A_449 = arith.index_cast %add3A_448 : i32 to index
      %swap3A_450 = tpu.vector_load %arg8[%swap3A_449] {strides = array<i32>} : memref<16384xf32, #tpu.memory_space<vmem>>, vector<16xf32>,
      tpu.vector_store %arg8[%swap3A_449], %gather3A_444 {strides = array<i32>} : memref<16384xf32, #tpu.memory_space<vmem>>, vector<16xf32>,
      %gather3A_451 = tpu.vector_load_idx %arg5[%broadcast_in_dim3A_99, %get3A_181] : memref<752x64xf32, #tpu.memory_space<vmem>>[vector<16xi32>, vector<16xi32>], vector<16xf32>,
      %add3A_452 = arith.constant 512 : i32
      %add3A_453 = arith.addi %mul3A_146, %add3A_452 : i32
      %add3A_454 = arith.constant 80 : i32
      %add3A_455 = arith.addi %add3A_453, %add3A_454 : i32
      %swap3A_456 = arith.index_cast %add3A_455 : i32 to index
      %swap3A_457 = tpu.vector_load %arg8[%swap3A_456] {strides = array<i32>} : memref<16384xf32, #tpu.memory_space<vmem>>, vector<16xf32>,
      tpu.vector_store %arg8[%swap3A_456], %gather3A_451 {strides = array<i32>} : memref<16384xf32, #tpu.memory_space<vmem>>, vector<16xf32>,
      %gather3A_458 = tpu.vector_load_idx %arg5[%broadcast_in_dim3A_99, %get3A_187] : memref<752x64xf32, #tpu.memory_space<vmem>>[vector<16xi32>, vector<16xi32>], vector<16xf32>,
      %add3A_459 = arith.constant 512 : i32
      %add3A_460 = arith.addi %mul3A_146, %add3A_459 : i32
      %add3A_461 = arith.constant 96 : i32
      %add3A_462 = arith.addi %add3A_460, %add3A_461 : i32
      %swap3A_463 = arith.index_cast %add3A_462 : i32 to index
      %swap3A_464 = tpu.vector_load %arg8[%swap3A_463] {strides = array<i32>} : memref<16384xf32, #tpu.memory_space<vmem>>, vector<16xf32>,
      tpu.vector_store %arg8[%swap3A_463], %gather3A_458 {strides = array<i32>} : memref<16384xf32, #tpu.memory_space<vmem>>, vector<16xf32>,
      %gather3A_465 = tpu.vector_load_idx %arg5[%broadcast_in_dim3A_99, %get3A_193] : memref<752x64xf32, #tpu.memory_space<vmem>>[vector<16xi32>, vector<16xi32>], vector<16xf32>,
      %add3A_466 = arith.constant 512 : i32
      %add3A_467 = arith.addi %mul3A_146, %add3A_466 : i32
      %add3A_468 = arith.constant 112 : i32
      %add3A_469 = arith.addi %add3A_467, %add3A_468 : i32
      %swap3A_470 = arith.index_cast %add3A_469 : i32 to index
      %swap3A_471 = tpu.vector_load %arg8[%swap3A_470] {strides = array<i32>} : memref<16384xf32, #tpu.memory_space<vmem>>, vector<16xf32>,
      tpu.vector_store %arg8[%swap3A_470], %gather3A_465 {strides = array<i32>} : memref<16384xf32, #tpu.memory_space<vmem>>, vector<16xf32>,
      %gather3A_472 = tpu.vector_load_idx %arg5[%broadcast_in_dim3A_101, %get3A_151] : memref<752x64xf32, #tpu.memory_space<vmem>>[vector<16xi32>, vector<16xi32>], vector<16xf32>,
      %add3A_473 = arith.constant 640 : i32
      %add3A_474 = arith.addi %mul3A_146, %add3A_473 : i32
      %add3A_475 = arith.constant 0 : i32
      %add3A_476 = arith.addi %add3A_474, %add3A_475 : i32
      %swap3A_477 = arith.index_cast %add3A_476 : i32 to index
      %swap3A_478 = tpu.vector_load %arg8[%swap3A_477] {strides = array<i32>} : memref<16384xf32, #tpu.memory_space<vmem>>, vector<16xf32>,
      tpu.vector_store %arg8[%swap3A_477], %gather3A_472 {strides = array<i32>} : memref<16384xf32, #tpu.memory_space<vmem>>, vector<16xf32>,
      %gather3A_479 = tpu.vector_load_idx %arg5[%broadcast_in_dim3A_101, %get3A_157] : memref<752x64xf32, #tpu.memory_space<vmem>>[vector<16xi32>, vector<16xi32>], vector<16xf32>,
      %add3A_480 = arith.constant 640 : i32
      %add3A_481 = arith.addi %mul3A_146, %add3A_480 : i32
      %add3A_482 = arith.constant 16 : i32
      %add3A_483 = arith.addi %add3A_481, %add3A_482 : i32
      %swap3A_484 = arith.index_cast %add3A_483 : i32 to index
      %swap3A_485 = tpu.vector_load %arg8[%swap3A_484] {strides = array<i32>} : memref<16384xf32, #tpu.memory_space<vmem>>, vector<16xf32>,
      tpu.vector_store %arg8[%swap3A_484], %gather3A_479 {strides = array<i32>} : memref<16384xf32, #tpu.memory_space<vmem>>, vector<16xf32>,
      %gather3A_486 = tpu.vector_load_idx %arg5[%broadcast_in_dim3A_101, %get3A_163] : memref<752x64xf32, #tpu.memory_space<vmem>>[vector<16xi32>, vector<16xi32>], vector<16xf32>,
      %add3A_487 = arith.constant 640 : i32
      %add3A_488 = arith.addi %mul3A_146, %add3A_487 : i32
      %add3A_489 = arith.constant 32 : i32
      %add3A_490 = arith.addi %add3A_488, %add3A_489 : i32
      %swap3A_491 = arith.index_cast %add3A_490 : i32 to index
      %swap3A_492 = tpu.vector_load %arg8[%swap3A_491] {strides = array<i32>} : memref<16384xf32, #tpu.memory_space<vmem>>, vector<16xf32>,
      tpu.vector_store %arg8[%swap3A_491], %gather3A_486 {strides = array<i32>} : memref<16384xf32, #tpu.memory_space<vmem>>, vector<16xf32>,
      %gather3A_493 = tpu.vector_load_idx %arg5[%broadcast_in_dim3A_101, %get3A_169] : memref<752x64xf32, #tpu.memory_space<vmem>>[vector<16xi32>, vector<16xi32>], vector<16xf32>,
      %add3A_494 = arith.constant 640 : i32
      %add3A_495 = arith.addi %mul3A_146, %add3A_494 : i32
      %add3A_496 = arith.constant 48 : i32
      %add3A_497 = arith.addi %add3A_495, %add3A_496 : i32
      %swap3A_498 = arith.index_cast %add3A_497 : i32 to index
      %swap3A_499 = tpu.vector_load %arg8[%swap3A_498] {strides = array<i32>} : memref<16384xf32, #tpu.memory_space<vmem>>, vector<16xf32>,
      tpu.vector_store %arg8[%swap3A_498], %gather3A_493 {strides = array<i32>} : memref<16384xf32, #tpu.memory_space<vmem>>, vector<16xf32>,
      %gather3A_500 = tpu.vector_load_idx %arg5[%broadcast_in_dim3A_101, %get3A_175] : memref<752x64xf32, #tpu.memory_space<vmem>>[vector<16xi32>, vector<16xi32>], vector<16xf32>,
      %add3A_501 = arith.constant 640 : i32
      %add3A_502 = arith.addi %mul3A_146, %add3A_501 : i32
      %add3A_503 = arith.constant 64 : i32
      %add3A_504 = arith.addi %add3A_502, %add3A_503 : i32
      %swap3A_505 = arith.index_cast %add3A_504 : i32 to index
      %swap3A_506 = tpu.vector_load %arg8[%swap3A_505] {strides = array<i32>} : memref<16384xf32, #tpu.memory_space<vmem>>, vector<16xf32>,
      tpu.vector_store %arg8[%swap3A_505], %gather3A_500 {strides = array<i32>} : memref<16384xf32, #tpu.memory_space<vmem>>, vector<16xf32>,
      %gather3A_507 = tpu.vector_load_idx %arg5[%broadcast_in_dim3A_101, %get3A_181] : memref<752x64xf32, #tpu.memory_space<vmem>>[vector<16xi32>, vector<16xi32>], vector<16xf32>,
      %add3A_508 = arith.constant 640 : i32
      %add3A_509 = arith.addi %mul3A_146, %add3A_508 : i32
      %add3A_510 = arith.constant 80 : i32
      %add3A_511 = arith.addi %add3A_509, %add3A_510 : i32
      %swap3A_512 = arith.index_cast %add3A_511 : i32 to index
      %swap3A_513 = tpu.vector_load %arg8[%swap3A_512] {strides = array<i32>} : memref<16384xf32, #tpu.memory_space<vmem>>, vector<16xf32>,
      tpu.vector_store %arg8[%swap3A_512], %gather3A_507 {strides = array<i32>} : memref<16384xf32, #tpu.memory_space<vmem>>, vector<16xf32>,
      %gather3A_514 = tpu.vector_load_idx %arg5[%broadcast_in_dim3A_101, %get3A_187] : memref<752x64xf32, #tpu.memory_space<vmem>>[vector<16xi32>, vector<16xi32>], vector<16xf32>,
      %add3A_515 = arith.constant 640 : i32
      %add3A_516 = arith.addi %mul3A_146, %add3A_515 : i32
      %add3A_517 = arith.constant 96 : i32
      %add3A_518 = arith.addi %add3A_516, %add3A_517 : i32
      %swap3A_519 = arith.index_cast %add3A_518 : i32 to index
      %swap3A_520 = tpu.vector_load %arg8[%swap3A_519] {strides = array<i32>} : memref<16384xf32, #tpu.memory_space<vmem>>, vector<16xf32>,
      tpu.vector_store %arg8[%swap3A_519], %gather3A_514 {strides = array<i32>} : memref<16384xf32, #tpu.memory_space<vmem>>, vector<16xf32>,
      %gather3A_521 = tpu.vector_load_idx %arg5[%broadcast_in_dim3A_101, %get3A_193] : memref<752x64xf32, #tpu.memory_space<vmem>>[vector<16xi32>, vector<16xi32>], vector<16xf32>,
      %add3A_522 = arith.constant 640 : i32
      %add3A_523 = arith.addi %mul3A_146, %add3A_522 : i32
      %add3A_524 = arith.constant 112 : i32
      %add3A_525 = arith.addi %add3A_523, %add3A_524 : i32
      %swap3A_526 = arith.index_cast %add3A_525 : i32 to index
      %swap3A_527 = tpu.vector_load %arg8[%swap3A_526] {strides = array<i32>} : memref<16384xf32, #tpu.memory_space<vmem>>, vector<16xf32>,
      tpu.vector_store %arg8[%swap3A_526], %gather3A_521 {strides = array<i32>} : memref<16384xf32, #tpu.memory_space<vmem>>, vector<16xf32>,
      %gather3A_528 = tpu.vector_load_idx %arg5[%broadcast_in_dim3A_103, %get3A_151] : memref<752x64xf32, #tpu.memory_space<vmem>>[vector<16xi32>, vector<16xi32>], vector<16xf32>,
      %add3A_529 = arith.constant 768 : i32
      %add3A_530 = arith.addi %mul3A_146, %add3A_529 : i32
      %add3A_531 = arith.constant 0 : i32
      %add3A_532 = arith.addi %add3A_530, %add3A_531 : i32
      %swap3A_533 = arith.index_cast %add3A_532 : i32 to index
      %swap3A_534 = tpu.vector_load %arg8[%swap3A_533] {strides = array<i32>} : memref<16384xf32, #tpu.memory_space<vmem>>, vector<16xf32>,
      tpu.vector_store %arg8[%swap3A_533], %gather3A_528 {strides = array<i32>} : memref<16384xf32, #tpu.memory_space<vmem>>, vector<16xf32>,
      %gather3A_535 = tpu.vector_load_idx %arg5[%broadcast_in_dim3A_103, %get3A_157] : memref<752x64xf32, #tpu.memory_space<vmem>>[vector<16xi32>, vector<16xi32>], vector<16xf32>,
      %add3A_536 = arith.constant 768 : i32
      %add3A_537 = arith.addi %mul3A_146, %add3A_536 : i32
      %add3A_538 = arith.constant 16 : i32
      %add3A_539 = arith.addi %add3A_537, %add3A_538 : i32
      %swap3A_540 = arith.index_cast %add3A_539 : i32 to index
      %swap3A_541 = tpu.vector_load %arg8[%swap3A_540] {strides = array<i32>} : memref<16384xf32, #tpu.memory_space<vmem>>, vector<16xf32>,
      tpu.vector_store %arg8[%swap3A_540], %gather3A_535 {strides = array<i32>} : memref<16384xf32, #tpu.memory_space<vmem>>, vector<16xf32>,
      %gather3A_542 = tpu.vector_load_idx %arg5[%broadcast_in_dim3A_103, %get3A_163] : memref<752x64xf32, #tpu.memory_space<vmem>>[vector<16xi32>, vector<16xi32>], vector<16xf32>,
      %add3A_543 = arith.constant 768 : i32
      %add3A_544 = arith.addi %mul3A_146, %add3A_543 : i32
      %add3A_545 = arith.constant 32 : i32
      %add3A_546 = arith.addi %add3A_544, %add3A_545 : i32
      %swap3A_547 = arith.index_cast %add3A_546 : i32 to index
      %swap3A_548 = tpu.vector_load %arg8[%swap3A_547] {strides = array<i32>} : memref<16384xf32, #tpu.memory_space<vmem>>, vector<16xf32>,
      tpu.vector_store %arg8[%swap3A_547], %gather3A_542 {strides = array<i32>} : memref<16384xf32, #tpu.memory_space<vmem>>, vector<16xf32>,
      %gather3A_549 = tpu.vector_load_idx %arg5[%broadcast_in_dim3A_103, %get3A_169] : memref<752x64xf32, #tpu.memory_space<vmem>>[vector<16xi32>, vector<16xi32>], vector<16xf32>,
      %add3A_550 = arith.constant 768 : i32
      %add3A_551 = arith.addi %mul3A_146, %add3A_550 : i32
      %add3A_552 = arith.constant 48 : i32
      %add3A_553 = arith.addi %add3A_551, %add3A_552 : i32
      %swap3A_554 = arith.index_cast %add3A_553 : i32 to index
      %swap3A_555 = tpu.vector_load %arg8[%swap3A_554] {strides = array<i32>} : memref<16384xf32, #tpu.memory_space<vmem>>, vector<16xf32>,
      tpu.vector_store %arg8[%swap3A_554], %gather3A_549 {strides = array<i32>} : memref<16384xf32, #tpu.memory_space<vmem>>, vector<16xf32>,
      %gather3A_556 = tpu.vector_load_idx %arg5[%broadcast_in_dim3A_103, %get3A_175] : memref<752x64xf32, #tpu.memory_space<vmem>>[vector<16xi32>, vector<16xi32>], vector<16xf32>,
      %add3A_557 = arith.constant 768 : i32
      %add3A_558 = arith.addi %mul3A_146, %add3A_557 : i32
      %add3A_559 = arith.constant 64 : i32
      %add3A_560 = arith.addi %add3A_558, %add3A_559 : i32
      %swap3A_561 = arith.index_cast %add3A_560 : i32 to index
      %swap3A_562 = tpu.vector_load %arg8[%swap3A_561] {strides = array<i32>} : memref<16384xf32, #tpu.memory_space<vmem>>, vector<16xf32>,
      tpu.vector_store %arg8[%swap3A_561], %gather3A_556 {strides = array<i32>} : memref<16384xf32, #tpu.memory_space<vmem>>, vector<16xf32>,
      %gather3A_563 = tpu.vector_load_idx %arg5[%broadcast_in_dim3A_103, %get3A_181] : memref<752x64xf32, #tpu.memory_space<vmem>>[vector<16xi32>, vector<16xi32>], vector<16xf32>,
      %add3A_564 = arith.constant 768 : i32
      %add3A_565 = arith.addi %mul3A_146, %add3A_564 : i32
      %add3A_566 = arith.constant 80 : i32
      %add3A_567 = arith.addi %add3A_565, %add3A_566 : i32
      %swap3A_568 = arith.index_cast %add3A_567 : i32 to index
      %swap3A_569 = tpu.vector_load %arg8[%swap3A_568] {strides = array<i32>} : memref<16384xf32, #tpu.memory_space<vmem>>, vector<16xf32>,
      tpu.vector_store %arg8[%swap3A_568], %gather3A_563 {strides = array<i32>} : memref<16384xf32, #tpu.memory_space<vmem>>, vector<16xf32>,
      %gather3A_570 = tpu.vector_load_idx %arg5[%broadcast_in_dim3A_103, %get3A_187] : memref<752x64xf32, #tpu.memory_space<vmem>>[vector<16xi32>, vector<16xi32>], vector<16xf32>,
      %add3A_571 = arith.constant 768 : i32
      %add3A_572 = arith.addi %mul3A_146, %add3A_571 : i32
      %add3A_573 = arith.constant 96 : i32
      %add3A_574 = arith.addi %add3A_572, %add3A_573 : i32
      %swap3A_575 = arith.index_cast %add3A_574 : i32 to index
      %swap3A_576 = tpu.vector_load %arg8[%swap3A_575] {strides = array<i32>} : memref<16384xf32, #tpu.memory_space<vmem>>, vector<16xf32>,
      tpu.vector_store %arg8[%swap3A_575], %gather3A_570 {strides = array<i32>} : memref<16384xf32, #tpu.memory_space<vmem>>, vector<16xf32>,
      %gather3A_577 = tpu.vector_load_idx %arg5[%broadcast_in_dim3A_103, %get3A_193] : memref<752x64xf32, #tpu.memory_space<vmem>>[vector<16xi32>, vector<16xi32>], vector<16xf32>,
      %add3A_578 = arith.constant 768 : i32
      %add3A_579 = arith.addi %mul3A_146, %add3A_578 : i32
      %add3A_580 = arith.constant 112 : i32
      %add3A_581 = arith.addi %add3A_579, %add3A_580 : i32
      %swap3A_582 = arith.index_cast %add3A_581 : i32 to index
      %swap3A_583 = tpu.vector_load %arg8[%swap3A_582] {strides = array<i32>} : memref<16384xf32, #tpu.memory_space<vmem>>, vector<16xf32>,
      tpu.vector_store %arg8[%swap3A_582], %gather3A_577 {strides = array<i32>} : memref<16384xf32, #tpu.memory_space<vmem>>, vector<16xf32>,
      %gather3A_584 = tpu.vector_load_idx %arg5[%broadcast_in_dim3A_105, %get3A_151] : memref<752x64xf32, #tpu.memory_space<vmem>>[vector<16xi32>, vector<16xi32>], vector<16xf32>,
      %add3A_585 = arith.constant 896 : i32
      %add3A_586 = arith.addi %mul3A_146, %add3A_585 : i32
      %add3A_587 = arith.constant 0 : i32
      %add3A_588 = arith.addi %add3A_586, %add3A_587 : i32
      %swap3A_589 = arith.index_cast %add3A_588 : i32 to index
      %swap3A_590 = tpu.vector_load %arg8[%swap3A_589] {strides = array<i32>} : memref<16384xf32, #tpu.memory_space<vmem>>, vector<16xf32>,
      tpu.vector_store %arg8[%swap3A_589], %gather3A_584 {strides = array<i32>} : memref<16384xf32, #tpu.memory_space<vmem>>, vector<16xf32>,
      %gather3A_591 = tpu.vector_load_idx %arg5[%broadcast_in_dim3A_105, %get3A_157] : memref<752x64xf32, #tpu.memory_space<vmem>>[vector<16xi32>, vector<16xi32>], vector<16xf32>,
      %add3A_592 = arith.constant 896 : i32
      %add3A_593 = arith.addi %mul3A_146, %add3A_592 : i32
      %add3A_594 = arith.constant 16 : i32
      %add3A_595 = arith.addi %add3A_593, %add3A_594 : i32
      %swap3A_596 = arith.index_cast %add3A_595 : i32 to index
      %swap3A_597 = tpu.vector_load %arg8[%swap3A_596] {strides = array<i32>} : memref<16384xf32, #tpu.memory_space<vmem>>, vector<16xf32>,
      tpu.vector_store %arg8[%swap3A_596], %gather3A_591 {strides = array<i32>} : memref<16384xf32, #tpu.memory_space<vmem>>, vector<16xf32>,
      %gather3A_598 = tpu.vector_load_idx %arg5[%broadcast_in_dim3A_105, %get3A_163] : memref<752x64xf32, #tpu.memory_space<vmem>>[vector<16xi32>, vector<16xi32>], vector<16xf32>,
      %add3A_599 = arith.constant 896 : i32
      %add3A_600 = arith.addi %mul3A_146, %add3A_599 : i32
      %add3A_601 = arith.constant 32 : i32
      %add3A_602 = arith.addi %add3A_600, %add3A_601 : i32
      %swap3A_603 = arith.index_cast %add3A_602 : i32 to index
      %swap3A_604 = tpu.vector_load %arg8[%swap3A_603] {strides = array<i32>} : memref<16384xf32, #tpu.memory_space<vmem>>, vector<16xf32>,
      tpu.vector_store %arg8[%swap3A_603], %gather3A_598 {strides = array<i32>} : memref<16384xf32, #tpu.memory_space<vmem>>, vector<16xf32>,
      %gather3A_605 = tpu.vector_load_idx %arg5[%broadcast_in_dim3A_105, %get3A_169] : memref<752x64xf32, #tpu.memory_space<vmem>>[vector<16xi32>, vector<16xi32>], vector<16xf32>,
      %add3A_606 = arith.constant 896 : i32
      %add3A_607 = arith.addi %mul3A_146, %add3A_606 : i32
      %add3A_608 = arith.constant 48 : i32
      %add3A_609 = arith.addi %add3A_607, %add3A_608 : i32
      %swap3A_610 = arith.index_cast %add3A_609 : i32 to index
      %swap3A_611 = tpu.vector_load %arg8[%swap3A_610] {strides = array<i32>} : memref<16384xf32, #tpu.memory_space<vmem>>, vector<16xf32>,
      tpu.vector_store %arg8[%swap3A_610], %gather3A_605 {strides = array<i32>} : memref<16384xf32, #tpu.memory_space<vmem>>, vector<16xf32>,
      %gather3A_612 = tpu.vector_load_idx %arg5[%broadcast_in_dim3A_105, %get3A_175] : memref<752x64xf32, #tpu.memory_space<vmem>>[vector<16xi32>, vector<16xi32>], vector<16xf32>,
      %add3A_613 = arith.constant 896 : i32
      %add3A_614 = arith.addi %mul3A_146, %add3A_613 : i32
      %add3A_615 = arith.constant 64 : i32
      %add3A_616 = arith.addi %add3A_614, %add3A_615 : i32
      %swap3A_617 = arith.index_cast %add3A_616 : i32 to index
      %swap3A_618 = tpu.vector_load %arg8[%swap3A_617] {strides = array<i32>} : memref<16384xf32, #tpu.memory_space<vmem>>, vector<16xf32>,
      tpu.vector_store %arg8[%swap3A_617], %gather3A_612 {strides = array<i32>} : memref<16384xf32, #tpu.memory_space<vmem>>, vector<16xf32>,
      %gather3A_619 = tpu.vector_load_idx %arg5[%broadcast_in_dim3A_105, %get3A_181] : memref<752x64xf32, #tpu.memory_space<vmem>>[vector<16xi32>, vector<16xi32>], vector<16xf32>,
      %add3A_620 = arith.constant 896 : i32
      %add3A_621 = arith.addi %mul3A_146, %add3A_620 : i32
      %add3A_622 = arith.constant 80 : i32
      %add3A_623 = arith.addi %add3A_621, %add3A_622 : i32
      %swap3A_624 = arith.index_cast %add3A_623 : i32 to index
      %swap3A_625 = tpu.vector_load %arg8[%swap3A_624] {strides = array<i32>} : memref<16384xf32, #tpu.memory_space<vmem>>, vector<16xf32>,
      tpu.vector_store %arg8[%swap3A_624], %gather3A_619 {strides = array<i32>} : memref<16384xf32, #tpu.memory_space<vmem>>, vector<16xf32>,
      %gather3A_626 = tpu.vector_load_idx %arg5[%broadcast_in_dim3A_105, %get3A_187] : memref<752x64xf32, #tpu.memory_space<vmem>>[vector<16xi32>, vector<16xi32>], vector<16xf32>,
      %add3A_627 = arith.constant 896 : i32
      %add3A_628 = arith.addi %mul3A_146, %add3A_627 : i32
      %add3A_629 = arith.constant 96 : i32
      %add3A_630 = arith.addi %add3A_628, %add3A_629 : i32
      %swap3A_631 = arith.index_cast %add3A_630 : i32 to index
      %swap3A_632 = tpu.vector_load %arg8[%swap3A_631] {strides = array<i32>} : memref<16384xf32, #tpu.memory_space<vmem>>, vector<16xf32>,
      tpu.vector_store %arg8[%swap3A_631], %gather3A_626 {strides = array<i32>} : memref<16384xf32, #tpu.memory_space<vmem>>, vector<16xf32>,
      %gather3A_633 = tpu.vector_load_idx %arg5[%broadcast_in_dim3A_105, %get3A_193] : memref<752x64xf32, #tpu.memory_space<vmem>>[vector<16xi32>, vector<16xi32>], vector<16xf32>,
      %add3A_634 = arith.constant 896 : i32
      %add3A_635 = arith.addi %mul3A_146, %add3A_634 : i32
      %add3A_636 = arith.constant 112 : i32
      %add3A_637 = arith.addi %add3A_635, %add3A_636 : i32
      %swap3A_638 = arith.index_cast %add3A_637 : i32 to index
      %swap3A_639 = tpu.vector_load %arg8[%swap3A_638] {strides = array<i32>} : memref<16384xf32, #tpu.memory_space<vmem>>, vector<16xf32>,
      tpu.vector_store %arg8[%swap3A_638], %gather3A_633 {strides = array<i32>} : memref<16384xf32, #tpu.memory_space<vmem>>, vector<16xf32>,
    }
    %scan3A_111 = arith.constant 16 : i32
    %add3A_112 = arith.constant 1 : i32
    %add3A_113 = arith.addi %select_n3A_61, %add3A_112 : i32
    %mul3A_114 = arith.constant 128 : i32
    %mul3A_115 = arith.muli %add3A_113, %mul3A_114 : i32
    %add3A_116 = arith.addi %mul3A_115, %mul3A_34 : i32
    %mul3A_117 = arith.constant 1024 : i32
    %mul3A_118 = arith.muli %add3A_116, %mul3A_117 : i32
    %dma_start3A_119 = tpu.memref_slice %arg4[%mul3A_118] : memref<49152000xf32, #tpu.memory_space<hbm>> -> memref<16384xf32, #tpu.memory_space<hbm>>
    %dma_start3A_120 = tpu.memref_slice %arg4[%mul3A_118] : memref<49152000xf32, #tpu.memory_space<hbm>> -> memref<16384xf32, #tpu.memory_space<hbm>>
    tpu.enqueue_dma source(%arg8 : memref<16384xf32, #tpu.memory_space<vmem>>) target(%dma_start3A_120 : memref<16384xf32, #tpu.memory_space<hbm>>) target_semaphore(%arg10 : memref<!tpu.dma_semaphore, #tpu.memory_space<semaphore_mem>>)
    %scan3A_121 = arith.constant 0 : i32
    %scan3A_122 = arith.constant 1 : i32
    %scan3A_123 = arith.constant 46 : i32
    %scan3A_124 = arith.addi %scan3A_122, %scan3A_123 : i32
    %scan3A_125 = arith.constant 1 : i32
    scf.for %scan3A_144 = %scan3A_122 to %scan3A_124 step %scan3A_125  : i32 {
      %mul3A_145 = arith.constant 2 : i32
      %mul3A_146 = arith.muli %mul3A_145, %scan3A_144 : i32
      %sub3A_147 = arith.constant 2 : i32
      %sub3A_148 = arith.subi %mul3A_146, %sub3A_147 : i32
      %add3A_149 = arith.addi %select_n3A_61, %sub3A_148 : i32
      %mul3A_150 = arith.constant 128 : i32
      %mul3A_151 = arith.muli %add3A_149, %mul3A_150 : i32
      %add3A_152 = arith.addi %mul3A_151, %mul3A_34 : i32
      %mul3A_153 = arith.constant 1024 : i32
      %mul3A_154 = arith.muli %add3A_152, %mul3A_153 : i32
      %dma_wait3A_155 = tpu.memref_slice %arg4[%mul3A_154] : memref<49152000xf32, #tpu.memory_space<hbm>> -> memref<16384xf32, #tpu.memory_space<hbm>>
      %dma_wait3A_156 = tpu.memref_slice %arg4[%mul3A_154] : memref<49152000xf32, #tpu.memory_space<hbm>> -> memref<16384xf32, #tpu.memory_space<hbm>>
      tpu.wait_dma2 semaphore(%arg9 : memref<!tpu.dma_semaphore, #tpu.memory_space<semaphore_mem>>) src(%arg7 : memref<16384xf32, #tpu.memory_space<vmem>>) dst(%dma_wait3A_156 : memref<16384xf32, #tpu.memory_space<hbm>>)
      %mul3A_157 = arith.constant 8 : i32
      %mul3A_158 = arith.muli %mul3A_146, %mul3A_157 : i32
      %add3A_159 = arith.constant 0 : i32
      %add3A_160 = arith.addi %mul3A_158, %add3A_159 : i32
      %broadcast_in_dim3A_161 = vector.broadcast %add3A_160 : i32 to vector<16xi32>
      %mul3A_162 = arith.constant 8 : i32
      %mul3A_163 = arith.muli %mul3A_146, %mul3A_162 : i32
      %add3A_164 = arith.constant 1 : i32
      %add3A_165 = arith.addi %mul3A_163, %add3A_164 : i32
      %broadcast_in_dim3A_166 = vector.broadcast %add3A_165 : i32 to vector<16xi32>
      %mul3A_167 = arith.constant 8 : i32
      %mul3A_168 = arith.muli %mul3A_146, %mul3A_167 : i32
      %add3A_169 = arith.constant 2 : i32
      %add3A_170 = arith.addi %mul3A_168, %add3A_169 : i32
      %broadcast_in_dim3A_171 = vector.broadcast %add3A_170 : i32 to vector<16xi32>
      %mul3A_172 = arith.constant 8 : i32
      %mul3A_173 = arith.muli %mul3A_146, %mul3A_172 : i32
      %add3A_174 = arith.constant 3 : i32
      %add3A_175 = arith.addi %mul3A_173, %add3A_174 : i32
      %broadcast_in_dim3A_176 = vector.broadcast %add3A_175 : i32 to vector<16xi32>
      %mul3A_177 = arith.constant 8 : i32
      %mul3A_178 = arith.muli %mul3A_146, %mul3A_177 : i32
      %add3A_179 = arith.constant 4 : i32
      %add3A_180 = arith.addi %mul3A_178, %add3A_179 : i32
      %broadcast_in_dim3A_181 = vector.broadcast %add3A_180 : i32 to vector<16xi32>
      %mul3A_182 = arith.constant 8 : i32
      %mul3A_183 = arith.muli %mul3A_146, %mul3A_182 : i32
      %add3A_184 = arith.constant 5 : i32
      %add3A_185 = arith.addi %mul3A_183, %add3A_184 : i32
      %broadcast_in_dim3A_186 = vector.broadcast %add3A_185 : i32 to vector<16xi32>
      %mul3A_187 = arith.constant 8 : i32
      %mul3A_188 = arith.muli %mul3A_146, %mul3A_187 : i32
      %add3A_189 = arith.constant 6 : i32
      %add3A_190 = arith.addi %mul3A_188, %add3A_189 : i32
      %broadcast_in_dim3A_191 = vector.broadcast %add3A_190 : i32 to vector<16xi32>
      %mul3A_192 = arith.constant 8 : i32
      %mul3A_193 = arith.muli %mul3A_146, %mul3A_192 : i32
      %add3A_194 = arith.constant 7 : i32
      %add3A_195 = arith.addi %mul3A_193, %add3A_194 : i32
      %broadcast_in_dim3A_196 = vector.broadcast %add3A_195 : i32 to vector<16xi32>
      %scan3A_197 = arith.constant 0 : i32
      %scan3A_198 = arith.constant 0 : i32
      %scan3A_199 = arith.constant 16 : i32
      %scan3A_200 = arith.addi %scan3A_198, %scan3A_199 : i32
      %scan3A_201 = arith.constant 1 : i32
      scf.for %scan3A_279 = %scan3A_198 to %scan3A_200 step %scan3A_201  : i32 {
        %mul3A_280 = arith.constant 1024 : i32
        %mul3A_281 = arith.muli %scan3A_279, %mul3A_280 : i32
        %mul3A_282 = arith.constant 128 : i32
        %mul3A_283 = arith.muli %scan3A_279, %mul3A_282 : i32
        %add3A_284 = arith.constant 0 : i32
        %add3A_285 = arith.addi %mul3A_283, %add3A_284 : i32
        %get3A = arith.index_cast %add3A_285 : i32 to index
        %get3A_286 = tpu.vector_load %arg6[%get3A] {strides = array<i32>} : memref<2048xi32, #tpu.memory_space<vmem>>, vector<16xi32>,
        %mul3A_287 = arith.constant 128 : i32
        %mul3A_288 = arith.muli %scan3A_279, %mul3A_287 : i32
        %add3A_289 = arith.constant 16 : i32
        %add3A_290 = arith.addi %mul3A_288, %add3A_289 : i32
        %get3A_291 = arith.index_cast %add3A_290 : i32 to index
        %get3A_292 = tpu.vector_load %arg6[%get3A_291] {strides = array<i32>} : memref<2048xi32, #tpu.memory_space<vmem>>, vector<16xi32>,
        %mul3A_293 = arith.constant 128 : i32
        %mul3A_294 = arith.muli %scan3A_279, %mul3A_293 : i32
        %add3A_295 = arith.constant 32 : i32
        %add3A_296 = arith.addi %mul3A_294, %add3A_295 : i32
        %get3A_297 = arith.index_cast %add3A_296 : i32 to index
        %get3A_298 = tpu.vector_load %arg6[%get3A_297] {strides = array<i32>} : memref<2048xi32, #tpu.memory_space<vmem>>, vector<16xi32>,
        %mul3A_299 = arith.constant 128 : i32
        %mul3A_300 = arith.muli %scan3A_279, %mul3A_299 : i32
        %add3A_301 = arith.constant 48 : i32
        %add3A_302 = arith.addi %mul3A_300, %add3A_301 : i32
        %get3A_303 = arith.index_cast %add3A_302 : i32 to index
        %get3A_304 = tpu.vector_load %arg6[%get3A_303] {strides = array<i32>} : memref<2048xi32, #tpu.memory_space<vmem>>, vector<16xi32>,
        %mul3A_305 = arith.constant 128 : i32
        %mul3A_306 = arith.muli %scan3A_279, %mul3A_305 : i32
        %add3A_307 = arith.constant 64 : i32
        %add3A_308 = arith.addi %mul3A_306, %add3A_307 : i32
        %get3A_309 = arith.index_cast %add3A_308 : i32 to index
        %get3A_310 = tpu.vector_load %arg6[%get3A_309] {strides = array<i32>} : memref<2048xi32, #tpu.memory_space<vmem>>, vector<16xi32>,
        %mul3A_311 = arith.constant 128 : i32
        %mul3A_312 = arith.muli %scan3A_279, %mul3A_311 : i32
        %add3A_313 = arith.constant 80 : i32
        %add3A_314 = arith.addi %mul3A_312, %add3A_313 : i32
        %get3A_315 = arith.index_cast %add3A_314 : i32 to index
        %get3A_316 = tpu.vector_load %arg6[%get3A_315] {strides = array<i32>} : memref<2048xi32, #tpu.memory_space<vmem>>, vector<16xi32>,
        %mul3A_317 = arith.constant 128 : i32
        %mul3A_318 = arith.muli %scan3A_279, %mul3A_317 : i32
        %add3A_319 = arith.constant 96 : i32
        %add3A_320 = arith.addi %mul3A_318, %add3A_319 : i32
        %get3A_321 = arith.index_cast %add3A_320 : i32 to index
        %get3A_322 = tpu.vector_load %arg6[%get3A_321] {strides = array<i32>} : memref<2048xi32, #tpu.memory_space<vmem>>, vector<16xi32>,
        %mul3A_323 = arith.constant 128 : i32
        %mul3A_324 = arith.muli %scan3A_279, %mul3A_323 : i32
        %add3A_325 = arith.constant 112 : i32
        %add3A_326 = arith.addi %mul3A_324, %add3A_325 : i32
        %get3A_327 = arith.index_cast %add3A_326 : i32 to index
        %get3A_328 = tpu.vector_load %arg6[%get3A_327] {strides = array<i32>} : memref<2048xi32, #tpu.memory_space<vmem>>, vector<16xi32>,
        %gather3A = tpu.vector_load_idx %arg5[%broadcast_in_dim3A_161, %get3A_286] : memref<752x64xf32, #tpu.memory_space<vmem>>[vector<16xi32>, vector<16xi32>], vector<16xf32>,
        %add3A_329 = arith.constant 0 : i32
        %add3A_330 = arith.addi %mul3A_281, %add3A_329 : i32
        %add3A_331 = arith.constant 0 : i32
        %add3A_332 = arith.addi %add3A_330, %add3A_331 : i32
        %swap3A = arith.index_cast %add3A_332 : i32 to index
        %swap3A_333 = tpu.vector_load %arg7[%swap3A] {strides = array<i32>} : memref<16384xf32, #tpu.memory_space<vmem>>, vector<16xf32>,
        tpu.vector_store %arg7[%swap3A], %gather3A {strides = array<i32>} : memref<16384xf32, #tpu.memory_space<vmem>>, vector<16xf32>,
        %gather3A_334 = tpu.vector_load_idx %arg5[%broadcast_in_dim3A_161, %get3A_292] : memref<752x64xf32, #tpu.memory_space<vmem>>[vector<16xi32>, vector<16xi32>], vector<16xf32>,
        %add3A_335 = arith.constant 0 : i32
        %add3A_336 = arith.addi %mul3A_281, %add3A_335 : i32
        %add3A_337 = arith.constant 16 : i32
        %add3A_338 = arith.addi %add3A_336, %add3A_337 : i32
        %swap3A_339 = arith.index_cast %add3A_338 : i32 to index
        %swap3A_340 = tpu.vector_load %arg7[%swap3A_339] {strides = array<i32>} : memref<16384xf32, #tpu.memory_space<vmem>>, vector<16xf32>,
        tpu.vector_store %arg7[%swap3A_339], %gather3A_334 {strides = array<i32>} : memref<16384xf32, #tpu.memory_space<vmem>>, vector<16xf32>,
        %gather3A_341 = tpu.vector_load_idx %arg5[%broadcast_in_dim3A_161, %get3A_298] : memref<752x64xf32, #tpu.memory_space<vmem>>[vector<16xi32>, vector<16xi32>], vector<16xf32>,
        %add3A_342 = arith.constant 0 : i32
        %add3A_343 = arith.addi %mul3A_281, %add3A_342 : i32
        %add3A_344 = arith.constant 32 : i32
        %add3A_345 = arith.addi %add3A_343, %add3A_344 : i32
        %swap3A_346 = arith.index_cast %add3A_345 : i32 to index
        %swap3A_347 = tpu.vector_load %arg7[%swap3A_346] {strides = array<i32>} : memref<16384xf32, #tpu.memory_space<vmem>>, vector<16xf32>,
        tpu.vector_store %arg7[%swap3A_346], %gather3A_341 {strides = array<i32>} : memref<16384xf32, #tpu.memory_space<vmem>>, vector<16xf32>,
        %gather3A_348 = tpu.vector_load_idx %arg5[%broadcast_in_dim3A_161, %get3A_304] : memref<752x64xf32, #tpu.memory_space<vmem>>[vector<16xi32>, vector<16xi32>], vector<16xf32>,
        %add3A_349 = arith.constant 0 : i32
        %add3A_350 = arith.addi %mul3A_281, %add3A_349 : i32
        %add3A_351 = arith.constant 48 : i32
        %add3A_352 = arith.addi %add3A_350, %add3A_351 : i32
        %swap3A_353 = arith.index_cast %add3A_352 : i32 to index
        %swap3A_354 = tpu.vector_load %arg7[%swap3A_353] {strides = array<i32>} : memref<16384xf32, #tpu.memory_space<vmem>>, vector<16xf32>,
        tpu.vector_store %arg7[%swap3A_353], %gather3A_348 {strides = array<i32>} : memref<16384xf32, #tpu.memory_space<vmem>>, vector<16xf32>,
        %gather3A_355 = tpu.vector_load_idx %arg5[%broadcast_in_dim3A_161, %get3A_310] : memref<752x64xf32, #tpu.memory_space<vmem>>[vector<16xi32>, vector<16xi32>], vector<16xf32>,
        %add3A_356 = arith.constant 0 : i32
        %add3A_357 = arith.addi %mul3A_281, %add3A_356 : i32
        %add3A_358 = arith.constant 64 : i32
        %add3A_359 = arith.addi %add3A_357, %add3A_358 : i32
        %swap3A_360 = arith.index_cast %add3A_359 : i32 to index
        %swap3A_361 = tpu.vector_load %arg7[%swap3A_360] {strides = array<i32>} : memref<16384xf32, #tpu.memory_space<vmem>>, vector<16xf32>,
        tpu.vector_store %arg7[%swap3A_360], %gather3A_355 {strides = array<i32>} : memref<16384xf32, #tpu.memory_space<vmem>>, vector<16xf32>,
        %gather3A_362 = tpu.vector_load_idx %arg5[%broadcast_in_dim3A_161, %get3A_316] : memref<752x64xf32, #tpu.memory_space<vmem>>[vector<16xi32>, vector<16xi32>], vector<16xf32>,
        %add3A_363 = arith.constant 0 : i32
        %add3A_364 = arith.addi %mul3A_281, %add3A_363 : i32
        %add3A_365 = arith.constant 80 : i32
        %add3A_366 = arith.addi %add3A_364, %add3A_365 : i32
        %swap3A_367 = arith.index_cast %add3A_366 : i32 to index
        %swap3A_368 = tpu.vector_load %arg7[%swap3A_367] {strides = array<i32>} : memref<16384xf32, #tpu.memory_space<vmem>>, vector<16xf32>,
        tpu.vector_store %arg7[%swap3A_367], %gather3A_362 {strides = array<i32>} : memref<16384xf32, #tpu.memory_space<vmem>>, vector<16xf32>,
        %gather3A_369 = tpu.vector_load_idx %arg5[%broadcast_in_dim3A_161, %get3A_322] : memref<752x64xf32, #tpu.memory_space<vmem>>[vector<16xi32>, vector<16xi32>], vector<16xf32>,
        %add3A_370 = arith.constant 0 : i32
        %add3A_371 = arith.addi %mul3A_281, %add3A_370 : i32
        %add3A_372 = arith.constant 96 : i32
        %add3A_373 = arith.addi %add3A_371, %add3A_372 : i32
        %swap3A_374 = arith.index_cast %add3A_373 : i32 to index
        %swap3A_375 = tpu.vector_load %arg7[%swap3A_374] {strides = array<i32>} : memref<16384xf32, #tpu.memory_space<vmem>>, vector<16xf32>,
        tpu.vector_store %arg7[%swap3A_374], %gather3A_369 {strides = array<i32>} : memref<16384xf32, #tpu.memory_space<vmem>>, vector<16xf32>,
        %gather3A_376 = tpu.vector_load_idx %arg5[%broadcast_in_dim3A_161, %get3A_328] : memref<752x64xf32, #tpu.memory_space<vmem>>[vector<16xi32>, vector<16xi32>], vector<16xf32>,
        %add3A_377 = arith.constant 0 : i32
        %add3A_378 = arith.addi %mul3A_281, %add3A_377 : i32
        %add3A_379 = arith.constant 112 : i32
        %add3A_380 = arith.addi %add3A_378, %add3A_379 : i32
        %swap3A_381 = arith.index_cast %add3A_380 : i32 to index
        %swap3A_382 = tpu.vector_load %arg7[%swap3A_381] {strides = array<i32>} : memref<16384xf32, #tpu.memory_space<vmem>>, vector<16xf32>,
        tpu.vector_store %arg7[%swap3A_381], %gather3A_376 {strides = array<i32>} : memref<16384xf32, #tpu.memory_space<vmem>>, vector<16xf32>,
        %gather3A_383 = tpu.vector_load_idx %arg5[%broadcast_in_dim3A_166, %get3A_286] : memref<752x64xf32, #tpu.memory_space<vmem>>[vector<16xi32>, vector<16xi32>], vector<16xf32>,
        %add3A_384 = arith.constant 128 : i32
        %add3A_385 = arith.addi %mul3A_281, %add3A_384 : i32
        %add3A_386 = arith.constant 0 : i32
        %add3A_387 = arith.addi %add3A_385, %add3A_386 : i32
        %swap3A_388 = arith.index_cast %add3A_387 : i32 to index
        %swap3A_389 = tpu.vector_load %arg7[%swap3A_388] {strides = array<i32>} : memref<16384xf32, #tpu.memory_space<vmem>>, vector<16xf32>,
        tpu.vector_store %arg7[%swap3A_388], %gather3A_383 {strides = array<i32>} : memref<16384xf32, #tpu.memory_space<vmem>>, vector<16xf32>,
        %gather3A_390 = tpu.vector_load_idx %arg5[%broadcast_in_dim3A_166, %get3A_292] : memref<752x64xf32, #tpu.memory_space<vmem>>[vector<16xi32>, vector<16xi32>], vector<16xf32>,
        %add3A_391 = arith.constant 128 : i32
        %add3A_392 = arith.addi %mul3A_281, %add3A_391 : i32
        %add3A_393 = arith.constant 16 : i32
        %add3A_394 = arith.addi %add3A_392, %add3A_393 : i32
        %swap3A_395 = arith.index_cast %add3A_394 : i32 to index
        %swap3A_396 = tpu.vector_load %arg7[%swap3A_395] {strides = array<i32>} : memref<16384xf32, #tpu.memory_space<vmem>>, vector<16xf32>,
        tpu.vector_store %arg7[%swap3A_395], %gather3A_390 {strides = array<i32>} : memref<16384xf32, #tpu.memory_space<vmem>>, vector<16xf32>,
        %gather3A_397 = tpu.vector_load_idx %arg5[%broadcast_in_dim3A_166, %get3A_298] : memref<752x64xf32, #tpu.memory_space<vmem>>[vector<16xi32>, vector<16xi32>], vector<16xf32>,
        %add3A_398 = arith.constant 128 : i32
        %add3A_399 = arith.addi %mul3A_281, %add3A_398 : i32
        %add3A_400 = arith.constant 32 : i32
        %add3A_401 = arith.addi %add3A_399, %add3A_400 : i32
        %swap3A_402 = arith.index_cast %add3A_401 : i32 to index
        %swap3A_403 = tpu.vector_load %arg7[%swap3A_402] {strides = array<i32>} : memref<16384xf32, #tpu.memory_space<vmem>>, vector<16xf32>,
        tpu.vector_store %arg7[%swap3A_402], %gather3A_397 {strides = array<i32>} : memref<16384xf32, #tpu.memory_space<vmem>>, vector<16xf32>,
        %gather3A_404 = tpu.vector_load_idx %arg5[%broadcast_in_dim3A_166, %get3A_304] : memref<752x64xf32, #tpu.memory_space<vmem>>[vector<16xi32>, vector<16xi32>], vector<16xf32>,
        %add3A_405 = arith.constant 128 : i32
        %add3A_406 = arith.addi %mul3A_281, %add3A_405 : i32
        %add3A_407 = arith.constant 48 : i32
        %add3A_408 = arith.addi %add3A_406, %add3A_407 : i32
        %swap3A_409 = arith.index_cast %add3A_408 : i32 to index
        %swap3A_410 = tpu.vector_load %arg7[%swap3A_409] {strides = array<i32>} : memref<16384xf32, #tpu.memory_space<vmem>>, vector<16xf32>,
        tpu.vector_store %arg7[%swap3A_409], %gather3A_404 {strides = array<i32>} : memref<16384xf32, #tpu.memory_space<vmem>>, vector<16xf32>,
        %gather3A_411 = tpu.vector_load_idx %arg5[%broadcast_in_dim3A_166, %get3A_310] : memref<752x64xf32, #tpu.memory_space<vmem>>[vector<16xi32>, vector<16xi32>], vector<16xf32>,
        %add3A_412 = arith.constant 128 : i32
        %add3A_413 = arith.addi %mul3A_281, %add3A_412 : i32
        %add3A_414 = arith.constant 64 : i32
        %add3A_415 = arith.addi %add3A_413, %add3A_414 : i32
        %swap3A_416 = arith.index_cast %add3A_415 : i32 to index
        %swap3A_417 = tpu.vector_load %arg7[%swap3A_416] {strides = array<i32>} : memref<16384xf32, #tpu.memory_space<vmem>>, vector<16xf32>,
        tpu.vector_store %arg7[%swap3A_416], %gather3A_411 {strides = array<i32>} : memref<16384xf32, #tpu.memory_space<vmem>>, vector<16xf32>,
        %gather3A_418 = tpu.vector_load_idx %arg5[%broadcast_in_dim3A_166, %get3A_316] : memref<752x64xf32, #tpu.memory_space<vmem>>[vector<16xi32>, vector<16xi32>], vector<16xf32>,
        %add3A_419 = arith.constant 128 : i32
        %add3A_420 = arith.addi %mul3A_281, %add3A_419 : i32
        %add3A_421 = arith.constant 80 : i32
        %add3A_422 = arith.addi %add3A_420, %add3A_421 : i32
        %swap3A_423 = arith.index_cast %add3A_422 : i32 to index
        %swap3A_424 = tpu.vector_load %arg7[%swap3A_423] {strides = array<i32>} : memref<16384xf32, #tpu.memory_space<vmem>>, vector<16xf32>,
        tpu.vector_store %arg7[%swap3A_423], %gather3A_418 {strides = array<i32>} : memref<16384xf32, #tpu.memory_space<vmem>>, vector<16xf32>,
        %gather3A_425 = tpu.vector_load_idx %arg5[%broadcast_in_dim3A_166, %get3A_322] : memref<752x64xf32, #tpu.memory_space<vmem>>[vector<16xi32>, vector<16xi32>], vector<16xf32>,
        %add3A_426 = arith.constant 128 : i32
        %add3A_427 = arith.addi %mul3A_281, %add3A_426 : i32
        %add3A_428 = arith.constant 96 : i32
        %add3A_429 = arith.addi %add3A_427, %add3A_428 : i32
        %swap3A_430 = arith.index_cast %add3A_429 : i32 to index
        %swap3A_431 = tpu.vector_load %arg7[%swap3A_430] {strides = array<i32>} : memref<16384xf32, #tpu.memory_space<vmem>>, vector<16xf32>,
        tpu.vector_store %arg7[%swap3A_430], %gather3A_425 {strides = array<i32>} : memref<16384xf32, #tpu.memory_space<vmem>>, vector<16xf32>,
        %gather3A_432 = tpu.vector_load_idx %arg5[%broadcast_in_dim3A_166, %get3A_328] : memref<752x64xf32, #tpu.memory_space<vmem>>[vector<16xi32>, vector<16xi32>], vector<16xf32>,
        %add3A_433 = arith.constant 128 : i32
        %add3A_434 = arith.addi %mul3A_281, %add3A_433 : i32
        %add3A_435 = arith.constant 112 : i32
        %add3A_436 = arith.addi %add3A_434, %add3A_435 : i32
        %swap3A_437 = arith.index_cast %add3A_436 : i32 to index
        %swap3A_438 = tpu.vector_load %arg7[%swap3A_437] {strides = array<i32>} : memref<16384xf32, #tpu.memory_space<vmem>>, vector<16xf32>,
        tpu.vector_store %arg7[%swap3A_437], %gather3A_432 {strides = array<i32>} : memref<16384xf32, #tpu.memory_space<vmem>>, vector<16xf32>,
        %gather3A_439 = tpu.vector_load_idx %arg5[%broadcast_in_dim3A_171, %get3A_286] : memref<752x64xf32, #tpu.memory_space<vmem>>[vector<16xi32>, vector<16xi32>], vector<16xf32>,
        %add3A_440 = arith.constant 256 : i32
        %add3A_441 = arith.addi %mul3A_281, %add3A_440 : i32
        %add3A_442 = arith.constant 0 : i32
        %add3A_443 = arith.addi %add3A_441, %add3A_442 : i32
        %swap3A_444 = arith.index_cast %add3A_443 : i32 to index
        %swap3A_445 = tpu.vector_load %arg7[%swap3A_444] {strides = array<i32>} : memref<16384xf32, #tpu.memory_space<vmem>>, vector<16xf32>,
        tpu.vector_store %arg7[%swap3A_444], %gather3A_439 {strides = array<i32>} : memref<16384xf32, #tpu.memory_space<vmem>>, vector<16xf32>,
        %gather3A_446 = tpu.vector_load_idx %arg5[%broadcast_in_dim3A_171, %get3A_292] : memref<752x64xf32, #tpu.memory_space<vmem>>[vector<16xi32>, vector<16xi32>], vector<16xf32>,
        %add3A_447 = arith.constant 256 : i32
        %add3A_448 = arith.addi %mul3A_281, %add3A_447 : i32
        %add3A_449 = arith.constant 16 : i32
        %add3A_450 = arith.addi %add3A_448, %add3A_449 : i32
        %swap3A_451 = arith.index_cast %add3A_450 : i32 to index
        %swap3A_452 = tpu.vector_load %arg7[%swap3A_451] {strides = array<i32>} : memref<16384xf32, #tpu.memory_space<vmem>>, vector<16xf32>,
        tpu.vector_store %arg7[%swap3A_451], %gather3A_446 {strides = array<i32>} : memref<16384xf32, #tpu.memory_space<vmem>>, vector<16xf32>,
        %gather3A_453 = tpu.vector_load_idx %arg5[%broadcast_in_dim3A_171, %get3A_298] : memref<752x64xf32, #tpu.memory_space<vmem>>[vector<16xi32>, vector<16xi32>], vector<16xf32>,
        %add3A_454 = arith.constant 256 : i32
        %add3A_455 = arith.addi %mul3A_281, %add3A_454 : i32
        %add3A_456 = arith.constant 32 : i32
        %add3A_457 = arith.addi %add3A_455, %add3A_456 : i32
        %swap3A_458 = arith.index_cast %add3A_457 : i32 to index
        %swap3A_459 = tpu.vector_load %arg7[%swap3A_458] {strides = array<i32>} : memref<16384xf32, #tpu.memory_space<vmem>>, vector<16xf32>,
        tpu.vector_store %arg7[%swap3A_458], %gather3A_453 {strides = array<i32>} : memref<16384xf32, #tpu.memory_space<vmem>>, vector<16xf32>,
        %gather3A_460 = tpu.vector_load_idx %arg5[%broadcast_in_dim3A_171, %get3A_304] : memref<752x64xf32, #tpu.memory_space<vmem>>[vector<16xi32>, vector<16xi32>], vector<16xf32>,
        %add3A_461 = arith.constant 256 : i32
        %add3A_462 = arith.addi %mul3A_281, %add3A_461 : i32
        %add3A_463 = arith.constant 48 : i32
        %add3A_464 = arith.addi %add3A_462, %add3A_463 : i32
        %swap3A_465 = arith.index_cast %add3A_464 : i32 to index
        %swap3A_466 = tpu.vector_load %arg7[%swap3A_465] {strides = array<i32>} : memref<16384xf32, #tpu.memory_space<vmem>>, vector<16xf32>,
        tpu.vector_store %arg7[%swap3A_465], %gather3A_460 {strides = array<i32>} : memref<16384xf32, #tpu.memory_space<vmem>>, vector<16xf32>,
        %gather3A_467 = tpu.vector_load_idx %arg5[%broadcast_in_dim3A_171, %get3A_310] : memref<752x64xf32, #tpu.memory_space<vmem>>[vector<16xi32>, vector<16xi32>], vector<16xf32>,
        %add3A_468 = arith.constant 256 : i32
        %add3A_469 = arith.addi %mul3A_281, %add3A_468 : i32
        %add3A_470 = arith.constant 64 : i32
        %add3A_471 = arith.addi %add3A_469, %add3A_470 : i32
        %swap3A_472 = arith.index_cast %add3A_471 : i32 to index
        %swap3A_473 = tpu.vector_load %arg7[%swap3A_472] {strides = array<i32>} : memref<16384xf32, #tpu.memory_space<vmem>>, vector<16xf32>,
        tpu.vector_store %arg7[%swap3A_472], %gather3A_467 {strides = array<i32>} : memref<16384xf32, #tpu.memory_space<vmem>>, vector<16xf32>,
        %gather3A_474 = tpu.vector_load_idx %arg5[%broadcast_in_dim3A_171, %get3A_316] : memref<752x64xf32, #tpu.memory_space<vmem>>[vector<16xi32>, vector<16xi32>], vector<16xf32>,
        %add3A_475 = arith.constant 256 : i32
        %add3A_476 = arith.addi %mul3A_281, %add3A_475 : i32
        %add3A_477 = arith.constant 80 : i32
        %add3A_478 = arith.addi %add3A_476, %add3A_477 : i32
        %swap3A_479 = arith.index_cast %add3A_478 : i32 to index
        %swap3A_480 = tpu.vector_load %arg7[%swap3A_479] {strides = array<i32>} : memref<16384xf32, #tpu.memory_space<vmem>>, vector<16xf32>,
        tpu.vector_store %arg7[%swap3A_479], %gather3A_474 {strides = array<i32>} : memref<16384xf32, #tpu.memory_space<vmem>>, vector<16xf32>,
        %gather3A_481 = tpu.vector_load_idx %arg5[%broadcast_in_dim3A_171, %get3A_322] : memref<752x64xf32, #tpu.memory_space<vmem>>[vector<16xi32>, vector<16xi32>], vector<16xf32>,
        %add3A_482 = arith.constant 256 : i32
        %add3A_483 = arith.addi %mul3A_281, %add3A_482 : i32
        %add3A_484 = arith.constant 96 : i32
        %add3A_485 = arith.addi %add3A_483, %add3A_484 : i32
        %swap3A_486 = arith.index_cast %add3A_485 : i32 to index
        %swap3A_487 = tpu.vector_load %arg7[%swap3A_486] {strides = array<i32>} : memref<16384xf32, #tpu.memory_space<vmem>>, vector<16xf32>,
        tpu.vector_store %arg7[%swap3A_486], %gather3A_481 {strides = array<i32>} : memref<16384xf32, #tpu.memory_space<vmem>>, vector<16xf32>,
        %gather3A_488 = tpu.vector_load_idx %arg5[%broadcast_in_dim3A_171, %get3A_328] : memref<752x64xf32, #tpu.memory_space<vmem>>[vector<16xi32>, vector<16xi32>], vector<16xf32>,
        %add3A_489 = arith.constant 256 : i32
        %add3A_490 = arith.addi %mul3A_281, %add3A_489 : i32
        %add3A_491 = arith.constant 112 : i32
        %add3A_492 = arith.addi %add3A_490, %add3A_491 : i32
        %swap3A_493 = arith.index_cast %add3A_492 : i32 to index
        %swap3A_494 = tpu.vector_load %arg7[%swap3A_493] {strides = array<i32>} : memref<16384xf32, #tpu.memory_space<vmem>>, vector<16xf32>,
        tpu.vector_store %arg7[%swap3A_493], %gather3A_488 {strides = array<i32>} : memref<16384xf32, #tpu.memory_space<vmem>>, vector<16xf32>,
        %gather3A_495 = tpu.vector_load_idx %arg5[%broadcast_in_dim3A_176, %get3A_286] : memref<752x64xf32, #tpu.memory_space<vmem>>[vector<16xi32>, vector<16xi32>], vector<16xf32>,
        %add3A_496 = arith.constant 384 : i32
        %add3A_497 = arith.addi %mul3A_281, %add3A_496 : i32
        %add3A_498 = arith.constant 0 : i32
        %add3A_499 = arith.addi %add3A_497, %add3A_498 : i32
        %swap3A_500 = arith.index_cast %add3A_499 : i32 to index
        %swap3A_501 = tpu.vector_load %arg7[%swap3A_500] {strides = array<i32>} : memref<16384xf32, #tpu.memory_space<vmem>>, vector<16xf32>,
        tpu.vector_store %arg7[%swap3A_500], %gather3A_495 {strides = array<i32>} : memref<16384xf32, #tpu.memory_space<vmem>>, vector<16xf32>,
        %gather3A_502 = tpu.vector_load_idx %arg5[%broadcast_in_dim3A_176, %get3A_292] : memref<752x64xf32, #tpu.memory_space<vmem>>[vector<16xi32>, vector<16xi32>], vector<16xf32>,
        %add3A_503 = arith.constant 384 : i32
        %add3A_504 = arith.addi %mul3A_281, %add3A_503 : i32
        %add3A_505 = arith.constant 16 : i32
        %add3A_506 = arith.addi %add3A_504, %add3A_505 : i32
        %swap3A_507 = arith.index_cast %add3A_506 : i32 to index
        %swap3A_508 = tpu.vector_load %arg7[%swap3A_507] {strides = array<i32>} : memref<16384xf32, #tpu.memory_space<vmem>>, vector<16xf32>,
        tpu.vector_store %arg7[%swap3A_507], %gather3A_502 {strides = array<i32>} : memref<16384xf32, #tpu.memory_space<vmem>>, vector<16xf32>,
        %gather3A_509 = tpu.vector_load_idx %arg5[%broadcast_in_dim3A_176, %get3A_298] : memref<752x64xf32, #tpu.memory_space<vmem>>[vector<16xi32>, vector<16xi32>], vector<16xf32>,
        %add3A_510 = arith.constant 384 : i32
        %add3A_511 = arith.addi %mul3A_281, %add3A_510 : i32
        %add3A_512 = arith.constant 32 : i32
        %add3A_513 = arith.addi %add3A_511, %add3A_512 : i32
        %swap3A_514 = arith.index_cast %add3A_513 : i32 to index
        %swap3A_515 = tpu.vector_load %arg7[%swap3A_514] {strides = array<i32>} : memref<16384xf32, #tpu.memory_space<vmem>>, vector<16xf32>,
        tpu.vector_store %arg7[%swap3A_514], %gather3A_509 {strides = array<i32>} : memref<16384xf32, #tpu.memory_space<vmem>>, vector<16xf32>,
        %gather3A_516 = tpu.vector_load_idx %arg5[%broadcast_in_dim3A_176, %get3A_304] : memref<752x64xf32, #tpu.memory_space<vmem>>[vector<16xi32>, vector<16xi32>], vector<16xf32>,
        %add3A_517 = arith.constant 384 : i32
        %add3A_518 = arith.addi %mul3A_281, %add3A_517 : i32
        %add3A_519 = arith.constant 48 : i32
        %add3A_520 = arith.addi %add3A_518, %add3A_519 : i32
        %swap3A_521 = arith.index_cast %add3A_520 : i32 to index
        %swap3A_522 = tpu.vector_load %arg7[%swap3A_521] {strides = array<i32>} : memref<16384xf32, #tpu.memory_space<vmem>>, vector<16xf32>,
        tpu.vector_store %arg7[%swap3A_521], %gather3A_516 {strides = array<i32>} : memref<16384xf32, #tpu.memory_space<vmem>>, vector<16xf32>,
        %gather3A_523 = tpu.vector_load_idx %arg5[%broadcast_in_dim3A_176, %get3A_310] : memref<752x64xf32, #tpu.memory_space<vmem>>[vector<16xi32>, vector<16xi32>], vector<16xf32>,
        %add3A_524 = arith.constant 384 : i32
        %add3A_525 = arith.addi %mul3A_281, %add3A_524 : i32
        %add3A_526 = arith.constant 64 : i32
        %add3A_527 = arith.addi %add3A_525, %add3A_526 : i32
        %swap3A_528 = arith.index_cast %add3A_527 : i32 to index
        %swap3A_529 = tpu.vector_load %arg7[%swap3A_528] {strides = array<i32>} : memref<16384xf32, #tpu.memory_space<vmem>>, vector<16xf32>,
        tpu.vector_store %arg7[%swap3A_528], %gather3A_523 {strides = array<i32>} : memref<16384xf32, #tpu.memory_space<vmem>>, vector<16xf32>,
        %gather3A_530 = tpu.vector_load_idx %arg5[%broadcast_in_dim3A_176, %get3A_316] : memref<752x64xf32, #tpu.memory_space<vmem>>[vector<16xi32>, vector<16xi32>], vector<16xf32>,
        %add3A_531 = arith.constant 384 : i32
        %add3A_532 = arith.addi %mul3A_281, %add3A_531 : i32
        %add3A_533 = arith.constant 80 : i32
        %add3A_534 = arith.addi %add3A_532, %add3A_533 : i32
        %swap3A_535 = arith.index_cast %add3A_534 : i32 to index
        %swap3A_536 = tpu.vector_load %arg7[%swap3A_535] {strides = array<i32>} : memref<16384xf32, #tpu.memory_space<vmem>>, vector<16xf32>,
        tpu.vector_store %arg7[%swap3A_535], %gather3A_530 {strides = array<i32>} : memref<16384xf32, #tpu.memory_space<vmem>>, vector<16xf32>,
        %gather3A_537 = tpu.vector_load_idx %arg5[%broadcast_in_dim3A_176, %get3A_322] : memref<752x64xf32, #tpu.memory_space<vmem>>[vector<16xi32>, vector<16xi32>], vector<16xf32>,
        %add3A_538 = arith.constant 384 : i32
        %add3A_539 = arith.addi %mul3A_281, %add3A_538 : i32
        %add3A_540 = arith.constant 96 : i32
        %add3A_541 = arith.addi %add3A_539, %add3A_540 : i32
        %swap3A_542 = arith.index_cast %add3A_541 : i32 to index
        %swap3A_543 = tpu.vector_load %arg7[%swap3A_542] {strides = array<i32>} : memref<16384xf32, #tpu.memory_space<vmem>>, vector<16xf32>,
        tpu.vector_store %arg7[%swap3A_542], %gather3A_537 {strides = array<i32>} : memref<16384xf32, #tpu.memory_space<vmem>>, vector<16xf32>,
        %gather3A_544 = tpu.vector_load_idx %arg5[%broadcast_in_dim3A_176, %get3A_328] : memref<752x64xf32, #tpu.memory_space<vmem>>[vector<16xi32>, vector<16xi32>], vector<16xf32>,
        %add3A_545 = arith.constant 384 : i32
        %add3A_546 = arith.addi %mul3A_281, %add3A_545 : i32
        %add3A_547 = arith.constant 112 : i32
        %add3A_548 = arith.addi %add3A_546, %add3A_547 : i32
        %swap3A_549 = arith.index_cast %add3A_548 : i32 to index
        %swap3A_550 = tpu.vector_load %arg7[%swap3A_549] {strides = array<i32>} : memref<16384xf32, #tpu.memory_space<vmem>>, vector<16xf32>,
        tpu.vector_store %arg7[%swap3A_549], %gather3A_544 {strides = array<i32>} : memref<16384xf32, #tpu.memory_space<vmem>>, vector<16xf32>,
        %gather3A_551 = tpu.vector_load_idx %arg5[%broadcast_in_dim3A_181, %get3A_286] : memref<752x64xf32, #tpu.memory_space<vmem>>[vector<16xi32>, vector<16xi32>], vector<16xf32>,
        %add3A_552 = arith.constant 512 : i32
        %add3A_553 = arith.addi %mul3A_281, %add3A_552 : i32
        %add3A_554 = arith.constant 0 : i32
        %add3A_555 = arith.addi %add3A_553, %add3A_554 : i32
        %swap3A_556 = arith.index_cast %add3A_555 : i32 to index
        %swap3A_557 = tpu.vector_load %arg7[%swap3A_556] {strides = array<i32>} : memref<16384xf32, #tpu.memory_space<vmem>>, vector<16xf32>,
        tpu.vector_store %arg7[%swap3A_556], %gather3A_551 {strides = array<i32>} : memref<16384xf32, #tpu.memory_space<vmem>>, vector<16xf32>,
        %gather3A_558 = tpu.vector_load_idx %arg5[%broadcast_in_dim3A_181, %get3A_292] : memref<752x64xf32, #tpu.memory_space<vmem>>[vector<16xi32>, vector<16xi32>], vector<16xf32>,
        %add3A_559 = arith.constant 512 : i32
        %add3A_560 = arith.addi %mul3A_281, %add3A_559 : i32
        %add3A_561 = arith.constant 16 : i32
        %add3A_562 = arith.addi %add3A_560, %add3A_561 : i32
        %swap3A_563 = arith.index_cast %add3A_562 : i32 to index
        %swap3A_564 = tpu.vector_load %arg7[%swap3A_563] {strides = array<i32>} : memref<16384xf32, #tpu.memory_space<vmem>>, vector<16xf32>,
        tpu.vector_store %arg7[%swap3A_563], %gather3A_558 {strides = array<i32>} : memref<16384xf32, #tpu.memory_space<vmem>>, vector<16xf32>,
        %gather3A_565 = tpu.vector_load_idx %arg5[%broadcast_in_dim3A_181, %get3A_298] : memref<752x64xf32, #tpu.memory_space<vmem>>[vector<16xi32>, vector<16xi32>], vector<16xf32>,
        %add3A_566 = arith.constant 512 : i32
        %add3A_567 = arith.addi %mul3A_281, %add3A_566 : i32
        %add3A_568 = arith.constant 32 : i32
        %add3A_569 = arith.addi %add3A_567, %add3A_568 : i32
        %swap3A_570 = arith.index_cast %add3A_569 : i32 to index
        %swap3A_571 = tpu.vector_load %arg7[%swap3A_570] {strides = array<i32>} : memref<16384xf32, #tpu.memory_space<vmem>>, vector<16xf32>,
        tpu.vector_store %arg7[%swap3A_570], %gather3A_565 {strides = array<i32>} : memref<16384xf32, #tpu.memory_space<vmem>>, vector<16xf32>,
        %gather3A_572 = tpu.vector_load_idx %arg5[%broadcast_in_dim3A_181, %get3A_304] : memref<752x64xf32, #tpu.memory_space<vmem>>[vector<16xi32>, vector<16xi32>], vector<16xf32>,
        %add3A_573 = arith.constant 512 : i32
        %add3A_574 = arith.addi %mul3A_281, %add3A_573 : i32
        %add3A_575 = arith.constant 48 : i32
        %add3A_576 = arith.addi %add3A_574, %add3A_575 : i32
        %swap3A_577 = arith.index_cast %add3A_576 : i32 to index
        %swap3A_578 = tpu.vector_load %arg7[%swap3A_577] {strides = array<i32>} : memref<16384xf32, #tpu.memory_space<vmem>>, vector<16xf32>,
        tpu.vector_store %arg7[%swap3A_577], %gather3A_572 {strides = array<i32>} : memref<16384xf32, #tpu.memory_space<vmem>>, vector<16xf32>,
        %gather3A_579 = tpu.vector_load_idx %arg5[%broadcast_in_dim3A_181, %get3A_310] : memref<752x64xf32, #tpu.memory_space<vmem>>[vector<16xi32>, vector<16xi32>], vector<16xf32>,
        %add3A_580 = arith.constant 512 : i32
        %add3A_581 = arith.addi %mul3A_281, %add3A_580 : i32
        %add3A_582 = arith.constant 64 : i32
        %add3A_583 = arith.addi %add3A_581, %add3A_582 : i32
        %swap3A_584 = arith.index_cast %add3A_583 : i32 to index
        %swap3A_585 = tpu.vector_load %arg7[%swap3A_584] {strides = array<i32>} : memref<16384xf32, #tpu.memory_space<vmem>>, vector<16xf32>,
        tpu.vector_store %arg7[%swap3A_584], %gather3A_579 {strides = array<i32>} : memref<16384xf32, #tpu.memory_space<vmem>>, vector<16xf32>,
        %gather3A_586 = tpu.vector_load_idx %arg5[%broadcast_in_dim3A_181, %get3A_316] : memref<752x64xf32, #tpu.memory_space<vmem>>[vector<16xi32>, vector<16xi32>], vector<16xf32>,
        %add3A_587 = arith.constant 512 : i32
        %add3A_588 = arith.addi %mul3A_281, %add3A_587 : i32
        %add3A_589 = arith.constant 80 : i32
        %add3A_590 = arith.addi %add3A_588, %add3A_589 : i32
        %swap3A_591 = arith.index_cast %add3A_590 : i32 to index
        %swap3A_592 = tpu.vector_load %arg7[%swap3A_591] {strides = array<i32>} : memref<16384xf32, #tpu.memory_space<vmem>>, vector<16xf32>,
        tpu.vector_store %arg7[%swap3A_591], %gather3A_586 {strides = array<i32>} : memref<16384xf32, #tpu.memory_space<vmem>>, vector<16xf32>,
        %gather3A_593 = tpu.vector_load_idx %arg5[%broadcast_in_dim3A_181, %get3A_322] : memref<752x64xf32, #tpu.memory_space<vmem>>[vector<16xi32>, vector<16xi32>], vector<16xf32>,
        %add3A_594 = arith.constant 512 : i32
        %add3A_595 = arith.addi %mul3A_281, %add3A_594 : i32
        %add3A_596 = arith.constant 96 : i32
        %add3A_597 = arith.addi %add3A_595, %add3A_596 : i32
        %swap3A_598 = arith.index_cast %add3A_597 : i32 to index
        %swap3A_599 = tpu.vector_load %arg7[%swap3A_598] {strides = array<i32>} : memref<16384xf32, #tpu.memory_space<vmem>>, vector<16xf32>,
        tpu.vector_store %arg7[%swap3A_598], %gather3A_593 {strides = array<i32>} : memref<16384xf32, #tpu.memory_space<vmem>>, vector<16xf32>,
        %gather3A_600 = tpu.vector_load_idx %arg5[%broadcast_in_dim3A_181, %get3A_328] : memref<752x64xf32, #tpu.memory_space<vmem>>[vector<16xi32>, vector<16xi32>], vector<16xf32>,
        %add3A_601 = arith.constant 512 : i32
        %add3A_602 = arith.addi %mul3A_281, %add3A_601 : i32
        %add3A_603 = arith.constant 112 : i32
        %add3A_604 = arith.addi %add3A_602, %add3A_603 : i32
        %swap3A_605 = arith.index_cast %add3A_604 : i32 to index
        %swap3A_606 = tpu.vector_load %arg7[%swap3A_605] {strides = array<i32>} : memref<16384xf32, #tpu.memory_space<vmem>>, vector<16xf32>,
        tpu.vector_store %arg7[%swap3A_605], %gather3A_600 {strides = array<i32>} : memref<16384xf32, #tpu.memory_space<vmem>>, vector<16xf32>,
        %gather3A_607 = tpu.vector_load_idx %arg5[%broadcast_in_dim3A_186, %get3A_286] : memref<752x64xf32, #tpu.memory_space<vmem>>[vector<16xi32>, vector<16xi32>], vector<16xf32>,
        %add3A_608 = arith.constant 640 : i32
        %add3A_609 = arith.addi %mul3A_281, %add3A_608 : i32
        %add3A_610 = arith.constant 0 : i32
        %add3A_611 = arith.addi %add3A_609, %add3A_610 : i32
        %swap3A_612 = arith.index_cast %add3A_611 : i32 to index
        %swap3A_613 = tpu.vector_load %arg7[%swap3A_612] {strides = array<i32>} : memref<16384xf32, #tpu.memory_space<vmem>>, vector<16xf32>,
        tpu.vector_store %arg7[%swap3A_612], %gather3A_607 {strides = array<i32>} : memref<16384xf32, #tpu.memory_space<vmem>>, vector<16xf32>,
        %gather3A_614 = tpu.vector_load_idx %arg5[%broadcast_in_dim3A_186, %get3A_292] : memref<752x64xf32, #tpu.memory_space<vmem>>[vector<16xi32>, vector<16xi32>], vector<16xf32>,
        %add3A_615 = arith.constant 640 : i32
        %add3A_616 = arith.addi %mul3A_281, %add3A_615 : i32
        %add3A_617 = arith.constant 16 : i32
        %add3A_618 = arith.addi %add3A_616, %add3A_617 : i32
        %swap3A_619 = arith.index_cast %add3A_618 : i32 to index
        %swap3A_620 = tpu.vector_load %arg7[%swap3A_619] {strides = array<i32>} : memref<16384xf32, #tpu.memory_space<vmem>>, vector<16xf32>,
        tpu.vector_store %arg7[%swap3A_619], %gather3A_614 {strides = array<i32>} : memref<16384xf32, #tpu.memory_space<vmem>>, vector<16xf32>,
        %gather3A_621 = tpu.vector_load_idx %arg5[%broadcast_in_dim3A_186, %get3A_298] : memref<752x64xf32, #tpu.memory_space<vmem>>[vector<16xi32>, vector<16xi32>], vector<16xf32>,
        %add3A_622 = arith.constant 640 : i32
        %add3A_623 = arith.addi %mul3A_281, %add3A_622 : i32
        %add3A_624 = arith.constant 32 : i32
        %add3A_625 = arith.addi %add3A_623, %add3A_624 : i32
        %swap3A_626 = arith.index_cast %add3A_625 : i32 to index
        %swap3A_627 = tpu.vector_load %arg7[%swap3A_626] {strides = array<i32>} : memref<16384xf32, #tpu.memory_space<vmem>>, vector<16xf32>,
        tpu.vector_store %arg7[%swap3A_626], %gather3A_621 {strides = array<i32>} : memref<16384xf32, #tpu.memory_space<vmem>>, vector<16xf32>,
        %gather3A_628 = tpu.vector_load_idx %arg5[%broadcast_in_dim3A_186, %get3A_304] : memref<752x64xf32, #tpu.memory_space<vmem>>[vector<16xi32>, vector<16xi32>], vector<16xf32>,
        %add3A_629 = arith.constant 640 : i32
        %add3A_630 = arith.addi %mul3A_281, %add3A_629 : i32
        %add3A_631 = arith.constant 48 : i32
        %add3A_632 = arith.addi %add3A_630, %add3A_631 : i32
        %swap3A_633 = arith.index_cast %add3A_632 : i32 to index
        %swap3A_634 = tpu.vector_load %arg7[%swap3A_633] {strides = array<i32>} : memref<16384xf32, #tpu.memory_space<vmem>>, vector<16xf32>,
        tpu.vector_store %arg7[%swap3A_633], %gather3A_628 {strides = array<i32>} : memref<16384xf32, #tpu.memory_space<vmem>>, vector<16xf32>,
        %gather3A_635 = tpu.vector_load_idx %arg5[%broadcast_in_dim3A_186, %get3A_310] : memref<752x64xf32, #tpu.memory_space<vmem>>[vector<16xi32>, vector<16xi32>], vector<16xf32>,
        %add3A_636 = arith.constant 640 : i32
        %add3A_637 = arith.addi %mul3A_281, %add3A_636 : i32
        %add3A_638 = arith.constant 64 : i32
        %add3A_639 = arith.addi %add3A_637, %add3A_638 : i32
        %swap3A_640 = arith.index_cast %add3A_639 : i32 to index
        %swap3A_641 = tpu.vector_load %arg7[%swap3A_640] {strides = array<i32>} : memref<16384xf32, #tpu.memory_space<vmem>>, vector<16xf32>,
        tpu.vector_store %arg7[%swap3A_640], %gather3A_635 {strides = array<i32>} : memref<16384xf32, #tpu.memory_space<vmem>>, vector<16xf32>,
        %gather3A_642 = tpu.vector_load_idx %arg5[%broadcast_in_dim3A_186, %get3A_316] : memref<752x64xf32, #tpu.memory_space<vmem>>[vector<16xi32>, vector<16xi32>], vector<16xf32>,
        %add3A_643 = arith.constant 640 : i32
        %add3A_644 = arith.addi %mul3A_281, %add3A_643 : i32
        %add3A_645 = arith.constant 80 : i32
        %add3A_646 = arith.addi %add3A_644, %add3A_645 : i32
        %swap3A_647 = arith.index_cast %add3A_646 : i32 to index
        %swap3A_648 = tpu.vector_load %arg7[%swap3A_647] {strides = array<i32>} : memref<16384xf32, #tpu.memory_space<vmem>>, vector<16xf32>,
        tpu.vector_store %arg7[%swap3A_647], %gather3A_642 {strides = array<i32>} : memref<16384xf32, #tpu.memory_space<vmem>>, vector<16xf32>,
        %gather3A_649 = tpu.vector_load_idx %arg5[%broadcast_in_dim3A_186, %get3A_322] : memref<752x64xf32, #tpu.memory_space<vmem>>[vector<16xi32>, vector<16xi32>], vector<16xf32>,
        %add3A_650 = arith.constant 640 : i32
        %add3A_651 = arith.addi %mul3A_281, %add3A_650 : i32
        %add3A_652 = arith.constant 96 : i32
        %add3A_653 = arith.addi %add3A_651, %add3A_652 : i32
        %swap3A_654 = arith.index_cast %add3A_653 : i32 to index
        %swap3A_655 = tpu.vector_load %arg7[%swap3A_654] {strides = array<i32>} : memref<16384xf32, #tpu.memory_space<vmem>>, vector<16xf32>,
        tpu.vector_store %arg7[%swap3A_654], %gather3A_649 {strides = array<i32>} : memref<16384xf32, #tpu.memory_space<vmem>>, vector<16xf32>,
        %gather3A_656 = tpu.vector_load_idx %arg5[%broadcast_in_dim3A_186, %get3A_328] : memref<752x64xf32, #tpu.memory_space<vmem>>[vector<16xi32>, vector<16xi32>], vector<16xf32>,
        %add3A_657 = arith.constant 640 : i32
        %add3A_658 = arith.addi %mul3A_281, %add3A_657 : i32
        %add3A_659 = arith.constant 112 : i32
        %add3A_660 = arith.addi %add3A_658, %add3A_659 : i32
        %swap3A_661 = arith.index_cast %add3A_660 : i32 to index
        %swap3A_662 = tpu.vector_load %arg7[%swap3A_661] {strides = array<i32>} : memref<16384xf32, #tpu.memory_space<vmem>>, vector<16xf32>,
        tpu.vector_store %arg7[%swap3A_661], %gather3A_656 {strides = array<i32>} : memref<16384xf32, #tpu.memory_space<vmem>>, vector<16xf32>,
        %gather3A_663 = tpu.vector_load_idx %arg5[%broadcast_in_dim3A_191, %get3A_286] : memref<752x64xf32, #tpu.memory_space<vmem>>[vector<16xi32>, vector<16xi32>], vector<16xf32>,
        %add3A_664 = arith.constant 768 : i32
        %add3A_665 = arith.addi %mul3A_281, %add3A_664 : i32
        %add3A_666 = arith.constant 0 : i32
        %add3A_667 = arith.addi %add3A_665, %add3A_666 : i32
        %swap3A_668 = arith.index_cast %add3A_667 : i32 to index
        %swap3A_669 = tpu.vector_load %arg7[%swap3A_668] {strides = array<i32>} : memref<16384xf32, #tpu.memory_space<vmem>>, vector<16xf32>,
        tpu.vector_store %arg7[%swap3A_668], %gather3A_663 {strides = array<i32>} : memref<16384xf32, #tpu.memory_space<vmem>>, vector<16xf32>,
        %gather3A_670 = tpu.vector_load_idx %arg5[%broadcast_in_dim3A_191, %get3A_292] : memref<752x64xf32, #tpu.memory_space<vmem>>[vector<16xi32>, vector<16xi32>], vector<16xf32>,
        %add3A_671 = arith.constant 768 : i32
        %add3A_672 = arith.addi %mul3A_281, %add3A_671 : i32
        %add3A_673 = arith.constant 16 : i32
        %add3A_674 = arith.addi %add3A_672, %add3A_673 : i32
        %swap3A_675 = arith.index_cast %add3A_674 : i32 to index
        %swap3A_676 = tpu.vector_load %arg7[%swap3A_675] {strides = array<i32>} : memref<16384xf32, #tpu.memory_space<vmem>>, vector<16xf32>,
        tpu.vector_store %arg7[%swap3A_675], %gather3A_670 {strides = array<i32>} : memref<16384xf32, #tpu.memory_space<vmem>>, vector<16xf32>,
        %gather3A_677 = tpu.vector_load_idx %arg5[%broadcast_in_dim3A_191, %get3A_298] : memref<752x64xf32, #tpu.memory_space<vmem>>[vector<16xi32>, vector<16xi32>], vector<16xf32>,
        %add3A_678 = arith.constant 768 : i32
        %add3A_679 = arith.addi %mul3A_281, %add3A_678 : i32
        %add3A_680 = arith.constant 32 : i32
        %add3A_681 = arith.addi %add3A_679, %add3A_680 : i32
        %swap3A_682 = arith.index_cast %add3A_681 : i32 to index
        %swap3A_683 = tpu.vector_load %arg7[%swap3A_682] {strides = array<i32>} : memref<16384xf32, #tpu.memory_space<vmem>>, vector<16xf32>,
        tpu.vector_store %arg7[%swap3A_682], %gather3A_677 {strides = array<i32>} : memref<16384xf32, #tpu.memory_space<vmem>>, vector<16xf32>,
        %gather3A_684 = tpu.vector_load_idx %arg5[%broadcast_in_dim3A_191, %get3A_304] : memref<752x64xf32, #tpu.memory_space<vmem>>[vector<16xi32>, vector<16xi32>], vector<16xf32>,
        %add3A_685 = arith.constant 768 : i32
        %add3A_686 = arith.addi %mul3A_281, %add3A_685 : i32
        %add3A_687 = arith.constant 48 : i32
        %add3A_688 = arith.addi %add3A_686, %add3A_687 : i32
        %swap3A_689 = arith.index_cast %add3A_688 : i32 to index
        %swap3A_690 = tpu.vector_load %arg7[%swap3A_689] {strides = array<i32>} : memref<16384xf32, #tpu.memory_space<vmem>>, vector<16xf32>,
        tpu.vector_store %arg7[%swap3A_689], %gather3A_684 {strides = array<i32>} : memref<16384xf32, #tpu.memory_space<vmem>>, vector<16xf32>,
        %gather3A_691 = tpu.vector_load_idx %arg5[%broadcast_in_dim3A_191, %get3A_310] : memref<752x64xf32, #tpu.memory_space<vmem>>[vector<16xi32>, vector<16xi32>], vector<16xf32>,
        %add3A_692 = arith.constant 768 : i32
        %add3A_693 = arith.addi %mul3A_281, %add3A_692 : i32
        %add3A_694 = arith.constant 64 : i32
        %add3A_695 = arith.addi %add3A_693, %add3A_694 : i32
        %swap3A_696 = arith.index_cast %add3A_695 : i32 to index
        %swap3A_697 = tpu.vector_load %arg7[%swap3A_696] {strides = array<i32>} : memref<16384xf32, #tpu.memory_space<vmem>>, vector<16xf32>,
        tpu.vector_store %arg7[%swap3A_696], %gather3A_691 {strides = array<i32>} : memref<16384xf32, #tpu.memory_space<vmem>>, vector<16xf32>,
        %gather3A_698 = tpu.vector_load_idx %arg5[%broadcast_in_dim3A_191, %get3A_316] : memref<752x64xf32, #tpu.memory_space<vmem>>[vector<16xi32>, vector<16xi32>], vector<16xf32>,
        %add3A_699 = arith.constant 768 : i32
        %add3A_700 = arith.addi %mul3A_281, %add3A_699 : i32
        %add3A_701 = arith.constant 80 : i32
        %add3A_702 = arith.addi %add3A_700, %add3A_701 : i32
        %swap3A_703 = arith.index_cast %add3A_702 : i32 to index
        %swap3A_704 = tpu.vector_load %arg7[%swap3A_703] {strides = array<i32>} : memref<16384xf32, #tpu.memory_space<vmem>>, vector<16xf32>,
        tpu.vector_store %arg7[%swap3A_703], %gather3A_698 {strides = array<i32>} : memref<16384xf32, #tpu.memory_space<vmem>>, vector<16xf32>,
        %gather3A_705 = tpu.vector_load_idx %arg5[%broadcast_in_dim3A_191, %get3A_322] : memref<752x64xf32, #tpu.memory_space<vmem>>[vector<16xi32>, vector<16xi32>], vector<16xf32>,
        %add3A_706 = arith.constant 768 : i32
        %add3A_707 = arith.addi %mul3A_281, %add3A_706 : i32
        %add3A_708 = arith.constant 96 : i32
        %add3A_709 = arith.addi %add3A_707, %add3A_708 : i32
        %swap3A_710 = arith.index_cast %add3A_709 : i32 to index
        %swap3A_711 = tpu.vector_load %arg7[%swap3A_710] {strides = array<i32>} : memref<16384xf32, #tpu.memory_space<vmem>>, vector<16xf32>,
        tpu.vector_store %arg7[%swap3A_710], %gather3A_705 {strides = array<i32>} : memref<16384xf32, #tpu.memory_space<vmem>>, vector<16xf32>,
        %gather3A_712 = tpu.vector_load_idx %arg5[%broadcast_in_dim3A_191, %get3A_328] : memref<752x64xf32, #tpu.memory_space<vmem>>[vector<16xi32>, vector<16xi32>], vector<16xf32>,
        %add3A_713 = arith.constant 768 : i32
        %add3A_714 = arith.addi %mul3A_281, %add3A_713 : i32
        %add3A_715 = arith.constant 112 : i32
        %add3A_716 = arith.addi %add3A_714, %add3A_715 : i32
        %swap3A_717 = arith.index_cast %add3A_716 : i32 to index
        %swap3A_718 = tpu.vector_load %arg7[%swap3A_717] {strides = array<i32>} : memref<16384xf32, #tpu.memory_space<vmem>>, vector<16xf32>,
        tpu.vector_store %arg7[%swap3A_717], %gather3A_712 {strides = array<i32>} : memref<16384xf32, #tpu.memory_space<vmem>>, vector<16xf32>,
        %gather3A_719 = tpu.vector_load_idx %arg5[%broadcast_in_dim3A_196, %get3A_286] : memref<752x64xf32, #tpu.memory_space<vmem>>[vector<16xi32>, vector<16xi32>], vector<16xf32>,
        %add3A_720 = arith.constant 896 : i32
        %add3A_721 = arith.addi %mul3A_281, %add3A_720 : i32
        %add3A_722 = arith.constant 0 : i32
        %add3A_723 = arith.addi %add3A_721, %add3A_722 : i32
        %swap3A_724 = arith.index_cast %add3A_723 : i32 to index
        %swap3A_725 = tpu.vector_load %arg7[%swap3A_724] {strides = array<i32>} : memref<16384xf32, #tpu.memory_space<vmem>>, vector<16xf32>,
        tpu.vector_store %arg7[%swap3A_724], %gather3A_719 {strides = array<i32>} : memref<16384xf32, #tpu.memory_space<vmem>>, vector<16xf32>,
        %gather3A_726 = tpu.vector_load_idx %arg5[%broadcast_in_dim3A_196, %get3A_292] : memref<752x64xf32, #tpu.memory_space<vmem>>[vector<16xi32>, vector<16xi32>], vector<16xf32>,
        %add3A_727 = arith.constant 896 : i32
        %add3A_728 = arith.addi %mul3A_281, %add3A_727 : i32
        %add3A_729 = arith.constant 16 : i32
        %add3A_730 = arith.addi %add3A_728, %add3A_729 : i32
        %swap3A_731 = arith.index_cast %add3A_730 : i32 to index
        %swap3A_732 = tpu.vector_load %arg7[%swap3A_731] {strides = array<i32>} : memref<16384xf32, #tpu.memory_space<vmem>>, vector<16xf32>,
        tpu.vector_store %arg7[%swap3A_731], %gather3A_726 {strides = array<i32>} : memref<16384xf32, #tpu.memory_space<vmem>>, vector<16xf32>,
        %gather3A_733 = tpu.vector_load_idx %arg5[%broadcast_in_dim3A_196, %get3A_298] : memref<752x64xf32, #tpu.memory_space<vmem>>[vector<16xi32>, vector<16xi32>], vector<16xf32>,
        %add3A_734 = arith.constant 896 : i32
        %add3A_735 = arith.addi %mul3A_281, %add3A_734 : i32
        %add3A_736 = arith.constant 32 : i32
        %add3A_737 = arith.addi %add3A_735, %add3A_736 : i32
        %swap3A_738 = arith.index_cast %add3A_737 : i32 to index
        %swap3A_739 = tpu.vector_load %arg7[%swap3A_738] {strides = array<i32>} : memref<16384xf32, #tpu.memory_space<vmem>>, vector<16xf32>,
        tpu.vector_store %arg7[%swap3A_738], %gather3A_733 {strides = array<i32>} : memref<16384xf32, #tpu.memory_space<vmem>>, vector<16xf32>,
        %gather3A_740 = tpu.vector_load_idx %arg5[%broadcast_in_dim3A_196, %get3A_304] : memref<752x64xf32, #tpu.memory_space<vmem>>[vector<16xi32>, vector<16xi32>], vector<16xf32>,
        %add3A_741 = arith.constant 896 : i32
        %add3A_742 = arith.addi %mul3A_281, %add3A_741 : i32
        %add3A_743 = arith.constant 48 : i32
        %add3A_744 = arith.addi %add3A_742, %add3A_743 : i32
        %swap3A_745 = arith.index_cast %add3A_744 : i32 to index
        %swap3A_746 = tpu.vector_load %arg7[%swap3A_745] {strides = array<i32>} : memref<16384xf32, #tpu.memory_space<vmem>>, vector<16xf32>,
        tpu.vector_store %arg7[%swap3A_745], %gather3A_740 {strides = array<i32>} : memref<16384xf32, #tpu.memory_space<vmem>>, vector<16xf32>,
        %gather3A_747 = tpu.vector_load_idx %arg5[%broadcast_in_dim3A_196, %get3A_310] : memref<752x64xf32, #tpu.memory_space<vmem>>[vector<16xi32>, vector<16xi32>], vector<16xf32>,
        %add3A_748 = arith.constant 896 : i32
        %add3A_749 = arith.addi %mul3A_281, %add3A_748 : i32
        %add3A_750 = arith.constant 64 : i32
        %add3A_751 = arith.addi %add3A_749, %add3A_750 : i32
        %swap3A_752 = arith.index_cast %add3A_751 : i32 to index
        %swap3A_753 = tpu.vector_load %arg7[%swap3A_752] {strides = array<i32>} : memref<16384xf32, #tpu.memory_space<vmem>>, vector<16xf32>,
        tpu.vector_store %arg7[%swap3A_752], %gather3A_747 {strides = array<i32>} : memref<16384xf32, #tpu.memory_space<vmem>>, vector<16xf32>,
        %gather3A_754 = tpu.vector_load_idx %arg5[%broadcast_in_dim3A_196, %get3A_316] : memref<752x64xf32, #tpu.memory_space<vmem>>[vector<16xi32>, vector<16xi32>], vector<16xf32>,
        %add3A_755 = arith.constant 896 : i32
        %add3A_756 = arith.addi %mul3A_281, %add3A_755 : i32
        %add3A_757 = arith.constant 80 : i32
        %add3A_758 = arith.addi %add3A_756, %add3A_757 : i32
        %swap3A_759 = arith.index_cast %add3A_758 : i32 to index
        %swap3A_760 = tpu.vector_load %arg7[%swap3A_759] {strides = array<i32>} : memref<16384xf32, #tpu.memory_space<vmem>>, vector<16xf32>,
        tpu.vector_store %arg7[%swap3A_759], %gather3A_754 {strides = array<i32>} : memref<16384xf32, #tpu.memory_space<vmem>>, vector<16xf32>,
        %gather3A_761 = tpu.vector_load_idx %arg5[%broadcast_in_dim3A_196, %get3A_322] : memref<752x64xf32, #tpu.memory_space<vmem>>[vector<16xi32>, vector<16xi32>], vector<16xf32>,
        %add3A_762 = arith.constant 896 : i32
        %add3A_763 = arith.addi %mul3A_281, %add3A_762 : i32
        %add3A_764 = arith.constant 96 : i32
        %add3A_765 = arith.addi %add3A_763, %add3A_764 : i32
        %swap3A_766 = arith.index_cast %add3A_765 : i32 to index
        %swap3A_767 = tpu.vector_load %arg7[%swap3A_766] {strides = array<i32>} : memref<16384xf32, #tpu.memory_space<vmem>>, vector<16xf32>,
        tpu.vector_store %arg7[%swap3A_766], %gather3A_761 {strides = array<i32>} : memref<16384xf32, #tpu.memory_space<vmem>>, vector<16xf32>,
        %gather3A_768 = tpu.vector_load_idx %arg5[%broadcast_in_dim3A_196, %get3A_328] : memref<752x64xf32, #tpu.memory_space<vmem>>[vector<16xi32>, vector<16xi32>], vector<16xf32>,
        %add3A_769 = arith.constant 896 : i32
        %add3A_770 = arith.addi %mul3A_281, %add3A_769 : i32
        %add3A_771 = arith.constant 112 : i32
        %add3A_772 = arith.addi %add3A_770, %add3A_771 : i32
        %swap3A_773 = arith.index_cast %add3A_772 : i32 to index
        %swap3A_774 = tpu.vector_load %arg7[%swap3A_773] {strides = array<i32>} : memref<16384xf32, #tpu.memory_space<vmem>>, vector<16xf32>,
        tpu.vector_store %arg7[%swap3A_773], %gather3A_768 {strides = array<i32>} : memref<16384xf32, #tpu.memory_space<vmem>>, vector<16xf32>,
      }
      %scan3A_202 = arith.constant 16 : i32
      %add3A_203 = arith.addi %select_n3A_61, %mul3A_146 : i32
      %mul3A_204 = arith.constant 128 : i32
      %mul3A_205 = arith.muli %add3A_203, %mul3A_204 : i32
      %add3A_206 = arith.addi %mul3A_205, %mul3A_34 : i32
      %mul3A_207 = arith.constant 1024 : i32
      %mul3A_208 = arith.muli %add3A_206, %mul3A_207 : i32
      %dma_start3A_209 = tpu.memref_slice %arg4[%mul3A_208] : memref<49152000xf32, #tpu.memory_space<hbm>> -> memref<16384xf32, #tpu.memory_space<hbm>>
      %dma_start3A_210 = tpu.memref_slice %arg4[%mul3A_208] : memref<49152000xf32, #tpu.memory_space<hbm>> -> memref<16384xf32, #tpu.memory_space<hbm>>
      tpu.enqueue_dma source(%arg7 : memref<16384xf32, #tpu.memory_space<vmem>>) target(%dma_start3A_210 : memref<16384xf32, #tpu.memory_space<hbm>>) target_semaphore(%arg9 : memref<!tpu.dma_semaphore, #tpu.memory_space<semaphore_mem>>)
      %sub3A_211 = arith.constant 1 : i32
      %sub3A_212 = arith.subi %mul3A_146, %sub3A_211 : i32
      %add3A_213 = arith.addi %select_n3A_61, %sub3A_212 : i32
      %mul3A_214 = arith.constant 128 : i32
      %mul3A_215 = arith.muli %add3A_213, %mul3A_214 : i32
      %add3A_216 = arith.addi %mul3A_215, %mul3A_34 : i32
      %mul3A_217 = arith.constant 1024 : i32
      %mul3A_218 = arith.muli %add3A_216, %mul3A_217 : i32
      %dma_wait3A_219 = tpu.memref_slice %arg4[%mul3A_218] : memref<49152000xf32, #tpu.memory_space<hbm>> -> memref<16384xf32, #tpu.memory_space<hbm>>
      %dma_wait3A_220 = tpu.memref_slice %arg4[%mul3A_218] : memref<49152000xf32, #tpu.memory_space<hbm>> -> memref<16384xf32, #tpu.memory_space<hbm>>
      tpu.wait_dma2 semaphore(%arg10 : memref<!tpu.dma_semaphore, #tpu.memory_space<semaphore_mem>>) src(%arg8 : memref<16384xf32, #tpu.memory_space<vmem>>) dst(%dma_wait3A_220 : memref<16384xf32, #tpu.memory_space<hbm>>)
      %add3A_221 = arith.constant 1 : i32
      %add3A_222 = arith.addi %mul3A_146, %add3A_221 : i32
      %mul3A_223 = arith.constant 8 : i32
      %mul3A_224 = arith.muli %add3A_222, %mul3A_223 : i32
      %add3A_225 = arith.constant 0 : i32
      %add3A_226 = arith.addi %mul3A_224, %add3A_225 : i32
      %broadcast_in_dim3A_227 = vector.broadcast %add3A_226 : i32 to vector<16xi32>
      %mul3A_228 = arith.constant 8 : i32
      %mul3A_229 = arith.muli %add3A_222, %mul3A_228 : i32
      %add3A_230 = arith.constant 1 : i32
      %add3A_231 = arith.addi %mul3A_229, %add3A_230 : i32
      %broadcast_in_dim3A_232 = vector.broadcast %add3A_231 : i32 to vector<16xi32>
      %mul3A_233 = arith.constant 8 : i32
      %mul3A_234 = arith.muli %add3A_222, %mul3A_233 : i32
      %add3A_235 = arith.constant 2 : i32
      %add3A_236 = arith.addi %mul3A_234, %add3A_235 : i32
      %broadcast_in_dim3A_237 = vector.broadcast %add3A_236 : i32 to vector<16xi32>
      %mul3A_238 = arith.constant 8 : i32
      %mul3A_239 = arith.muli %add3A_222, %mul3A_238 : i32
      %add3A_240 = arith.constant 3 : i32
      %add3A_241 = arith.addi %mul3A_239, %add3A_240 : i32
      %broadcast_in_dim3A_242 = vector.broadcast %add3A_241 : i32 to vector<16xi32>
      %mul3A_243 = arith.constant 8 : i32
      %mul3A_244 = arith.muli %add3A_222, %mul3A_243 : i32
      %add3A_245 = arith.constant 4 : i32
      %add3A_246 = arith.addi %mul3A_244, %add3A_245 : i32
      %broadcast_in_dim3A_247 = vector.broadcast %add3A_246 : i32 to vector<16xi32>
      %mul3A_248 = arith.constant 8 : i32
      %mul3A_249 = arith.muli %add3A_222, %mul3A_248 : i32
      %add3A_250 = arith.constant 5 : i32
      %add3A_251 = arith.addi %mul3A_249, %add3A_250 : i32
      %broadcast_in_dim3A_252 = vector.broadcast %add3A_251 : i32 to vector<16xi32>
      %mul3A_253 = arith.constant 8 : i32
      %mul3A_254 = arith.muli %add3A_222, %mul3A_253 : i32
      %add3A_255 = arith.constant 6 : i32
      %add3A_256 = arith.addi %mul3A_254, %add3A_255 : i32
      %broadcast_in_dim3A_257 = vector.broadcast %add3A_256 : i32 to vector<16xi32>
      %mul3A_258 = arith.constant 8 : i32
      %mul3A_259 = arith.muli %add3A_222, %mul3A_258 : i32
      %add3A_260 = arith.constant 7 : i32
      %add3A_261 = arith.addi %mul3A_259, %add3A_260 : i32
      %broadcast_in_dim3A_262 = vector.broadcast %add3A_261 : i32 to vector<16xi32>
      %scan3A_263 = arith.constant 0 : i32
      %scan3A_264 = arith.constant 0 : i32
      %scan3A_265 = arith.constant 16 : i32
      %scan3A_266 = arith.addi %scan3A_264, %scan3A_265 : i32
      %scan3A_267 = arith.constant 1 : i32
      scf.for %scan3A_279 = %scan3A_264 to %scan3A_266 step %scan3A_267  : i32 {
        %mul3A_280 = arith.constant 1024 : i32
        %mul3A_281 = arith.muli %scan3A_279, %mul3A_280 : i32
        %mul3A_282 = arith.constant 128 : i32
        %mul3A_283 = arith.muli %scan3A_279, %mul3A_282 : i32
        %add3A_284 = arith.constant 0 : i32
        %add3A_285 = arith.addi %mul3A_283, %add3A_284 : i32
        %get3A = arith.index_cast %add3A_285 : i32 to index
        %get3A_286 = tpu.vector_load %arg6[%get3A] {strides = array<i32>} : memref<2048xi32, #tpu.memory_space<vmem>>, vector<16xi32>,
        %mul3A_287 = arith.constant 128 : i32
        %mul3A_288 = arith.muli %scan3A_279, %mul3A_287 : i32
        %add3A_289 = arith.constant 16 : i32
        %add3A_290 = arith.addi %mul3A_288, %add3A_289 : i32
        %get3A_291 = arith.index_cast %add3A_290 : i32 to index
        %get3A_292 = tpu.vector_load %arg6[%get3A_291] {strides = array<i32>} : memref<2048xi32, #tpu.memory_space<vmem>>, vector<16xi32>,
        %mul3A_293 = arith.constant 128 : i32
        %mul3A_294 = arith.muli %scan3A_279, %mul3A_293 : i32
        %add3A_295 = arith.constant 32 : i32
        %add3A_296 = arith.addi %mul3A_294, %add3A_295 : i32
        %get3A_297 = arith.index_cast %add3A_296 : i32 to index
        %get3A_298 = tpu.vector_load %arg6[%get3A_297] {strides = array<i32>} : memref<2048xi32, #tpu.memory_space<vmem>>, vector<16xi32>,
        %mul3A_299 = arith.constant 128 : i32
        %mul3A_300 = arith.muli %scan3A_279, %mul3A_299 : i32
        %add3A_301 = arith.constant 48 : i32
        %add3A_302 = arith.addi %mul3A_300, %add3A_301 : i32
        %get3A_303 = arith.index_cast %add3A_302 : i32 to index
        %get3A_304 = tpu.vector_load %arg6[%get3A_303] {strides = array<i32>} : memref<2048xi32, #tpu.memory_space<vmem>>, vector<16xi32>,
        %mul3A_305 = arith.constant 128 : i32
        %mul3A_306 = arith.muli %scan3A_279, %mul3A_305 : i32
        %add3A_307 = arith.constant 64 : i32
        %add3A_308 = arith.addi %mul3A_306, %add3A_307 : i32
        %get3A_309 = arith.index_cast %add3A_308 : i32 to index
        %get3A_310 = tpu.vector_load %arg6[%get3A_309] {strides = array<i32>} : memref<2048xi32, #tpu.memory_space<vmem>>, vector<16xi32>,
        %mul3A_311 = arith.constant 128 : i32
        %mul3A_312 = arith.muli %scan3A_279, %mul3A_311 : i32
        %add3A_313 = arith.constant 80 : i32
        %add3A_314 = arith.addi %mul3A_312, %add3A_313 : i32
        %get3A_315 = arith.index_cast %add3A_314 : i32 to index
        %get3A_316 = tpu.vector_load %arg6[%get3A_315] {strides = array<i32>} : memref<2048xi32, #tpu.memory_space<vmem>>, vector<16xi32>,
        %mul3A_317 = arith.constant 128 : i32
        %mul3A_318 = arith.muli %scan3A_279, %mul3A_317 : i32
        %add3A_319 = arith.constant 96 : i32
        %add3A_320 = arith.addi %mul3A_318, %add3A_319 : i32
        %get3A_321 = arith.index_cast %add3A_320 : i32 to index
        %get3A_322 = tpu.vector_load %arg6[%get3A_321] {strides = array<i32>} : memref<2048xi32, #tpu.memory_space<vmem>>, vector<16xi32>,
        %mul3A_323 = arith.constant 128 : i32
        %mul3A_324 = arith.muli %scan3A_279, %mul3A_323 : i32
        %add3A_325 = arith.constant 112 : i32
        %add3A_326 = arith.addi %mul3A_324, %add3A_325 : i32
        %get3A_327 = arith.index_cast %add3A_326 : i32 to index
        %get3A_328 = tpu.vector_load %arg6[%get3A_327] {strides = array<i32>} : memref<2048xi32, #tpu.memory_space<vmem>>, vector<16xi32>,
        %gather3A = tpu.vector_load_idx %arg5[%broadcast_in_dim3A_227, %get3A_286] : memref<752x64xf32, #tpu.memory_space<vmem>>[vector<16xi32>, vector<16xi32>], vector<16xf32>,
        %add3A_329 = arith.constant 0 : i32
        %add3A_330 = arith.addi %mul3A_281, %add3A_329 : i32
        %add3A_331 = arith.constant 0 : i32
        %add3A_332 = arith.addi %add3A_330, %add3A_331 : i32
        %swap3A = arith.index_cast %add3A_332 : i32 to index
        %swap3A_333 = tpu.vector_load %arg8[%swap3A] {strides = array<i32>} : memref<16384xf32, #tpu.memory_space<vmem>>, vector<16xf32>,
        tpu.vector_store %arg8[%swap3A], %gather3A {strides = array<i32>} : memref<16384xf32, #tpu.memory_space<vmem>>, vector<16xf32>,
        %gather3A_334 = tpu.vector_load_idx %arg5[%broadcast_in_dim3A_227, %get3A_292] : memref<752x64xf32, #tpu.memory_space<vmem>>[vector<16xi32>, vector<16xi32>], vector<16xf32>,
        %add3A_335 = arith.constant 0 : i32
        %add3A_336 = arith.addi %mul3A_281, %add3A_335 : i32
        %add3A_337 = arith.constant 16 : i32
        %add3A_338 = arith.addi %add3A_336, %add3A_337 : i32
        %swap3A_339 = arith.index_cast %add3A_338 : i32 to index
        %swap3A_340 = tpu.vector_load %arg8[%swap3A_339] {strides = array<i32>} : memref<16384xf32, #tpu.memory_space<vmem>>, vector<16xf32>,
        tpu.vector_store %arg8[%swap3A_339], %gather3A_334 {strides = array<i32>} : memref<16384xf32, #tpu.memory_space<vmem>>, vector<16xf32>,
        %gather3A_341 = tpu.vector_load_idx %arg5[%broadcast_in_dim3A_227, %get3A_298] : memref<752x64xf32, #tpu.memory_space<vmem>>[vector<16xi32>, vector<16xi32>], vector<16xf32>,
        %add3A_342 = arith.constant 0 : i32
        %add3A_343 = arith.addi %mul3A_281, %add3A_342 : i32
        %add3A_344 = arith.constant 32 : i32
        %add3A_345 = arith.addi %add3A_343, %add3A_344 : i32
        %swap3A_346 = arith.index_cast %add3A_345 : i32 to index
        %swap3A_347 = tpu.vector_load %arg8[%swap3A_346] {strides = array<i32>} : memref<16384xf32, #tpu.memory_space<vmem>>, vector<16xf32>,
        tpu.vector_store %arg8[%swap3A_346], %gather3A_341 {strides = array<i32>} : memref<16384xf32, #tpu.memory_space<vmem>>, vector<16xf32>,
        %gather3A_348 = tpu.vector_load_idx %arg5[%broadcast_in_dim3A_227, %get3A_304] : memref<752x64xf32, #tpu.memory_space<vmem>>[vector<16xi32>, vector<16xi32>], vector<16xf32>,
        %add3A_349 = arith.constant 0 : i32
        %add3A_350 = arith.addi %mul3A_281, %add3A_349 : i32
        %add3A_351 = arith.constant 48 : i32
        %add3A_352 = arith.addi %add3A_350, %add3A_351 : i32
        %swap3A_353 = arith.index_cast %add3A_352 : i32 to index
        %swap3A_354 = tpu.vector_load %arg8[%swap3A_353] {strides = array<i32>} : memref<16384xf32, #tpu.memory_space<vmem>>, vector<16xf32>,
        tpu.vector_store %arg8[%swap3A_353], %gather3A_348 {strides = array<i32>} : memref<16384xf32, #tpu.memory_space<vmem>>, vector<16xf32>,
        %gather3A_355 = tpu.vector_load_idx %arg5[%broadcast_in_dim3A_227, %get3A_310] : memref<752x64xf32, #tpu.memory_space<vmem>>[vector<16xi32>, vector<16xi32>], vector<16xf32>,
        %add3A_356 = arith.constant 0 : i32
        %add3A_357 = arith.addi %mul3A_281, %add3A_356 : i32
        %add3A_358 = arith.constant 64 : i32
        %add3A_359 = arith.addi %add3A_357, %add3A_358 : i32
        %swap3A_360 = arith.index_cast %add3A_359 : i32 to index
        %swap3A_361 = tpu.vector_load %arg8[%swap3A_360] {strides = array<i32>} : memref<16384xf32, #tpu.memory_space<vmem>>, vector<16xf32>,
        tpu.vector_store %arg8[%swap3A_360], %gather3A_355 {strides = array<i32>} : memref<16384xf32, #tpu.memory_space<vmem>>, vector<16xf32>,
        %gather3A_362 = tpu.vector_load_idx %arg5[%broadcast_in_dim3A_227, %get3A_316] : memref<752x64xf32, #tpu.memory_space<vmem>>[vector<16xi32>, vector<16xi32>], vector<16xf32>,
        %add3A_363 = arith.constant 0 : i32
        %add3A_364 = arith.addi %mul3A_281, %add3A_363 : i32
        %add3A_365 = arith.constant 80 : i32
        %add3A_366 = arith.addi %add3A_364, %add3A_365 : i32
        %swap3A_367 = arith.index_cast %add3A_366 : i32 to index
        %swap3A_368 = tpu.vector_load %arg8[%swap3A_367] {strides = array<i32>} : memref<16384xf32, #tpu.memory_space<vmem>>, vector<16xf32>,
        tpu.vector_store %arg8[%swap3A_367], %gather3A_362 {strides = array<i32>} : memref<16384xf32, #tpu.memory_space<vmem>>, vector<16xf32>,
        %gather3A_369 = tpu.vector_load_idx %arg5[%broadcast_in_dim3A_227, %get3A_322] : memref<752x64xf32, #tpu.memory_space<vmem>>[vector<16xi32>, vector<16xi32>], vector<16xf32>,
        %add3A_370 = arith.constant 0 : i32
        %add3A_371 = arith.addi %mul3A_281, %add3A_370 : i32
        %add3A_372 = arith.constant 96 : i32
        %add3A_373 = arith.addi %add3A_371, %add3A_372 : i32
        %swap3A_374 = arith.index_cast %add3A_373 : i32 to index
        %swap3A_375 = tpu.vector_load %arg8[%swap3A_374] {strides = array<i32>} : memref<16384xf32, #tpu.memory_space<vmem>>, vector<16xf32>,
        tpu.vector_store %arg8[%swap3A_374], %gather3A_369 {strides = array<i32>} : memref<16384xf32, #tpu.memory_space<vmem>>, vector<16xf32>,
        %gather3A_376 = tpu.vector_load_idx %arg5[%broadcast_in_dim3A_227, %get3A_328] : memref<752x64xf32, #tpu.memory_space<vmem>>[vector<16xi32>, vector<16xi32>], vector<16xf32>,
        %add3A_377 = arith.constant 0 : i32
        %add3A_378 = arith.addi %mul3A_281, %add3A_377 : i32
        %add3A_379 = arith.constant 112 : i32
        %add3A_380 = arith.addi %add3A_378, %add3A_379 : i32
        %swap3A_381 = arith.index_cast %add3A_380 : i32 to index
        %swap3A_382 = tpu.vector_load %arg8[%swap3A_381] {strides = array<i32>} : memref<16384xf32, #tpu.memory_space<vmem>>, vector<16xf32>,
        tpu.vector_store %arg8[%swap3A_381], %gather3A_376 {strides = array<i32>} : memref<16384xf32, #tpu.memory_space<vmem>>, vector<16xf32>,
        %gather3A_383 = tpu.vector_load_idx %arg5[%broadcast_in_dim3A_232, %get3A_286] : memref<752x64xf32, #tpu.memory_space<vmem>>[vector<16xi32>, vector<16xi32>], vector<16xf32>,
        %add3A_384 = arith.constant 128 : i32
        %add3A_385 = arith.addi %mul3A_281, %add3A_384 : i32
        %add3A_386 = arith.constant 0 : i32
        %add3A_387 = arith.addi %add3A_385, %add3A_386 : i32
        %swap3A_388 = arith.index_cast %add3A_387 : i32 to index
        %swap3A_389 = tpu.vector_load %arg8[%swap3A_388] {strides = array<i32>} : memref<16384xf32, #tpu.memory_space<vmem>>, vector<16xf32>,
        tpu.vector_store %arg8[%swap3A_388], %gather3A_383 {strides = array<i32>} : memref<16384xf32, #tpu.memory_space<vmem>>, vector<16xf32>,
        %gather3A_390 = tpu.vector_load_idx %arg5[%broadcast_in_dim3A_232, %get3A_292] : memref<752x64xf32, #tpu.memory_space<vmem>>[vector<16xi32>, vector<16xi32>], vector<16xf32>,
        %add3A_391 = arith.constant 128 : i32
        %add3A_392 = arith.addi %mul3A_281, %add3A_391 : i32
        %add3A_393 = arith.constant 16 : i32
        %add3A_394 = arith.addi %add3A_392, %add3A_393 : i32
        %swap3A_395 = arith.index_cast %add3A_394 : i32 to index
        %swap3A_396 = tpu.vector_load %arg8[%swap3A_395] {strides = array<i32>} : memref<16384xf32, #tpu.memory_space<vmem>>, vector<16xf32>,
        tpu.vector_store %arg8[%swap3A_395], %gather3A_390 {strides = array<i32>} : memref<16384xf32, #tpu.memory_space<vmem>>, vector<16xf32>,
        %gather3A_397 = tpu.vector_load_idx %arg5[%broadcast_in_dim3A_232, %get3A_298] : memref<752x64xf32, #tpu.memory_space<vmem>>[vector<16xi32>, vector<16xi32>], vector<16xf32>,
        %add3A_398 = arith.constant 128 : i32
        %add3A_399 = arith.addi %mul3A_281, %add3A_398 : i32
        %add3A_400 = arith.constant 32 : i32
        %add3A_401 = arith.addi %add3A_399, %add3A_400 : i32
        %swap3A_402 = arith.index_cast %add3A_401 : i32 to index
        %swap3A_403 = tpu.vector_load %arg8[%swap3A_402] {strides = array<i32>} : memref<16384xf32, #tpu.memory_space<vmem>>, vector<16xf32>,
        tpu.vector_store %arg8[%swap3A_402], %gather3A_397 {strides = array<i32>} : memref<16384xf32, #tpu.memory_space<vmem>>, vector<16xf32>,
        %gather3A_404 = tpu.vector_load_idx %arg5[%broadcast_in_dim3A_232, %get3A_304] : memref<752x64xf32, #tpu.memory_space<vmem>>[vector<16xi32>, vector<16xi32>], vector<16xf32>,
        %add3A_405 = arith.constant 128 : i32
        %add3A_406 = arith.addi %mul3A_281, %add3A_405 : i32
        %add3A_407 = arith.constant 48 : i32
        %add3A_408 = arith.addi %add3A_406, %add3A_407 : i32
        %swap3A_409 = arith.index_cast %add3A_408 : i32 to index
        %swap3A_410 = tpu.vector_load %arg8[%swap3A_409] {strides = array<i32>} : memref<16384xf32, #tpu.memory_space<vmem>>, vector<16xf32>,
        tpu.vector_store %arg8[%swap3A_409], %gather3A_404 {strides = array<i32>} : memref<16384xf32, #tpu.memory_space<vmem>>, vector<16xf32>,
        %gather3A_411 = tpu.vector_load_idx %arg5[%broadcast_in_dim3A_232, %get3A_310] : memref<752x64xf32, #tpu.memory_space<vmem>>[vector<16xi32>, vector<16xi32>], vector<16xf32>,
        %add3A_412 = arith.constant 128 : i32
        %add3A_413 = arith.addi %mul3A_281, %add3A_412 : i32
        %add3A_414 = arith.constant 64 : i32
        %add3A_415 = arith.addi %add3A_413, %add3A_414 : i32
        %swap3A_416 = arith.index_cast %add3A_415 : i32 to index
        %swap3A_417 = tpu.vector_load %arg8[%swap3A_416] {strides = array<i32>} : memref<16384xf32, #tpu.memory_space<vmem>>, vector<16xf32>,
        tpu.vector_store %arg8[%swap3A_416], %gather3A_411 {strides = array<i32>} : memref<16384xf32, #tpu.memory_space<vmem>>, vector<16xf32>,
        %gather3A_418 = tpu.vector_load_idx %arg5[%broadcast_in_dim3A_232, %get3A_316] : memref<752x64xf32, #tpu.memory_space<vmem>>[vector<16xi32>, vector<16xi32>], vector<16xf32>,
        %add3A_419 = arith.constant 128 : i32
        %add3A_420 = arith.addi %mul3A_281, %add3A_419 : i32
        %add3A_421 = arith.constant 80 : i32
        %add3A_422 = arith.addi %add3A_420, %add3A_421 : i32
        %swap3A_423 = arith.index_cast %add3A_422 : i32 to index
        %swap3A_424 = tpu.vector_load %arg8[%swap3A_423] {strides = array<i32>} : memref<16384xf32, #tpu.memory_space<vmem>>, vector<16xf32>,
        tpu.vector_store %arg8[%swap3A_423], %gather3A_418 {strides = array<i32>} : memref<16384xf32, #tpu.memory_space<vmem>>, vector<16xf32>,
        %gather3A_425 = tpu.vector_load_idx %arg5[%broadcast_in_dim3A_232, %get3A_322] : memref<752x64xf32, #tpu.memory_space<vmem>>[vector<16xi32>, vector<16xi32>], vector<16xf32>,
        %add3A_426 = arith.constant 128 : i32
        %add3A_427 = arith.addi %mul3A_281, %add3A_426 : i32
        %add3A_428 = arith.constant 96 : i32
        %add3A_429 = arith.addi %add3A_427, %add3A_428 : i32
        %swap3A_430 = arith.index_cast %add3A_429 : i32 to index
        %swap3A_431 = tpu.vector_load %arg8[%swap3A_430] {strides = array<i32>} : memref<16384xf32, #tpu.memory_space<vmem>>, vector<16xf32>,
        tpu.vector_store %arg8[%swap3A_430], %gather3A_425 {strides = array<i32>} : memref<16384xf32, #tpu.memory_space<vmem>>, vector<16xf32>,
        %gather3A_432 = tpu.vector_load_idx %arg5[%broadcast_in_dim3A_232, %get3A_328] : memref<752x64xf32, #tpu.memory_space<vmem>>[vector<16xi32>, vector<16xi32>], vector<16xf32>,
        %add3A_433 = arith.constant 128 : i32
        %add3A_434 = arith.addi %mul3A_281, %add3A_433 : i32
        %add3A_435 = arith.constant 112 : i32
        %add3A_436 = arith.addi %add3A_434, %add3A_435 : i32
        %swap3A_437 = arith.index_cast %add3A_436 : i32 to index
        %swap3A_438 = tpu.vector_load %arg8[%swap3A_437] {strides = array<i32>} : memref<16384xf32, #tpu.memory_space<vmem>>, vector<16xf32>,
        tpu.vector_store %arg8[%swap3A_437], %gather3A_432 {strides = array<i32>} : memref<16384xf32, #tpu.memory_space<vmem>>, vector<16xf32>,
        %gather3A_439 = tpu.vector_load_idx %arg5[%broadcast_in_dim3A_237, %get3A_286] : memref<752x64xf32, #tpu.memory_space<vmem>>[vector<16xi32>, vector<16xi32>], vector<16xf32>,
        %add3A_440 = arith.constant 256 : i32
        %add3A_441 = arith.addi %mul3A_281, %add3A_440 : i32
        %add3A_442 = arith.constant 0 : i32
        %add3A_443 = arith.addi %add3A_441, %add3A_442 : i32
        %swap3A_444 = arith.index_cast %add3A_443 : i32 to index
        %swap3A_445 = tpu.vector_load %arg8[%swap3A_444] {strides = array<i32>} : memref<16384xf32, #tpu.memory_space<vmem>>, vector<16xf32>,
        tpu.vector_store %arg8[%swap3A_444], %gather3A_439 {strides = array<i32>} : memref<16384xf32, #tpu.memory_space<vmem>>, vector<16xf32>,
        %gather3A_446 = tpu.vector_load_idx %arg5[%broadcast_in_dim3A_237, %get3A_292] : memref<752x64xf32, #tpu.memory_space<vmem>>[vector<16xi32>, vector<16xi32>], vector<16xf32>,
        %add3A_447 = arith.constant 256 : i32
        %add3A_448 = arith.addi %mul3A_281, %add3A_447 : i32
        %add3A_449 = arith.constant 16 : i32
        %add3A_450 = arith.addi %add3A_448, %add3A_449 : i32
        %swap3A_451 = arith.index_cast %add3A_450 : i32 to index
        %swap3A_452 = tpu.vector_load %arg8[%swap3A_451] {strides = array<i32>} : memref<16384xf32, #tpu.memory_space<vmem>>, vector<16xf32>,
        tpu.vector_store %arg8[%swap3A_451], %gather3A_446 {strides = array<i32>} : memref<16384xf32, #tpu.memory_space<vmem>>, vector<16xf32>,
        %gather3A_453 = tpu.vector_load_idx %arg5[%broadcast_in_dim3A_237, %get3A_298] : memref<752x64xf32, #tpu.memory_space<vmem>>[vector<16xi32>, vector<16xi32>], vector<16xf32>,
        %add3A_454 = arith.constant 256 : i32
        %add3A_455 = arith.addi %mul3A_281, %add3A_454 : i32
        %add3A_456 = arith.constant 32 : i32
        %add3A_457 = arith.addi %add3A_455, %add3A_456 : i32
        %swap3A_458 = arith.index_cast %add3A_457 : i32 to index
        %swap3A_459 = tpu.vector_load %arg8[%swap3A_458] {strides = array<i32>} : memref<16384xf32, #tpu.memory_space<vmem>>, vector<16xf32>,
        tpu.vector_store %arg8[%swap3A_458], %gather3A_453 {strides = array<i32>} : memref<16384xf32, #tpu.memory_space<vmem>>, vector<16xf32>,
        %gather3A_460 = tpu.vector_load_idx %arg5[%broadcast_in_dim3A_237, %get3A_304] : memref<752x64xf32, #tpu.memory_space<vmem>>[vector<16xi32>, vector<16xi32>], vector<16xf32>,
        %add3A_461 = arith.constant 256 : i32
        %add3A_462 = arith.addi %mul3A_281, %add3A_461 : i32
        %add3A_463 = arith.constant 48 : i32
        %add3A_464 = arith.addi %add3A_462, %add3A_463 : i32
        %swap3A_465 = arith.index_cast %add3A_464 : i32 to index
        %swap3A_466 = tpu.vector_load %arg8[%swap3A_465] {strides = array<i32>} : memref<16384xf32, #tpu.memory_space<vmem>>, vector<16xf32>,
        tpu.vector_store %arg8[%swap3A_465], %gather3A_460 {strides = array<i32>} : memref<16384xf32, #tpu.memory_space<vmem>>, vector<16xf32>,
        %gather3A_467 = tpu.vector_load_idx %arg5[%broadcast_in_dim3A_237, %get3A_310] : memref<752x64xf32, #tpu.memory_space<vmem>>[vector<16xi32>, vector<16xi32>], vector<16xf32>,
        %add3A_468 = arith.constant 256 : i32
        %add3A_469 = arith.addi %mul3A_281, %add3A_468 : i32
        %add3A_470 = arith.constant 64 : i32
        %add3A_471 = arith.addi %add3A_469, %add3A_470 : i32
        %swap3A_472 = arith.index_cast %add3A_471 : i32 to index
        %swap3A_473 = tpu.vector_load %arg8[%swap3A_472] {strides = array<i32>} : memref<16384xf32, #tpu.memory_space<vmem>>, vector<16xf32>,
        tpu.vector_store %arg8[%swap3A_472], %gather3A_467 {strides = array<i32>} : memref<16384xf32, #tpu.memory_space<vmem>>, vector<16xf32>,
        %gather3A_474 = tpu.vector_load_idx %arg5[%broadcast_in_dim3A_237, %get3A_316] : memref<752x64xf32, #tpu.memory_space<vmem>>[vector<16xi32>, vector<16xi32>], vector<16xf32>,
        %add3A_475 = arith.constant 256 : i32
        %add3A_476 = arith.addi %mul3A_281, %add3A_475 : i32
        %add3A_477 = arith.constant 80 : i32
        %add3A_478 = arith.addi %add3A_476, %add3A_477 : i32
        %swap3A_479 = arith.index_cast %add3A_478 : i32 to index
        %swap3A_480 = tpu.vector_load %arg8[%swap3A_479] {strides = array<i32>} : memref<16384xf32, #tpu.memory_space<vmem>>, vector<16xf32>,
        tpu.vector_store %arg8[%swap3A_479], %gather3A_474 {strides = array<i32>} : memref<16384xf32, #tpu.memory_space<vmem>>, vector<16xf32>,
        %gather3A_481 = tpu.vector_load_idx %arg5[%broadcast_in_dim3A_237, %get3A_322] : memref<752x64xf32, #tpu.memory_space<vmem>>[vector<16xi32>, vector<16xi32>], vector<16xf32>,
        %add3A_482 = arith.constant 256 : i32
        %add3A_483 = arith.addi %mul3A_281, %add3A_482 : i32
        %add3A_484 = arith.constant 96 : i32
        %add3A_485 = arith.addi %add3A_483, %add3A_484 : i32
        %swap3A_486 = arith.index_cast %add3A_485 : i32 to index
        %swap3A_487 = tpu.vector_load %arg8[%swap3A_486] {strides = array<i32>} : memref<16384xf32, #tpu.memory_space<vmem>>, vector<16xf32>,
        tpu.vector_store %arg8[%swap3A_486], %gather3A_481 {strides = array<i32>} : memref<16384xf32, #tpu.memory_space<vmem>>, vector<16xf32>,
        %gather3A_488 = tpu.vector_load_idx %arg5[%broadcast_in_dim3A_237, %get3A_328] : memref<752x64xf32, #tpu.memory_space<vmem>>[vector<16xi32>, vector<16xi32>], vector<16xf32>,
        %add3A_489 = arith.constant 256 : i32
        %add3A_490 = arith.addi %mul3A_281, %add3A_489 : i32
        %add3A_491 = arith.constant 112 : i32
        %add3A_492 = arith.addi %add3A_490, %add3A_491 : i32
        %swap3A_493 = arith.index_cast %add3A_492 : i32 to index
        %swap3A_494 = tpu.vector_load %arg8[%swap3A_493] {strides = array<i32>} : memref<16384xf32, #tpu.memory_space<vmem>>, vector<16xf32>,
        tpu.vector_store %arg8[%swap3A_493], %gather3A_488 {strides = array<i32>} : memref<16384xf32, #tpu.memory_space<vmem>>, vector<16xf32>,
        %gather3A_495 = tpu.vector_load_idx %arg5[%broadcast_in_dim3A_242, %get3A_286] : memref<752x64xf32, #tpu.memory_space<vmem>>[vector<16xi32>, vector<16xi32>], vector<16xf32>,
        %add3A_496 = arith.constant 384 : i32
        %add3A_497 = arith.addi %mul3A_281, %add3A_496 : i32
        %add3A_498 = arith.constant 0 : i32
        %add3A_499 = arith.addi %add3A_497, %add3A_498 : i32
        %swap3A_500 = arith.index_cast %add3A_499 : i32 to index
        %swap3A_501 = tpu.vector_load %arg8[%swap3A_500] {strides = array<i32>} : memref<16384xf32, #tpu.memory_space<vmem>>, vector<16xf32>,
        tpu.vector_store %arg8[%swap3A_500], %gather3A_495 {strides = array<i32>} : memref<16384xf32, #tpu.memory_space<vmem>>, vector<16xf32>,
        %gather3A_502 = tpu.vector_load_idx %arg5[%broadcast_in_dim3A_242, %get3A_292] : memref<752x64xf32, #tpu.memory_space<vmem>>[vector<16xi32>, vector<16xi32>], vector<16xf32>,
        %add3A_503 = arith.constant 384 : i32
        %add3A_504 = arith.addi %mul3A_281, %add3A_503 : i32
        %add3A_505 = arith.constant 16 : i32
        %add3A_506 = arith.addi %add3A_504, %add3A_505 : i32
        %swap3A_507 = arith.index_cast %add3A_506 : i32 to index
        %swap3A_508 = tpu.vector_load %arg8[%swap3A_507] {strides = array<i32>} : memref<16384xf32, #tpu.memory_space<vmem>>, vector<16xf32>,
        tpu.vector_store %arg8[%swap3A_507], %gather3A_502 {strides = array<i32>} : memref<16384xf32, #tpu.memory_space<vmem>>, vector<16xf32>,
        %gather3A_509 = tpu.vector_load_idx %arg5[%broadcast_in_dim3A_242, %get3A_298] : memref<752x64xf32, #tpu.memory_space<vmem>>[vector<16xi32>, vector<16xi32>], vector<16xf32>,
        %add3A_510 = arith.constant 384 : i32
        %add3A_511 = arith.addi %mul3A_281, %add3A_510 : i32
        %add3A_512 = arith.constant 32 : i32
        %add3A_513 = arith.addi %add3A_511, %add3A_512 : i32
        %swap3A_514 = arith.index_cast %add3A_513 : i32 to index
        %swap3A_515 = tpu.vector_load %arg8[%swap3A_514] {strides = array<i32>} : memref<16384xf32, #tpu.memory_space<vmem>>, vector<16xf32>,
        tpu.vector_store %arg8[%swap3A_514], %gather3A_509 {strides = array<i32>} : memref<16384xf32, #tpu.memory_space<vmem>>, vector<16xf32>,
        %gather3A_516 = tpu.vector_load_idx %arg5[%broadcast_in_dim3A_242, %get3A_304] : memref<752x64xf32, #tpu.memory_space<vmem>>[vector<16xi32>, vector<16xi32>], vector<16xf32>,
        %add3A_517 = arith.constant 384 : i32
        %add3A_518 = arith.addi %mul3A_281, %add3A_517 : i32
        %add3A_519 = arith.constant 48 : i32
        %add3A_520 = arith.addi %add3A_518, %add3A_519 : i32
        %swap3A_521 = arith.index_cast %add3A_520 : i32 to index
        %swap3A_522 = tpu.vector_load %arg8[%swap3A_521] {strides = array<i32>} : memref<16384xf32, #tpu.memory_space<vmem>>, vector<16xf32>,
        tpu.vector_store %arg8[%swap3A_521], %gather3A_516 {strides = array<i32>} : memref<16384xf32, #tpu.memory_space<vmem>>, vector<16xf32>,
        %gather3A_523 = tpu.vector_load_idx %arg5[%broadcast_in_dim3A_242, %get3A_310] : memref<752x64xf32, #tpu.memory_space<vmem>>[vector<16xi32>, vector<16xi32>], vector<16xf32>,
        %add3A_524 = arith.constant 384 : i32
        %add3A_525 = arith.addi %mul3A_281, %add3A_524 : i32
        %add3A_526 = arith.constant 64 : i32
        %add3A_527 = arith.addi %add3A_525, %add3A_526 : i32
        %swap3A_528 = arith.index_cast %add3A_527 : i32 to index
        %swap3A_529 = tpu.vector_load %arg8[%swap3A_528] {strides = array<i32>} : memref<16384xf32, #tpu.memory_space<vmem>>, vector<16xf32>,
        tpu.vector_store %arg8[%swap3A_528], %gather3A_523 {strides = array<i32>} : memref<16384xf32, #tpu.memory_space<vmem>>, vector<16xf32>,
        %gather3A_530 = tpu.vector_load_idx %arg5[%broadcast_in_dim3A_242, %get3A_316] : memref<752x64xf32, #tpu.memory_space<vmem>>[vector<16xi32>, vector<16xi32>], vector<16xf32>,
        %add3A_531 = arith.constant 384 : i32
        %add3A_532 = arith.addi %mul3A_281, %add3A_531 : i32
        %add3A_533 = arith.constant 80 : i32
        %add3A_534 = arith.addi %add3A_532, %add3A_533 : i32
        %swap3A_535 = arith.index_cast %add3A_534 : i32 to index
        %swap3A_536 = tpu.vector_load %arg8[%swap3A_535] {strides = array<i32>} : memref<16384xf32, #tpu.memory_space<vmem>>, vector<16xf32>,
        tpu.vector_store %arg8[%swap3A_535], %gather3A_530 {strides = array<i32>} : memref<16384xf32, #tpu.memory_space<vmem>>, vector<16xf32>,
        %gather3A_537 = tpu.vector_load_idx %arg5[%broadcast_in_dim3A_242, %get3A_322] : memref<752x64xf32, #tpu.memory_space<vmem>>[vector<16xi32>, vector<16xi32>], vector<16xf32>,
        %add3A_538 = arith.constant 384 : i32
        %add3A_539 = arith.addi %mul3A_281, %add3A_538 : i32
        %add3A_540 = arith.constant 96 : i32
        %add3A_541 = arith.addi %add3A_539, %add3A_540 : i32
        %swap3A_542 = arith.index_cast %add3A_541 : i32 to index
        %swap3A_543 = tpu.vector_load %arg8[%swap3A_542] {strides = array<i32>} : memref<16384xf32, #tpu.memory_space<vmem>>, vector<16xf32>,
        tpu.vector_store %arg8[%swap3A_542], %gather3A_537 {strides = array<i32>} : memref<16384xf32, #tpu.memory_space<vmem>>, vector<16xf32>,
        %gather3A_544 = tpu.vector_load_idx %arg5[%broadcast_in_dim3A_242, %get3A_328] : memref<752x64xf32, #tpu.memory_space<vmem>>[vector<16xi32>, vector<16xi32>], vector<16xf32>,
        %add3A_545 = arith.constant 384 : i32
        %add3A_546 = arith.addi %mul3A_281, %add3A_545 : i32
        %add3A_547 = arith.constant 112 : i32
        %add3A_548 = arith.addi %add3A_546, %add3A_547 : i32
        %swap3A_549 = arith.index_cast %add3A_548 : i32 to index
        %swap3A_550 = tpu.vector_load %arg8[%swap3A_549] {strides = array<i32>} : memref<16384xf32, #tpu.memory_space<vmem>>, vector<16xf32>,
        tpu.vector_store %arg8[%swap3A_549], %gather3A_544 {strides = array<i32>} : memref<16384xf32, #tpu.memory_space<vmem>>, vector<16xf32>,
        %gather3A_551 = tpu.vector_load_idx %arg5[%broadcast_in_dim3A_247, %get3A_286] : memref<752x64xf32, #tpu.memory_space<vmem>>[vector<16xi32>, vector<16xi32>], vector<16xf32>,
        %add3A_552 = arith.constant 512 : i32
        %add3A_553 = arith.addi %mul3A_281, %add3A_552 : i32
        %add3A_554 = arith.constant 0 : i32
        %add3A_555 = arith.addi %add3A_553, %add3A_554 : i32
        %swap3A_556 = arith.index_cast %add3A_555 : i32 to index
        %swap3A_557 = tpu.vector_load %arg8[%swap3A_556] {strides = array<i32>} : memref<16384xf32, #tpu.memory_space<vmem>>, vector<16xf32>,
        tpu.vector_store %arg8[%swap3A_556], %gather3A_551 {strides = array<i32>} : memref<16384xf32, #tpu.memory_space<vmem>>, vector<16xf32>,
        %gather3A_558 = tpu.vector_load_idx %arg5[%broadcast_in_dim3A_247, %get3A_292] : memref<752x64xf32, #tpu.memory_space<vmem>>[vector<16xi32>, vector<16xi32>], vector<16xf32>,
        %add3A_559 = arith.constant 512 : i32
        %add3A_560 = arith.addi %mul3A_281, %add3A_559 : i32
        %add3A_561 = arith.constant 16 : i32
        %add3A_562 = arith.addi %add3A_560, %add3A_561 : i32
        %swap3A_563 = arith.index_cast %add3A_562 : i32 to index
        %swap3A_564 = tpu.vector_load %arg8[%swap3A_563] {strides = array<i32>} : memref<16384xf32, #tpu.memory_space<vmem>>, vector<16xf32>,
        tpu.vector_store %arg8[%swap3A_563], %gather3A_558 {strides = array<i32>} : memref<16384xf32, #tpu.memory_space<vmem>>, vector<16xf32>,
        %gather3A_565 = tpu.vector_load_idx %arg5[%broadcast_in_dim3A_247, %get3A_298] : memref<752x64xf32, #tpu.memory_space<vmem>>[vector<16xi32>, vector<16xi32>], vector<16xf32>,
        %add3A_566 = arith.constant 512 : i32
        %add3A_567 = arith.addi %mul3A_281, %add3A_566 : i32
        %add3A_568 = arith.constant 32 : i32
        %add3A_569 = arith.addi %add3A_567, %add3A_568 : i32
        %swap3A_570 = arith.index_cast %add3A_569 : i32 to index
        %swap3A_571 = tpu.vector_load %arg8[%swap3A_570] {strides = array<i32>} : memref<16384xf32, #tpu.memory_space<vmem>>, vector<16xf32>,
        tpu.vector_store %arg8[%swap3A_570], %gather3A_565 {strides = array<i32>} : memref<16384xf32, #tpu.memory_space<vmem>>, vector<16xf32>,
        %gather3A_572 = tpu.vector_load_idx %arg5[%broadcast_in_dim3A_247, %get3A_304] : memref<752x64xf32, #tpu.memory_space<vmem>>[vector<16xi32>, vector<16xi32>], vector<16xf32>,
        %add3A_573 = arith.constant 512 : i32
        %add3A_574 = arith.addi %mul3A_281, %add3A_573 : i32
        %add3A_575 = arith.constant 48 : i32
        %add3A_576 = arith.addi %add3A_574, %add3A_575 : i32
        %swap3A_577 = arith.index_cast %add3A_576 : i32 to index
        %swap3A_578 = tpu.vector_load %arg8[%swap3A_577] {strides = array<i32>} : memref<16384xf32, #tpu.memory_space<vmem>>, vector<16xf32>,
        tpu.vector_store %arg8[%swap3A_577], %gather3A_572 {strides = array<i32>} : memref<16384xf32, #tpu.memory_space<vmem>>, vector<16xf32>,
        %gather3A_579 = tpu.vector_load_idx %arg5[%broadcast_in_dim3A_247, %get3A_310] : memref<752x64xf32, #tpu.memory_space<vmem>>[vector<16xi32>, vector<16xi32>], vector<16xf32>,
        %add3A_580 = arith.constant 512 : i32
        %add3A_581 = arith.addi %mul3A_281, %add3A_580 : i32
        %add3A_582 = arith.constant 64 : i32
        %add3A_583 = arith.addi %add3A_581, %add3A_582 : i32
        %swap3A_584 = arith.index_cast %add3A_583 : i32 to index
        %swap3A_585 = tpu.vector_load %arg8[%swap3A_584] {strides = array<i32>} : memref<16384xf32, #tpu.memory_space<vmem>>, vector<16xf32>,
        tpu.vector_store %arg8[%swap3A_584], %gather3A_579 {strides = array<i32>} : memref<16384xf32, #tpu.memory_space<vmem>>, vector<16xf32>,
        %gather3A_586 = tpu.vector_load_idx %arg5[%broadcast_in_dim3A_247, %get3A_316] : memref<752x64xf32, #tpu.memory_space<vmem>>[vector<16xi32>, vector<16xi32>], vector<16xf32>,
        %add3A_587 = arith.constant 512 : i32
        %add3A_588 = arith.addi %mul3A_281, %add3A_587 : i32
        %add3A_589 = arith.constant 80 : i32
        %add3A_590 = arith.addi %add3A_588, %add3A_589 : i32
        %swap3A_591 = arith.index_cast %add3A_590 : i32 to index
        %swap3A_592 = tpu.vector_load %arg8[%swap3A_591] {strides = array<i32>} : memref<16384xf32, #tpu.memory_space<vmem>>, vector<16xf32>,
        tpu.vector_store %arg8[%swap3A_591], %gather3A_586 {strides = array<i32>} : memref<16384xf32, #tpu.memory_space<vmem>>, vector<16xf32>,
        %gather3A_593 = tpu.vector_load_idx %arg5[%broadcast_in_dim3A_247, %get3A_322] : memref<752x64xf32, #tpu.memory_space<vmem>>[vector<16xi32>, vector<16xi32>], vector<16xf32>,
        %add3A_594 = arith.constant 512 : i32
        %add3A_595 = arith.addi %mul3A_281, %add3A_594 : i32
        %add3A_596 = arith.constant 96 : i32
        %add3A_597 = arith.addi %add3A_595, %add3A_596 : i32
        %swap3A_598 = arith.index_cast %add3A_597 : i32 to index
        %swap3A_599 = tpu.vector_load %arg8[%swap3A_598] {strides = array<i32>} : memref<16384xf32, #tpu.memory_space<vmem>>, vector<16xf32>,
        tpu.vector_store %arg8[%swap3A_598], %gather3A_593 {strides = array<i32>} : memref<16384xf32, #tpu.memory_space<vmem>>, vector<16xf32>,
        %gather3A_600 = tpu.vector_load_idx %arg5[%broadcast_in_dim3A_247, %get3A_328] : memref<752x64xf32, #tpu.memory_space<vmem>>[vector<16xi32>, vector<16xi32>], vector<16xf32>,
        %add3A_601 = arith.constant 512 : i32
        %add3A_602 = arith.addi %mul3A_281, %add3A_601 : i32
        %add3A_603 = arith.constant 112 : i32
        %add3A_604 = arith.addi %add3A_602, %add3A_603 : i32
        %swap3A_605 = arith.index_cast %add3A_604 : i32 to index
        %swap3A_606 = tpu.vector_load %arg8[%swap3A_605] {strides = array<i32>} : memref<16384xf32, #tpu.memory_space<vmem>>, vector<16xf32>,
        tpu.vector_store %arg8[%swap3A_605], %gather3A_600 {strides = array<i32>} : memref<16384xf32, #tpu.memory_space<vmem>>, vector<16xf32>,
        %gather3A_607 = tpu.vector_load_idx %arg5[%broadcast_in_dim3A_252, %get3A_286] : memref<752x64xf32, #tpu.memory_space<vmem>>[vector<16xi32>, vector<16xi32>], vector<16xf32>,
        %add3A_608 = arith.constant 640 : i32
        %add3A_609 = arith.addi %mul3A_281, %add3A_608 : i32
        %add3A_610 = arith.constant 0 : i32
        %add3A_611 = arith.addi %add3A_609, %add3A_610 : i32
        %swap3A_612 = arith.index_cast %add3A_611 : i32 to index
        %swap3A_613 = tpu.vector_load %arg8[%swap3A_612] {strides = array<i32>} : memref<16384xf32, #tpu.memory_space<vmem>>, vector<16xf32>,
        tpu.vector_store %arg8[%swap3A_612], %gather3A_607 {strides = array<i32>} : memref<16384xf32, #tpu.memory_space<vmem>>, vector<16xf32>,
        %gather3A_614 = tpu.vector_load_idx %arg5[%broadcast_in_dim3A_252, %get3A_292] : memref<752x64xf32, #tpu.memory_space<vmem>>[vector<16xi32>, vector<16xi32>], vector<16xf32>,
        %add3A_615 = arith.constant 640 : i32
        %add3A_616 = arith.addi %mul3A_281, %add3A_615 : i32
        %add3A_617 = arith.constant 16 : i32
        %add3A_618 = arith.addi %add3A_616, %add3A_617 : i32
        %swap3A_619 = arith.index_cast %add3A_618 : i32 to index
        %swap3A_620 = tpu.vector_load %arg8[%swap3A_619] {strides = array<i32>} : memref<16384xf32, #tpu.memory_space<vmem>>, vector<16xf32>,
        tpu.vector_store %arg8[%swap3A_619], %gather3A_614 {strides = array<i32>} : memref<16384xf32, #tpu.memory_space<vmem>>, vector<16xf32>,
        %gather3A_621 = tpu.vector_load_idx %arg5[%broadcast_in_dim3A_252, %get3A_298] : memref<752x64xf32, #tpu.memory_space<vmem>>[vector<16xi32>, vector<16xi32>], vector<16xf32>,
        %add3A_622 = arith.constant 640 : i32
        %add3A_623 = arith.addi %mul3A_281, %add3A_622 : i32
        %add3A_624 = arith.constant 32 : i32
        %add3A_625 = arith.addi %add3A_623, %add3A_624 : i32
        %swap3A_626 = arith.index_cast %add3A_625 : i32 to index
        %swap3A_627 = tpu.vector_load %arg8[%swap3A_626] {strides = array<i32>} : memref<16384xf32, #tpu.memory_space<vmem>>, vector<16xf32>,
        tpu.vector_store %arg8[%swap3A_626], %gather3A_621 {strides = array<i32>} : memref<16384xf32, #tpu.memory_space<vmem>>, vector<16xf32>,
        %gather3A_628 = tpu.vector_load_idx %arg5[%broadcast_in_dim3A_252, %get3A_304] : memref<752x64xf32, #tpu.memory_space<vmem>>[vector<16xi32>, vector<16xi32>], vector<16xf32>,
        %add3A_629 = arith.constant 640 : i32
        %add3A_630 = arith.addi %mul3A_281, %add3A_629 : i32
        %add3A_631 = arith.constant 48 : i32
        %add3A_632 = arith.addi %add3A_630, %add3A_631 : i32
        %swap3A_633 = arith.index_cast %add3A_632 : i32 to index
        %swap3A_634 = tpu.vector_load %arg8[%swap3A_633] {strides = array<i32>} : memref<16384xf32, #tpu.memory_space<vmem>>, vector<16xf32>,
        tpu.vector_store %arg8[%swap3A_633], %gather3A_628 {strides = array<i32>} : memref<16384xf32, #tpu.memory_space<vmem>>, vector<16xf32>,
        %gather3A_635 = tpu.vector_load_idx %arg5[%broadcast_in_dim3A_252, %get3A_310] : memref<752x64xf32, #tpu.memory_space<vmem>>[vector<16xi32>, vector<16xi32>], vector<16xf32>,
        %add3A_636 = arith.constant 640 : i32
        %add3A_637 = arith.addi %mul3A_281, %add3A_636 : i32
        %add3A_638 = arith.constant 64 : i32
        %add3A_639 = arith.addi %add3A_637, %add3A_638 : i32
        %swap3A_640 = arith.index_cast %add3A_639 : i32 to index
        %swap3A_641 = tpu.vector_load %arg8[%swap3A_640] {strides = array<i32>} : memref<16384xf32, #tpu.memory_space<vmem>>, vector<16xf32>,
        tpu.vector_store %arg8[%swap3A_640], %gather3A_635 {strides = array<i32>} : memref<16384xf32, #tpu.memory_space<vmem>>, vector<16xf32>,
        %gather3A_642 = tpu.vector_load_idx %arg5[%broadcast_in_dim3A_252, %get3A_316] : memref<752x64xf32, #tpu.memory_space<vmem>>[vector<16xi32>, vector<16xi32>], vector<16xf32>,
        %add3A_643 = arith.constant 640 : i32
        %add3A_644 = arith.addi %mul3A_281, %add3A_643 : i32
        %add3A_645 = arith.constant 80 : i32
        %add3A_646 = arith.addi %add3A_644, %add3A_645 : i32
        %swap3A_647 = arith.index_cast %add3A_646 : i32 to index
        %swap3A_648 = tpu.vector_load %arg8[%swap3A_647] {strides = array<i32>} : memref<16384xf32, #tpu.memory_space<vmem>>, vector<16xf32>,
        tpu.vector_store %arg8[%swap3A_647], %gather3A_642 {strides = array<i32>} : memref<16384xf32, #tpu.memory_space<vmem>>, vector<16xf32>,
        %gather3A_649 = tpu.vector_load_idx %arg5[%broadcast_in_dim3A_252, %get3A_322] : memref<752x64xf32, #tpu.memory_space<vmem>>[vector<16xi32>, vector<16xi32>], vector<16xf32>,
        %add3A_650 = arith.constant 640 : i32
        %add3A_651 = arith.addi %mul3A_281, %add3A_650 : i32
        %add3A_652 = arith.constant 96 : i32
        %add3A_653 = arith.addi %add3A_651, %add3A_652 : i32
        %swap3A_654 = arith.index_cast %add3A_653 : i32 to index
        %swap3A_655 = tpu.vector_load %arg8[%swap3A_654] {strides = array<i32>} : memref<16384xf32, #tpu.memory_space<vmem>>, vector<16xf32>,
        tpu.vector_store %arg8[%swap3A_654], %gather3A_649 {strides = array<i32>} : memref<16384xf32, #tpu.memory_space<vmem>>, vector<16xf32>,
        %gather3A_656 = tpu.vector_load_idx %arg5[%broadcast_in_dim3A_252, %get3A_328] : memref<752x64xf32, #tpu.memory_space<vmem>>[vector<16xi32>, vector<16xi32>], vector<16xf32>,
        %add3A_657 = arith.constant 640 : i32
        %add3A_658 = arith.addi %mul3A_281, %add3A_657 : i32
        %add3A_659 = arith.constant 112 : i32
        %add3A_660 = arith.addi %add3A_658, %add3A_659 : i32
        %swap3A_661 = arith.index_cast %add3A_660 : i32 to index
        %swap3A_662 = tpu.vector_load %arg8[%swap3A_661] {strides = array<i32>} : memref<16384xf32, #tpu.memory_space<vmem>>, vector<16xf32>,
        tpu.vector_store %arg8[%swap3A_661], %gather3A_656 {strides = array<i32>} : memref<16384xf32, #tpu.memory_space<vmem>>, vector<16xf32>,
        %gather3A_663 = tpu.vector_load_idx %arg5[%broadcast_in_dim3A_257, %get3A_286] : memref<752x64xf32, #tpu.memory_space<vmem>>[vector<16xi32>, vector<16xi32>], vector<16xf32>,
        %add3A_664 = arith.constant 768 : i32
        %add3A_665 = arith.addi %mul3A_281, %add3A_664 : i32
        %add3A_666 = arith.constant 0 : i32
        %add3A_667 = arith.addi %add3A_665, %add3A_666 : i32
        %swap3A_668 = arith.index_cast %add3A_667 : i32 to index
        %swap3A_669 = tpu.vector_load %arg8[%swap3A_668] {strides = array<i32>} : memref<16384xf32, #tpu.memory_space<vmem>>, vector<16xf32>,
        tpu.vector_store %arg8[%swap3A_668], %gather3A_663 {strides = array<i32>} : memref<16384xf32, #tpu.memory_space<vmem>>, vector<16xf32>,
        %gather3A_670 = tpu.vector_load_idx %arg5[%broadcast_in_dim3A_257, %get3A_292] : memref<752x64xf32, #tpu.memory_space<vmem>>[vector<16xi32>, vector<16xi32>], vector<16xf32>,
        %add3A_671 = arith.constant 768 : i32
        %add3A_672 = arith.addi %mul3A_281, %add3A_671 : i32
        %add3A_673 = arith.constant 16 : i32
        %add3A_674 = arith.addi %add3A_672, %add3A_673 : i32
        %swap3A_675 = arith.index_cast %add3A_674 : i32 to index
        %swap3A_676 = tpu.vector_load %arg8[%swap3A_675] {strides = array<i32>} : memref<16384xf32, #tpu.memory_space<vmem>>, vector<16xf32>,
        tpu.vector_store %arg8[%swap3A_675], %gather3A_670 {strides = array<i32>} : memref<16384xf32, #tpu.memory_space<vmem>>, vector<16xf32>,
        %gather3A_677 = tpu.vector_load_idx %arg5[%broadcast_in_dim3A_257, %get3A_298] : memref<752x64xf32, #tpu.memory_space<vmem>>[vector<16xi32>, vector<16xi32>], vector<16xf32>,
        %add3A_678 = arith.constant 768 : i32
        %add3A_679 = arith.addi %mul3A_281, %add3A_678 : i32
        %add3A_680 = arith.constant 32 : i32
        %add3A_681 = arith.addi %add3A_679, %add3A_680 : i32
        %swap3A_682 = arith.index_cast %add3A_681 : i32 to index
        %swap3A_683 = tpu.vector_load %arg8[%swap3A_682] {strides = array<i32>} : memref<16384xf32, #tpu.memory_space<vmem>>, vector<16xf32>,
        tpu.vector_store %arg8[%swap3A_682], %gather3A_677 {strides = array<i32>} : memref<16384xf32, #tpu.memory_space<vmem>>, vector<16xf32>,
        %gather3A_684 = tpu.vector_load_idx %arg5[%broadcast_in_dim3A_257, %get3A_304] : memref<752x64xf32, #tpu.memory_space<vmem>>[vector<16xi32>, vector<16xi32>], vector<16xf32>,
        %add3A_685 = arith.constant 768 : i32
        %add3A_686 = arith.addi %mul3A_281, %add3A_685 : i32
        %add3A_687 = arith.constant 48 : i32
        %add3A_688 = arith.addi %add3A_686, %add3A_687 : i32
        %swap3A_689 = arith.index_cast %add3A_688 : i32 to index
        %swap3A_690 = tpu.vector_load %arg8[%swap3A_689] {strides = array<i32>} : memref<16384xf32, #tpu.memory_space<vmem>>, vector<16xf32>,
        tpu.vector_store %arg8[%swap3A_689], %gather3A_684 {strides = array<i32>} : memref<16384xf32, #tpu.memory_space<vmem>>, vector<16xf32>,
        %gather3A_691 = tpu.vector_load_idx %arg5[%broadcast_in_dim3A_257, %get3A_310] : memref<752x64xf32, #tpu.memory_space<vmem>>[vector<16xi32>, vector<16xi32>], vector<16xf32>,
        %add3A_692 = arith.constant 768 : i32
        %add3A_693 = arith.addi %mul3A_281, %add3A_692 : i32
        %add3A_694 = arith.constant 64 : i32
        %add3A_695 = arith.addi %add3A_693, %add3A_694 : i32
        %swap3A_696 = arith.index_cast %add3A_695 : i32 to index
        %swap3A_697 = tpu.vector_load %arg8[%swap3A_696] {strides = array<i32>} : memref<16384xf32, #tpu.memory_space<vmem>>, vector<16xf32>,
        tpu.vector_store %arg8[%swap3A_696], %gather3A_691 {strides = array<i32>} : memref<16384xf32, #tpu.memory_space<vmem>>, vector<16xf32>,
        %gather3A_698 = tpu.vector_load_idx %arg5[%broadcast_in_dim3A_257, %get3A_316] : memref<752x64xf32, #tpu.memory_space<vmem>>[vector<16xi32>, vector<16xi32>], vector<16xf32>,
        %add3A_699 = arith.constant 768 : i32
        %add3A_700 = arith.addi %mul3A_281, %add3A_699 : i32
        %add3A_701 = arith.constant 80 : i32
        %add3A_702 = arith.addi %add3A_700, %add3A_701 : i32
        %swap3A_703 = arith.index_cast %add3A_702 : i32 to index
        %swap3A_704 = tpu.vector_load %arg8[%swap3A_703] {strides = array<i32>} : memref<16384xf32, #tpu.memory_space<vmem>>, vector<16xf32>,
        tpu.vector_store %arg8[%swap3A_703], %gather3A_698 {strides = array<i32>} : memref<16384xf32, #tpu.memory_space<vmem>>, vector<16xf32>,
        %gather3A_705 = tpu.vector_load_idx %arg5[%broadcast_in_dim3A_257, %get3A_322] : memref<752x64xf32, #tpu.memory_space<vmem>>[vector<16xi32>, vector<16xi32>], vector<16xf32>,
        %add3A_706 = arith.constant 768 : i32
        %add3A_707 = arith.addi %mul3A_281, %add3A_706 : i32
        %add3A_708 = arith.constant 96 : i32
        %add3A_709 = arith.addi %add3A_707, %add3A_708 : i32
        %swap3A_710 = arith.index_cast %add3A_709 : i32 to index
        %swap3A_711 = tpu.vector_load %arg8[%swap3A_710] {strides = array<i32>} : memref<16384xf32, #tpu.memory_space<vmem>>, vector<16xf32>,
        tpu.vector_store %arg8[%swap3A_710], %gather3A_705 {strides = array<i32>} : memref<16384xf32, #tpu.memory_space<vmem>>, vector<16xf32>,
        %gather3A_712 = tpu.vector_load_idx %arg5[%broadcast_in_dim3A_257, %get3A_328] : memref<752x64xf32, #tpu.memory_space<vmem>>[vector<16xi32>, vector<16xi32>], vector<16xf32>,
        %add3A_713 = arith.constant 768 : i32
        %add3A_714 = arith.addi %mul3A_281, %add3A_713 : i32
        %add3A_715 = arith.constant 112 : i32
        %add3A_716 = arith.addi %add3A_714, %add3A_715 : i32
        %swap3A_717 = arith.index_cast %add3A_716 : i32 to index
        %swap3A_718 = tpu.vector_load %arg8[%swap3A_717] {strides = array<i32>} : memref<16384xf32, #tpu.memory_space<vmem>>, vector<16xf32>,
        tpu.vector_store %arg8[%swap3A_717], %gather3A_712 {strides = array<i32>} : memref<16384xf32, #tpu.memory_space<vmem>>, vector<16xf32>,
        %gather3A_719 = tpu.vector_load_idx %arg5[%broadcast_in_dim3A_262, %get3A_286] : memref<752x64xf32, #tpu.memory_space<vmem>>[vector<16xi32>, vector<16xi32>], vector<16xf32>,
        %add3A_720 = arith.constant 896 : i32
        %add3A_721 = arith.addi %mul3A_281, %add3A_720 : i32
        %add3A_722 = arith.constant 0 : i32
        %add3A_723 = arith.addi %add3A_721, %add3A_722 : i32
        %swap3A_724 = arith.index_cast %add3A_723 : i32 to index
        %swap3A_725 = tpu.vector_load %arg8[%swap3A_724] {strides = array<i32>} : memref<16384xf32, #tpu.memory_space<vmem>>, vector<16xf32>,
        tpu.vector_store %arg8[%swap3A_724], %gather3A_719 {strides = array<i32>} : memref<16384xf32, #tpu.memory_space<vmem>>, vector<16xf32>,
        %gather3A_726 = tpu.vector_load_idx %arg5[%broadcast_in_dim3A_262, %get3A_292] : memref<752x64xf32, #tpu.memory_space<vmem>>[vector<16xi32>, vector<16xi32>], vector<16xf32>,
        %add3A_727 = arith.constant 896 : i32
        %add3A_728 = arith.addi %mul3A_281, %add3A_727 : i32
        %add3A_729 = arith.constant 16 : i32
        %add3A_730 = arith.addi %add3A_728, %add3A_729 : i32
        %swap3A_731 = arith.index_cast %add3A_730 : i32 to index
        %swap3A_732 = tpu.vector_load %arg8[%swap3A_731] {strides = array<i32>} : memref<16384xf32, #tpu.memory_space<vmem>>, vector<16xf32>,
        tpu.vector_store %arg8[%swap3A_731], %gather3A_726 {strides = array<i32>} : memref<16384xf32, #tpu.memory_space<vmem>>, vector<16xf32>,
        %gather3A_733 = tpu.vector_load_idx %arg5[%broadcast_in_dim3A_262, %get3A_298] : memref<752x64xf32, #tpu.memory_space<vmem>>[vector<16xi32>, vector<16xi32>], vector<16xf32>,
        %add3A_734 = arith.constant 896 : i32
        %add3A_735 = arith.addi %mul3A_281, %add3A_734 : i32
        %add3A_736 = arith.constant 32 : i32
        %add3A_737 = arith.addi %add3A_735, %add3A_736 : i32
        %swap3A_738 = arith.index_cast %add3A_737 : i32 to index
        %swap3A_739 = tpu.vector_load %arg8[%swap3A_738] {strides = array<i32>} : memref<16384xf32, #tpu.memory_space<vmem>>, vector<16xf32>,
        tpu.vector_store %arg8[%swap3A_738], %gather3A_733 {strides = array<i32>} : memref<16384xf32, #tpu.memory_space<vmem>>, vector<16xf32>,
        %gather3A_740 = tpu.vector_load_idx %arg5[%broadcast_in_dim3A_262, %get3A_304] : memref<752x64xf32, #tpu.memory_space<vmem>>[vector<16xi32>, vector<16xi32>], vector<16xf32>,
        %add3A_741 = arith.constant 896 : i32
        %add3A_742 = arith.addi %mul3A_281, %add3A_741 : i32
        %add3A_743 = arith.constant 48 : i32
        %add3A_744 = arith.addi %add3A_742, %add3A_743 : i32
        %swap3A_745 = arith.index_cast %add3A_744 : i32 to index
        %swap3A_746 = tpu.vector_load %arg8[%swap3A_745] {strides = array<i32>} : memref<16384xf32, #tpu.memory_space<vmem>>, vector<16xf32>,
        tpu.vector_store %arg8[%swap3A_745], %gather3A_740 {strides = array<i32>} : memref<16384xf32, #tpu.memory_space<vmem>>, vector<16xf32>,
        %gather3A_747 = tpu.vector_load_idx %arg5[%broadcast_in_dim3A_262, %get3A_310] : memref<752x64xf32, #tpu.memory_space<vmem>>[vector<16xi32>, vector<16xi32>], vector<16xf32>,
        %add3A_748 = arith.constant 896 : i32
        %add3A_749 = arith.addi %mul3A_281, %add3A_748 : i32
        %add3A_750 = arith.constant 64 : i32
        %add3A_751 = arith.addi %add3A_749, %add3A_750 : i32
        %swap3A_752 = arith.index_cast %add3A_751 : i32 to index
        %swap3A_753 = tpu.vector_load %arg8[%swap3A_752] {strides = array<i32>} : memref<16384xf32, #tpu.memory_space<vmem>>, vector<16xf32>,
        tpu.vector_store %arg8[%swap3A_752], %gather3A_747 {strides = array<i32>} : memref<16384xf32, #tpu.memory_space<vmem>>, vector<16xf32>,
        %gather3A_754 = tpu.vector_load_idx %arg5[%broadcast_in_dim3A_262, %get3A_316] : memref<752x64xf32, #tpu.memory_space<vmem>>[vector<16xi32>, vector<16xi32>], vector<16xf32>,
        %add3A_755 = arith.constant 896 : i32
        %add3A_756 = arith.addi %mul3A_281, %add3A_755 : i32
        %add3A_757 = arith.constant 80 : i32
        %add3A_758 = arith.addi %add3A_756, %add3A_757 : i32
        %swap3A_759 = arith.index_cast %add3A_758 : i32 to index
        %swap3A_760 = tpu.vector_load %arg8[%swap3A_759] {strides = array<i32>} : memref<16384xf32, #tpu.memory_space<vmem>>, vector<16xf32>,
        tpu.vector_store %arg8[%swap3A_759], %gather3A_754 {strides = array<i32>} : memref<16384xf32, #tpu.memory_space<vmem>>, vector<16xf32>,
        %gather3A_761 = tpu.vector_load_idx %arg5[%broadcast_in_dim3A_262, %get3A_322] : memref<752x64xf32, #tpu.memory_space<vmem>>[vector<16xi32>, vector<16xi32>], vector<16xf32>,
        %add3A_762 = arith.constant 896 : i32
        %add3A_763 = arith.addi %mul3A_281, %add3A_762 : i32
        %add3A_764 = arith.constant 96 : i32
        %add3A_765 = arith.addi %add3A_763, %add3A_764 : i32
        %swap3A_766 = arith.index_cast %add3A_765 : i32 to index
        %swap3A_767 = tpu.vector_load %arg8[%swap3A_766] {strides = array<i32>} : memref<16384xf32, #tpu.memory_space<vmem>>, vector<16xf32>,
        tpu.vector_store %arg8[%swap3A_766], %gather3A_761 {strides = array<i32>} : memref<16384xf32, #tpu.memory_space<vmem>>, vector<16xf32>,
        %gather3A_768 = tpu.vector_load_idx %arg5[%broadcast_in_dim3A_262, %get3A_328] : memref<752x64xf32, #tpu.memory_space<vmem>>[vector<16xi32>, vector<16xi32>], vector<16xf32>,
        %add3A_769 = arith.constant 896 : i32
        %add3A_770 = arith.addi %mul3A_281, %add3A_769 : i32
        %add3A_771 = arith.constant 112 : i32
        %add3A_772 = arith.addi %add3A_770, %add3A_771 : i32
        %swap3A_773 = arith.index_cast %add3A_772 : i32 to index
        %swap3A_774 = tpu.vector_load %arg8[%swap3A_773] {strides = array<i32>} : memref<16384xf32, #tpu.memory_space<vmem>>, vector<16xf32>,
        tpu.vector_store %arg8[%swap3A_773], %gather3A_768 {strides = array<i32>} : memref<16384xf32, #tpu.memory_space<vmem>>, vector<16xf32>,
      }
      %scan3A_268 = arith.constant 16 : i32
      %add3A_269 = arith.constant 1 : i32
      %add3A_270 = arith.addi %mul3A_146, %add3A_269 : i32
      %add3A_271 = arith.addi %select_n3A_61, %add3A_270 : i32
      %mul3A_272 = arith.constant 128 : i32
      %mul3A_273 = arith.muli %add3A_271, %mul3A_272 : i32
      %add3A_274 = arith.addi %mul3A_273, %mul3A_34 : i32
      %mul3A_275 = arith.constant 1024 : i32
      %mul3A_276 = arith.muli %add3A_274, %mul3A_275 : i32
      %dma_start3A_277 = tpu.memref_slice %arg4[%mul3A_276] : memref<49152000xf32, #tpu.memory_space<hbm>> -> memref<16384xf32, #tpu.memory_space<hbm>>
      %dma_start3A_278 = tpu.memref_slice %arg4[%mul3A_276] : memref<49152000xf32, #tpu.memory_space<hbm>> -> memref<16384xf32, #tpu.memory_space<hbm>>
      tpu.enqueue_dma source(%arg8 : memref<16384xf32, #tpu.memory_space<vmem>>) target(%dma_start3A_278 : memref<16384xf32, #tpu.memory_space<hbm>>) target_semaphore(%arg10 : memref<!tpu.dma_semaphore, #tpu.memory_space<semaphore_mem>>)
    }
    %scan3A_126 = arith.constant 46 : i32
    %add3A_127 = arith.constant 92 : i32
    %add3A_128 = arith.addi %select_n3A_61, %add3A_127 : i32
    %mul3A_129 = arith.constant 128 : i32
    %mul3A_130 = arith.muli %add3A_128, %mul3A_129 : i32
    %add3A_131 = arith.addi %mul3A_130, %mul3A_34 : i32
    %mul3A_132 = arith.constant 1024 : i32
    %mul3A_133 = arith.muli %add3A_131, %mul3A_132 : i32
    %dma_wait3A = tpu.memref_slice %arg4[%mul3A_133] : memref<49152000xf32, #tpu.memory_space<hbm>> -> memref<16384xf32, #tpu.memory_space<hbm>>
    %dma_wait3A_134 = tpu.memref_slice %arg4[%mul3A_133] : memref<49152000xf32, #tpu.memory_space<hbm>> -> memref<16384xf32, #tpu.memory_space<hbm>>
    tpu.wait_dma2 semaphore(%arg9 : memref<!tpu.dma_semaphore, #tpu.memory_space<semaphore_mem>>) src(%arg7 : memref<16384xf32, #tpu.memory_space<vmem>>) dst(%dma_wait3A_134 : memref<16384xf32, #tpu.memory_space<hbm>>)
    %add3A_135 = arith.constant 93 : i32
    %add3A_136 = arith.addi %select_n3A_61, %add3A_135 : i32
    %mul3A_137 = arith.constant 128 : i32
    %mul3A_138 = arith.muli %add3A_136, %mul3A_137 : i32
    %add3A_139 = arith.addi %mul3A_138, %mul3A_34 : i32
    %mul3A_140 = arith.constant 1024 : i32
    %mul3A_141 = arith.muli %add3A_139, %mul3A_140 : i32
    %dma_wait3A_142 = tpu.memref_slice %arg4[%mul3A_141] : memref<49152000xf32, #tpu.memory_space<hbm>> -> memref<16384xf32, #tpu.memory_space<hbm>>
    %dma_wait3A_143 = tpu.memref_slice %arg4[%mul3A_141] : memref<49152000xf32, #tpu.memory_space<hbm>> -> memref<16384xf32, #tpu.memory_space<hbm>>
    tpu.wait_dma2 semaphore(%arg10 : memref<!tpu.dma_semaphore, #tpu.memory_space<semaphore_mem>>) src(%arg8 : memref<16384xf32, #tpu.memory_space<vmem>>) dst(%dma_wait3A_143 : memref<16384xf32, #tpu.memory_space<hbm>>)
    return
  }
}

module attributes {stable_mosaic.version = 14 : i64} {
  func.func @_argmin_body(%arg0: i32, %arg1: memref<1024x128xf32, #tpu.memory_space<vmem>>, %arg2: memref<64x128xf32, #tpu.memory_space<vmem>>, %arg3: memref<1x1x1024xi32, #tpu.memory_space<vmem>>) attributes {dimension_semantics = [#tpu.dimension_semantics<arbitrary>], iteration_bounds = array<i64: 16>, scalar_prefetch = 0 : i64, scratch_operands = 0 : i64, tpu.core_type = #tpu.core_type<tc>, window_params = [{transform_indices = @transform_0, window_bounds = array<i64: 1024, 128>}, {pipeline_mode = #tpu.pipeline_mode<synchronous>, transform_indices = @transform_1, window_bounds = array<i64: 64, 128>}, {transform_indices = @transform_2, window_bounds = array<i64: 1, 1, 1024>}]} {
    %get3A = arith.constant 0 : index
    %get3A_0 = arith.constant 0 : index
    %get3A_1 = vector.load %arg1[%get3A, %get3A_0] : memref<1024x128xf32, #tpu.memory_space<vmem>>, vector<1024x128xf32>
    %broadcast_in_dim3A = arith.constant 0x7F800000 : f32
    %broadcast_in_dim3A_2 = vector.broadcast %broadcast_in_dim3A : f32 to vector<1024xf32>
    %broadcast_in_dim3A_3 = arith.constant 0 : i32
    %broadcast_in_dim3A_4 = vector.broadcast %broadcast_in_dim3A_3 : i32 to vector<1024xi32>
    %get3A_5 = arith.constant 0 : index
    %get3A_6 = arith.constant 0 : index
    %get3A_7 = vector.load %arg2[%get3A_5, %get3A_6] : memref<64x128xf32, #tpu.memory_space<vmem>>, vector<1x128xf32>
    %get3A_8 = vector.shape_cast %get3A_7 : vector<1x128xf32> to vector<128xf32>
    %broadcast_in_dim3A_9 = vector.shape_cast %get3A_8 : vector<128xf32> to vector<1x128xf32>
    %sub3A = vector.broadcast %broadcast_in_dim3A_9 : vector<1x128xf32> to vector<1024x128xf32>
    %sub3A_10 = arith.subf %sub3A, %get3A_1 : vector<1024x128xf32>
    %mul3A = arith.mulf %sub3A_10, %sub3A_10 : vector<1024x128xf32>
    %reduce_sum3A = arith.constant dense<0.000000e+00> : vector<1024xf32>
    %reduce_sum3A_11 = vector.multi_reduction <add>, %mul3A, %reduce_sum3A [1] : vector<1024x128xf32> to vector<1024xf32>
    %sqrt3A = math.sqrt %reduce_sum3A_11 : vector<1024xf32>
    %lt3A = arith.cmpf olt, %sqrt3A, %broadcast_in_dim3A_2 : vector<1024xf32>
    %select_n3A = arith.select %lt3A, %sqrt3A, %broadcast_in_dim3A_2 : vector<1024xi1>, vector<1024xf32>
    %jit3A = arith.constant 0 : i32
    %broadcast_in_dim3A_12 = vector.broadcast %jit3A : i32 to vector<1024xi32>
    %select_n3A_13 = arith.select %lt3A, %broadcast_in_dim3A_12, %broadcast_in_dim3A_4 : vector<1024xi1>, vector<1024xi32>
    %get3A_14 = arith.constant 1 : index
    %get3A_15 = arith.constant 0 : index
    %get3A_16 = vector.load %arg2[%get3A_14, %get3A_15] : memref<64x128xf32, #tpu.memory_space<vmem>>, vector<1x128xf32>
    %get3A_17 = vector.shape_cast %get3A_16 : vector<1x128xf32> to vector<128xf32>
    %broadcast_in_dim3A_18 = vector.shape_cast %get3A_17 : vector<128xf32> to vector<1x128xf32>
    %sub3A_19 = vector.broadcast %broadcast_in_dim3A_18 : vector<1x128xf32> to vector<1024x128xf32>
    %sub3A_20 = arith.subf %sub3A_19, %get3A_1 : vector<1024x128xf32>
    %mul3A_21 = arith.mulf %sub3A_20, %sub3A_20 : vector<1024x128xf32>
    %reduce_sum3A_22 = arith.constant dense<0.000000e+00> : vector<1024xf32>
    %reduce_sum3A_23 = vector.multi_reduction <add>, %mul3A_21, %reduce_sum3A_22 [1] : vector<1024x128xf32> to vector<1024xf32>
    %sqrt3A_24 = math.sqrt %reduce_sum3A_23 : vector<1024xf32>
    %lt3A_25 = arith.cmpf olt, %sqrt3A_24, %select_n3A : vector<1024xf32>
    %select_n3A_26 = arith.select %lt3A_25, %sqrt3A_24, %select_n3A : vector<1024xi1>, vector<1024xf32>
    %jit3A_27 = arith.constant 1 : i32
    %broadcast_in_dim3A_28 = vector.broadcast %jit3A_27 : i32 to vector<1024xi32>
    %select_n3A_29 = arith.select %lt3A_25, %broadcast_in_dim3A_28, %select_n3A_13 : vector<1024xi1>, vector<1024xi32>
    %get3A_30 = arith.constant 2 : index
    %get3A_31 = arith.constant 0 : index
    %get3A_32 = vector.load %arg2[%get3A_30, %get3A_31] : memref<64x128xf32, #tpu.memory_space<vmem>>, vector<1x128xf32>
    %get3A_33 = vector.shape_cast %get3A_32 : vector<1x128xf32> to vector<128xf32>
    %broadcast_in_dim3A_34 = vector.shape_cast %get3A_33 : vector<128xf32> to vector<1x128xf32>
    %sub3A_35 = vector.broadcast %broadcast_in_dim3A_34 : vector<1x128xf32> to vector<1024x128xf32>
    %sub3A_36 = arith.subf %sub3A_35, %get3A_1 : vector<1024x128xf32>
    %mul3A_37 = arith.mulf %sub3A_36, %sub3A_36 : vector<1024x128xf32>
    %reduce_sum3A_38 = arith.constant dense<0.000000e+00> : vector<1024xf32>
    %reduce_sum3A_39 = vector.multi_reduction <add>, %mul3A_37, %reduce_sum3A_38 [1] : vector<1024x128xf32> to vector<1024xf32>
    %sqrt3A_40 = math.sqrt %reduce_sum3A_39 : vector<1024xf32>
    %lt3A_41 = arith.cmpf olt, %sqrt3A_40, %select_n3A_26 : vector<1024xf32>
    %select_n3A_42 = arith.select %lt3A_41, %sqrt3A_40, %select_n3A_26 : vector<1024xi1>, vector<1024xf32>
    %jit3A_43 = arith.constant 2 : i32
    %broadcast_in_dim3A_44 = vector.broadcast %jit3A_43 : i32 to vector<1024xi32>
    %select_n3A_45 = arith.select %lt3A_41, %broadcast_in_dim3A_44, %select_n3A_29 : vector<1024xi1>, vector<1024xi32>
    %get3A_46 = arith.constant 3 : index
    %get3A_47 = arith.constant 0 : index
    %get3A_48 = vector.load %arg2[%get3A_46, %get3A_47] : memref<64x128xf32, #tpu.memory_space<vmem>>, vector<1x128xf32>
    %get3A_49 = vector.shape_cast %get3A_48 : vector<1x128xf32> to vector<128xf32>
    %broadcast_in_dim3A_50 = vector.shape_cast %get3A_49 : vector<128xf32> to vector<1x128xf32>
    %sub3A_51 = vector.broadcast %broadcast_in_dim3A_50 : vector<1x128xf32> to vector<1024x128xf32>
    %sub3A_52 = arith.subf %sub3A_51, %get3A_1 : vector<1024x128xf32>
    %mul3A_53 = arith.mulf %sub3A_52, %sub3A_52 : vector<1024x128xf32>
    %reduce_sum3A_54 = arith.constant dense<0.000000e+00> : vector<1024xf32>
    %reduce_sum3A_55 = vector.multi_reduction <add>, %mul3A_53, %reduce_sum3A_54 [1] : vector<1024x128xf32> to vector<1024xf32>
    %sqrt3A_56 = math.sqrt %reduce_sum3A_55 : vector<1024xf32>
    %lt3A_57 = arith.cmpf olt, %sqrt3A_56, %select_n3A_42 : vector<1024xf32>
    %select_n3A_58 = arith.select %lt3A_57, %sqrt3A_56, %select_n3A_42 : vector<1024xi1>, vector<1024xf32>
    %jit3A_59 = arith.constant 3 : i32
    %broadcast_in_dim3A_60 = vector.broadcast %jit3A_59 : i32 to vector<1024xi32>
    %select_n3A_61 = arith.select %lt3A_57, %broadcast_in_dim3A_60, %select_n3A_45 : vector<1024xi1>, vector<1024xi32>
    %get3A_62 = arith.constant 4 : index
    %get3A_63 = arith.constant 0 : index
    %get3A_64 = vector.load %arg2[%get3A_62, %get3A_63] : memref<64x128xf32, #tpu.memory_space<vmem>>, vector<1x128xf32>
    %get3A_65 = vector.shape_cast %get3A_64 : vector<1x128xf32> to vector<128xf32>
    %broadcast_in_dim3A_66 = vector.shape_cast %get3A_65 : vector<128xf32> to vector<1x128xf32>
    %sub3A_67 = vector.broadcast %broadcast_in_dim3A_66 : vector<1x128xf32> to vector<1024x128xf32>
    %sub3A_68 = arith.subf %sub3A_67, %get3A_1 : vector<1024x128xf32>
    %mul3A_69 = arith.mulf %sub3A_68, %sub3A_68 : vector<1024x128xf32>
    %reduce_sum3A_70 = arith.constant dense<0.000000e+00> : vector<1024xf32>
    %reduce_sum3A_71 = vector.multi_reduction <add>, %mul3A_69, %reduce_sum3A_70 [1] : vector<1024x128xf32> to vector<1024xf32>
    %sqrt3A_72 = math.sqrt %reduce_sum3A_71 : vector<1024xf32>
    %lt3A_73 = arith.cmpf olt, %sqrt3A_72, %select_n3A_58 : vector<1024xf32>
    %select_n3A_74 = arith.select %lt3A_73, %sqrt3A_72, %select_n3A_58 : vector<1024xi1>, vector<1024xf32>
    %jit3A_75 = arith.constant 4 : i32
    %broadcast_in_dim3A_76 = vector.broadcast %jit3A_75 : i32 to vector<1024xi32>
    %select_n3A_77 = arith.select %lt3A_73, %broadcast_in_dim3A_76, %select_n3A_61 : vector<1024xi1>, vector<1024xi32>
    %get3A_78 = arith.constant 5 : index
    %get3A_79 = arith.constant 0 : index
    %get3A_80 = vector.load %arg2[%get3A_78, %get3A_79] : memref<64x128xf32, #tpu.memory_space<vmem>>, vector<1x128xf32>
    %get3A_81 = vector.shape_cast %get3A_80 : vector<1x128xf32> to vector<128xf32>
    %broadcast_in_dim3A_82 = vector.shape_cast %get3A_81 : vector<128xf32> to vector<1x128xf32>
    %sub3A_83 = vector.broadcast %broadcast_in_dim3A_82 : vector<1x128xf32> to vector<1024x128xf32>
    %sub3A_84 = arith.subf %sub3A_83, %get3A_1 : vector<1024x128xf32>
    %mul3A_85 = arith.mulf %sub3A_84, %sub3A_84 : vector<1024x128xf32>
    %reduce_sum3A_86 = arith.constant dense<0.000000e+00> : vector<1024xf32>
    %reduce_sum3A_87 = vector.multi_reduction <add>, %mul3A_85, %reduce_sum3A_86 [1] : vector<1024x128xf32> to vector<1024xf32>
    %sqrt3A_88 = math.sqrt %reduce_sum3A_87 : vector<1024xf32>
    %lt3A_89 = arith.cmpf olt, %sqrt3A_88, %select_n3A_74 : vector<1024xf32>
    %select_n3A_90 = arith.select %lt3A_89, %sqrt3A_88, %select_n3A_74 : vector<1024xi1>, vector<1024xf32>
    %jit3A_91 = arith.constant 5 : i32
    %broadcast_in_dim3A_92 = vector.broadcast %jit3A_91 : i32 to vector<1024xi32>
    %select_n3A_93 = arith.select %lt3A_89, %broadcast_in_dim3A_92, %select_n3A_77 : vector<1024xi1>, vector<1024xi32>
    %get3A_94 = arith.constant 6 : index
    %get3A_95 = arith.constant 0 : index
    %get3A_96 = vector.load %arg2[%get3A_94, %get3A_95] : memref<64x128xf32, #tpu.memory_space<vmem>>, vector<1x128xf32>
    %get3A_97 = vector.shape_cast %get3A_96 : vector<1x128xf32> to vector<128xf32>
    %broadcast_in_dim3A_98 = vector.shape_cast %get3A_97 : vector<128xf32> to vector<1x128xf32>
    %sub3A_99 = vector.broadcast %broadcast_in_dim3A_98 : vector<1x128xf32> to vector<1024x128xf32>
    %sub3A_100 = arith.subf %sub3A_99, %get3A_1 : vector<1024x128xf32>
    %mul3A_101 = arith.mulf %sub3A_100, %sub3A_100 : vector<1024x128xf32>
    %reduce_sum3A_102 = arith.constant dense<0.000000e+00> : vector<1024xf32>
    %reduce_sum3A_103 = vector.multi_reduction <add>, %mul3A_101, %reduce_sum3A_102 [1] : vector<1024x128xf32> to vector<1024xf32>
    %sqrt3A_104 = math.sqrt %reduce_sum3A_103 : vector<1024xf32>
    %lt3A_105 = arith.cmpf olt, %sqrt3A_104, %select_n3A_90 : vector<1024xf32>
    %select_n3A_106 = arith.select %lt3A_105, %sqrt3A_104, %select_n3A_90 : vector<1024xi1>, vector<1024xf32>
    %jit3A_107 = arith.constant 6 : i32
    %broadcast_in_dim3A_108 = vector.broadcast %jit3A_107 : i32 to vector<1024xi32>
    %select_n3A_109 = arith.select %lt3A_105, %broadcast_in_dim3A_108, %select_n3A_93 : vector<1024xi1>, vector<1024xi32>
    %get3A_110 = arith.constant 7 : index
    %get3A_111 = arith.constant 0 : index
    %get3A_112 = vector.load %arg2[%get3A_110, %get3A_111] : memref<64x128xf32, #tpu.memory_space<vmem>>, vector<1x128xf32>
    %get3A_113 = vector.shape_cast %get3A_112 : vector<1x128xf32> to vector<128xf32>
    %broadcast_in_dim3A_114 = vector.shape_cast %get3A_113 : vector<128xf32> to vector<1x128xf32>
    %sub3A_115 = vector.broadcast %broadcast_in_dim3A_114 : vector<1x128xf32> to vector<1024x128xf32>
    %sub3A_116 = arith.subf %sub3A_115, %get3A_1 : vector<1024x128xf32>
    %mul3A_117 = arith.mulf %sub3A_116, %sub3A_116 : vector<1024x128xf32>
    %reduce_sum3A_118 = arith.constant dense<0.000000e+00> : vector<1024xf32>
    %reduce_sum3A_119 = vector.multi_reduction <add>, %mul3A_117, %reduce_sum3A_118 [1] : vector<1024x128xf32> to vector<1024xf32>
    %sqrt3A_120 = math.sqrt %reduce_sum3A_119 : vector<1024xf32>
    %lt3A_121 = arith.cmpf olt, %sqrt3A_120, %select_n3A_106 : vector<1024xf32>
    %select_n3A_122 = arith.select %lt3A_121, %sqrt3A_120, %select_n3A_106 : vector<1024xi1>, vector<1024xf32>
    %jit3A_123 = arith.constant 7 : i32
    %broadcast_in_dim3A_124 = vector.broadcast %jit3A_123 : i32 to vector<1024xi32>
    %select_n3A_125 = arith.select %lt3A_121, %broadcast_in_dim3A_124, %select_n3A_109 : vector<1024xi1>, vector<1024xi32>
    %get3A_126 = arith.constant 8 : index
    %get3A_127 = arith.constant 0 : index
    %get3A_128 = vector.load %arg2[%get3A_126, %get3A_127] : memref<64x128xf32, #tpu.memory_space<vmem>>, vector<1x128xf32>
    %get3A_129 = vector.shape_cast %get3A_128 : vector<1x128xf32> to vector<128xf32>
    %broadcast_in_dim3A_130 = vector.shape_cast %get3A_129 : vector<128xf32> to vector<1x128xf32>
    %sub3A_131 = vector.broadcast %broadcast_in_dim3A_130 : vector<1x128xf32> to vector<1024x128xf32>
    %sub3A_132 = arith.subf %sub3A_131, %get3A_1 : vector<1024x128xf32>
    %mul3A_133 = arith.mulf %sub3A_132, %sub3A_132 : vector<1024x128xf32>
    %reduce_sum3A_134 = arith.constant dense<0.000000e+00> : vector<1024xf32>
    %reduce_sum3A_135 = vector.multi_reduction <add>, %mul3A_133, %reduce_sum3A_134 [1] : vector<1024x128xf32> to vector<1024xf32>
    %sqrt3A_136 = math.sqrt %reduce_sum3A_135 : vector<1024xf32>
    %lt3A_137 = arith.cmpf olt, %sqrt3A_136, %select_n3A_122 : vector<1024xf32>
    %select_n3A_138 = arith.select %lt3A_137, %sqrt3A_136, %select_n3A_122 : vector<1024xi1>, vector<1024xf32>
    %jit3A_139 = arith.constant 8 : i32
    %broadcast_in_dim3A_140 = vector.broadcast %jit3A_139 : i32 to vector<1024xi32>
    %select_n3A_141 = arith.select %lt3A_137, %broadcast_in_dim3A_140, %select_n3A_125 : vector<1024xi1>, vector<1024xi32>
    %get3A_142 = arith.constant 9 : index
    %get3A_143 = arith.constant 0 : index
    %get3A_144 = vector.load %arg2[%get3A_142, %get3A_143] : memref<64x128xf32, #tpu.memory_space<vmem>>, vector<1x128xf32>
    %get3A_145 = vector.shape_cast %get3A_144 : vector<1x128xf32> to vector<128xf32>
    %broadcast_in_dim3A_146 = vector.shape_cast %get3A_145 : vector<128xf32> to vector<1x128xf32>
    %sub3A_147 = vector.broadcast %broadcast_in_dim3A_146 : vector<1x128xf32> to vector<1024x128xf32>
    %sub3A_148 = arith.subf %sub3A_147, %get3A_1 : vector<1024x128xf32>
    %mul3A_149 = arith.mulf %sub3A_148, %sub3A_148 : vector<1024x128xf32>
    %reduce_sum3A_150 = arith.constant dense<0.000000e+00> : vector<1024xf32>
    %reduce_sum3A_151 = vector.multi_reduction <add>, %mul3A_149, %reduce_sum3A_150 [1] : vector<1024x128xf32> to vector<1024xf32>
    %sqrt3A_152 = math.sqrt %reduce_sum3A_151 : vector<1024xf32>
    %lt3A_153 = arith.cmpf olt, %sqrt3A_152, %select_n3A_138 : vector<1024xf32>
    %select_n3A_154 = arith.select %lt3A_153, %sqrt3A_152, %select_n3A_138 : vector<1024xi1>, vector<1024xf32>
    %jit3A_155 = arith.constant 9 : i32
    %broadcast_in_dim3A_156 = vector.broadcast %jit3A_155 : i32 to vector<1024xi32>
    %select_n3A_157 = arith.select %lt3A_153, %broadcast_in_dim3A_156, %select_n3A_141 : vector<1024xi1>, vector<1024xi32>
    %get3A_158 = arith.constant 10 : index
    %get3A_159 = arith.constant 0 : index
    %get3A_160 = vector.load %arg2[%get3A_158, %get3A_159] : memref<64x128xf32, #tpu.memory_space<vmem>>, vector<1x128xf32>
    %get3A_161 = vector.shape_cast %get3A_160 : vector<1x128xf32> to vector<128xf32>
    %broadcast_in_dim3A_162 = vector.shape_cast %get3A_161 : vector<128xf32> to vector<1x128xf32>
    %sub3A_163 = vector.broadcast %broadcast_in_dim3A_162 : vector<1x128xf32> to vector<1024x128xf32>
    %sub3A_164 = arith.subf %sub3A_163, %get3A_1 : vector<1024x128xf32>
    %mul3A_165 = arith.mulf %sub3A_164, %sub3A_164 : vector<1024x128xf32>
    %reduce_sum3A_166 = arith.constant dense<0.000000e+00> : vector<1024xf32>
    %reduce_sum3A_167 = vector.multi_reduction <add>, %mul3A_165, %reduce_sum3A_166 [1] : vector<1024x128xf32> to vector<1024xf32>
    %sqrt3A_168 = math.sqrt %reduce_sum3A_167 : vector<1024xf32>
    %lt3A_169 = arith.cmpf olt, %sqrt3A_168, %select_n3A_154 : vector<1024xf32>
    %select_n3A_170 = arith.select %lt3A_169, %sqrt3A_168, %select_n3A_154 : vector<1024xi1>, vector<1024xf32>
    %jit3A_171 = arith.constant 10 : i32
    %broadcast_in_dim3A_172 = vector.broadcast %jit3A_171 : i32 to vector<1024xi32>
    %select_n3A_173 = arith.select %lt3A_169, %broadcast_in_dim3A_172, %select_n3A_157 : vector<1024xi1>, vector<1024xi32>
    %get3A_174 = arith.constant 11 : index
    %get3A_175 = arith.constant 0 : index
    %get3A_176 = vector.load %arg2[%get3A_174, %get3A_175] : memref<64x128xf32, #tpu.memory_space<vmem>>, vector<1x128xf32>
    %get3A_177 = vector.shape_cast %get3A_176 : vector<1x128xf32> to vector<128xf32>
    %broadcast_in_dim3A_178 = vector.shape_cast %get3A_177 : vector<128xf32> to vector<1x128xf32>
    %sub3A_179 = vector.broadcast %broadcast_in_dim3A_178 : vector<1x128xf32> to vector<1024x128xf32>
    %sub3A_180 = arith.subf %sub3A_179, %get3A_1 : vector<1024x128xf32>
    %mul3A_181 = arith.mulf %sub3A_180, %sub3A_180 : vector<1024x128xf32>
    %reduce_sum3A_182 = arith.constant dense<0.000000e+00> : vector<1024xf32>
    %reduce_sum3A_183 = vector.multi_reduction <add>, %mul3A_181, %reduce_sum3A_182 [1] : vector<1024x128xf32> to vector<1024xf32>
    %sqrt3A_184 = math.sqrt %reduce_sum3A_183 : vector<1024xf32>
    %lt3A_185 = arith.cmpf olt, %sqrt3A_184, %select_n3A_170 : vector<1024xf32>
    %select_n3A_186 = arith.select %lt3A_185, %sqrt3A_184, %select_n3A_170 : vector<1024xi1>, vector<1024xf32>
    %jit3A_187 = arith.constant 11 : i32
    %broadcast_in_dim3A_188 = vector.broadcast %jit3A_187 : i32 to vector<1024xi32>
    %select_n3A_189 = arith.select %lt3A_185, %broadcast_in_dim3A_188, %select_n3A_173 : vector<1024xi1>, vector<1024xi32>
    %get3A_190 = arith.constant 12 : index
    %get3A_191 = arith.constant 0 : index
    %get3A_192 = vector.load %arg2[%get3A_190, %get3A_191] : memref<64x128xf32, #tpu.memory_space<vmem>>, vector<1x128xf32>
    %get3A_193 = vector.shape_cast %get3A_192 : vector<1x128xf32> to vector<128xf32>
    %broadcast_in_dim3A_194 = vector.shape_cast %get3A_193 : vector<128xf32> to vector<1x128xf32>
    %sub3A_195 = vector.broadcast %broadcast_in_dim3A_194 : vector<1x128xf32> to vector<1024x128xf32>
    %sub3A_196 = arith.subf %sub3A_195, %get3A_1 : vector<1024x128xf32>
    %mul3A_197 = arith.mulf %sub3A_196, %sub3A_196 : vector<1024x128xf32>
    %reduce_sum3A_198 = arith.constant dense<0.000000e+00> : vector<1024xf32>
    %reduce_sum3A_199 = vector.multi_reduction <add>, %mul3A_197, %reduce_sum3A_198 [1] : vector<1024x128xf32> to vector<1024xf32>
    %sqrt3A_200 = math.sqrt %reduce_sum3A_199 : vector<1024xf32>
    %lt3A_201 = arith.cmpf olt, %sqrt3A_200, %select_n3A_186 : vector<1024xf32>
    %select_n3A_202 = arith.select %lt3A_201, %sqrt3A_200, %select_n3A_186 : vector<1024xi1>, vector<1024xf32>
    %jit3A_203 = arith.constant 12 : i32
    %broadcast_in_dim3A_204 = vector.broadcast %jit3A_203 : i32 to vector<1024xi32>
    %select_n3A_205 = arith.select %lt3A_201, %broadcast_in_dim3A_204, %select_n3A_189 : vector<1024xi1>, vector<1024xi32>
    %get3A_206 = arith.constant 13 : index
    %get3A_207 = arith.constant 0 : index
    %get3A_208 = vector.load %arg2[%get3A_206, %get3A_207] : memref<64x128xf32, #tpu.memory_space<vmem>>, vector<1x128xf32>
    %get3A_209 = vector.shape_cast %get3A_208 : vector<1x128xf32> to vector<128xf32>
    %broadcast_in_dim3A_210 = vector.shape_cast %get3A_209 : vector<128xf32> to vector<1x128xf32>
    %sub3A_211 = vector.broadcast %broadcast_in_dim3A_210 : vector<1x128xf32> to vector<1024x128xf32>
    %sub3A_212 = arith.subf %sub3A_211, %get3A_1 : vector<1024x128xf32>
    %mul3A_213 = arith.mulf %sub3A_212, %sub3A_212 : vector<1024x128xf32>
    %reduce_sum3A_214 = arith.constant dense<0.000000e+00> : vector<1024xf32>
    %reduce_sum3A_215 = vector.multi_reduction <add>, %mul3A_213, %reduce_sum3A_214 [1] : vector<1024x128xf32> to vector<1024xf32>
    %sqrt3A_216 = math.sqrt %reduce_sum3A_215 : vector<1024xf32>
    %lt3A_217 = arith.cmpf olt, %sqrt3A_216, %select_n3A_202 : vector<1024xf32>
    %select_n3A_218 = arith.select %lt3A_217, %sqrt3A_216, %select_n3A_202 : vector<1024xi1>, vector<1024xf32>
    %jit3A_219 = arith.constant 13 : i32
    %broadcast_in_dim3A_220 = vector.broadcast %jit3A_219 : i32 to vector<1024xi32>
    %select_n3A_221 = arith.select %lt3A_217, %broadcast_in_dim3A_220, %select_n3A_205 : vector<1024xi1>, vector<1024xi32>
    %get3A_222 = arith.constant 14 : index
    %get3A_223 = arith.constant 0 : index
    %get3A_224 = vector.load %arg2[%get3A_222, %get3A_223] : memref<64x128xf32, #tpu.memory_space<vmem>>, vector<1x128xf32>
    %get3A_225 = vector.shape_cast %get3A_224 : vector<1x128xf32> to vector<128xf32>
    %broadcast_in_dim3A_226 = vector.shape_cast %get3A_225 : vector<128xf32> to vector<1x128xf32>
    %sub3A_227 = vector.broadcast %broadcast_in_dim3A_226 : vector<1x128xf32> to vector<1024x128xf32>
    %sub3A_228 = arith.subf %sub3A_227, %get3A_1 : vector<1024x128xf32>
    %mul3A_229 = arith.mulf %sub3A_228, %sub3A_228 : vector<1024x128xf32>
    %reduce_sum3A_230 = arith.constant dense<0.000000e+00> : vector<1024xf32>
    %reduce_sum3A_231 = vector.multi_reduction <add>, %mul3A_229, %reduce_sum3A_230 [1] : vector<1024x128xf32> to vector<1024xf32>
    %sqrt3A_232 = math.sqrt %reduce_sum3A_231 : vector<1024xf32>
    %lt3A_233 = arith.cmpf olt, %sqrt3A_232, %select_n3A_218 : vector<1024xf32>
    %select_n3A_234 = arith.select %lt3A_233, %sqrt3A_232, %select_n3A_218 : vector<1024xi1>, vector<1024xf32>
    %jit3A_235 = arith.constant 14 : i32
    %broadcast_in_dim3A_236 = vector.broadcast %jit3A_235 : i32 to vector<1024xi32>
    %select_n3A_237 = arith.select %lt3A_233, %broadcast_in_dim3A_236, %select_n3A_221 : vector<1024xi1>, vector<1024xi32>
    %get3A_238 = arith.constant 15 : index
    %get3A_239 = arith.constant 0 : index
    %get3A_240 = vector.load %arg2[%get3A_238, %get3A_239] : memref<64x128xf32, #tpu.memory_space<vmem>>, vector<1x128xf32>
    %get3A_241 = vector.shape_cast %get3A_240 : vector<1x128xf32> to vector<128xf32>
    %broadcast_in_dim3A_242 = vector.shape_cast %get3A_241 : vector<128xf32> to vector<1x128xf32>
    %sub3A_243 = vector.broadcast %broadcast_in_dim3A_242 : vector<1x128xf32> to vector<1024x128xf32>
    %sub3A_244 = arith.subf %sub3A_243, %get3A_1 : vector<1024x128xf32>
    %mul3A_245 = arith.mulf %sub3A_244, %sub3A_244 : vector<1024x128xf32>
    %reduce_sum3A_246 = arith.constant dense<0.000000e+00> : vector<1024xf32>
    %reduce_sum3A_247 = vector.multi_reduction <add>, %mul3A_245, %reduce_sum3A_246 [1] : vector<1024x128xf32> to vector<1024xf32>
    %sqrt3A_248 = math.sqrt %reduce_sum3A_247 : vector<1024xf32>
    %lt3A_249 = arith.cmpf olt, %sqrt3A_248, %select_n3A_234 : vector<1024xf32>
    %select_n3A_250 = arith.select %lt3A_249, %sqrt3A_248, %select_n3A_234 : vector<1024xi1>, vector<1024xf32>
    %jit3A_251 = arith.constant 15 : i32
    %broadcast_in_dim3A_252 = vector.broadcast %jit3A_251 : i32 to vector<1024xi32>
    %select_n3A_253 = arith.select %lt3A_249, %broadcast_in_dim3A_252, %select_n3A_237 : vector<1024xi1>, vector<1024xi32>
    %get3A_254 = arith.constant 16 : index
    %get3A_255 = arith.constant 0 : index
    %get3A_256 = vector.load %arg2[%get3A_254, %get3A_255] : memref<64x128xf32, #tpu.memory_space<vmem>>, vector<1x128xf32>
    %get3A_257 = vector.shape_cast %get3A_256 : vector<1x128xf32> to vector<128xf32>
    %broadcast_in_dim3A_258 = vector.shape_cast %get3A_257 : vector<128xf32> to vector<1x128xf32>
    %sub3A_259 = vector.broadcast %broadcast_in_dim3A_258 : vector<1x128xf32> to vector<1024x128xf32>
    %sub3A_260 = arith.subf %sub3A_259, %get3A_1 : vector<1024x128xf32>
    %mul3A_261 = arith.mulf %sub3A_260, %sub3A_260 : vector<1024x128xf32>
    %reduce_sum3A_262 = arith.constant dense<0.000000e+00> : vector<1024xf32>
    %reduce_sum3A_263 = vector.multi_reduction <add>, %mul3A_261, %reduce_sum3A_262 [1] : vector<1024x128xf32> to vector<1024xf32>
    %sqrt3A_264 = math.sqrt %reduce_sum3A_263 : vector<1024xf32>
    %lt3A_265 = arith.cmpf olt, %sqrt3A_264, %select_n3A_250 : vector<1024xf32>
    %select_n3A_266 = arith.select %lt3A_265, %sqrt3A_264, %select_n3A_250 : vector<1024xi1>, vector<1024xf32>
    %jit3A_267 = arith.constant 16 : i32
    %broadcast_in_dim3A_268 = vector.broadcast %jit3A_267 : i32 to vector<1024xi32>
    %select_n3A_269 = arith.select %lt3A_265, %broadcast_in_dim3A_268, %select_n3A_253 : vector<1024xi1>, vector<1024xi32>
    %get3A_270 = arith.constant 17 : index
    %get3A_271 = arith.constant 0 : index
    %get3A_272 = vector.load %arg2[%get3A_270, %get3A_271] : memref<64x128xf32, #tpu.memory_space<vmem>>, vector<1x128xf32>
    %get3A_273 = vector.shape_cast %get3A_272 : vector<1x128xf32> to vector<128xf32>
    %broadcast_in_dim3A_274 = vector.shape_cast %get3A_273 : vector<128xf32> to vector<1x128xf32>
    %sub3A_275 = vector.broadcast %broadcast_in_dim3A_274 : vector<1x128xf32> to vector<1024x128xf32>
    %sub3A_276 = arith.subf %sub3A_275, %get3A_1 : vector<1024x128xf32>
    %mul3A_277 = arith.mulf %sub3A_276, %sub3A_276 : vector<1024x128xf32>
    %reduce_sum3A_278 = arith.constant dense<0.000000e+00> : vector<1024xf32>
    %reduce_sum3A_279 = vector.multi_reduction <add>, %mul3A_277, %reduce_sum3A_278 [1] : vector<1024x128xf32> to vector<1024xf32>
    %sqrt3A_280 = math.sqrt %reduce_sum3A_279 : vector<1024xf32>
    %lt3A_281 = arith.cmpf olt, %sqrt3A_280, %select_n3A_266 : vector<1024xf32>
    %select_n3A_282 = arith.select %lt3A_281, %sqrt3A_280, %select_n3A_266 : vector<1024xi1>, vector<1024xf32>
    %jit3A_283 = arith.constant 17 : i32
    %broadcast_in_dim3A_284 = vector.broadcast %jit3A_283 : i32 to vector<1024xi32>
    %select_n3A_285 = arith.select %lt3A_281, %broadcast_in_dim3A_284, %select_n3A_269 : vector<1024xi1>, vector<1024xi32>
    %get3A_286 = arith.constant 18 : index
    %get3A_287 = arith.constant 0 : index
    %get3A_288 = vector.load %arg2[%get3A_286, %get3A_287] : memref<64x128xf32, #tpu.memory_space<vmem>>, vector<1x128xf32>
    %get3A_289 = vector.shape_cast %get3A_288 : vector<1x128xf32> to vector<128xf32>
    %broadcast_in_dim3A_290 = vector.shape_cast %get3A_289 : vector<128xf32> to vector<1x128xf32>
    %sub3A_291 = vector.broadcast %broadcast_in_dim3A_290 : vector<1x128xf32> to vector<1024x128xf32>
    %sub3A_292 = arith.subf %sub3A_291, %get3A_1 : vector<1024x128xf32>
    %mul3A_293 = arith.mulf %sub3A_292, %sub3A_292 : vector<1024x128xf32>
    %reduce_sum3A_294 = arith.constant dense<0.000000e+00> : vector<1024xf32>
    %reduce_sum3A_295 = vector.multi_reduction <add>, %mul3A_293, %reduce_sum3A_294 [1] : vector<1024x128xf32> to vector<1024xf32>
    %sqrt3A_296 = math.sqrt %reduce_sum3A_295 : vector<1024xf32>
    %lt3A_297 = arith.cmpf olt, %sqrt3A_296, %select_n3A_282 : vector<1024xf32>
    %select_n3A_298 = arith.select %lt3A_297, %sqrt3A_296, %select_n3A_282 : vector<1024xi1>, vector<1024xf32>
    %jit3A_299 = arith.constant 18 : i32
    %broadcast_in_dim3A_300 = vector.broadcast %jit3A_299 : i32 to vector<1024xi32>
    %select_n3A_301 = arith.select %lt3A_297, %broadcast_in_dim3A_300, %select_n3A_285 : vector<1024xi1>, vector<1024xi32>
    %get3A_302 = arith.constant 19 : index
    %get3A_303 = arith.constant 0 : index
    %get3A_304 = vector.load %arg2[%get3A_302, %get3A_303] : memref<64x128xf32, #tpu.memory_space<vmem>>, vector<1x128xf32>
    %get3A_305 = vector.shape_cast %get3A_304 : vector<1x128xf32> to vector<128xf32>
    %broadcast_in_dim3A_306 = vector.shape_cast %get3A_305 : vector<128xf32> to vector<1x128xf32>
    %sub3A_307 = vector.broadcast %broadcast_in_dim3A_306 : vector<1x128xf32> to vector<1024x128xf32>
    %sub3A_308 = arith.subf %sub3A_307, %get3A_1 : vector<1024x128xf32>
    %mul3A_309 = arith.mulf %sub3A_308, %sub3A_308 : vector<1024x128xf32>
    %reduce_sum3A_310 = arith.constant dense<0.000000e+00> : vector<1024xf32>
    %reduce_sum3A_311 = vector.multi_reduction <add>, %mul3A_309, %reduce_sum3A_310 [1] : vector<1024x128xf32> to vector<1024xf32>
    %sqrt3A_312 = math.sqrt %reduce_sum3A_311 : vector<1024xf32>
    %lt3A_313 = arith.cmpf olt, %sqrt3A_312, %select_n3A_298 : vector<1024xf32>
    %select_n3A_314 = arith.select %lt3A_313, %sqrt3A_312, %select_n3A_298 : vector<1024xi1>, vector<1024xf32>
    %jit3A_315 = arith.constant 19 : i32
    %broadcast_in_dim3A_316 = vector.broadcast %jit3A_315 : i32 to vector<1024xi32>
    %select_n3A_317 = arith.select %lt3A_313, %broadcast_in_dim3A_316, %select_n3A_301 : vector<1024xi1>, vector<1024xi32>
    %get3A_318 = arith.constant 20 : index
    %get3A_319 = arith.constant 0 : index
    %get3A_320 = vector.load %arg2[%get3A_318, %get3A_319] : memref<64x128xf32, #tpu.memory_space<vmem>>, vector<1x128xf32>
    %get3A_321 = vector.shape_cast %get3A_320 : vector<1x128xf32> to vector<128xf32>
    %broadcast_in_dim3A_322 = vector.shape_cast %get3A_321 : vector<128xf32> to vector<1x128xf32>
    %sub3A_323 = vector.broadcast %broadcast_in_dim3A_322 : vector<1x128xf32> to vector<1024x128xf32>
    %sub3A_324 = arith.subf %sub3A_323, %get3A_1 : vector<1024x128xf32>
    %mul3A_325 = arith.mulf %sub3A_324, %sub3A_324 : vector<1024x128xf32>
    %reduce_sum3A_326 = arith.constant dense<0.000000e+00> : vector<1024xf32>
    %reduce_sum3A_327 = vector.multi_reduction <add>, %mul3A_325, %reduce_sum3A_326 [1] : vector<1024x128xf32> to vector<1024xf32>
    %sqrt3A_328 = math.sqrt %reduce_sum3A_327 : vector<1024xf32>
    %lt3A_329 = arith.cmpf olt, %sqrt3A_328, %select_n3A_314 : vector<1024xf32>
    %select_n3A_330 = arith.select %lt3A_329, %sqrt3A_328, %select_n3A_314 : vector<1024xi1>, vector<1024xf32>
    %jit3A_331 = arith.constant 20 : i32
    %broadcast_in_dim3A_332 = vector.broadcast %jit3A_331 : i32 to vector<1024xi32>
    %select_n3A_333 = arith.select %lt3A_329, %broadcast_in_dim3A_332, %select_n3A_317 : vector<1024xi1>, vector<1024xi32>
    %get3A_334 = arith.constant 21 : index
    %get3A_335 = arith.constant 0 : index
    %get3A_336 = vector.load %arg2[%get3A_334, %get3A_335] : memref<64x128xf32, #tpu.memory_space<vmem>>, vector<1x128xf32>
    %get3A_337 = vector.shape_cast %get3A_336 : vector<1x128xf32> to vector<128xf32>
    %broadcast_in_dim3A_338 = vector.shape_cast %get3A_337 : vector<128xf32> to vector<1x128xf32>
    %sub3A_339 = vector.broadcast %broadcast_in_dim3A_338 : vector<1x128xf32> to vector<1024x128xf32>
    %sub3A_340 = arith.subf %sub3A_339, %get3A_1 : vector<1024x128xf32>
    %mul3A_341 = arith.mulf %sub3A_340, %sub3A_340 : vector<1024x128xf32>
    %reduce_sum3A_342 = arith.constant dense<0.000000e+00> : vector<1024xf32>
    %reduce_sum3A_343 = vector.multi_reduction <add>, %mul3A_341, %reduce_sum3A_342 [1] : vector<1024x128xf32> to vector<1024xf32>
    %sqrt3A_344 = math.sqrt %reduce_sum3A_343 : vector<1024xf32>
    %lt3A_345 = arith.cmpf olt, %sqrt3A_344, %select_n3A_330 : vector<1024xf32>
    %select_n3A_346 = arith.select %lt3A_345, %sqrt3A_344, %select_n3A_330 : vector<1024xi1>, vector<1024xf32>
    %jit3A_347 = arith.constant 21 : i32
    %broadcast_in_dim3A_348 = vector.broadcast %jit3A_347 : i32 to vector<1024xi32>
    %select_n3A_349 = arith.select %lt3A_345, %broadcast_in_dim3A_348, %select_n3A_333 : vector<1024xi1>, vector<1024xi32>
    %get3A_350 = arith.constant 22 : index
    %get3A_351 = arith.constant 0 : index
    %get3A_352 = vector.load %arg2[%get3A_350, %get3A_351] : memref<64x128xf32, #tpu.memory_space<vmem>>, vector<1x128xf32>
    %get3A_353 = vector.shape_cast %get3A_352 : vector<1x128xf32> to vector<128xf32>
    %broadcast_in_dim3A_354 = vector.shape_cast %get3A_353 : vector<128xf32> to vector<1x128xf32>
    %sub3A_355 = vector.broadcast %broadcast_in_dim3A_354 : vector<1x128xf32> to vector<1024x128xf32>
    %sub3A_356 = arith.subf %sub3A_355, %get3A_1 : vector<1024x128xf32>
    %mul3A_357 = arith.mulf %sub3A_356, %sub3A_356 : vector<1024x128xf32>
    %reduce_sum3A_358 = arith.constant dense<0.000000e+00> : vector<1024xf32>
    %reduce_sum3A_359 = vector.multi_reduction <add>, %mul3A_357, %reduce_sum3A_358 [1] : vector<1024x128xf32> to vector<1024xf32>
    %sqrt3A_360 = math.sqrt %reduce_sum3A_359 : vector<1024xf32>
    %lt3A_361 = arith.cmpf olt, %sqrt3A_360, %select_n3A_346 : vector<1024xf32>
    %select_n3A_362 = arith.select %lt3A_361, %sqrt3A_360, %select_n3A_346 : vector<1024xi1>, vector<1024xf32>
    %jit3A_363 = arith.constant 22 : i32
    %broadcast_in_dim3A_364 = vector.broadcast %jit3A_363 : i32 to vector<1024xi32>
    %select_n3A_365 = arith.select %lt3A_361, %broadcast_in_dim3A_364, %select_n3A_349 : vector<1024xi1>, vector<1024xi32>
    %get3A_366 = arith.constant 23 : index
    %get3A_367 = arith.constant 0 : index
    %get3A_368 = vector.load %arg2[%get3A_366, %get3A_367] : memref<64x128xf32, #tpu.memory_space<vmem>>, vector<1x128xf32>
    %get3A_369 = vector.shape_cast %get3A_368 : vector<1x128xf32> to vector<128xf32>
    %broadcast_in_dim3A_370 = vector.shape_cast %get3A_369 : vector<128xf32> to vector<1x128xf32>
    %sub3A_371 = vector.broadcast %broadcast_in_dim3A_370 : vector<1x128xf32> to vector<1024x128xf32>
    %sub3A_372 = arith.subf %sub3A_371, %get3A_1 : vector<1024x128xf32>
    %mul3A_373 = arith.mulf %sub3A_372, %sub3A_372 : vector<1024x128xf32>
    %reduce_sum3A_374 = arith.constant dense<0.000000e+00> : vector<1024xf32>
    %reduce_sum3A_375 = vector.multi_reduction <add>, %mul3A_373, %reduce_sum3A_374 [1] : vector<1024x128xf32> to vector<1024xf32>
    %sqrt3A_376 = math.sqrt %reduce_sum3A_375 : vector<1024xf32>
    %lt3A_377 = arith.cmpf olt, %sqrt3A_376, %select_n3A_362 : vector<1024xf32>
    %select_n3A_378 = arith.select %lt3A_377, %sqrt3A_376, %select_n3A_362 : vector<1024xi1>, vector<1024xf32>
    %jit3A_379 = arith.constant 23 : i32
    %broadcast_in_dim3A_380 = vector.broadcast %jit3A_379 : i32 to vector<1024xi32>
    %select_n3A_381 = arith.select %lt3A_377, %broadcast_in_dim3A_380, %select_n3A_365 : vector<1024xi1>, vector<1024xi32>
    %get3A_382 = arith.constant 24 : index
    %get3A_383 = arith.constant 0 : index
    %get3A_384 = vector.load %arg2[%get3A_382, %get3A_383] : memref<64x128xf32, #tpu.memory_space<vmem>>, vector<1x128xf32>
    %get3A_385 = vector.shape_cast %get3A_384 : vector<1x128xf32> to vector<128xf32>
    %broadcast_in_dim3A_386 = vector.shape_cast %get3A_385 : vector<128xf32> to vector<1x128xf32>
    %sub3A_387 = vector.broadcast %broadcast_in_dim3A_386 : vector<1x128xf32> to vector<1024x128xf32>
    %sub3A_388 = arith.subf %sub3A_387, %get3A_1 : vector<1024x128xf32>
    %mul3A_389 = arith.mulf %sub3A_388, %sub3A_388 : vector<1024x128xf32>
    %reduce_sum3A_390 = arith.constant dense<0.000000e+00> : vector<1024xf32>
    %reduce_sum3A_391 = vector.multi_reduction <add>, %mul3A_389, %reduce_sum3A_390 [1] : vector<1024x128xf32> to vector<1024xf32>
    %sqrt3A_392 = math.sqrt %reduce_sum3A_391 : vector<1024xf32>
    %lt3A_393 = arith.cmpf olt, %sqrt3A_392, %select_n3A_378 : vector<1024xf32>
    %select_n3A_394 = arith.select %lt3A_393, %sqrt3A_392, %select_n3A_378 : vector<1024xi1>, vector<1024xf32>
    %jit3A_395 = arith.constant 24 : i32
    %broadcast_in_dim3A_396 = vector.broadcast %jit3A_395 : i32 to vector<1024xi32>
    %select_n3A_397 = arith.select %lt3A_393, %broadcast_in_dim3A_396, %select_n3A_381 : vector<1024xi1>, vector<1024xi32>
    %get3A_398 = arith.constant 25 : index
    %get3A_399 = arith.constant 0 : index
    %get3A_400 = vector.load %arg2[%get3A_398, %get3A_399] : memref<64x128xf32, #tpu.memory_space<vmem>>, vector<1x128xf32>
    %get3A_401 = vector.shape_cast %get3A_400 : vector<1x128xf32> to vector<128xf32>
    %broadcast_in_dim3A_402 = vector.shape_cast %get3A_401 : vector<128xf32> to vector<1x128xf32>
    %sub3A_403 = vector.broadcast %broadcast_in_dim3A_402 : vector<1x128xf32> to vector<1024x128xf32>
    %sub3A_404 = arith.subf %sub3A_403, %get3A_1 : vector<1024x128xf32>
    %mul3A_405 = arith.mulf %sub3A_404, %sub3A_404 : vector<1024x128xf32>
    %reduce_sum3A_406 = arith.constant dense<0.000000e+00> : vector<1024xf32>
    %reduce_sum3A_407 = vector.multi_reduction <add>, %mul3A_405, %reduce_sum3A_406 [1] : vector<1024x128xf32> to vector<1024xf32>
    %sqrt3A_408 = math.sqrt %reduce_sum3A_407 : vector<1024xf32>
    %lt3A_409 = arith.cmpf olt, %sqrt3A_408, %select_n3A_394 : vector<1024xf32>
    %select_n3A_410 = arith.select %lt3A_409, %sqrt3A_408, %select_n3A_394 : vector<1024xi1>, vector<1024xf32>
    %jit3A_411 = arith.constant 25 : i32
    %broadcast_in_dim3A_412 = vector.broadcast %jit3A_411 : i32 to vector<1024xi32>
    %select_n3A_413 = arith.select %lt3A_409, %broadcast_in_dim3A_412, %select_n3A_397 : vector<1024xi1>, vector<1024xi32>
    %get3A_414 = arith.constant 26 : index
    %get3A_415 = arith.constant 0 : index
    %get3A_416 = vector.load %arg2[%get3A_414, %get3A_415] : memref<64x128xf32, #tpu.memory_space<vmem>>, vector<1x128xf32>
    %get3A_417 = vector.shape_cast %get3A_416 : vector<1x128xf32> to vector<128xf32>
    %broadcast_in_dim3A_418 = vector.shape_cast %get3A_417 : vector<128xf32> to vector<1x128xf32>
    %sub3A_419 = vector.broadcast %broadcast_in_dim3A_418 : vector<1x128xf32> to vector<1024x128xf32>
    %sub3A_420 = arith.subf %sub3A_419, %get3A_1 : vector<1024x128xf32>
    %mul3A_421 = arith.mulf %sub3A_420, %sub3A_420 : vector<1024x128xf32>
    %reduce_sum3A_422 = arith.constant dense<0.000000e+00> : vector<1024xf32>
    %reduce_sum3A_423 = vector.multi_reduction <add>, %mul3A_421, %reduce_sum3A_422 [1] : vector<1024x128xf32> to vector<1024xf32>
    %sqrt3A_424 = math.sqrt %reduce_sum3A_423 : vector<1024xf32>
    %lt3A_425 = arith.cmpf olt, %sqrt3A_424, %select_n3A_410 : vector<1024xf32>
    %select_n3A_426 = arith.select %lt3A_425, %sqrt3A_424, %select_n3A_410 : vector<1024xi1>, vector<1024xf32>
    %jit3A_427 = arith.constant 26 : i32
    %broadcast_in_dim3A_428 = vector.broadcast %jit3A_427 : i32 to vector<1024xi32>
    %select_n3A_429 = arith.select %lt3A_425, %broadcast_in_dim3A_428, %select_n3A_413 : vector<1024xi1>, vector<1024xi32>
    %get3A_430 = arith.constant 27 : index
    %get3A_431 = arith.constant 0 : index
    %get3A_432 = vector.load %arg2[%get3A_430, %get3A_431] : memref<64x128xf32, #tpu.memory_space<vmem>>, vector<1x128xf32>
    %get3A_433 = vector.shape_cast %get3A_432 : vector<1x128xf32> to vector<128xf32>
    %broadcast_in_dim3A_434 = vector.shape_cast %get3A_433 : vector<128xf32> to vector<1x128xf32>
    %sub3A_435 = vector.broadcast %broadcast_in_dim3A_434 : vector<1x128xf32> to vector<1024x128xf32>
    %sub3A_436 = arith.subf %sub3A_435, %get3A_1 : vector<1024x128xf32>
    %mul3A_437 = arith.mulf %sub3A_436, %sub3A_436 : vector<1024x128xf32>
    %reduce_sum3A_438 = arith.constant dense<0.000000e+00> : vector<1024xf32>
    %reduce_sum3A_439 = vector.multi_reduction <add>, %mul3A_437, %reduce_sum3A_438 [1] : vector<1024x128xf32> to vector<1024xf32>
    %sqrt3A_440 = math.sqrt %reduce_sum3A_439 : vector<1024xf32>
    %lt3A_441 = arith.cmpf olt, %sqrt3A_440, %select_n3A_426 : vector<1024xf32>
    %select_n3A_442 = arith.select %lt3A_441, %sqrt3A_440, %select_n3A_426 : vector<1024xi1>, vector<1024xf32>
    %jit3A_443 = arith.constant 27 : i32
    %broadcast_in_dim3A_444 = vector.broadcast %jit3A_443 : i32 to vector<1024xi32>
    %select_n3A_445 = arith.select %lt3A_441, %broadcast_in_dim3A_444, %select_n3A_429 : vector<1024xi1>, vector<1024xi32>
    %get3A_446 = arith.constant 28 : index
    %get3A_447 = arith.constant 0 : index
    %get3A_448 = vector.load %arg2[%get3A_446, %get3A_447] : memref<64x128xf32, #tpu.memory_space<vmem>>, vector<1x128xf32>
    %get3A_449 = vector.shape_cast %get3A_448 : vector<1x128xf32> to vector<128xf32>
    %broadcast_in_dim3A_450 = vector.shape_cast %get3A_449 : vector<128xf32> to vector<1x128xf32>
    %sub3A_451 = vector.broadcast %broadcast_in_dim3A_450 : vector<1x128xf32> to vector<1024x128xf32>
    %sub3A_452 = arith.subf %sub3A_451, %get3A_1 : vector<1024x128xf32>
    %mul3A_453 = arith.mulf %sub3A_452, %sub3A_452 : vector<1024x128xf32>
    %reduce_sum3A_454 = arith.constant dense<0.000000e+00> : vector<1024xf32>
    %reduce_sum3A_455 = vector.multi_reduction <add>, %mul3A_453, %reduce_sum3A_454 [1] : vector<1024x128xf32> to vector<1024xf32>
    %sqrt3A_456 = math.sqrt %reduce_sum3A_455 : vector<1024xf32>
    %lt3A_457 = arith.cmpf olt, %sqrt3A_456, %select_n3A_442 : vector<1024xf32>
    %select_n3A_458 = arith.select %lt3A_457, %sqrt3A_456, %select_n3A_442 : vector<1024xi1>, vector<1024xf32>
    %jit3A_459 = arith.constant 28 : i32
    %broadcast_in_dim3A_460 = vector.broadcast %jit3A_459 : i32 to vector<1024xi32>
    %select_n3A_461 = arith.select %lt3A_457, %broadcast_in_dim3A_460, %select_n3A_445 : vector<1024xi1>, vector<1024xi32>
    %get3A_462 = arith.constant 29 : index
    %get3A_463 = arith.constant 0 : index
    %get3A_464 = vector.load %arg2[%get3A_462, %get3A_463] : memref<64x128xf32, #tpu.memory_space<vmem>>, vector<1x128xf32>
    %get3A_465 = vector.shape_cast %get3A_464 : vector<1x128xf32> to vector<128xf32>
    %broadcast_in_dim3A_466 = vector.shape_cast %get3A_465 : vector<128xf32> to vector<1x128xf32>
    %sub3A_467 = vector.broadcast %broadcast_in_dim3A_466 : vector<1x128xf32> to vector<1024x128xf32>
    %sub3A_468 = arith.subf %sub3A_467, %get3A_1 : vector<1024x128xf32>
    %mul3A_469 = arith.mulf %sub3A_468, %sub3A_468 : vector<1024x128xf32>
    %reduce_sum3A_470 = arith.constant dense<0.000000e+00> : vector<1024xf32>
    %reduce_sum3A_471 = vector.multi_reduction <add>, %mul3A_469, %reduce_sum3A_470 [1] : vector<1024x128xf32> to vector<1024xf32>
    %sqrt3A_472 = math.sqrt %reduce_sum3A_471 : vector<1024xf32>
    %lt3A_473 = arith.cmpf olt, %sqrt3A_472, %select_n3A_458 : vector<1024xf32>
    %select_n3A_474 = arith.select %lt3A_473, %sqrt3A_472, %select_n3A_458 : vector<1024xi1>, vector<1024xf32>
    %jit3A_475 = arith.constant 29 : i32
    %broadcast_in_dim3A_476 = vector.broadcast %jit3A_475 : i32 to vector<1024xi32>
    %select_n3A_477 = arith.select %lt3A_473, %broadcast_in_dim3A_476, %select_n3A_461 : vector<1024xi1>, vector<1024xi32>
    %get3A_478 = arith.constant 30 : index
    %get3A_479 = arith.constant 0 : index
    %get3A_480 = vector.load %arg2[%get3A_478, %get3A_479] : memref<64x128xf32, #tpu.memory_space<vmem>>, vector<1x128xf32>
    %get3A_481 = vector.shape_cast %get3A_480 : vector<1x128xf32> to vector<128xf32>
    %broadcast_in_dim3A_482 = vector.shape_cast %get3A_481 : vector<128xf32> to vector<1x128xf32>
    %sub3A_483 = vector.broadcast %broadcast_in_dim3A_482 : vector<1x128xf32> to vector<1024x128xf32>
    %sub3A_484 = arith.subf %sub3A_483, %get3A_1 : vector<1024x128xf32>
    %mul3A_485 = arith.mulf %sub3A_484, %sub3A_484 : vector<1024x128xf32>
    %reduce_sum3A_486 = arith.constant dense<0.000000e+00> : vector<1024xf32>
    %reduce_sum3A_487 = vector.multi_reduction <add>, %mul3A_485, %reduce_sum3A_486 [1] : vector<1024x128xf32> to vector<1024xf32>
    %sqrt3A_488 = math.sqrt %reduce_sum3A_487 : vector<1024xf32>
    %lt3A_489 = arith.cmpf olt, %sqrt3A_488, %select_n3A_474 : vector<1024xf32>
    %select_n3A_490 = arith.select %lt3A_489, %sqrt3A_488, %select_n3A_474 : vector<1024xi1>, vector<1024xf32>
    %jit3A_491 = arith.constant 30 : i32
    %broadcast_in_dim3A_492 = vector.broadcast %jit3A_491 : i32 to vector<1024xi32>
    %select_n3A_493 = arith.select %lt3A_489, %broadcast_in_dim3A_492, %select_n3A_477 : vector<1024xi1>, vector<1024xi32>
    %get3A_494 = arith.constant 31 : index
    %get3A_495 = arith.constant 0 : index
    %get3A_496 = vector.load %arg2[%get3A_494, %get3A_495] : memref<64x128xf32, #tpu.memory_space<vmem>>, vector<1x128xf32>
    %get3A_497 = vector.shape_cast %get3A_496 : vector<1x128xf32> to vector<128xf32>
    %broadcast_in_dim3A_498 = vector.shape_cast %get3A_497 : vector<128xf32> to vector<1x128xf32>
    %sub3A_499 = vector.broadcast %broadcast_in_dim3A_498 : vector<1x128xf32> to vector<1024x128xf32>
    %sub3A_500 = arith.subf %sub3A_499, %get3A_1 : vector<1024x128xf32>
    %mul3A_501 = arith.mulf %sub3A_500, %sub3A_500 : vector<1024x128xf32>
    %reduce_sum3A_502 = arith.constant dense<0.000000e+00> : vector<1024xf32>
    %reduce_sum3A_503 = vector.multi_reduction <add>, %mul3A_501, %reduce_sum3A_502 [1] : vector<1024x128xf32> to vector<1024xf32>
    %sqrt3A_504 = math.sqrt %reduce_sum3A_503 : vector<1024xf32>
    %lt3A_505 = arith.cmpf olt, %sqrt3A_504, %select_n3A_490 : vector<1024xf32>
    %select_n3A_506 = arith.select %lt3A_505, %sqrt3A_504, %select_n3A_490 : vector<1024xi1>, vector<1024xf32>
    %jit3A_507 = arith.constant 31 : i32
    %broadcast_in_dim3A_508 = vector.broadcast %jit3A_507 : i32 to vector<1024xi32>
    %select_n3A_509 = arith.select %lt3A_505, %broadcast_in_dim3A_508, %select_n3A_493 : vector<1024xi1>, vector<1024xi32>
    %get3A_510 = arith.constant 32 : index
    %get3A_511 = arith.constant 0 : index
    %get3A_512 = vector.load %arg2[%get3A_510, %get3A_511] : memref<64x128xf32, #tpu.memory_space<vmem>>, vector<1x128xf32>
    %get3A_513 = vector.shape_cast %get3A_512 : vector<1x128xf32> to vector<128xf32>
    %broadcast_in_dim3A_514 = vector.shape_cast %get3A_513 : vector<128xf32> to vector<1x128xf32>
    %sub3A_515 = vector.broadcast %broadcast_in_dim3A_514 : vector<1x128xf32> to vector<1024x128xf32>
    %sub3A_516 = arith.subf %sub3A_515, %get3A_1 : vector<1024x128xf32>
    %mul3A_517 = arith.mulf %sub3A_516, %sub3A_516 : vector<1024x128xf32>
    %reduce_sum3A_518 = arith.constant dense<0.000000e+00> : vector<1024xf32>
    %reduce_sum3A_519 = vector.multi_reduction <add>, %mul3A_517, %reduce_sum3A_518 [1] : vector<1024x128xf32> to vector<1024xf32>
    %sqrt3A_520 = math.sqrt %reduce_sum3A_519 : vector<1024xf32>
    %lt3A_521 = arith.cmpf olt, %sqrt3A_520, %select_n3A_506 : vector<1024xf32>
    %select_n3A_522 = arith.select %lt3A_521, %sqrt3A_520, %select_n3A_506 : vector<1024xi1>, vector<1024xf32>
    %jit3A_523 = arith.constant 32 : i32
    %broadcast_in_dim3A_524 = vector.broadcast %jit3A_523 : i32 to vector<1024xi32>
    %select_n3A_525 = arith.select %lt3A_521, %broadcast_in_dim3A_524, %select_n3A_509 : vector<1024xi1>, vector<1024xi32>
    %get3A_526 = arith.constant 33 : index
    %get3A_527 = arith.constant 0 : index
    %get3A_528 = vector.load %arg2[%get3A_526, %get3A_527] : memref<64x128xf32, #tpu.memory_space<vmem>>, vector<1x128xf32>
    %get3A_529 = vector.shape_cast %get3A_528 : vector<1x128xf32> to vector<128xf32>
    %broadcast_in_dim3A_530 = vector.shape_cast %get3A_529 : vector<128xf32> to vector<1x128xf32>
    %sub3A_531 = vector.broadcast %broadcast_in_dim3A_530 : vector<1x128xf32> to vector<1024x128xf32>
    %sub3A_532 = arith.subf %sub3A_531, %get3A_1 : vector<1024x128xf32>
    %mul3A_533 = arith.mulf %sub3A_532, %sub3A_532 : vector<1024x128xf32>
    %reduce_sum3A_534 = arith.constant dense<0.000000e+00> : vector<1024xf32>
    %reduce_sum3A_535 = vector.multi_reduction <add>, %mul3A_533, %reduce_sum3A_534 [1] : vector<1024x128xf32> to vector<1024xf32>
    %sqrt3A_536 = math.sqrt %reduce_sum3A_535 : vector<1024xf32>
    %lt3A_537 = arith.cmpf olt, %sqrt3A_536, %select_n3A_522 : vector<1024xf32>
    %select_n3A_538 = arith.select %lt3A_537, %sqrt3A_536, %select_n3A_522 : vector<1024xi1>, vector<1024xf32>
    %jit3A_539 = arith.constant 33 : i32
    %broadcast_in_dim3A_540 = vector.broadcast %jit3A_539 : i32 to vector<1024xi32>
    %select_n3A_541 = arith.select %lt3A_537, %broadcast_in_dim3A_540, %select_n3A_525 : vector<1024xi1>, vector<1024xi32>
    %get3A_542 = arith.constant 34 : index
    %get3A_543 = arith.constant 0 : index
    %get3A_544 = vector.load %arg2[%get3A_542, %get3A_543] : memref<64x128xf32, #tpu.memory_space<vmem>>, vector<1x128xf32>
    %get3A_545 = vector.shape_cast %get3A_544 : vector<1x128xf32> to vector<128xf32>
    %broadcast_in_dim3A_546 = vector.shape_cast %get3A_545 : vector<128xf32> to vector<1x128xf32>
    %sub3A_547 = vector.broadcast %broadcast_in_dim3A_546 : vector<1x128xf32> to vector<1024x128xf32>
    %sub3A_548 = arith.subf %sub3A_547, %get3A_1 : vector<1024x128xf32>
    %mul3A_549 = arith.mulf %sub3A_548, %sub3A_548 : vector<1024x128xf32>
    %reduce_sum3A_550 = arith.constant dense<0.000000e+00> : vector<1024xf32>
    %reduce_sum3A_551 = vector.multi_reduction <add>, %mul3A_549, %reduce_sum3A_550 [1] : vector<1024x128xf32> to vector<1024xf32>
    %sqrt3A_552 = math.sqrt %reduce_sum3A_551 : vector<1024xf32>
    %lt3A_553 = arith.cmpf olt, %sqrt3A_552, %select_n3A_538 : vector<1024xf32>
    %select_n3A_554 = arith.select %lt3A_553, %sqrt3A_552, %select_n3A_538 : vector<1024xi1>, vector<1024xf32>
    %jit3A_555 = arith.constant 34 : i32
    %broadcast_in_dim3A_556 = vector.broadcast %jit3A_555 : i32 to vector<1024xi32>
    %select_n3A_557 = arith.select %lt3A_553, %broadcast_in_dim3A_556, %select_n3A_541 : vector<1024xi1>, vector<1024xi32>
    %get3A_558 = arith.constant 35 : index
    %get3A_559 = arith.constant 0 : index
    %get3A_560 = vector.load %arg2[%get3A_558, %get3A_559] : memref<64x128xf32, #tpu.memory_space<vmem>>, vector<1x128xf32>
    %get3A_561 = vector.shape_cast %get3A_560 : vector<1x128xf32> to vector<128xf32>
    %broadcast_in_dim3A_562 = vector.shape_cast %get3A_561 : vector<128xf32> to vector<1x128xf32>
    %sub3A_563 = vector.broadcast %broadcast_in_dim3A_562 : vector<1x128xf32> to vector<1024x128xf32>
    %sub3A_564 = arith.subf %sub3A_563, %get3A_1 : vector<1024x128xf32>
    %mul3A_565 = arith.mulf %sub3A_564, %sub3A_564 : vector<1024x128xf32>
    %reduce_sum3A_566 = arith.constant dense<0.000000e+00> : vector<1024xf32>
    %reduce_sum3A_567 = vector.multi_reduction <add>, %mul3A_565, %reduce_sum3A_566 [1] : vector<1024x128xf32> to vector<1024xf32>
    %sqrt3A_568 = math.sqrt %reduce_sum3A_567 : vector<1024xf32>
    %lt3A_569 = arith.cmpf olt, %sqrt3A_568, %select_n3A_554 : vector<1024xf32>
    %select_n3A_570 = arith.select %lt3A_569, %sqrt3A_568, %select_n3A_554 : vector<1024xi1>, vector<1024xf32>
    %jit3A_571 = arith.constant 35 : i32
    %broadcast_in_dim3A_572 = vector.broadcast %jit3A_571 : i32 to vector<1024xi32>
    %select_n3A_573 = arith.select %lt3A_569, %broadcast_in_dim3A_572, %select_n3A_557 : vector<1024xi1>, vector<1024xi32>
    %get3A_574 = arith.constant 36 : index
    %get3A_575 = arith.constant 0 : index
    %get3A_576 = vector.load %arg2[%get3A_574, %get3A_575] : memref<64x128xf32, #tpu.memory_space<vmem>>, vector<1x128xf32>
    %get3A_577 = vector.shape_cast %get3A_576 : vector<1x128xf32> to vector<128xf32>
    %broadcast_in_dim3A_578 = vector.shape_cast %get3A_577 : vector<128xf32> to vector<1x128xf32>
    %sub3A_579 = vector.broadcast %broadcast_in_dim3A_578 : vector<1x128xf32> to vector<1024x128xf32>
    %sub3A_580 = arith.subf %sub3A_579, %get3A_1 : vector<1024x128xf32>
    %mul3A_581 = arith.mulf %sub3A_580, %sub3A_580 : vector<1024x128xf32>
    %reduce_sum3A_582 = arith.constant dense<0.000000e+00> : vector<1024xf32>
    %reduce_sum3A_583 = vector.multi_reduction <add>, %mul3A_581, %reduce_sum3A_582 [1] : vector<1024x128xf32> to vector<1024xf32>
    %sqrt3A_584 = math.sqrt %reduce_sum3A_583 : vector<1024xf32>
    %lt3A_585 = arith.cmpf olt, %sqrt3A_584, %select_n3A_570 : vector<1024xf32>
    %select_n3A_586 = arith.select %lt3A_585, %sqrt3A_584, %select_n3A_570 : vector<1024xi1>, vector<1024xf32>
    %jit3A_587 = arith.constant 36 : i32
    %broadcast_in_dim3A_588 = vector.broadcast %jit3A_587 : i32 to vector<1024xi32>
    %select_n3A_589 = arith.select %lt3A_585, %broadcast_in_dim3A_588, %select_n3A_573 : vector<1024xi1>, vector<1024xi32>
    %get3A_590 = arith.constant 37 : index
    %get3A_591 = arith.constant 0 : index
    %get3A_592 = vector.load %arg2[%get3A_590, %get3A_591] : memref<64x128xf32, #tpu.memory_space<vmem>>, vector<1x128xf32>
    %get3A_593 = vector.shape_cast %get3A_592 : vector<1x128xf32> to vector<128xf32>
    %broadcast_in_dim3A_594 = vector.shape_cast %get3A_593 : vector<128xf32> to vector<1x128xf32>
    %sub3A_595 = vector.broadcast %broadcast_in_dim3A_594 : vector<1x128xf32> to vector<1024x128xf32>
    %sub3A_596 = arith.subf %sub3A_595, %get3A_1 : vector<1024x128xf32>
    %mul3A_597 = arith.mulf %sub3A_596, %sub3A_596 : vector<1024x128xf32>
    %reduce_sum3A_598 = arith.constant dense<0.000000e+00> : vector<1024xf32>
    %reduce_sum3A_599 = vector.multi_reduction <add>, %mul3A_597, %reduce_sum3A_598 [1] : vector<1024x128xf32> to vector<1024xf32>
    %sqrt3A_600 = math.sqrt %reduce_sum3A_599 : vector<1024xf32>
    %lt3A_601 = arith.cmpf olt, %sqrt3A_600, %select_n3A_586 : vector<1024xf32>
    %select_n3A_602 = arith.select %lt3A_601, %sqrt3A_600, %select_n3A_586 : vector<1024xi1>, vector<1024xf32>
    %jit3A_603 = arith.constant 37 : i32
    %broadcast_in_dim3A_604 = vector.broadcast %jit3A_603 : i32 to vector<1024xi32>
    %select_n3A_605 = arith.select %lt3A_601, %broadcast_in_dim3A_604, %select_n3A_589 : vector<1024xi1>, vector<1024xi32>
    %get3A_606 = arith.constant 38 : index
    %get3A_607 = arith.constant 0 : index
    %get3A_608 = vector.load %arg2[%get3A_606, %get3A_607] : memref<64x128xf32, #tpu.memory_space<vmem>>, vector<1x128xf32>
    %get3A_609 = vector.shape_cast %get3A_608 : vector<1x128xf32> to vector<128xf32>
    %broadcast_in_dim3A_610 = vector.shape_cast %get3A_609 : vector<128xf32> to vector<1x128xf32>
    %sub3A_611 = vector.broadcast %broadcast_in_dim3A_610 : vector<1x128xf32> to vector<1024x128xf32>
    %sub3A_612 = arith.subf %sub3A_611, %get3A_1 : vector<1024x128xf32>
    %mul3A_613 = arith.mulf %sub3A_612, %sub3A_612 : vector<1024x128xf32>
    %reduce_sum3A_614 = arith.constant dense<0.000000e+00> : vector<1024xf32>
    %reduce_sum3A_615 = vector.multi_reduction <add>, %mul3A_613, %reduce_sum3A_614 [1] : vector<1024x128xf32> to vector<1024xf32>
    %sqrt3A_616 = math.sqrt %reduce_sum3A_615 : vector<1024xf32>
    %lt3A_617 = arith.cmpf olt, %sqrt3A_616, %select_n3A_602 : vector<1024xf32>
    %select_n3A_618 = arith.select %lt3A_617, %sqrt3A_616, %select_n3A_602 : vector<1024xi1>, vector<1024xf32>
    %jit3A_619 = arith.constant 38 : i32
    %broadcast_in_dim3A_620 = vector.broadcast %jit3A_619 : i32 to vector<1024xi32>
    %select_n3A_621 = arith.select %lt3A_617, %broadcast_in_dim3A_620, %select_n3A_605 : vector<1024xi1>, vector<1024xi32>
    %get3A_622 = arith.constant 39 : index
    %get3A_623 = arith.constant 0 : index
    %get3A_624 = vector.load %arg2[%get3A_622, %get3A_623] : memref<64x128xf32, #tpu.memory_space<vmem>>, vector<1x128xf32>
    %get3A_625 = vector.shape_cast %get3A_624 : vector<1x128xf32> to vector<128xf32>
    %broadcast_in_dim3A_626 = vector.shape_cast %get3A_625 : vector<128xf32> to vector<1x128xf32>
    %sub3A_627 = vector.broadcast %broadcast_in_dim3A_626 : vector<1x128xf32> to vector<1024x128xf32>
    %sub3A_628 = arith.subf %sub3A_627, %get3A_1 : vector<1024x128xf32>
    %mul3A_629 = arith.mulf %sub3A_628, %sub3A_628 : vector<1024x128xf32>
    %reduce_sum3A_630 = arith.constant dense<0.000000e+00> : vector<1024xf32>
    %reduce_sum3A_631 = vector.multi_reduction <add>, %mul3A_629, %reduce_sum3A_630 [1] : vector<1024x128xf32> to vector<1024xf32>
    %sqrt3A_632 = math.sqrt %reduce_sum3A_631 : vector<1024xf32>
    %lt3A_633 = arith.cmpf olt, %sqrt3A_632, %select_n3A_618 : vector<1024xf32>
    %select_n3A_634 = arith.select %lt3A_633, %sqrt3A_632, %select_n3A_618 : vector<1024xi1>, vector<1024xf32>
    %jit3A_635 = arith.constant 39 : i32
    %broadcast_in_dim3A_636 = vector.broadcast %jit3A_635 : i32 to vector<1024xi32>
    %select_n3A_637 = arith.select %lt3A_633, %broadcast_in_dim3A_636, %select_n3A_621 : vector<1024xi1>, vector<1024xi32>
    %get3A_638 = arith.constant 40 : index
    %get3A_639 = arith.constant 0 : index
    %get3A_640 = vector.load %arg2[%get3A_638, %get3A_639] : memref<64x128xf32, #tpu.memory_space<vmem>>, vector<1x128xf32>
    %get3A_641 = vector.shape_cast %get3A_640 : vector<1x128xf32> to vector<128xf32>
    %broadcast_in_dim3A_642 = vector.shape_cast %get3A_641 : vector<128xf32> to vector<1x128xf32>
    %sub3A_643 = vector.broadcast %broadcast_in_dim3A_642 : vector<1x128xf32> to vector<1024x128xf32>
    %sub3A_644 = arith.subf %sub3A_643, %get3A_1 : vector<1024x128xf32>
    %mul3A_645 = arith.mulf %sub3A_644, %sub3A_644 : vector<1024x128xf32>
    %reduce_sum3A_646 = arith.constant dense<0.000000e+00> : vector<1024xf32>
    %reduce_sum3A_647 = vector.multi_reduction <add>, %mul3A_645, %reduce_sum3A_646 [1] : vector<1024x128xf32> to vector<1024xf32>
    %sqrt3A_648 = math.sqrt %reduce_sum3A_647 : vector<1024xf32>
    %lt3A_649 = arith.cmpf olt, %sqrt3A_648, %select_n3A_634 : vector<1024xf32>
    %select_n3A_650 = arith.select %lt3A_649, %sqrt3A_648, %select_n3A_634 : vector<1024xi1>, vector<1024xf32>
    %jit3A_651 = arith.constant 40 : i32
    %broadcast_in_dim3A_652 = vector.broadcast %jit3A_651 : i32 to vector<1024xi32>
    %select_n3A_653 = arith.select %lt3A_649, %broadcast_in_dim3A_652, %select_n3A_637 : vector<1024xi1>, vector<1024xi32>
    %get3A_654 = arith.constant 41 : index
    %get3A_655 = arith.constant 0 : index
    %get3A_656 = vector.load %arg2[%get3A_654, %get3A_655] : memref<64x128xf32, #tpu.memory_space<vmem>>, vector<1x128xf32>
    %get3A_657 = vector.shape_cast %get3A_656 : vector<1x128xf32> to vector<128xf32>
    %broadcast_in_dim3A_658 = vector.shape_cast %get3A_657 : vector<128xf32> to vector<1x128xf32>
    %sub3A_659 = vector.broadcast %broadcast_in_dim3A_658 : vector<1x128xf32> to vector<1024x128xf32>
    %sub3A_660 = arith.subf %sub3A_659, %get3A_1 : vector<1024x128xf32>
    %mul3A_661 = arith.mulf %sub3A_660, %sub3A_660 : vector<1024x128xf32>
    %reduce_sum3A_662 = arith.constant dense<0.000000e+00> : vector<1024xf32>
    %reduce_sum3A_663 = vector.multi_reduction <add>, %mul3A_661, %reduce_sum3A_662 [1] : vector<1024x128xf32> to vector<1024xf32>
    %sqrt3A_664 = math.sqrt %reduce_sum3A_663 : vector<1024xf32>
    %lt3A_665 = arith.cmpf olt, %sqrt3A_664, %select_n3A_650 : vector<1024xf32>
    %select_n3A_666 = arith.select %lt3A_665, %sqrt3A_664, %select_n3A_650 : vector<1024xi1>, vector<1024xf32>
    %jit3A_667 = arith.constant 41 : i32
    %broadcast_in_dim3A_668 = vector.broadcast %jit3A_667 : i32 to vector<1024xi32>
    %select_n3A_669 = arith.select %lt3A_665, %broadcast_in_dim3A_668, %select_n3A_653 : vector<1024xi1>, vector<1024xi32>
    %get3A_670 = arith.constant 42 : index
    %get3A_671 = arith.constant 0 : index
    %get3A_672 = vector.load %arg2[%get3A_670, %get3A_671] : memref<64x128xf32, #tpu.memory_space<vmem>>, vector<1x128xf32>
    %get3A_673 = vector.shape_cast %get3A_672 : vector<1x128xf32> to vector<128xf32>
    %broadcast_in_dim3A_674 = vector.shape_cast %get3A_673 : vector<128xf32> to vector<1x128xf32>
    %sub3A_675 = vector.broadcast %broadcast_in_dim3A_674 : vector<1x128xf32> to vector<1024x128xf32>
    %sub3A_676 = arith.subf %sub3A_675, %get3A_1 : vector<1024x128xf32>
    %mul3A_677 = arith.mulf %sub3A_676, %sub3A_676 : vector<1024x128xf32>
    %reduce_sum3A_678 = arith.constant dense<0.000000e+00> : vector<1024xf32>
    %reduce_sum3A_679 = vector.multi_reduction <add>, %mul3A_677, %reduce_sum3A_678 [1] : vector<1024x128xf32> to vector<1024xf32>
    %sqrt3A_680 = math.sqrt %reduce_sum3A_679 : vector<1024xf32>
    %lt3A_681 = arith.cmpf olt, %sqrt3A_680, %select_n3A_666 : vector<1024xf32>
    %select_n3A_682 = arith.select %lt3A_681, %sqrt3A_680, %select_n3A_666 : vector<1024xi1>, vector<1024xf32>
    %jit3A_683 = arith.constant 42 : i32
    %broadcast_in_dim3A_684 = vector.broadcast %jit3A_683 : i32 to vector<1024xi32>
    %select_n3A_685 = arith.select %lt3A_681, %broadcast_in_dim3A_684, %select_n3A_669 : vector<1024xi1>, vector<1024xi32>
    %get3A_686 = arith.constant 43 : index
    %get3A_687 = arith.constant 0 : index
    %get3A_688 = vector.load %arg2[%get3A_686, %get3A_687] : memref<64x128xf32, #tpu.memory_space<vmem>>, vector<1x128xf32>
    %get3A_689 = vector.shape_cast %get3A_688 : vector<1x128xf32> to vector<128xf32>
    %broadcast_in_dim3A_690 = vector.shape_cast %get3A_689 : vector<128xf32> to vector<1x128xf32>
    %sub3A_691 = vector.broadcast %broadcast_in_dim3A_690 : vector<1x128xf32> to vector<1024x128xf32>
    %sub3A_692 = arith.subf %sub3A_691, %get3A_1 : vector<1024x128xf32>
    %mul3A_693 = arith.mulf %sub3A_692, %sub3A_692 : vector<1024x128xf32>
    %reduce_sum3A_694 = arith.constant dense<0.000000e+00> : vector<1024xf32>
    %reduce_sum3A_695 = vector.multi_reduction <add>, %mul3A_693, %reduce_sum3A_694 [1] : vector<1024x128xf32> to vector<1024xf32>
    %sqrt3A_696 = math.sqrt %reduce_sum3A_695 : vector<1024xf32>
    %lt3A_697 = arith.cmpf olt, %sqrt3A_696, %select_n3A_682 : vector<1024xf32>
    %select_n3A_698 = arith.select %lt3A_697, %sqrt3A_696, %select_n3A_682 : vector<1024xi1>, vector<1024xf32>
    %jit3A_699 = arith.constant 43 : i32
    %broadcast_in_dim3A_700 = vector.broadcast %jit3A_699 : i32 to vector<1024xi32>
    %select_n3A_701 = arith.select %lt3A_697, %broadcast_in_dim3A_700, %select_n3A_685 : vector<1024xi1>, vector<1024xi32>
    %get3A_702 = arith.constant 44 : index
    %get3A_703 = arith.constant 0 : index
    %get3A_704 = vector.load %arg2[%get3A_702, %get3A_703] : memref<64x128xf32, #tpu.memory_space<vmem>>, vector<1x128xf32>
    %get3A_705 = vector.shape_cast %get3A_704 : vector<1x128xf32> to vector<128xf32>
    %broadcast_in_dim3A_706 = vector.shape_cast %get3A_705 : vector<128xf32> to vector<1x128xf32>
    %sub3A_707 = vector.broadcast %broadcast_in_dim3A_706 : vector<1x128xf32> to vector<1024x128xf32>
    %sub3A_708 = arith.subf %sub3A_707, %get3A_1 : vector<1024x128xf32>
    %mul3A_709 = arith.mulf %sub3A_708, %sub3A_708 : vector<1024x128xf32>
    %reduce_sum3A_710 = arith.constant dense<0.000000e+00> : vector<1024xf32>
    %reduce_sum3A_711 = vector.multi_reduction <add>, %mul3A_709, %reduce_sum3A_710 [1] : vector<1024x128xf32> to vector<1024xf32>
    %sqrt3A_712 = math.sqrt %reduce_sum3A_711 : vector<1024xf32>
    %lt3A_713 = arith.cmpf olt, %sqrt3A_712, %select_n3A_698 : vector<1024xf32>
    %select_n3A_714 = arith.select %lt3A_713, %sqrt3A_712, %select_n3A_698 : vector<1024xi1>, vector<1024xf32>
    %jit3A_715 = arith.constant 44 : i32
    %broadcast_in_dim3A_716 = vector.broadcast %jit3A_715 : i32 to vector<1024xi32>
    %select_n3A_717 = arith.select %lt3A_713, %broadcast_in_dim3A_716, %select_n3A_701 : vector<1024xi1>, vector<1024xi32>
    %get3A_718 = arith.constant 45 : index
    %get3A_719 = arith.constant 0 : index
    %get3A_720 = vector.load %arg2[%get3A_718, %get3A_719] : memref<64x128xf32, #tpu.memory_space<vmem>>, vector<1x128xf32>
    %get3A_721 = vector.shape_cast %get3A_720 : vector<1x128xf32> to vector<128xf32>
    %broadcast_in_dim3A_722 = vector.shape_cast %get3A_721 : vector<128xf32> to vector<1x128xf32>
    %sub3A_723 = vector.broadcast %broadcast_in_dim3A_722 : vector<1x128xf32> to vector<1024x128xf32>
    %sub3A_724 = arith.subf %sub3A_723, %get3A_1 : vector<1024x128xf32>
    %mul3A_725 = arith.mulf %sub3A_724, %sub3A_724 : vector<1024x128xf32>
    %reduce_sum3A_726 = arith.constant dense<0.000000e+00> : vector<1024xf32>
    %reduce_sum3A_727 = vector.multi_reduction <add>, %mul3A_725, %reduce_sum3A_726 [1] : vector<1024x128xf32> to vector<1024xf32>
    %sqrt3A_728 = math.sqrt %reduce_sum3A_727 : vector<1024xf32>
    %lt3A_729 = arith.cmpf olt, %sqrt3A_728, %select_n3A_714 : vector<1024xf32>
    %select_n3A_730 = arith.select %lt3A_729, %sqrt3A_728, %select_n3A_714 : vector<1024xi1>, vector<1024xf32>
    %jit3A_731 = arith.constant 45 : i32
    %broadcast_in_dim3A_732 = vector.broadcast %jit3A_731 : i32 to vector<1024xi32>
    %select_n3A_733 = arith.select %lt3A_729, %broadcast_in_dim3A_732, %select_n3A_717 : vector<1024xi1>, vector<1024xi32>
    %get3A_734 = arith.constant 46 : index
    %get3A_735 = arith.constant 0 : index
    %get3A_736 = vector.load %arg2[%get3A_734, %get3A_735] : memref<64x128xf32, #tpu.memory_space<vmem>>, vector<1x128xf32>
    %get3A_737 = vector.shape_cast %get3A_736 : vector<1x128xf32> to vector<128xf32>
    %broadcast_in_dim3A_738 = vector.shape_cast %get3A_737 : vector<128xf32> to vector<1x128xf32>
    %sub3A_739 = vector.broadcast %broadcast_in_dim3A_738 : vector<1x128xf32> to vector<1024x128xf32>
    %sub3A_740 = arith.subf %sub3A_739, %get3A_1 : vector<1024x128xf32>
    %mul3A_741 = arith.mulf %sub3A_740, %sub3A_740 : vector<1024x128xf32>
    %reduce_sum3A_742 = arith.constant dense<0.000000e+00> : vector<1024xf32>
    %reduce_sum3A_743 = vector.multi_reduction <add>, %mul3A_741, %reduce_sum3A_742 [1] : vector<1024x128xf32> to vector<1024xf32>
    %sqrt3A_744 = math.sqrt %reduce_sum3A_743 : vector<1024xf32>
    %lt3A_745 = arith.cmpf olt, %sqrt3A_744, %select_n3A_730 : vector<1024xf32>
    %select_n3A_746 = arith.select %lt3A_745, %sqrt3A_744, %select_n3A_730 : vector<1024xi1>, vector<1024xf32>
    %jit3A_747 = arith.constant 46 : i32
    %broadcast_in_dim3A_748 = vector.broadcast %jit3A_747 : i32 to vector<1024xi32>
    %select_n3A_749 = arith.select %lt3A_745, %broadcast_in_dim3A_748, %select_n3A_733 : vector<1024xi1>, vector<1024xi32>
    %get3A_750 = arith.constant 47 : index
    %get3A_751 = arith.constant 0 : index
    %get3A_752 = vector.load %arg2[%get3A_750, %get3A_751] : memref<64x128xf32, #tpu.memory_space<vmem>>, vector<1x128xf32>
    %get3A_753 = vector.shape_cast %get3A_752 : vector<1x128xf32> to vector<128xf32>
    %broadcast_in_dim3A_754 = vector.shape_cast %get3A_753 : vector<128xf32> to vector<1x128xf32>
    %sub3A_755 = vector.broadcast %broadcast_in_dim3A_754 : vector<1x128xf32> to vector<1024x128xf32>
    %sub3A_756 = arith.subf %sub3A_755, %get3A_1 : vector<1024x128xf32>
    %mul3A_757 = arith.mulf %sub3A_756, %sub3A_756 : vector<1024x128xf32>
    %reduce_sum3A_758 = arith.constant dense<0.000000e+00> : vector<1024xf32>
    %reduce_sum3A_759 = vector.multi_reduction <add>, %mul3A_757, %reduce_sum3A_758 [1] : vector<1024x128xf32> to vector<1024xf32>
    %sqrt3A_760 = math.sqrt %reduce_sum3A_759 : vector<1024xf32>
    %lt3A_761 = arith.cmpf olt, %sqrt3A_760, %select_n3A_746 : vector<1024xf32>
    %select_n3A_762 = arith.select %lt3A_761, %sqrt3A_760, %select_n3A_746 : vector<1024xi1>, vector<1024xf32>
    %jit3A_763 = arith.constant 47 : i32
    %broadcast_in_dim3A_764 = vector.broadcast %jit3A_763 : i32 to vector<1024xi32>
    %select_n3A_765 = arith.select %lt3A_761, %broadcast_in_dim3A_764, %select_n3A_749 : vector<1024xi1>, vector<1024xi32>
    %get3A_766 = arith.constant 48 : index
    %get3A_767 = arith.constant 0 : index
    %get3A_768 = vector.load %arg2[%get3A_766, %get3A_767] : memref<64x128xf32, #tpu.memory_space<vmem>>, vector<1x128xf32>
    %get3A_769 = vector.shape_cast %get3A_768 : vector<1x128xf32> to vector<128xf32>
    %broadcast_in_dim3A_770 = vector.shape_cast %get3A_769 : vector<128xf32> to vector<1x128xf32>
    %sub3A_771 = vector.broadcast %broadcast_in_dim3A_770 : vector<1x128xf32> to vector<1024x128xf32>
    %sub3A_772 = arith.subf %sub3A_771, %get3A_1 : vector<1024x128xf32>
    %mul3A_773 = arith.mulf %sub3A_772, %sub3A_772 : vector<1024x128xf32>
    %reduce_sum3A_774 = arith.constant dense<0.000000e+00> : vector<1024xf32>
    %reduce_sum3A_775 = vector.multi_reduction <add>, %mul3A_773, %reduce_sum3A_774 [1] : vector<1024x128xf32> to vector<1024xf32>
    %sqrt3A_776 = math.sqrt %reduce_sum3A_775 : vector<1024xf32>
    %lt3A_777 = arith.cmpf olt, %sqrt3A_776, %select_n3A_762 : vector<1024xf32>
    %select_n3A_778 = arith.select %lt3A_777, %sqrt3A_776, %select_n3A_762 : vector<1024xi1>, vector<1024xf32>
    %jit3A_779 = arith.constant 48 : i32
    %broadcast_in_dim3A_780 = vector.broadcast %jit3A_779 : i32 to vector<1024xi32>
    %select_n3A_781 = arith.select %lt3A_777, %broadcast_in_dim3A_780, %select_n3A_765 : vector<1024xi1>, vector<1024xi32>
    %get3A_782 = arith.constant 49 : index
    %get3A_783 = arith.constant 0 : index
    %get3A_784 = vector.load %arg2[%get3A_782, %get3A_783] : memref<64x128xf32, #tpu.memory_space<vmem>>, vector<1x128xf32>
    %get3A_785 = vector.shape_cast %get3A_784 : vector<1x128xf32> to vector<128xf32>
    %broadcast_in_dim3A_786 = vector.shape_cast %get3A_785 : vector<128xf32> to vector<1x128xf32>
    %sub3A_787 = vector.broadcast %broadcast_in_dim3A_786 : vector<1x128xf32> to vector<1024x128xf32>
    %sub3A_788 = arith.subf %sub3A_787, %get3A_1 : vector<1024x128xf32>
    %mul3A_789 = arith.mulf %sub3A_788, %sub3A_788 : vector<1024x128xf32>
    %reduce_sum3A_790 = arith.constant dense<0.000000e+00> : vector<1024xf32>
    %reduce_sum3A_791 = vector.multi_reduction <add>, %mul3A_789, %reduce_sum3A_790 [1] : vector<1024x128xf32> to vector<1024xf32>
    %sqrt3A_792 = math.sqrt %reduce_sum3A_791 : vector<1024xf32>
    %lt3A_793 = arith.cmpf olt, %sqrt3A_792, %select_n3A_778 : vector<1024xf32>
    %select_n3A_794 = arith.select %lt3A_793, %sqrt3A_792, %select_n3A_778 : vector<1024xi1>, vector<1024xf32>
    %jit3A_795 = arith.constant 49 : i32
    %broadcast_in_dim3A_796 = vector.broadcast %jit3A_795 : i32 to vector<1024xi32>
    %select_n3A_797 = arith.select %lt3A_793, %broadcast_in_dim3A_796, %select_n3A_781 : vector<1024xi1>, vector<1024xi32>
    %get3A_798 = arith.constant 50 : index
    %get3A_799 = arith.constant 0 : index
    %get3A_800 = vector.load %arg2[%get3A_798, %get3A_799] : memref<64x128xf32, #tpu.memory_space<vmem>>, vector<1x128xf32>
    %get3A_801 = vector.shape_cast %get3A_800 : vector<1x128xf32> to vector<128xf32>
    %broadcast_in_dim3A_802 = vector.shape_cast %get3A_801 : vector<128xf32> to vector<1x128xf32>
    %sub3A_803 = vector.broadcast %broadcast_in_dim3A_802 : vector<1x128xf32> to vector<1024x128xf32>
    %sub3A_804 = arith.subf %sub3A_803, %get3A_1 : vector<1024x128xf32>
    %mul3A_805 = arith.mulf %sub3A_804, %sub3A_804 : vector<1024x128xf32>
    %reduce_sum3A_806 = arith.constant dense<0.000000e+00> : vector<1024xf32>
    %reduce_sum3A_807 = vector.multi_reduction <add>, %mul3A_805, %reduce_sum3A_806 [1] : vector<1024x128xf32> to vector<1024xf32>
    %sqrt3A_808 = math.sqrt %reduce_sum3A_807 : vector<1024xf32>
    %lt3A_809 = arith.cmpf olt, %sqrt3A_808, %select_n3A_794 : vector<1024xf32>
    %select_n3A_810 = arith.select %lt3A_809, %sqrt3A_808, %select_n3A_794 : vector<1024xi1>, vector<1024xf32>
    %jit3A_811 = arith.constant 50 : i32
    %broadcast_in_dim3A_812 = vector.broadcast %jit3A_811 : i32 to vector<1024xi32>
    %select_n3A_813 = arith.select %lt3A_809, %broadcast_in_dim3A_812, %select_n3A_797 : vector<1024xi1>, vector<1024xi32>
    %get3A_814 = arith.constant 51 : index
    %get3A_815 = arith.constant 0 : index
    %get3A_816 = vector.load %arg2[%get3A_814, %get3A_815] : memref<64x128xf32, #tpu.memory_space<vmem>>, vector<1x128xf32>
    %get3A_817 = vector.shape_cast %get3A_816 : vector<1x128xf32> to vector<128xf32>
    %broadcast_in_dim3A_818 = vector.shape_cast %get3A_817 : vector<128xf32> to vector<1x128xf32>
    %sub3A_819 = vector.broadcast %broadcast_in_dim3A_818 : vector<1x128xf32> to vector<1024x128xf32>
    %sub3A_820 = arith.subf %sub3A_819, %get3A_1 : vector<1024x128xf32>
    %mul3A_821 = arith.mulf %sub3A_820, %sub3A_820 : vector<1024x128xf32>
    %reduce_sum3A_822 = arith.constant dense<0.000000e+00> : vector<1024xf32>
    %reduce_sum3A_823 = vector.multi_reduction <add>, %mul3A_821, %reduce_sum3A_822 [1] : vector<1024x128xf32> to vector<1024xf32>
    %sqrt3A_824 = math.sqrt %reduce_sum3A_823 : vector<1024xf32>
    %lt3A_825 = arith.cmpf olt, %sqrt3A_824, %select_n3A_810 : vector<1024xf32>
    %select_n3A_826 = arith.select %lt3A_825, %sqrt3A_824, %select_n3A_810 : vector<1024xi1>, vector<1024xf32>
    %jit3A_827 = arith.constant 51 : i32
    %broadcast_in_dim3A_828 = vector.broadcast %jit3A_827 : i32 to vector<1024xi32>
    %select_n3A_829 = arith.select %lt3A_825, %broadcast_in_dim3A_828, %select_n3A_813 : vector<1024xi1>, vector<1024xi32>
    %get3A_830 = arith.constant 52 : index
    %get3A_831 = arith.constant 0 : index
    %get3A_832 = vector.load %arg2[%get3A_830, %get3A_831] : memref<64x128xf32, #tpu.memory_space<vmem>>, vector<1x128xf32>
    %get3A_833 = vector.shape_cast %get3A_832 : vector<1x128xf32> to vector<128xf32>
    %broadcast_in_dim3A_834 = vector.shape_cast %get3A_833 : vector<128xf32> to vector<1x128xf32>
    %sub3A_835 = vector.broadcast %broadcast_in_dim3A_834 : vector<1x128xf32> to vector<1024x128xf32>
    %sub3A_836 = arith.subf %sub3A_835, %get3A_1 : vector<1024x128xf32>
    %mul3A_837 = arith.mulf %sub3A_836, %sub3A_836 : vector<1024x128xf32>
    %reduce_sum3A_838 = arith.constant dense<0.000000e+00> : vector<1024xf32>
    %reduce_sum3A_839 = vector.multi_reduction <add>, %mul3A_837, %reduce_sum3A_838 [1] : vector<1024x128xf32> to vector<1024xf32>
    %sqrt3A_840 = math.sqrt %reduce_sum3A_839 : vector<1024xf32>
    %lt3A_841 = arith.cmpf olt, %sqrt3A_840, %select_n3A_826 : vector<1024xf32>
    %select_n3A_842 = arith.select %lt3A_841, %sqrt3A_840, %select_n3A_826 : vector<1024xi1>, vector<1024xf32>
    %jit3A_843 = arith.constant 52 : i32
    %broadcast_in_dim3A_844 = vector.broadcast %jit3A_843 : i32 to vector<1024xi32>
    %select_n3A_845 = arith.select %lt3A_841, %broadcast_in_dim3A_844, %select_n3A_829 : vector<1024xi1>, vector<1024xi32>
    %get3A_846 = arith.constant 53 : index
    %get3A_847 = arith.constant 0 : index
    %get3A_848 = vector.load %arg2[%get3A_846, %get3A_847] : memref<64x128xf32, #tpu.memory_space<vmem>>, vector<1x128xf32>
    %get3A_849 = vector.shape_cast %get3A_848 : vector<1x128xf32> to vector<128xf32>
    %broadcast_in_dim3A_850 = vector.shape_cast %get3A_849 : vector<128xf32> to vector<1x128xf32>
    %sub3A_851 = vector.broadcast %broadcast_in_dim3A_850 : vector<1x128xf32> to vector<1024x128xf32>
    %sub3A_852 = arith.subf %sub3A_851, %get3A_1 : vector<1024x128xf32>
    %mul3A_853 = arith.mulf %sub3A_852, %sub3A_852 : vector<1024x128xf32>
    %reduce_sum3A_854 = arith.constant dense<0.000000e+00> : vector<1024xf32>
    %reduce_sum3A_855 = vector.multi_reduction <add>, %mul3A_853, %reduce_sum3A_854 [1] : vector<1024x128xf32> to vector<1024xf32>
    %sqrt3A_856 = math.sqrt %reduce_sum3A_855 : vector<1024xf32>
    %lt3A_857 = arith.cmpf olt, %sqrt3A_856, %select_n3A_842 : vector<1024xf32>
    %select_n3A_858 = arith.select %lt3A_857, %sqrt3A_856, %select_n3A_842 : vector<1024xi1>, vector<1024xf32>
    %jit3A_859 = arith.constant 53 : i32
    %broadcast_in_dim3A_860 = vector.broadcast %jit3A_859 : i32 to vector<1024xi32>
    %select_n3A_861 = arith.select %lt3A_857, %broadcast_in_dim3A_860, %select_n3A_845 : vector<1024xi1>, vector<1024xi32>
    %get3A_862 = arith.constant 54 : index
    %get3A_863 = arith.constant 0 : index
    %get3A_864 = vector.load %arg2[%get3A_862, %get3A_863] : memref<64x128xf32, #tpu.memory_space<vmem>>, vector<1x128xf32>
    %get3A_865 = vector.shape_cast %get3A_864 : vector<1x128xf32> to vector<128xf32>
    %broadcast_in_dim3A_866 = vector.shape_cast %get3A_865 : vector<128xf32> to vector<1x128xf32>
    %sub3A_867 = vector.broadcast %broadcast_in_dim3A_866 : vector<1x128xf32> to vector<1024x128xf32>
    %sub3A_868 = arith.subf %sub3A_867, %get3A_1 : vector<1024x128xf32>
    %mul3A_869 = arith.mulf %sub3A_868, %sub3A_868 : vector<1024x128xf32>
    %reduce_sum3A_870 = arith.constant dense<0.000000e+00> : vector<1024xf32>
    %reduce_sum3A_871 = vector.multi_reduction <add>, %mul3A_869, %reduce_sum3A_870 [1] : vector<1024x128xf32> to vector<1024xf32>
    %sqrt3A_872 = math.sqrt %reduce_sum3A_871 : vector<1024xf32>
    %lt3A_873 = arith.cmpf olt, %sqrt3A_872, %select_n3A_858 : vector<1024xf32>
    %select_n3A_874 = arith.select %lt3A_873, %sqrt3A_872, %select_n3A_858 : vector<1024xi1>, vector<1024xf32>
    %jit3A_875 = arith.constant 54 : i32
    %broadcast_in_dim3A_876 = vector.broadcast %jit3A_875 : i32 to vector<1024xi32>
    %select_n3A_877 = arith.select %lt3A_873, %broadcast_in_dim3A_876, %select_n3A_861 : vector<1024xi1>, vector<1024xi32>
    %get3A_878 = arith.constant 55 : index
    %get3A_879 = arith.constant 0 : index
    %get3A_880 = vector.load %arg2[%get3A_878, %get3A_879] : memref<64x128xf32, #tpu.memory_space<vmem>>, vector<1x128xf32>
    %get3A_881 = vector.shape_cast %get3A_880 : vector<1x128xf32> to vector<128xf32>
    %broadcast_in_dim3A_882 = vector.shape_cast %get3A_881 : vector<128xf32> to vector<1x128xf32>
    %sub3A_883 = vector.broadcast %broadcast_in_dim3A_882 : vector<1x128xf32> to vector<1024x128xf32>
    %sub3A_884 = arith.subf %sub3A_883, %get3A_1 : vector<1024x128xf32>
    %mul3A_885 = arith.mulf %sub3A_884, %sub3A_884 : vector<1024x128xf32>
    %reduce_sum3A_886 = arith.constant dense<0.000000e+00> : vector<1024xf32>
    %reduce_sum3A_887 = vector.multi_reduction <add>, %mul3A_885, %reduce_sum3A_886 [1] : vector<1024x128xf32> to vector<1024xf32>
    %sqrt3A_888 = math.sqrt %reduce_sum3A_887 : vector<1024xf32>
    %lt3A_889 = arith.cmpf olt, %sqrt3A_888, %select_n3A_874 : vector<1024xf32>
    %select_n3A_890 = arith.select %lt3A_889, %sqrt3A_888, %select_n3A_874 : vector<1024xi1>, vector<1024xf32>
    %jit3A_891 = arith.constant 55 : i32
    %broadcast_in_dim3A_892 = vector.broadcast %jit3A_891 : i32 to vector<1024xi32>
    %select_n3A_893 = arith.select %lt3A_889, %broadcast_in_dim3A_892, %select_n3A_877 : vector<1024xi1>, vector<1024xi32>
    %get3A_894 = arith.constant 56 : index
    %get3A_895 = arith.constant 0 : index
    %get3A_896 = vector.load %arg2[%get3A_894, %get3A_895] : memref<64x128xf32, #tpu.memory_space<vmem>>, vector<1x128xf32>
    %get3A_897 = vector.shape_cast %get3A_896 : vector<1x128xf32> to vector<128xf32>
    %broadcast_in_dim3A_898 = vector.shape_cast %get3A_897 : vector<128xf32> to vector<1x128xf32>
    %sub3A_899 = vector.broadcast %broadcast_in_dim3A_898 : vector<1x128xf32> to vector<1024x128xf32>
    %sub3A_900 = arith.subf %sub3A_899, %get3A_1 : vector<1024x128xf32>
    %mul3A_901 = arith.mulf %sub3A_900, %sub3A_900 : vector<1024x128xf32>
    %reduce_sum3A_902 = arith.constant dense<0.000000e+00> : vector<1024xf32>
    %reduce_sum3A_903 = vector.multi_reduction <add>, %mul3A_901, %reduce_sum3A_902 [1] : vector<1024x128xf32> to vector<1024xf32>
    %sqrt3A_904 = math.sqrt %reduce_sum3A_903 : vector<1024xf32>
    %lt3A_905 = arith.cmpf olt, %sqrt3A_904, %select_n3A_890 : vector<1024xf32>
    %select_n3A_906 = arith.select %lt3A_905, %sqrt3A_904, %select_n3A_890 : vector<1024xi1>, vector<1024xf32>
    %jit3A_907 = arith.constant 56 : i32
    %broadcast_in_dim3A_908 = vector.broadcast %jit3A_907 : i32 to vector<1024xi32>
    %select_n3A_909 = arith.select %lt3A_905, %broadcast_in_dim3A_908, %select_n3A_893 : vector<1024xi1>, vector<1024xi32>
    %get3A_910 = arith.constant 57 : index
    %get3A_911 = arith.constant 0 : index
    %get3A_912 = vector.load %arg2[%get3A_910, %get3A_911] : memref<64x128xf32, #tpu.memory_space<vmem>>, vector<1x128xf32>
    %get3A_913 = vector.shape_cast %get3A_912 : vector<1x128xf32> to vector<128xf32>
    %broadcast_in_dim3A_914 = vector.shape_cast %get3A_913 : vector<128xf32> to vector<1x128xf32>
    %sub3A_915 = vector.broadcast %broadcast_in_dim3A_914 : vector<1x128xf32> to vector<1024x128xf32>
    %sub3A_916 = arith.subf %sub3A_915, %get3A_1 : vector<1024x128xf32>
    %mul3A_917 = arith.mulf %sub3A_916, %sub3A_916 : vector<1024x128xf32>
    %reduce_sum3A_918 = arith.constant dense<0.000000e+00> : vector<1024xf32>
    %reduce_sum3A_919 = vector.multi_reduction <add>, %mul3A_917, %reduce_sum3A_918 [1] : vector<1024x128xf32> to vector<1024xf32>
    %sqrt3A_920 = math.sqrt %reduce_sum3A_919 : vector<1024xf32>
    %lt3A_921 = arith.cmpf olt, %sqrt3A_920, %select_n3A_906 : vector<1024xf32>
    %select_n3A_922 = arith.select %lt3A_921, %sqrt3A_920, %select_n3A_906 : vector<1024xi1>, vector<1024xf32>
    %jit3A_923 = arith.constant 57 : i32
    %broadcast_in_dim3A_924 = vector.broadcast %jit3A_923 : i32 to vector<1024xi32>
    %select_n3A_925 = arith.select %lt3A_921, %broadcast_in_dim3A_924, %select_n3A_909 : vector<1024xi1>, vector<1024xi32>
    %get3A_926 = arith.constant 58 : index
    %get3A_927 = arith.constant 0 : index
    %get3A_928 = vector.load %arg2[%get3A_926, %get3A_927] : memref<64x128xf32, #tpu.memory_space<vmem>>, vector<1x128xf32>
    %get3A_929 = vector.shape_cast %get3A_928 : vector<1x128xf32> to vector<128xf32>
    %broadcast_in_dim3A_930 = vector.shape_cast %get3A_929 : vector<128xf32> to vector<1x128xf32>
    %sub3A_931 = vector.broadcast %broadcast_in_dim3A_930 : vector<1x128xf32> to vector<1024x128xf32>
    %sub3A_932 = arith.subf %sub3A_931, %get3A_1 : vector<1024x128xf32>
    %mul3A_933 = arith.mulf %sub3A_932, %sub3A_932 : vector<1024x128xf32>
    %reduce_sum3A_934 = arith.constant dense<0.000000e+00> : vector<1024xf32>
    %reduce_sum3A_935 = vector.multi_reduction <add>, %mul3A_933, %reduce_sum3A_934 [1] : vector<1024x128xf32> to vector<1024xf32>
    %sqrt3A_936 = math.sqrt %reduce_sum3A_935 : vector<1024xf32>
    %lt3A_937 = arith.cmpf olt, %sqrt3A_936, %select_n3A_922 : vector<1024xf32>
    %select_n3A_938 = arith.select %lt3A_937, %sqrt3A_936, %select_n3A_922 : vector<1024xi1>, vector<1024xf32>
    %jit3A_939 = arith.constant 58 : i32
    %broadcast_in_dim3A_940 = vector.broadcast %jit3A_939 : i32 to vector<1024xi32>
    %select_n3A_941 = arith.select %lt3A_937, %broadcast_in_dim3A_940, %select_n3A_925 : vector<1024xi1>, vector<1024xi32>
    %get3A_942 = arith.constant 59 : index
    %get3A_943 = arith.constant 0 : index
    %get3A_944 = vector.load %arg2[%get3A_942, %get3A_943] : memref<64x128xf32, #tpu.memory_space<vmem>>, vector<1x128xf32>
    %get3A_945 = vector.shape_cast %get3A_944 : vector<1x128xf32> to vector<128xf32>
    %broadcast_in_dim3A_946 = vector.shape_cast %get3A_945 : vector<128xf32> to vector<1x128xf32>
    %sub3A_947 = vector.broadcast %broadcast_in_dim3A_946 : vector<1x128xf32> to vector<1024x128xf32>
    %sub3A_948 = arith.subf %sub3A_947, %get3A_1 : vector<1024x128xf32>
    %mul3A_949 = arith.mulf %sub3A_948, %sub3A_948 : vector<1024x128xf32>
    %reduce_sum3A_950 = arith.constant dense<0.000000e+00> : vector<1024xf32>
    %reduce_sum3A_951 = vector.multi_reduction <add>, %mul3A_949, %reduce_sum3A_950 [1] : vector<1024x128xf32> to vector<1024xf32>
    %sqrt3A_952 = math.sqrt %reduce_sum3A_951 : vector<1024xf32>
    %lt3A_953 = arith.cmpf olt, %sqrt3A_952, %select_n3A_938 : vector<1024xf32>
    %select_n3A_954 = arith.select %lt3A_953, %sqrt3A_952, %select_n3A_938 : vector<1024xi1>, vector<1024xf32>
    %jit3A_955 = arith.constant 59 : i32
    %broadcast_in_dim3A_956 = vector.broadcast %jit3A_955 : i32 to vector<1024xi32>
    %select_n3A_957 = arith.select %lt3A_953, %broadcast_in_dim3A_956, %select_n3A_941 : vector<1024xi1>, vector<1024xi32>
    %get3A_958 = arith.constant 60 : index
    %get3A_959 = arith.constant 0 : index
    %get3A_960 = vector.load %arg2[%get3A_958, %get3A_959] : memref<64x128xf32, #tpu.memory_space<vmem>>, vector<1x128xf32>
    %get3A_961 = vector.shape_cast %get3A_960 : vector<1x128xf32> to vector<128xf32>
    %broadcast_in_dim3A_962 = vector.shape_cast %get3A_961 : vector<128xf32> to vector<1x128xf32>
    %sub3A_963 = vector.broadcast %broadcast_in_dim3A_962 : vector<1x128xf32> to vector<1024x128xf32>
    %sub3A_964 = arith.subf %sub3A_963, %get3A_1 : vector<1024x128xf32>
    %mul3A_965 = arith.mulf %sub3A_964, %sub3A_964 : vector<1024x128xf32>
    %reduce_sum3A_966 = arith.constant dense<0.000000e+00> : vector<1024xf32>
    %reduce_sum3A_967 = vector.multi_reduction <add>, %mul3A_965, %reduce_sum3A_966 [1] : vector<1024x128xf32> to vector<1024xf32>
    %sqrt3A_968 = math.sqrt %reduce_sum3A_967 : vector<1024xf32>
    %lt3A_969 = arith.cmpf olt, %sqrt3A_968, %select_n3A_954 : vector<1024xf32>
    %select_n3A_970 = arith.select %lt3A_969, %sqrt3A_968, %select_n3A_954 : vector<1024xi1>, vector<1024xf32>
    %jit3A_971 = arith.constant 60 : i32
    %broadcast_in_dim3A_972 = vector.broadcast %jit3A_971 : i32 to vector<1024xi32>
    %select_n3A_973 = arith.select %lt3A_969, %broadcast_in_dim3A_972, %select_n3A_957 : vector<1024xi1>, vector<1024xi32>
    %get3A_974 = arith.constant 61 : index
    %get3A_975 = arith.constant 0 : index
    %get3A_976 = vector.load %arg2[%get3A_974, %get3A_975] : memref<64x128xf32, #tpu.memory_space<vmem>>, vector<1x128xf32>
    %get3A_977 = vector.shape_cast %get3A_976 : vector<1x128xf32> to vector<128xf32>
    %broadcast_in_dim3A_978 = vector.shape_cast %get3A_977 : vector<128xf32> to vector<1x128xf32>
    %sub3A_979 = vector.broadcast %broadcast_in_dim3A_978 : vector<1x128xf32> to vector<1024x128xf32>
    %sub3A_980 = arith.subf %sub3A_979, %get3A_1 : vector<1024x128xf32>
    %mul3A_981 = arith.mulf %sub3A_980, %sub3A_980 : vector<1024x128xf32>
    %reduce_sum3A_982 = arith.constant dense<0.000000e+00> : vector<1024xf32>
    %reduce_sum3A_983 = vector.multi_reduction <add>, %mul3A_981, %reduce_sum3A_982 [1] : vector<1024x128xf32> to vector<1024xf32>
    %sqrt3A_984 = math.sqrt %reduce_sum3A_983 : vector<1024xf32>
    %lt3A_985 = arith.cmpf olt, %sqrt3A_984, %select_n3A_970 : vector<1024xf32>
    %select_n3A_986 = arith.select %lt3A_985, %sqrt3A_984, %select_n3A_970 : vector<1024xi1>, vector<1024xf32>
    %jit3A_987 = arith.constant 61 : i32
    %broadcast_in_dim3A_988 = vector.broadcast %jit3A_987 : i32 to vector<1024xi32>
    %select_n3A_989 = arith.select %lt3A_985, %broadcast_in_dim3A_988, %select_n3A_973 : vector<1024xi1>, vector<1024xi32>
    %get3A_990 = arith.constant 62 : index
    %get3A_991 = arith.constant 0 : index
    %get3A_992 = vector.load %arg2[%get3A_990, %get3A_991] : memref<64x128xf32, #tpu.memory_space<vmem>>, vector<1x128xf32>
    %get3A_993 = vector.shape_cast %get3A_992 : vector<1x128xf32> to vector<128xf32>
    %broadcast_in_dim3A_994 = vector.shape_cast %get3A_993 : vector<128xf32> to vector<1x128xf32>
    %sub3A_995 = vector.broadcast %broadcast_in_dim3A_994 : vector<1x128xf32> to vector<1024x128xf32>
    %sub3A_996 = arith.subf %sub3A_995, %get3A_1 : vector<1024x128xf32>
    %mul3A_997 = arith.mulf %sub3A_996, %sub3A_996 : vector<1024x128xf32>
    %reduce_sum3A_998 = arith.constant dense<0.000000e+00> : vector<1024xf32>
    %reduce_sum3A_999 = vector.multi_reduction <add>, %mul3A_997, %reduce_sum3A_998 [1] : vector<1024x128xf32> to vector<1024xf32>
    %sqrt3A_1000 = math.sqrt %reduce_sum3A_999 : vector<1024xf32>
    %lt3A_1001 = arith.cmpf olt, %sqrt3A_1000, %select_n3A_986 : vector<1024xf32>
    %select_n3A_1002 = arith.select %lt3A_1001, %sqrt3A_1000, %select_n3A_986 : vector<1024xi1>, vector<1024xf32>
    %jit3A_1003 = arith.constant 62 : i32
    %broadcast_in_dim3A_1004 = vector.broadcast %jit3A_1003 : i32 to vector<1024xi32>
    %select_n3A_1005 = arith.select %lt3A_1001, %broadcast_in_dim3A_1004, %select_n3A_989 : vector<1024xi1>, vector<1024xi32>
    %get3A_1006 = arith.constant 63 : index
    %get3A_1007 = arith.constant 0 : index
    %get3A_1008 = vector.load %arg2[%get3A_1006, %get3A_1007] : memref<64x128xf32, #tpu.memory_space<vmem>>, vector<1x128xf32>
    %get3A_1009 = vector.shape_cast %get3A_1008 : vector<1x128xf32> to vector<128xf32>
    %broadcast_in_dim3A_1010 = vector.shape_cast %get3A_1009 : vector<128xf32> to vector<1x128xf32>
    %sub3A_1011 = vector.broadcast %broadcast_in_dim3A_1010 : vector<1x128xf32> to vector<1024x128xf32>
    %sub3A_1012 = arith.subf %sub3A_1011, %get3A_1 : vector<1024x128xf32>
    %mul3A_1013 = arith.mulf %sub3A_1012, %sub3A_1012 : vector<1024x128xf32>
    %reduce_sum3A_1014 = arith.constant dense<0.000000e+00> : vector<1024xf32>
    %reduce_sum3A_1015 = vector.multi_reduction <add>, %mul3A_1013, %reduce_sum3A_1014 [1] : vector<1024x128xf32> to vector<1024xf32>
    %sqrt3A_1016 = math.sqrt %reduce_sum3A_1015 : vector<1024xf32>
    %lt3A_1017 = arith.cmpf olt, %sqrt3A_1016, %select_n3A_1002 : vector<1024xf32>
    %jit3A_1018 = arith.constant 63 : i32
    %broadcast_in_dim3A_1019 = vector.broadcast %jit3A_1018 : i32 to vector<1024xi32>
    %select_n3A_1020 = arith.select %lt3A_1017, %broadcast_in_dim3A_1019, %select_n3A_1005 : vector<1024xi1>, vector<1024xi32>
    %reshape3A = vector.shape_cast %select_n3A_1020 : vector<1024xi32> to vector<1x1x1024xi32>
    %swap3A = arith.constant 0 : index
    %swap3A_1021 = arith.constant 0 : index
    %swap3A_1022 = arith.constant 0 : index
    %swap3A_1023 = vector.load %arg3[%swap3A, %swap3A_1021, %swap3A_1022] : memref<1x1x1024xi32, #tpu.memory_space<vmem>>, vector<1x1x1024xi32>
    tpu.vector_store %arg3[%swap3A, %swap3A_1021, %swap3A_1022], %reshape3A {strides = array<i32>} : memref<1x1x1024xi32, #tpu.memory_space<vmem>>, vector<1x1x1024xi32>,
    return
  }
  func.func @transform_0(%arg0: i32) -> (i32, i32) {
    %c0_i32 = arith.constant 0 : i32
    %c0_i32_0 = arith.constant 0 : i32
    return %arg0, %c0_i32 : i32, i32
  }
  func.func @transform_1(%arg0: i32) -> (i32, i32) {
    %c0_i32 = arith.constant 0 : i32
    %c0_i32_0 = arith.constant 0 : i32
    %c0_i32_1 = arith.constant 0 : i32
    return %c0_i32, %c0_i32_0 : i32, i32
  }
  func.func @transform_2(%arg0: i32) -> (i32, i32, i32) {
    %c0_i32 = arith.constant 0 : i32
    %c0_i32_0 = arith.constant 0 : i32
    %c0_i32_1 = arith.constant 0 : i32
    return %arg0, %c0_i32, %c0_i32_0 : i32, i32, i32
  }
}

</mosaic_0001>

<sc_bundles>
// kernel: kernel.4.cloned.1.call-start
scs
__scs_entry_jumppad:
0x0: {  	(pc) =	sbr.rel $0x88, $3  }
0x1: {  	(tag) =	ssettag $0x0;
	lr =	simm.s32 $0x1  }
0x2: {  	[smem:$0x3F9E] =	sst lr;
	_ =	strace $0xD0000000  }
0x3: {  	_ = 	snop  }
0x4: {  	_ = 	snop  }
0x5: {  	_ = 	snop  }
0x6: {  	_ = 	snop  }
0x7: {  	_ = 	snop  }
__scs_overlays_trampoline_lowered:
0x8: {  	[smem:$0x3FAD] =	sst s0  }
0x9: {  	[smem:$0x3FAE] =	sst s1  }
0xa: {  	[smem:$0x3FAF] =	sst s2  }
0xb: {  	[smem:$0x3FB0] =	sst s3  }
0xc: {  	[smem:$0x3FB1] =	sst s4  }
0xd: {  	[smem:$0x3FB2] =	sst s5  }
0xe: {  	[smem:$0x3FB3] =	sst s6  }
0xf: {  	[smem:$0x3FB4] =	sst s7  }
0x10: {  	[smem:$0x3FB5] =	sst s8  }
0x11: {  	[smem:$0x3FB6] =	sst s9;
	s0 =	simm.s32 @!p0 $0x0  }
0x12: {  	s1 =	sld [smem:$0x3F9C];
	s0 =	simm.s32 @p0 $0x1  }
0x13: {  	[smem:$0x3FB7] =	sst s0;
	s0 =	simm.s32 @!p1 $0x0  }
0x14: {  	s2 =	sld [smem:$0x3F9B];
	s0 =	simm.s32 @p1 $0x1  }
0x15: {  	[smem:$0x3FB8] =	sst s0;
	s0 =	simm.s32 @!p2 $0x0  }
0x16: {  	s3 =	sld [smem:$0x3FDB];
	s0 =	simm.s32 @p2 $0x1  }
0x17: {  	s4 =	simm.s32 $0x1BF5;
	[smem:$0x3FBA] =	sst s0  }
0x18: {  	s0 =	sld [smem:$0x3F9D];
	_ =	swait.ge [sflag:s4], $0x0  }
0x19: {  	s7 =	sld [smem:$0x3F9E]  }
0x1a: {  	s8 =	sadd.s32 $0xFFFFE003, lr  }
0x1b: {  	s9 =	sadd.s32 $0xFFFFFEF7, lr;
	s5 =	simm.s32 $0xFFFFFFFF;
	p2 =	slt.u32 s8, $0xFFFFF086  }
0x1c: {  	p1 =	slt.u32 s9, $0xF7A;
	s5 =	simm.s32 @!p2 $0x0  }
0x1d: {  	s5 =	simm.s32 @p1 $0x1;
	p0 =	seq.s32 s7, s2  }
0x1e: {  	s7 =	smul.u32 @!p0 $0xF7A, s2;
	p2 =	seq.s32 @!p0 s5, $0x0  }
0x1f: {  	s9 =	smul.u32 $0xF7A, s1;
	s8 =	simm.s32 @!p0 $0x1BF5;
	p2 =	por !p2, p0  }
0x20: {  	[sflag:s8] =	ssyncset.s32 @!p0 $0xFFFFF086;
	s6 =	sadd.s32 @!p0 s3, s7;
	s7 =	simm.s32 @!p0 $0x108  }
0x21: {  	s3 =	sadd.s32 s3, s9;
	s6 =	sadd.s32 @!p0 $0x88, s6;
	s7 =	simm.s32 @p2 $0x1082  }
0x22: {  	[simem:s7], [sflag:s8] =	dma.local @!p0 [hbm:s6], $0xF7A  }
0x23: {  	s9 =	sor.u32 $0xD0000000, s2;
	s6 =	simm.s32 $0x108;
	_ =	swait.ge @!p0 [sflag:s8], $0x0  }
0x24: {  	s3 =	sadd.s32 $0x88, s3;
	s6 =	simm.s32 @!p1 $0x1082;
	[sflag:s4] =	ssyncset.s32 $0xFFFFF086  }
0x25: {  	[simem:s6], [sflag:s4] =	dma.local [hbm:s3], $0xF7A  }
0x26: {  	[smem:$0x3F9E] =	sst s1;
	(tag) =	ssettag s2;
	_ =	strace s9  }
0x27: {  	s1 =	sld [smem:$0x3FAE]  }
0x28: {  	s2 =	sld [smem:$0x3FAF]  }
0x29: {  	s4 =	sld [smem:$0x3FB1]  }
0x2a: {  	p0 =	seq.s32 s5, $0x0;
	s5 =	sld [smem:$0x3FB2]  }
0x2b: {  	s6 =	sld [smem:$0x3FB3]  }
0x2c: {  	s7 =	sld [smem:$0x3FB4]  }
0x2d: {  	s3 =	simm.s32 $0x108;
	s8 =	sld [smem:$0x3FB5]  }
0x2e: {  	s3 =	simm.s32 @!p0 $0x1082;
	s9 =	sld [smem:$0x3FB6]  }
0x2f: {  	lr =	sadd.s32 s0, s3;
	s0 =	sld [smem:$0x3FAD]  }
0x30: {  	s3 =	sld [smem:$0x3FB0]  }
0x31: {  	[smem:$0x3FB9] =	sst s10  }
0x32: {  	s10 =	sld [smem:$0x3FB7];
	_ =	sdelay $0x3  }
0x33: {  	p0 =	seq.s32 s10, $0x1;
	s10 =	sld [smem:$0x3FB9];
	_ =	sdelay $0x3  }
0x34: {  	[smem:$0x3FB9] =	sst s10  }
0x35: {  	s10 =	sld [smem:$0x3FB8];
	_ =	sdelay $0x3  }
0x36: {  	p1 =	seq.s32 s10, $0x1;
	s10 =	sld [smem:$0x3FB9];
	_ =	sdelay $0x3  }
0x37: {  	[smem:$0x3FB9] =	sst s10  }
0x38: {  	s10 =	sld [smem:$0x3FBA]  }
0x39: {  	_ = 	snop;
	(pc) =	sbr.ind lr, $3  }
0x3a: {  	_ = 	snop  }
0x3b: {  	_ = 	snop  }
0x3c: {  	p2 =	seq.s32 s10, $0x1;
	s10 =	sld [smem:$0x3FB9]  }
0x3d: {  	_ =	shalt  }
0x3e: {  	_ =	shalt  }
0x3f: {  	_ =	shalt  }
0x40: {  	_ =	shalt  }
0x41: {  	_ =	shalt  }
0x42: {  	_ =	shalt  }
0x43: {  	_ =	shalt  }
0x44: {  	_ =	shalt  }
0x45: {  	_ =	shalt  }
0x46: {  	_ =	shalt  }
0x47: {  	_ =	shalt  }
0x48: {  	_ =	shalt  }
0x49: {  	_ =	shalt  }
0x4a: {  	_ =	shalt  }
0x4b: {  	_ =	shalt  }
0x4c: {  	_ =	shalt  }
0x4d: {  	_ =	shalt  }
0x4e: {  	_ =	shalt  }
0x4f: {  	_ =	shalt  }
0x50: {  	_ =	shalt  }
0x51: {  	_ =	shalt  }
0x52: {  	_ =	shalt  }
0x53: {  	_ =	shalt  }
0x54: {  	_ =	shalt  }
0x55: {  	_ =	shalt  }
0x56: {  	_ =	shalt  }
0x57: {  	_ =	shalt  }
0x58: {  	_ =	shalt  }
0x59: {  	_ =	shalt  }
0x5a: {  	_ =	shalt  }
0x5b: {  	_ =	shalt  }
0x5c: {  	_ =	shalt  }
0x5d: {  	_ =	shalt  }
0x5e: {  	_ =	shalt  }
0x5f: {  	_ =	shalt  }
0x60: {  	_ =	shalt  }
0x61: {  	_ =	shalt  }
0x62: {  	_ =	shalt  }
0x63: {  	_ =	shalt  }
0x64: {  	_ =	shalt  }
0x65: {  	_ =	shalt  }
0x66: {  	_ =	shalt  }
0x67: {  	_ =	shalt  }
0x68: {  	_ =	shalt  }
0x69: {  	_ =	shalt  }
0x6a: {  	_ =	shalt  }
0x6b: {  	_ =	shalt  }
0x6c: {  	_ =	shalt  }
0x6d: {  	_ =	shalt  }
0x6e: {  	_ =	shalt  }
0x6f: {  	_ =	shalt  }
0x70: {  	_ =	shalt  }
0x71: {  	_ =	shalt  }
0x72: {  	_ =	shalt  }
0x73: {  	_ =	shalt  }
0x74: {  	_ =	shalt  }
0x75: {  	_ =	shalt  }
0x76: {  	_ =	shalt  }
0x77: {  	_ =	shalt  }
0x78: {  	_ =	shalt  }
0x79: {  	_ =	shalt  }
0x7a: {  	_ =	shalt  }
0x7b: {  	_ =	shalt  }
0x7c: {  	_ =	shalt  }
0x7d: {  	_ =	shalt  }
0x7e: {  	_ =	shalt  }
0x7f: {  	_ =	shalt  }
0x80: {  	_ =	shalt  }
0x81: {  	_ =	shalt  }
0x82: {  	_ =	shalt  }
0x83: {  	_ =	shalt  }
0x84: {  	_ =	shalt  }
0x85: {  	_ =	shalt  }
0x86: {  	_ =	shalt  }
0x87: {  	_ =	shalt  }
.Lfunc_end0:
.L_simem_size_0:
called_computation_lowered:
.L_overlay_start_0:
0x88: {  	s2 =	sld [smem:$0x3FD9]  }
0x89: {  	s3 =	sld [smem:$0x3FFE];
	_ =	sdelay $0x1  }
0x8a: {  	s1 =	srdreg.scid  }
0x8b: {  	s0 =	sand.u32 $0x1, s1  }
0x8c: {  	s17 =	sshll.u32 s0, $0xA;
	s2 =	sadd.s32 s3, s2  }
0x8d: {  	s2 =	sadd.s32 s2, s17  }
0x8e: {  	[smem:$0x3FC5] =	sst s2  }
0x8f: {  	_ = 	snop  }
0x90: {  	s2 =	sld [smem:$0x3FD0];
	(tm) =	ssettm $0x1  }
0x91: {  	s18 =	sld [smem:$0x3FFB];
	_ =	sdelay $0x3  }
0x92: {  	_ =	strace s18  }
0x93: {  	s3 =	sld [smem:$0x3FFC];
	_ =	sdelay $0x3  }
0x94: {  	_ =	strace s3  }
0x95: {  	s3 =	sld [smem:$0x3FFD];
	_ =	sdelay $0x3  }
0x96: {  	_ =	strace s3  }
0x97: {  	_ =	strace $0x8FFFFFFF  }
0x98: {  	s19 =	sld [smem:$0x3FDB];
	_ =	sdelay $0x1  }
0x99: {  	s4 =	simm.s32 $_scs_section_size  }
0x9a: {  	s5 =	simm.s32 $_size__tile_overlayer_lowered;
	s6 =	simm.s32 $_tile_overlayer_lowered  }
0x9b: {  	s22 =	simm.s32 $0x1BFF;
	s21 =	sshll.u32 s6, $0x1;
	s3 =	sadd.s32 s4, s19  }
0x9c: {  	s7 =	simm.s32 $0x0;
	s20 =	sshll.u32 s5, $0x1;
	s5 =	sadd.s32 s21, s3  }
0x9d: {  	[timem:s7], [sflag:s22] =	dma.local [hbm:s5], s20  }
0x9e: {  	_ =	swait.ge [sflag:s22], s20  }
0x9f: {  	s4 =	ssub.s32 $0x0, s20;
	[sflag:s22] =	ssyncset.done $0x0  }
0xa0: {  	[sflag:s22] =	ssyncadd.s32 s4;
	_ =	sdelay $0x1  }
0xa1: {  	s23 =	simm.s32 $0x1B8B  }
0xa2: {  	_ =	swait.ge [sflag:s23], $0x1  }
0xa3: {  	[sflag:s23] =	ssyncset.done $0x0  }
0xa4: {  	s25 =	simm.s32 $0x1B8E;
	s24 =	sld [smem:$0x3FFE];
	[sflag:s23] =	ssyncadd.s32 $0xFFFFFFFF  }
0xa5: {  	s26 =	simm.s32 $execute0_lowered;
	[smem:$0x3FD2] =	sst s25  }
0xa6: {  	s5 =	sshll.u32 s26, $0x1;
	_ =	strace $0x80000046;
	[dreg:$0x1] =	wrdreg $0xFFFFFFFF  }
0xa7: {  	s28 =	simm.s32 $_size_execute0_lowered;
	s3 =	sadd.s32 s3, s5;
	[dreg:$0x0] =	wrdreg $0x0  }
0xa8: {  	s5 =	sshll.u32 s28, $0x1;
	[dreg:$0x2] =	wrdreg s3  }
0xa9: {  	[dreg:$0x3] =	wrdreg s5  }
0xaa: {  	[dreg:$0x4] =	wrdreg $0xC0  }
0xab: {  	_ =	task [dreg:s7], $0x5FFFF  }
0xac: {  	[dreg:$0x1] =	wrdreg $0xFFFFFFFF  }
0xad: {  	[dreg:$0x0] =	wrdreg $0x60  }
0xae: {  	[dreg:$0x2] =	wrdreg s24  }
0xaf: {  	[dreg:$0x3] =	wrdreg s2  }
0xb0: {  	[dreg:$0x4] =	wrdreg $0x9  }
0xb1: {  	_ =	task.clear_ibuf [dreg:s7], $0x5FFFF;
	_ =	strace $0x90000046  }
0xb2: {  	s29 =	simm.s32 $0x9;
	_ =	strace $0x80000048  }
0xb3: {  	_ =	swait.ge [sflag:s29], $0x1  }
0xb4: {  	[sflag:s29] =	ssyncadd.s32 $0xFFFFFFFF  }
0xb5: {  	_ =	strace $0x90000048  }
0xb6: {  	_ =	sfence  }
0xb7: {  	s30 =	sld [smem:$0x0];
	_ =	sdelay $0x2  }
0xb8: {  	s31 =	sshll.u32 s1, $0xD;
	s1 =	sshrl.u32 s1, $0x2  }
0xb9: {  	s3 =	sand.u32 $0x4000, s31;
	s1 =	sadd.s32 s1, s30  }
0xba: {  	s0 =	sor.u32 s3, s0;
	s1 =	sshll.u32 s1, $0x11  }
0xbb: {  	s0 =	sor.u32 s1, s0  }
0xbc: {  	s0 =	sadd.s32 $0x8F2B, s0  }
0xbd: {  	[sflag:s0] =	ssyncadd.remote.s32 $0x1  }
0xbe: {  	_ =	sfence.sel $0xFFFF  }
0xbf: {  	[dreg:$0x0] =	wrdreg $0xFFFFFFFF;
	(pc) =	sbr.abs _section_cstart, $3  }
0xc0: {  	[dreg:$0x1] =	wrdreg $0xFFFFFFFF  }
0xc1: {  	_ =	task.clear_ibuf [dreg:s7], $0x2FFFF;
	_ =	strace $0x9FFFFFFF  }
0xc2: {  	(tm) =	ssettm $0x7FFFFFFF  }
0xc3: {  	_ =	shalt  }
tec
execute0_lowered:
.L_overlay_start_1:
0x0: {  	(tag) =	ssettag $0x1  }
0x1: {  	s3 =	rddreg [dreg:$0x0]  }
0x2: {  	s8 =	rddreg [dreg:$0x1];
	s1 =	stileid.u32  }
0x3: {  	s0 =	rddreg [dreg:$0x2];
	s2 =	simm.s32 $0x0;
	s5 =	srdreg.scid  }
0x4: {  	s12 =	simm.s32 $0xC400;
	s13 =	simm.s32 $0x10400;
	s14 =	simm.s32 $0x1  }
0x5: {  	s15 =	simm.s32 $0x2;
	s16 =	simm.s32 $0x0;
	s4 =	sshrl.u32 s1, $0x2  }
0x6: {  	[smem:$0x7FF] =	sst s2;
	s6 =	sshll.u32 s1, $0x1;
	s4 =	smul.u32 $0x2F0, s4  }
0x7: {  	s5 =	sand.u32 $0x1, s5;
	_ =	strace $0x80000047;
	s6 =	sand.u32 $0x6, s6  }
0x8: {  	s9 =	sor.u32 s5, s6;
	s5 =	ssub.s32 $0x2, s5;
	s4 =	smin.u32 s4, $0x8C8  }
0x9: {  	s6 =	sshll.u32 s9, $0x8;
	s10 =	sshrl.u32 s5, $0x1;
	s7 =	sshll.u32 s4, $0x3  }
0xa: {  	s11 =	sor.u32 s9, s4;
	s6 =	sadd.s32 s6, s3;
	s10 =	ssub.s32 s5, s10  }
0xb: {  	s9 =	sshll.u32 s9, $0xB;
	s7 =	sadd.s32 s7, s3;
	s31 =	sshll.u32 s11, $0xB  }
0xc: {  	s3 =	sshrl.u32 s4, $0x3;
	s6 =	sadd.s32 $0x6800, s6;
	s11 =	simm.s32 $0xBC00  }
0xd: {  	s4 =	sadd.s32 $0xA00, s7;
	s5 =	sadd.s32 s8, s31;
	s8 =	sadd.s32 s8, s9  }
0xe: {  	s9 =	smax.u32 s10, $0x1;
	s10 =	simm.s32 $0x3;
	s7 =	sadd.s32 $0x4000, s5  }
.LBB2_1:
0xf: {  	[tilespmem:s2], [sflag:$0x3] =	stream.linear.gather [hbm4b:s4+s2], $0xBC00, $0x38;
	[tilespmem:$0x14400] =	vst v63  }
0x10: {  	_ =	swait.ge [sflag:s10], $0xBC00  }
0x11: {  	[sflag:s10] =	ssyncset.done $0x0  }
0x12: {  	[sflag:s10] =	ssyncadd.s32 $0xFFFF4400  }
0x13: {  	[tilespmem:s11], [sflag:$0x3] =	stream.linear.gather [hbm4b:s6+s2], $0x800, $0x38;
	[tilespmem:$0x14400] =	vst v63  }
0x14: {  	_ =	swait.ge [sflag:s10], $0x800  }
0x15: {  	[sflag:s10] =	ssyncset.done $0x0  }
0x16: {  	s18 =	simm.s32 $0x0;
	[sflag:s10] =	ssyncadd.s32 $0xFFFFF800  }
0x17: {  	v6 =	vld [tilespmem:s18+$0xBC00];
	_ =	sdelay $0x5  }
0x18: {  	v4 =	vld [tilespmem:s18+$0xBC10]  }
0x19: {  	v0 =	vld [tilespmem:s18+$0xBC70]  }
0x1a: {  	v8 =	vld.idx.msk [tilespmem:v6+s2+$0x0], $0xffff  }
0x1b: {  	v1 =	vld [tilespmem:s18+$0xBC60]  }
0x1c: {  	v2 =	vld [tilespmem:s18+$0xBC50]  }
0x1d: {  	v3 =	vld [tilespmem:s18+$0xBC40]  }
0x1e: {  	s17 =	simm.s32 $0xC600;
	v7 =	vld [tilespmem:s18+$0xBC20]  }
0x1f: {  	v5 =	vld [tilespmem:s18+$0xBC30];
	[tilespmem:s17+$0xFFFFFE00] =	vst v8  }
0x20: {  	v8 =	vld.idx.msk [tilespmem:v4+s2+$0x0], $0xffff;
	_ =	sdelay $0x4  }
0x21: {  	[tilespmem:s17+$0xFFFFFE10] =	vst v8  }
0x22: {  	v8 =	vld.idx.msk [tilespmem:v7+s2+$0x0], $0xffff;
	_ =	sdelay $0x4  }
0x23: {  	[tilespmem:s17+$0xFFFFFE20] =	vst v8  }
0x24: {  	v8 =	vld.idx.msk [tilespmem:v5+s2+$0x0], $0xffff;
	_ =	sdelay $0x4  }
0x25: {  	[tilespmem:s17+$0xFFFFFE30] =	vst v8  }
0x26: {  	v8 =	vld.idx.msk [tilespmem:v3+s2+$0x0], $0xffff;
	_ =	sdelay $0x4  }
0x27: {  	[tilespmem:s17+$0xFFFFFE40] =	vst v8  }
0x28: {  	v8 =	vld.idx.msk [tilespmem:v2+s2+$0x0], $0xffff;
	_ =	sdelay $0x4  }
0x29: {  	[tilespmem:s17+$0xFFFFFE50] =	vst v8  }
0x2a: {  	v8 =	vld.idx.msk [tilespmem:v1+s2+$0x0], $0xffff;
	_ =	sdelay $0x4  }
0x2b: {  	[tilespmem:s17+$0xFFFFFE60] =	vst v8  }
0x2c: {  	v8 =	vld.idx.msk [tilespmem:v0+s2+$0x0], $0xffff  }
0x2d: {  	v9 =	vadd.s32 $0x40, v6;
	_ =	sdelay $0x3  }
0x2e: {  	[tilespmem:s17+$0xFFFFFE70] =	vst v8  }
0x2f: {  	v8 =	vld.idx.msk [tilespmem:v9+s2+$0x0], $0xffff  }
0x30: {  	v16 =	vadd.s32 $0x40, v4;
	_ =	sdelay $0x3  }
0x31: {  	[tilespmem:s17+$0xFFFFFE80] =	vst v8  }
0x32: {  	v8 =	vld.idx.msk [tilespmem:v16+s2+$0x0], $0xffff  }
0x33: {  	v17 =	vadd.s32 $0x40, v7;
	_ =	sdelay $0x3  }
0x34: {  	[tilespmem:s17+$0xFFFFFE90] =	vst v8  }
0x35: {  	v8 =	vld.idx.msk [tilespmem:v17+s2+$0x0], $0xffff  }
0x36: {  	v18 =	vadd.s32 $0x40, v5;
	_ =	sdelay $0x3  }
0x37: {  	[tilespmem:s17+$0xFFFFFEA0] =	vst v8  }
0x38: {  	v8 =	vld.idx.msk [tilespmem:v18+s2+$0x0], $0xffff  }
0x39: {  	v19 =	vadd.s32 $0x40, v3;
	_ =	sdelay $0x3  }
0x3a: {  	[tilespmem:s17+$0xFFFFFEB0] =	vst v8  }
0x3b: {  	v8 =	vld.idx.msk [tilespmem:v19+s2+$0x0], $0xffff  }
0x3c: {  	v20 =	vadd.s32 $0x40, v2;
	_ =	sdelay $0x3  }
0x3d: {  	[tilespmem:s17+$0xFFFFFEC0] =	vst v8  }
0x3e: {  	v8 =	vld.idx.msk [tilespmem:v20+s2+$0x0], $0xffff  }
0x3f: {  	v21 =	vadd.s32 $0x40, v1;
	_ =	sdelay $0x3  }
0x40: {  	[tilespmem:s17+$0xFFFFFED0] =	vst v8  }
0x41: {  	v8 =	vld.idx.msk [tilespmem:v21+s2+$0x0], $0xffff  }
0x42: {  	v22 =	vadd.s32 $0x40, v0;
	_ =	sdelay $0x3  }
0x43: {  	[tilespmem:s17+$0xFFFFFEE0] =	vst v8  }
0x44: {  	v8 =	vld.idx.msk [tilespmem:v22+s2+$0x0], $0xffff  }
0x45: {  	v23 =	vadd.s32 $0x80, v6;
	_ =	sdelay $0x3  }
0x46: {  	[tilespmem:s17+$0xFFFFFEF0] =	vst v8  }
0x47: {  	v8 =	vld.idx.msk [tilespmem:v23+s2+$0x0], $0xffff  }
0x48: {  	v24 =	vadd.s32 $0x80, v4;
	_ =	sdelay $0x3  }
0x49: {  	[tilespmem:s17+$0xFFFFFF00] =	vst v8  }
0x4a: {  	v8 =	vld.idx.msk [tilespmem:v24+s2+$0x0], $0xffff  }
0x4b: {  	v25 =	vadd.s32 $0x80, v7;
	_ =	sdelay $0x3  }
0x4c: {  	[tilespmem:s17+$0xFFFFFF10] =	vst v8  }
0x4d: {  	v8 =	vld.idx.msk [tilespmem:v25+s2+$0x0], $0xffff  }
0x4e: {  	v26 =	vadd.s32 $0x80, v5;
	_ =	sdelay $0x3  }
0x4f: {  	[tilespmem:s17+$0xFFFFFF20] =	vst v8  }
0x50: {  	v8 =	vld.idx.msk [tilespmem:v26+s2+$0x0], $0xffff  }
0x51: {  	v27 =	vadd.s32 $0x80, v3;
	_ =	sdelay $0x3  }
0x52: {  	[tilespmem:s17+$0xFFFFFF30] =	vst v8  }
0x53: {  	v8 =	vld.idx.msk [tilespmem:v27+s2+$0x0], $0xffff  }
0x54: {  	v28 =	vadd.s32 $0x80, v2;
	_ =	sdelay $0x3  }
0x55: {  	[tilespmem:s17+$0xFFFFFF40] =	vst v8  }
0x56: {  	v8 =	vld.idx.msk [tilespmem:v28+s2+$0x0], $0xffff  }
0x57: {  	v29 =	vadd.s32 $0x80, v1;
	_ =	sdelay $0x3  }
0x58: {  	[tilespmem:s17+$0xFFFFFF50] =	vst v8  }
0x59: {  	v8 =	vld.idx.msk [tilespmem:v29+s2+$0x0], $0xffff  }
0x5a: {  	v30 =	vadd.s32 $0x80, v0;
	_ =	sdelay $0x3  }
0x5b: {  	[tilespmem:s17+$0xFFFFFF60] =	vst v8  }
0x5c: {  	v8 =	vld.idx.msk [tilespmem:v30+s2+$0x0], $0xffff  }
0x5d: {  	v31 =	vadd.s32 $0xC0, v6;
	_ =	sdelay $0x3  }
0x5e: {  	[tilespmem:s17+$0xFFFFFF70] =	vst v8  }
0x5f: {  	v8 =	vld.idx.msk [tilespmem:v31+s2+$0x0], $0xffff  }
0x60: {  	v32 =	vadd.s32 $0xC0, v4;
	_ =	sdelay $0x3  }
0x61: {  	[tilespmem:s17+$0xFFFFFF80] =	vst v8  }
0x62: {  	v8 =	vld.idx.msk [tilespmem:v32+s2+$0x0], $0xffff  }
0x63: {  	v33 =	vadd.s32 $0xC0, v7;
	_ =	sdelay $0x3  }
0x64: {  	[tilespmem:s17+$0xFFFFFF90] =	vst v8  }
0x65: {  	v8 =	vld.idx.msk [tilespmem:v33+s2+$0x0], $0xffff  }
0x66: {  	v34 =	vadd.s32 $0xC0, v5;
	_ =	sdelay $0x3  }
0x67: {  	[tilespmem:s17+$0xFFFFFFA0] =	vst v8  }
0x68: {  	v8 =	vld.idx.msk [tilespmem:v34+s2+$0x0], $0xffff  }
0x69: {  	v35 =	vadd.s32 $0xC0, v3;
	_ =	sdelay $0x3  }
0x6a: {  	[tilespmem:s17+$0xFFFFFFB0] =	vst v8  }
0x6b: {  	v8 =	vld.idx.msk [tilespmem:v35+s2+$0x0], $0xffff  }
0x6c: {  	v36 =	vadd.s32 $0xC0, v2;
	_ =	sdelay $0x3  }
0x6d: {  	[tilespmem:s17+$0xFFFFFFC0] =	vst v8  }
0x6e: {  	v8 =	vld.idx.msk [tilespmem:v36+s2+$0x0], $0xffff  }
0x6f: {  	v37 =	vadd.s32 $0xC0, v1;
	_ =	sdelay $0x3  }
0x70: {  	[tilespmem:s17+$0xFFFFFFD0] =	vst v8  }
0x71: {  	v8 =	vld.idx.msk [tilespmem:v37+s2+$0x0], $0xffff  }
0x72: {  	v38 =	vadd.s32 $0xC0, v0;
	_ =	sdelay $0x3  }
0x73: {  	[tilespmem:s17+$0xFFFFFFE0] =	vst v8  }
0x74: {  	v8 =	vld.idx.msk [tilespmem:v38+s2+$0x0], $0xffff  }
0x75: {  	v39 =	vadd.s32 $0x100, v6;
	_ =	sdelay $0x3  }
0x76: {  	[tilespmem:s17+$0xFFFFFFF0] =	vst v8  }
0x77: {  	v8 =	vld.idx.msk [tilespmem:v39+s2+$0x0], $0xffff  }
0x78: {  	v40 =	vadd.s32 $0x100, v4;
	_ =	sdelay $0x3  }
0x79: {  	[tilespmem:s17+$0x0] =	vst v8  }
0x7a: {  	v8 =	vld.idx.msk [tilespmem:v40+s2+$0x0], $0xffff  }
0x7b: {  	v41 =	vadd.s32 $0x100, v7;
	_ =	sdelay $0x3  }
0x7c: {  	[tilespmem:s17+$0x10] =	vst v8  }
0x7d: {  	v8 =	vld.idx.msk [tilespmem:v41+s2+$0x0], $0xffff  }
0x7e: {  	v42 =	vadd.s32 $0x100, v5;
	_ =	sdelay $0x3  }
0x7f: {  	[tilespmem:s17+$0x20] =	vst v8  }
0x80: {  	v8 =	vld.idx.msk [tilespmem:v42+s2+$0x0], $0xffff  }
0x81: {  	v43 =	vadd.s32 $0x100, v3;
	_ =	sdelay $0x3  }
0x82: {  	[tilespmem:s17+$0x30] =	vst v8  }
0x83: {  	v8 =	vld.idx.msk [tilespmem:v43+s2+$0x0], $0xffff  }
0x84: {  	v44 =	vadd.s32 $0x100, v2;
	_ =	sdelay $0x3  }
0x85: {  	[tilespmem:s17+$0x40] =	vst v8  }
0x86: {  	v8 =	vld.idx.msk [tilespmem:v44+s2+$0x0], $0xffff  }
0x87: {  	v45 =	vadd.s32 $0x100, v1;
	_ =	sdelay $0x3  }
0x88: {  	[tilespmem:s17+$0x50] =	vst v8  }
0x89: {  	v8 =	vld.idx.msk [tilespmem:v45+s2+$0x0], $0xffff  }
0x8a: {  	v46 =	vadd.s32 $0x100, v0;
	_ =	sdelay $0x3  }
0x8b: {  	[tilespmem:s17+$0x60] =	vst v8  }
0x8c: {  	v8 =	vld.idx.msk [tilespmem:v46+s2+$0x0], $0xffff  }
0x8d: {  	v47 =	vadd.s32 $0x140, v6;
	_ =	sdelay $0x3  }
0x8e: {  	[tilespmem:s17+$0x70] =	vst v8  }
0x8f: {  	v8 =	vld.idx.msk [tilespmem:v47+s2+$0x0], $0xffff  }
0x90: {  	v48 =	vadd.s32 $0x140, v4;
	_ =	sdelay $0x3  }
0x91: {  	[tilespmem:s17+$0x80] =	vst v8  }
0x92: {  	v8 =	vld.idx.msk [tilespmem:v48+s2+$0x0], $0xffff  }
0x93: {  	v49 =	vadd.s32 $0x140, v7;
	_ =	sdelay $0x3  }
0x94: {  	[tilespmem:s17+$0x90] =	vst v8  }
0x95: {  	v8 =	vld.idx.msk [tilespmem:v49+s2+$0x0], $0xffff  }
0x96: {  	v50 =	vadd.s32 $0x140, v5;
	_ =	sdelay $0x3  }
0x97: {  	[tilespmem:s17+$0xA0] =	vst v8  }
0x98: {  	v8 =	vld.idx.msk [tilespmem:v50+s2+$0x0], $0xffff  }
0x99: {  	v51 =	vadd.s32 $0x140, v3;
	_ =	sdelay $0x3  }
0x9a: {  	[tilespmem:s17+$0xB0] =	vst v8  }
0x9b: {  	v8 =	vld.idx.msk [tilespmem:v51+s2+$0x0], $0xffff  }
0x9c: {  	v52 =	vadd.s32 $0x140, v2;
	_ =	sdelay $0x3  }
0x9d: {  	[tilespmem:s17+$0xC0] =	vst v8  }
0x9e: {  	v8 =	vld.idx.msk [tilespmem:v52+s2+$0x0], $0xffff  }
0x9f: {  	v53 =	vadd.s32 $0x140, v1;
	_ =	sdelay $0x3  }
0xa0: {  	[tilespmem:s17+$0xD0] =	vst v8  }
0xa1: {  	v8 =	vld.idx.msk [tilespmem:v53+s2+$0x0], $0xffff  }
0xa2: {  	v54 =	vadd.s32 $0x140, v0;
	_ =	sdelay $0x3  }
0xa3: {  	[tilespmem:s17+$0xE0] =	vst v8  }
0xa4: {  	v8 =	vld.idx.msk [tilespmem:v54+s2+$0x0], $0xffff  }
0xa5: {  	v55 =	vadd.s32 $0x180, v6;
	_ =	sdelay $0x3  }
0xa6: {  	[tilespmem:s17+$0xF0] =	vst v8  }
0xa7: {  	v8 =	vld.idx.msk [tilespmem:v55+s2+$0x0], $0xffff  }
0xa8: {  	v56 =	vadd.s32 $0x180, v4;
	_ =	sdelay $0x3  }
0xa9: {  	[tilespmem:s17+$0x100] =	vst v8  }
0xaa: {  	v8 =	vld.idx.msk [tilespmem:v56+s2+$0x0], $0xffff  }
0xab: {  	v57 =	vadd.s32 $0x180, v7;
	_ =	sdelay $0x3  }
0xac: {  	[tilespmem:s17+$0x110] =	vst v8  }
0xad: {  	v8 =	vld.idx.msk [tilespmem:v57+s2+$0x0], $0xffff  }
0xae: {  	v58 =	vadd.s32 $0x180, v5;
	_ =	sdelay $0x3  }
0xaf: {  	[tilespmem:s17+$0x120] =	vst v8  }
0xb0: {  	v8 =	vld.idx.msk [tilespmem:v58+s2+$0x0], $0xffff  }
0xb1: {  	v59 =	vadd.s32 $0x180, v3;
	_ =	sdelay $0x3  }
0xb2: {  	[tilespmem:s17+$0x130] =	vst v8  }
0xb3: {  	v8 =	vld.idx.msk [tilespmem:v59+s2+$0x0], $0xffff  }
0xb4: {  	v60 =	vadd.s32 $0x180, v2;
	_ =	sdelay $0x3  }
0xb5: {  	[tilespmem:s17+$0x140] =	vst v8  }
0xb6: {  	v8 =	vld.idx.msk [tilespmem:v60+s2+$0x0], $0xffff  }
0xb7: {  	v61 =	vadd.s32 $0x180, v1;
	_ =	sdelay $0x3  }
0xb8: {  	[tilespmem:s17+$0x150] =	vst v8  }
0xb9: {  	v8 =	vld.idx.msk [tilespmem:v61+s2+$0x0], $0xffff  }
0xba: {  	v62 =	vadd.s32 $0x180, v0;
	_ =	sdelay $0x3  }
0xbb: {  	[tilespmem:s17+$0x160] =	vst v8  }
0xbc: {  	v8 =	vld.idx.msk [tilespmem:v62+s2+$0x0], $0xffff  }
0xbd: {  	v6 =	vadd.s32 $0x1C0, v6;
	_ =	sdelay $0x3  }
0xbe: {  	[tilespmem:s17+$0x170] =	vst v8  }
0xbf: {  	v6 =	vld.idx.msk [tilespmem:v6+s2+$0x0], $0xffff  }
0xc0: {  	v4 =	vadd.s32 $0x1C0, v4;
	_ =	sdelay $0x3  }
0xc1: {  	[tilespmem:s17+$0x180] =	vst v6  }
0xc2: {  	v4 =	vld.idx.msk [tilespmem:v4+s2+$0x0], $0xffff  }
0xc3: {  	v63 =	vadd.s32 $0x1C0, v7;
	_ =	sdelay $0x3  }
0xc4: {  	[tilespmem:s17+$0x190] =	vst v4  }
0xc5: {  	v4 =	vld.idx.msk [tilespmem:v63+s2+$0x0], $0xffff  }
0xc6: {  	v5 =	vadd.s32 $0x1C0, v5;
	_ =	sdelay $0x3  }
0xc7: {  	[tilespmem:s17+$0x1A0] =	vst v4  }
0xc8: {  	v4 =	vld.idx.msk [tilespmem:v5+s2+$0x0], $0xffff  }
0xc9: {  	v3 =	vadd.s32 $0x1C0, v3;
	_ =	sdelay $0x3  }
0xca: {  	[tilespmem:s17+$0x1B0] =	vst v4  }
0xcb: {  	v3 =	vld.idx.msk [tilespmem:v3+s2+$0x0], $0xffff  }
0xcc: {  	v2 =	vadd.s32 $0x1C0, v2;
	_ =	sdelay $0x3  }
0xcd: {  	[tilespmem:s17+$0x1C0] =	vst v3  }
0xce: {  	v2 =	vld.idx.msk [tilespmem:v2+s2+$0x0], $0xffff  }
0xcf: {  	v1 =	vadd.s32 $0x1C0, v1;
	_ =	sdelay $0x3  }
0xd0: {  	[tilespmem:s17+$0x1D0] =	vst v2  }
0xd1: {  	v1 =	vld.idx.msk [tilespmem:v1+s2+$0x0], $0xffff  }
0xd2: {  	v0 =	vadd.s32 $0x1C0, v0;
	_ =	sdelay $0x3  }
0xd3: {  	[tilespmem:s17+$0x1E0] =	vst v1  }
0xd4: {  	v0 =	vld.idx.msk [tilespmem:v0+s2+$0x0], $0xffff;
	_ =	sdelay $0x4  }
0xd5: {  	s19 =	simm.s32 $0x80;
	s18 =	simm.s32 $0x400;
	[tilespmem:s17+$0x1F0] =	vst v0  }
.LBB2_2:
0xd6: {  	p0 =	sne.s32 s18, $0x1E00;
	v1 =	vld [tilespmem:s19+$0xBC00];
	_ =	sdelay $0x4  }
0xd7: {  	v51 =	vadd.s32 $0x40, v1;
	v43 =	vadd.s32 $0x80, v1;
	v34 =	vadd.s32 $0xC0, v1  }
0xd8: {  	v24 =	vadd.s32 $0x100, v1;
	v16 =	vadd.s32 $0x140, v1;
	v8 =	vadd.s32 $0x180, v1  }
0xd9: {  	v0 =	vadd.s32 $0x1C0, v1;
	v2 =	vld [tilespmem:s19+$0xBC10]  }
0xda: {  	v1 =	vld.idx.msk [tilespmem:v1+s2+$0x0], $0xffff  }
0xdb: {  	v53 =	vld [tilespmem:s19+$0xBC70]  }
0xdc: {  	v54 =	vld [tilespmem:s19+$0xBC60]  }
0xdd: {  	v55 =	vld [tilespmem:s19+$0xBC50]  }
0xde: {  	v56 =	vld [tilespmem:s19+$0xBC40];
	v57 =	vadd.s32 $0x40, v2;
	v45 =	vadd.s32 $0x80, v2;
	v36 =	vadd.s32 $0xC0, v2  }
0xdf: {  	s17 =	sadd.s32 $0x400, s17;
	v25 =	vadd.s32 $0x100, v2;
	v17 =	vadd.s32 $0x140, v2;
	v9 =	vadd.s32 $0x180, v2;
	v58 =	vld [tilespmem:s19+$0xBC30]  }
0xe0: {  	v3 =	vld [tilespmem:s19+$0xBC20];
	[tilespmem:s17+$0xFFFFFE00] =	vst v1;
	v48 =	vadd.s32 $0x40, v53;
	v40 =	vadd.s32 $0x80, v53;
	v1 =	vadd.s32 $0x1C0, v2  }
0xe1: {  	v2 =	vld.idx.msk [tilespmem:v2+s2+$0x0], $0xffff;
	v49 =	vadd.s32 $0x40, v54;
	v41 =	vadd.s32 $0x80, v54;
	v32 =	vadd.s32 $0xC0, v54  }
0xe2: {  	v50 =	vadd.s32 $0x40, v55;
	v42 =	vadd.s32 $0x80, v55;
	v33 =	vadd.s32 $0xC0, v55  }
0xe3: {  	v52 =	vadd.s32 $0x40, v56;
	v44 =	vadd.s32 $0x80, v56;
	v35 =	vadd.s32 $0xC0, v56  }
0xe4: {  	v59 =	vadd.s32 $0x40, v58;
	v46 =	vadd.s32 $0x80, v58;
	v38 =	vadd.s32 $0xC0, v58  }
0xe5: {  	v60 =	vadd.s32 $0x40, v3;
	v47 =	vadd.s32 $0x80, v3;
	v39 =	vadd.s32 $0xC0, v3  }
0xe6: {  	v31 =	vadd.s32 $0x100, v3;
	v23 =	vadd.s32 $0x140, v3;
	v14 =	vadd.s32 $0x180, v3  }
0xe7: {  	v30 =	vadd.s32 $0x100, v58;
	v22 =	vadd.s32 $0x140, v58;
	v7 =	vadd.s32 $0x1C0, v3;
	[tilespmem:s17+$0xFFFFFE10] =	vst v2  }
0xe8: {  	v29 =	vadd.s32 $0x100, v56;
	v15 =	vadd.s32 $0x180, v58;
	v6 =	vadd.s32 $0x1C0, v58;
	v2 =	vld.idx.msk [tilespmem:v3+s2+$0x0], $0xffff  }
0xe9: {  	v21 =	vadd.s32 $0x140, v56;
	v13 =	vadd.s32 $0x180, v56;
	v5 =	vadd.s32 $0x1C0, v56  }
0xea: {  	v28 =	vadd.s32 $0x100, v55;
	v20 =	vadd.s32 $0x140, v55;
	v12 =	vadd.s32 $0x180, v55  }
0xeb: {  	v27 =	vadd.s32 $0x100, v54;
	v19 =	vadd.s32 $0x140, v54;
	v4 =	vadd.s32 $0x1C0, v55  }
0xec: {  	v37 =	vadd.s32 $0xC0, v53;
	v11 =	vadd.s32 $0x180, v54;
	v3 =	vadd.s32 $0x1C0, v54  }
0xed: {  	v26 =	vadd.s32 $0x100, v53;
	v18 =	vadd.s32 $0x140, v53;
	v10 =	vadd.s32 $0x180, v53  }
0xee: {  	[tilespmem:s17+$0xFFFFFE20] =	vst v2;
	v2 =	vadd.s32 $0x1C0, v53  }
0xef: {  	v58 =	vld.idx.msk [tilespmem:v58+s2+$0x0], $0xffff;
	_ =	sdelay $0x5  }
0xf0: {  	[tilespmem:s17+$0xFFFFFE30] =	vst v58  }
0xf1: {  	v56 =	vld.idx.msk [tilespmem:v56+s2+$0x0], $0xffff;
	_ =	sdelay $0x5  }
0xf2: {  	[tilespmem:s17+$0xFFFFFE40] =	vst v56  }
0xf3: {  	v55 =	vld.idx.msk [tilespmem:v55+s2+$0x0], $0xffff;
	_ =	sdelay $0x5  }
0xf4: {  	[tilespmem:s17+$0xFFFFFE50] =	vst v55  }
0xf5: {  	v54 =	vld.idx.msk [tilespmem:v54+s2+$0x0], $0xffff;
	_ =	sdelay $0x5  }
0xf6: {  	[tilespmem:s17+$0xFFFFFE60] =	vst v54  }
0xf7: {  	v53 =	vld.idx.msk [tilespmem:v53+s2+$0x0], $0xffff;
	_ =	sdelay $0x5  }
0xf8: {  	[tilespmem:s17+$0xFFFFFE70] =	vst v53  }
0xf9: {  	v51 =	vld.idx.msk [tilespmem:v51+s2+$0x0], $0xffff;
	_ =	sdelay $0x5  }
0xfa: {  	[tilespmem:s17+$0xFFFFFE80] =	vst v51  }
0xfb: {  	v51 =	vld.idx.msk [tilespmem:v57+s2+$0x0], $0xffff;
	_ =	sdelay $0x5  }
0xfc: {  	[tilespmem:s17+$0xFFFFFE90] =	vst v51  }
0xfd: {  	v51 =	vld.idx.msk [tilespmem:v60+s2+$0x0], $0xffff;
	_ =	sdelay $0x5  }
0xfe: {  	[tilespmem:s17+$0xFFFFFEA0] =	vst v51  }
0xff: {  	v51 =	vld.idx.msk [tilespmem:v59+s2+$0x0], $0xffff;
	_ =	sdelay $0x5  }
0x100: {  	[tilespmem:s17+$0xFFFFFEB0] =	vst v51  }
0x101: {  	v51 =	vld.idx.msk [tilespmem:v52+s2+$0x0], $0xffff;
	_ =	sdelay $0x5  }
0x102: {  	[tilespmem:s17+$0xFFFFFEC0] =	vst v51  }
0x103: {  	v50 =	vld.idx.msk [tilespmem:v50+s2+$0x0], $0xffff;
	_ =	sdelay $0x5  }
0x104: {  	[tilespmem:s17+$0xFFFFFED0] =	vst v50  }
0x105: {  	v49 =	vld.idx.msk [tilespmem:v49+s2+$0x0], $0xffff;
	_ =	sdelay $0x5  }
0x106: {  	[tilespmem:s17+$0xFFFFFEE0] =	vst v49  }
0x107: {  	v48 =	vld.idx.msk [tilespmem:v48+s2+$0x0], $0xffff;
	_ =	sdelay $0x5  }
0x108: {  	[tilespmem:s17+$0xFFFFFEF0] =	vst v48  }
0x109: {  	v43 =	vld.idx.msk [tilespmem:v43+s2+$0x0], $0xffff;
	_ =	sdelay $0x5  }
0x10a: {  	[tilespmem:s17+$0xFFFFFF00] =	vst v43  }
0x10b: {  	v43 =	vld.idx.msk [tilespmem:v45+s2+$0x0], $0xffff;
	_ =	sdelay $0x5  }
0x10c: {  	[tilespmem:s17+$0xFFFFFF10] =	vst v43  }
0x10d: {  	v43 =	vld.idx.msk [tilespmem:v47+s2+$0x0], $0xffff;
	_ =	sdelay $0x5  }
0x10e: {  	[tilespmem:s17+$0xFFFFFF20] =	vst v43  }
0x10f: {  	v43 =	vld.idx.msk [tilespmem:v46+s2+$0x0], $0xffff;
	_ =	sdelay $0x5  }
0x110: {  	[tilespmem:s17+$0xFFFFFF30] =	vst v43  }
0x111: {  	v43 =	vld.idx.msk [tilespmem:v44+s2+$0x0], $0xffff;
	_ =	sdelay $0x5  }
0x112: {  	[tilespmem:s17+$0xFFFFFF40] =	vst v43  }
0x113: {  	v42 =	vld.idx.msk [tilespmem:v42+s2+$0x0], $0xffff;
	_ =	sdelay $0x5  }
0x114: {  	[tilespmem:s17+$0xFFFFFF50] =	vst v42  }
0x115: {  	v41 =	vld.idx.msk [tilespmem:v41+s2+$0x0], $0xffff;
	_ =	sdelay $0x5  }
0x116: {  	[tilespmem:s17+$0xFFFFFF60] =	vst v41  }
0x117: {  	v40 =	vld.idx.msk [tilespmem:v40+s2+$0x0], $0xffff;
	_ =	sdelay $0x5  }
0x118: {  	[tilespmem:s17+$0xFFFFFF70] =	vst v40  }
0x119: {  	v34 =	vld.idx.msk [tilespmem:v34+s2+$0x0], $0xffff;
	_ =	sdelay $0x5  }
0x11a: {  	[tilespmem:s17+$0xFFFFFF80] =	vst v34  }
0x11b: {  	v34 =	vld.idx.msk [tilespmem:v36+s2+$0x0], $0xffff;
	_ =	sdelay $0x5  }
0x11c: {  	[tilespmem:s17+$0xFFFFFF90] =	vst v34  }
0x11d: {  	v34 =	vld.idx.msk [tilespmem:v39+s2+$0x0], $0xffff;
	_ =	sdelay $0x5  }
0x11e: {  	[tilespmem:s17+$0xFFFFFFA0] =	vst v34  }
0x11f: {  	v34 =	vld.idx.msk [tilespmem:v38+s2+$0x0], $0xffff;
	_ =	sdelay $0x5  }
0x120: {  	[tilespmem:s17+$0xFFFFFFB0] =	vst v34  }
0x121: {  	v34 =	vld.idx.msk [tilespmem:v35+s2+$0x0], $0xffff;
	_ =	sdelay $0x5  }
0x122: {  	[tilespmem:s17+$0xFFFFFFC0] =	vst v34  }
0x123: {  	v33 =	vld.idx.msk [tilespmem:v33+s2+$0x0], $0xffff;
	_ =	sdelay $0x5  }
0x124: {  	[tilespmem:s17+$0xFFFFFFD0] =	vst v33  }
0x125: {  	v32 =	vld.idx.msk [tilespmem:v32+s2+$0x0], $0xffff;
	_ =	sdelay $0x5  }
0x126: {  	[tilespmem:s17+$0xFFFFFFE0] =	vst v32  }
0x127: {  	v32 =	vld.idx.msk [tilespmem:v37+s2+$0x0], $0xffff;
	_ =	sdelay $0x5  }
0x128: {  	[tilespmem:s17+$0xFFFFFFF0] =	vst v32  }
0x129: {  	v24 =	vld.idx.msk [tilespmem:v24+s2+$0x0], $0xffff;
	_ =	sdelay $0x5  }
0x12a: {  	[tilespmem:s17+$0x0] =	vst v24  }
0x12b: {  	v24 =	vld.idx.msk [tilespmem:v25+s2+$0x0], $0xffff;
	_ =	sdelay $0x5  }
0x12c: {  	[tilespmem:s17+$0x10] =	vst v24  }
0x12d: {  	v24 =	vld.idx.msk [tilespmem:v31+s2+$0x0], $0xffff;
	_ =	sdelay $0x5  }
0x12e: {  	[tilespmem:s17+$0x20] =	vst v24  }
0x12f: {  	v24 =	vld.idx.msk [tilespmem:v30+s2+$0x0], $0xffff;
	_ =	sdelay $0x5  }
0x130: {  	[tilespmem:s17+$0x30] =	vst v24  }
0x131: {  	v24 =	vld.idx.msk [tilespmem:v29+s2+$0x0], $0xffff;
	_ =	sdelay $0x5  }
0x132: {  	[tilespmem:s17+$0x40] =	vst v24  }
0x133: {  	v24 =	vld.idx.msk [tilespmem:v28+s2+$0x0], $0xffff;
	_ =	sdelay $0x5  }
0x134: {  	[tilespmem:s17+$0x50] =	vst v24  }
0x135: {  	v24 =	vld.idx.msk [tilespmem:v27+s2+$0x0], $0xffff;
	_ =	sdelay $0x5  }
0x136: {  	[tilespmem:s17+$0x60] =	vst v24  }
0x137: {  	v24 =	vld.idx.msk [tilespmem:v26+s2+$0x0], $0xffff;
	_ =	sdelay $0x5  }
0x138: {  	[tilespmem:s17+$0x70] =	vst v24  }
0x139: {  	v16 =	vld.idx.msk [tilespmem:v16+s2+$0x0], $0xffff;
	_ =	sdelay $0x5  }
0x13a: {  	[tilespmem:s17+$0x80] =	vst v16  }
0x13b: {  	v16 =	vld.idx.msk [tilespmem:v17+s2+$0x0], $0xffff;
	_ =	sdelay $0x5  }
0x13c: {  	[tilespmem:s17+$0x90] =	vst v16  }
0x13d: {  	v16 =	vld.idx.msk [tilespmem:v23+s2+$0x0], $0xffff;
	_ =	sdelay $0x5  }
0x13e: {  	[tilespmem:s17+$0xA0] =	vst v16  }
0x13f: {  	v16 =	vld.idx.msk [tilespmem:v22+s2+$0x0], $0xffff;
	_ =	sdelay $0x5  }
0x140: {  	[tilespmem:s17+$0xB0] =	vst v16  }
0x141: {  	v16 =	vld.idx.msk [tilespmem:v21+s2+$0x0], $0xffff;
	_ =	sdelay $0x5  }
0x142: {  	[tilespmem:s17+$0xC0] =	vst v16  }
0x143: {  	v16 =	vld.idx.msk [tilespmem:v20+s2+$0x0], $0xffff;
	_ =	sdelay $0x5  }
0x144: {  	[tilespmem:s17+$0xD0] =	vst v16  }
0x145: {  	v16 =	vld.idx.msk [tilespmem:v19+s2+$0x0], $0xffff;
	_ =	sdelay $0x5  }
0x146: {  	[tilespmem:s17+$0xE0] =	vst v16  }
0x147: {  	v16 =	vld.idx.msk [tilespmem:v18+s2+$0x0], $0xffff;
	_ =	sdelay $0x5  }
0x148: {  	[tilespmem:s17+$0xF0] =	vst v16  }
0x149: {  	v8 =	vld.idx.msk [tilespmem:v8+s2+$0x0], $0xffff;
	_ =	sdelay $0x5  }
0x14a: {  	[tilespmem:s17+$0x100] =	vst v8  }
0x14b: {  	v8 =	vld.idx.msk [tilespmem:v9+s2+$0x0], $0xffff;
	_ =	sdelay $0x5  }
0x14c: {  	[tilespmem:s17+$0x110] =	vst v8  }
0x14d: {  	v8 =	vld.idx.msk [tilespmem:v14+s2+$0x0], $0xffff;
	_ =	sdelay $0x5  }
0x14e: {  	[tilespmem:s17+$0x120] =	vst v8  }
0x14f: {  	v8 =	vld.idx.msk [tilespmem:v15+s2+$0x0], $0xffff;
	_ =	sdelay $0x5  }
0x150: {  	[tilespmem:s17+$0x130] =	vst v8  }
0x151: {  	v8 =	vld.idx.msk [tilespmem:v13+s2+$0x0], $0xffff;
	_ =	sdelay $0x5  }
0x152: {  	[tilespmem:s17+$0x140] =	vst v8  }
0x153: {  	v8 =	vld.idx.msk [tilespmem:v12+s2+$0x0], $0xffff;
	_ =	sdelay $0x5  }
0x154: {  	[tilespmem:s17+$0x150] =	vst v8  }
0x155: {  	v8 =	vld.idx.msk [tilespmem:v11+s2+$0x0], $0xffff;
	_ =	sdelay $0x5  }
0x156: {  	[tilespmem:s17+$0x160] =	vst v8  }
0x157: {  	v8 =	vld.idx.msk [tilespmem:v10+s2+$0x0], $0xffff;
	_ =	sdelay $0x5  }
0x158: {  	[tilespmem:s17+$0x170] =	vst v8  }
0x159: {  	v0 =	vld.idx.msk [tilespmem:v0+s2+$0x0], $0xffff;
	_ =	sdelay $0x5  }
0x15a: {  	[tilespmem:s17+$0x180] =	vst v0  }
0x15b: {  	v0 =	vld.idx.msk [tilespmem:v1+s2+$0x0], $0xffff;
	_ =	sdelay $0x5  }
0x15c: {  	[tilespmem:s17+$0x190] =	vst v0  }
0x15d: {  	v0 =	vld.idx.msk [tilespmem:v7+s2+$0x0], $0xffff;
	_ =	sdelay $0x5  }
0x15e: {  	[tilespmem:s17+$0x1A0] =	vst v0  }
0x15f: {  	v0 =	vld.idx.msk [tilespmem:v6+s2+$0x0], $0xffff;
	_ =	sdelay $0x5  }
0x160: {  	[tilespmem:s17+$0x1B0] =	vst v0  }
0x161: {  	v0 =	vld.idx.msk [tilespmem:v5+s2+$0x0], $0xffff;
	_ =	sdelay $0x5  }
0x162: {  	[tilespmem:s17+$0x1C0] =	vst v0  }
0x163: {  	v0 =	vld.idx.msk [tilespmem:v4+s2+$0x0], $0xffff;
	_ =	sdelay $0x5  }
0x164: {  	[tilespmem:s17+$0x1D0] =	vst v0  }
0x165: {  	v0 =	vld.idx.msk [tilespmem:v3+s2+$0x0], $0xffff;
	_ =	sdelay $0x5  }
0x166: {  	[tilespmem:s17+$0x1E0] =	vst v0  }
0x167: {  	v0 =	vld.idx.msk [tilespmem:v2+s2+$0x0], $0xffff;
	_ =	sdelay $0x1  }
.Ltmp0:
0x168: {  	(pc) =	sbr.rel @p0 .LBB2_2-.Ltmp0, $2  }
0x169: {  	_ =	sdelay $0x2  }
0x16a: {  	s19 =	sshra.s32 s18, $0x2;
	s18 =	sadd.s32 $0x200, s18;
	[tilespmem:s17+$0x1F0] =	vst v0  }
0x16b: {  	v6 =	vld [tilespmem:s19+$0xBC00];
	_ =	sdelay $0x5  }
0x16c: {  	v4 =	vld [tilespmem:s19+$0xBC10]  }
0x16d: {  	v0 =	vld [tilespmem:s19+$0xBC70]  }
0x16e: {  	v8 =	vld.idx.msk [tilespmem:v6+s2+$0x0], $0xffff  }
0x16f: {  	v1 =	vld [tilespmem:s19+$0xBC60]  }
0x170: {  	v2 =	vld [tilespmem:s19+$0xBC50]  }
0x171: {  	v3 =	vld [tilespmem:s19+$0xBC40]  }
0x172: {  	s17 =	sadd.s32 $0x400, s17;
	v7 =	vld [tilespmem:s19+$0xBC20]  }
0x173: {  	v5 =	vld [tilespmem:s19+$0xBC30];
	[tilespmem:s17+$0xFFFFFE00] =	vst v8  }
0x174: {  	v8 =	vld.idx.msk [tilespmem:v4+s2+$0x0], $0xffff;
	_ =	sdelay $0x4  }
0x175: {  	[tilespmem:s17+$0xFFFFFE10] =	vst v8  }
0x176: {  	v8 =	vld.idx.msk [tilespmem:v7+s2+$0x0], $0xffff;
	_ =	sdelay $0x4  }
0x177: {  	[tilespmem:s17+$0xFFFFFE20] =	vst v8  }
0x178: {  	v8 =	vld.idx.msk [tilespmem:v5+s2+$0x0], $0xffff;
	_ =	sdelay $0x4  }
0x179: {  	[tilespmem:s17+$0xFFFFFE30] =	vst v8  }
0x17a: {  	v8 =	vld.idx.msk [tilespmem:v3+s2+$0x0], $0xffff;
	_ =	sdelay $0x4  }
0x17b: {  	[tilespmem:s17+$0xFFFFFE40] =	vst v8  }
0x17c: {  	v8 =	vld.idx.msk [tilespmem:v2+s2+$0x0], $0xffff;
	_ =	sdelay $0x4  }
0x17d: {  	[tilespmem:s17+$0xFFFFFE50] =	vst v8  }
0x17e: {  	v8 =	vld.idx.msk [tilespmem:v1+s2+$0x0], $0xffff;
	_ =	sdelay $0x4  }
0x17f: {  	[tilespmem:s17+$0xFFFFFE60] =	vst v8  }
0x180: {  	v8 =	vld.idx.msk [tilespmem:v0+s2+$0x0], $0xffff  }
0x181: {  	v9 =	vadd.s32 $0x40, v6;
	_ =	sdelay $0x3  }
0x182: {  	[tilespmem:s17+$0xFFFFFE70] =	vst v8  }
0x183: {  	v8 =	vld.idx.msk [tilespmem:v9+s2+$0x0], $0xffff  }
0x184: {  	v16 =	vadd.s32 $0x40, v4;
	_ =	sdelay $0x3  }
0x185: {  	[tilespmem:s17+$0xFFFFFE80] =	vst v8  }
0x186: {  	v8 =	vld.idx.msk [tilespmem:v16+s2+$0x0], $0xffff  }
0x187: {  	v17 =	vadd.s32 $0x40, v7;
	_ =	sdelay $0x3  }
0x188: {  	[tilespmem:s17+$0xFFFFFE90] =	vst v8  }
0x189: {  	v8 =	vld.idx.msk [tilespmem:v17+s2+$0x0], $0xffff  }
0x18a: {  	v18 =	vadd.s32 $0x40, v5;
	_ =	sdelay $0x3  }
0x18b: {  	[tilespmem:s17+$0xFFFFFEA0] =	vst v8  }
0x18c: {  	v8 =	vld.idx.msk [tilespmem:v18+s2+$0x0], $0xffff  }
0x18d: {  	v19 =	vadd.s32 $0x40, v3;
	_ =	sdelay $0x3  }
0x18e: {  	[tilespmem:s17+$0xFFFFFEB0] =	vst v8  }
0x18f: {  	v8 =	vld.idx.msk [tilespmem:v19+s2+$0x0], $0xffff  }
0x190: {  	v20 =	vadd.s32 $0x40, v2;
	_ =	sdelay $0x3  }
0x191: {  	[tilespmem:s17+$0xFFFFFEC0] =	vst v8  }
0x192: {  	v8 =	vld.idx.msk [tilespmem:v20+s2+$0x0], $0xffff  }
0x193: {  	v21 =	vadd.s32 $0x40, v1;
	_ =	sdelay $0x3  }
0x194: {  	[tilespmem:s17+$0xFFFFFED0] =	vst v8  }
0x195: {  	v8 =	vld.idx.msk [tilespmem:v21+s2+$0x0], $0xffff  }
0x196: {  	v22 =	vadd.s32 $0x40, v0;
	_ =	sdelay $0x3  }
0x197: {  	[tilespmem:s17+$0xFFFFFEE0] =	vst v8  }
0x198: {  	v8 =	vld.idx.msk [tilespmem:v22+s2+$0x0], $0xffff  }
0x199: {  	v23 =	vadd.s32 $0x80, v6;
	_ =	sdelay $0x3  }
0x19a: {  	[tilespmem:s17+$0xFFFFFEF0] =	vst v8  }
0x19b: {  	v8 =	vld.idx.msk [tilespmem:v23+s2+$0x0], $0xffff  }
0x19c: {  	v24 =	vadd.s32 $0x80, v4;
	_ =	sdelay $0x3  }
0x19d: {  	[tilespmem:s17+$0xFFFFFF00] =	vst v8  }
0x19e: {  	v8 =	vld.idx.msk [tilespmem:v24+s2+$0x0], $0xffff  }
0x19f: {  	v25 =	vadd.s32 $0x80, v7;
	_ =	sdelay $0x3  }
0x1a0: {  	[tilespmem:s17+$0xFFFFFF10] =	vst v8  }
0x1a1: {  	v8 =	vld.idx.msk [tilespmem:v25+s2+$0x0], $0xffff  }
0x1a2: {  	v26 =	vadd.s32 $0x80, v5;
	_ =	sdelay $0x3  }
0x1a3: {  	[tilespmem:s17+$0xFFFFFF20] =	vst v8  }
0x1a4: {  	v8 =	vld.idx.msk [tilespmem:v26+s2+$0x0], $0xffff  }
0x1a5: {  	v27 =	vadd.s32 $0x80, v3;
	_ =	sdelay $0x3  }
0x1a6: {  	[tilespmem:s17+$0xFFFFFF30] =	vst v8  }
0x1a7: {  	v8 =	vld.idx.msk [tilespmem:v27+s2+$0x0], $0xffff  }
0x1a8: {  	v28 =	vadd.s32 $0x80, v2;
	_ =	sdelay $0x3  }
0x1a9: {  	[tilespmem:s17+$0xFFFFFF40] =	vst v8  }
0x1aa: {  	v8 =	vld.idx.msk [tilespmem:v28+s2+$0x0], $0xffff  }
0x1ab: {  	v29 =	vadd.s32 $0x80, v1;
	_ =	sdelay $0x3  }
0x1ac: {  	[tilespmem:s17+$0xFFFFFF50] =	vst v8  }
0x1ad: {  	v8 =	vld.idx.msk [tilespmem:v29+s2+$0x0], $0xffff  }
0x1ae: {  	v30 =	vadd.s32 $0x80, v0;
	_ =	sdelay $0x3  }
0x1af: {  	[tilespmem:s17+$0xFFFFFF60] =	vst v8  }
0x1b0: {  	v8 =	vld.idx.msk [tilespmem:v30+s2+$0x0], $0xffff  }
0x1b1: {  	v31 =	vadd.s32 $0xC0, v6;
	_ =	sdelay $0x3  }
0x1b2: {  	[tilespmem:s17+$0xFFFFFF70] =	vst v8  }
0x1b3: {  	v8 =	vld.idx.msk [tilespmem:v31+s2+$0x0], $0xffff  }
0x1b4: {  	v32 =	vadd.s32 $0xC0, v4;
	_ =	sdelay $0x3  }
0x1b5: {  	[tilespmem:s17+$0xFFFFFF80] =	vst v8  }
0x1b6: {  	v8 =	vld.idx.msk [tilespmem:v32+s2+$0x0], $0xffff  }
0x1b7: {  	v33 =	vadd.s32 $0xC0, v7;
	_ =	sdelay $0x3  }
0x1b8: {  	[tilespmem:s17+$0xFFFFFF90] =	vst v8  }
0x1b9: {  	v8 =	vld.idx.msk [tilespmem:v33+s2+$0x0], $0xffff  }
0x1ba: {  	v34 =	vadd.s32 $0xC0, v5;
	_ =	sdelay $0x3  }
0x1bb: {  	[tilespmem:s17+$0xFFFFFFA0] =	vst v8  }
0x1bc: {  	v8 =	vld.idx.msk [tilespmem:v34+s2+$0x0], $0xffff  }
0x1bd: {  	v35 =	vadd.s32 $0xC0, v3;
	_ =	sdelay $0x3  }
0x1be: {  	[tilespmem:s17+$0xFFFFFFB0] =	vst v8  }
0x1bf: {  	v8 =	vld.idx.msk [tilespmem:v35+s2+$0x0], $0xffff  }
0x1c0: {  	v36 =	vadd.s32 $0xC0, v2;
	_ =	sdelay $0x3  }
0x1c1: {  	[tilespmem:s17+$0xFFFFFFC0] =	vst v8  }
0x1c2: {  	v8 =	vld.idx.msk [tilespmem:v36+s2+$0x0], $0xffff  }
0x1c3: {  	v37 =	vadd.s32 $0xC0, v1;
	_ =	sdelay $0x3  }
0x1c4: {  	[tilespmem:s17+$0xFFFFFFD0] =	vst v8  }
0x1c5: {  	v8 =	vld.idx.msk [tilespmem:v37+s2+$0x0], $0xffff  }
0x1c6: {  	v38 =	vadd.s32 $0xC0, v0;
	_ =	sdelay $0x3  }
0x1c7: {  	[tilespmem:s17+$0xFFFFFFE0] =	vst v8  }
0x1c8: {  	v8 =	vld.idx.msk [tilespmem:v38+s2+$0x0], $0xffff  }
0x1c9: {  	v39 =	vadd.s32 $0x100, v6;
	_ =	sdelay $0x3  }
0x1ca: {  	[tilespmem:s17+$0xFFFFFFF0] =	vst v8  }
0x1cb: {  	v8 =	vld.idx.msk [tilespmem:v39+s2+$0x0], $0xffff  }
0x1cc: {  	v40 =	vadd.s32 $0x100, v4;
	_ =	sdelay $0x3  }
0x1cd: {  	[tilespmem:s17+$0x0] =	vst v8  }
0x1ce: {  	v8 =	vld.idx.msk [tilespmem:v40+s2+$0x0], $0xffff  }
0x1cf: {  	v41 =	vadd.s32 $0x100, v7;
	_ =	sdelay $0x3  }
0x1d0: {  	[tilespmem:s17+$0x10] =	vst v8  }
0x1d1: {  	v8 =	vld.idx.msk [tilespmem:v41+s2+$0x0], $0xffff  }
0x1d2: {  	v42 =	vadd.s32 $0x100, v5;
	_ =	sdelay $0x3  }
0x1d3: {  	[tilespmem:s17+$0x20] =	vst v8  }
0x1d4: {  	v8 =	vld.idx.msk [tilespmem:v42+s2+$0x0], $0xffff  }
0x1d5: {  	v43 =	vadd.s32 $0x100, v3;
	_ =	sdelay $0x3  }
0x1d6: {  	[tilespmem:s17+$0x30] =	vst v8  }
0x1d7: {  	v8 =	vld.idx.msk [tilespmem:v43+s2+$0x0], $0xffff  }
0x1d8: {  	v44 =	vadd.s32 $0x100, v2;
	_ =	sdelay $0x3  }
0x1d9: {  	[tilespmem:s17+$0x40] =	vst v8  }
0x1da: {  	v8 =	vld.idx.msk [tilespmem:v44+s2+$0x0], $0xffff  }
0x1db: {  	v45 =	vadd.s32 $0x100, v1;
	_ =	sdelay $0x3  }
0x1dc: {  	[tilespmem:s17+$0x50] =	vst v8  }
0x1dd: {  	v8 =	vld.idx.msk [tilespmem:v45+s2+$0x0], $0xffff  }
0x1de: {  	v46 =	vadd.s32 $0x100, v0;
	_ =	sdelay $0x3  }
0x1df: {  	[tilespmem:s17+$0x60] =	vst v8  }
0x1e0: {  	v8 =	vld.idx.msk [tilespmem:v46+s2+$0x0], $0xffff  }
0x1e1: {  	v47 =	vadd.s32 $0x140, v6;
	_ =	sdelay $0x3  }
0x1e2: {  	[tilespmem:s17+$0x70] =	vst v8  }
0x1e3: {  	v8 =	vld.idx.msk [tilespmem:v47+s2+$0x0], $0xffff  }
0x1e4: {  	v48 =	vadd.s32 $0x140, v4;
	_ =	sdelay $0x3  }
0x1e5: {  	[tilespmem:s17+$0x80] =	vst v8  }
0x1e6: {  	v8 =	vld.idx.msk [tilespmem:v48+s2+$0x0], $0xffff  }
0x1e7: {  	v49 =	vadd.s32 $0x140, v7;
	_ =	sdelay $0x3  }
0x1e8: {  	[tilespmem:s17+$0x90] =	vst v8  }
0x1e9: {  	v8 =	vld.idx.msk [tilespmem:v49+s2+$0x0], $0xffff  }
0x1ea: {  	v50 =	vadd.s32 $0x140, v5;
	_ =	sdelay $0x3  }
0x1eb: {  	[tilespmem:s17+$0xA0] =	vst v8  }
0x1ec: {  	v8 =	vld.idx.msk [tilespmem:v50+s2+$0x0], $0xffff  }
0x1ed: {  	v51 =	vadd.s32 $0x140, v3;
	_ =	sdelay $0x3  }
0x1ee: {  	[tilespmem:s17+$0xB0] =	vst v8  }
0x1ef: {  	v8 =	vld.idx.msk [tilespmem:v51+s2+$0x0], $0xffff  }
0x1f0: {  	v52 =	vadd.s32 $0x140, v2;
	_ =	sdelay $0x3  }
0x1f1: {  	[tilespmem:s17+$0xC0] =	vst v8  }
0x1f2: {  	v8 =	vld.idx.msk [tilespmem:v52+s2+$0x0], $0xffff  }
0x1f3: {  	v53 =	vadd.s32 $0x140, v1;
	_ =	sdelay $0x3  }
0x1f4: {  	[tilespmem:s17+$0xD0] =	vst v8  }
0x1f5: {  	v8 =	vld.idx.msk [tilespmem:v53+s2+$0x0], $0xffff  }
0x1f6: {  	v54 =	vadd.s32 $0x140, v0;
	_ =	sdelay $0x3  }
0x1f7: {  	[tilespmem:s17+$0xE0] =	vst v8  }
0x1f8: {  	v8 =	vld.idx.msk [tilespmem:v54+s2+$0x0], $0xffff  }
0x1f9: {  	v55 =	vadd.s32 $0x180, v6;
	_ =	sdelay $0x3  }
0x1fa: {  	[tilespmem:s17+$0xF0] =	vst v8  }
0x1fb: {  	v8 =	vld.idx.msk [tilespmem:v55+s2+$0x0], $0xffff  }
0x1fc: {  	v56 =	vadd.s32 $0x180, v4;
	_ =	sdelay $0x3  }
0x1fd: {  	[tilespmem:s17+$0x100] =	vst v8  }
0x1fe: {  	v8 =	vld.idx.msk [tilespmem:v56+s2+$0x0], $0xffff  }
0x1ff: {  	v57 =	vadd.s32 $0x180, v7;
	_ =	sdelay $0x3  }
0x200: {  	[tilespmem:s17+$0x110] =	vst v8  }
0x201: {  	v8 =	vld.idx.msk [tilespmem:v57+s2+$0x0], $0xffff  }
0x202: {  	v58 =	vadd.s32 $0x180, v5;
	_ =	sdelay $0x3  }
0x203: {  	[tilespmem:s17+$0x120] =	vst v8  }
0x204: {  	v8 =	vld.idx.msk [tilespmem:v58+s2+$0x0], $0xffff  }
0x205: {  	v59 =	vadd.s32 $0x180, v3;
	_ =	sdelay $0x3  }
0x206: {  	[tilespmem:s17+$0x130] =	vst v8  }
0x207: {  	v8 =	vld.idx.msk [tilespmem:v59+s2+$0x0], $0xffff  }
0x208: {  	v60 =	vadd.s32 $0x180, v2;
	_ =	sdelay $0x3  }
0x209: {  	[tilespmem:s17+$0x140] =	vst v8  }
0x20a: {  	v8 =	vld.idx.msk [tilespmem:v60+s2+$0x0], $0xffff  }
0x20b: {  	v61 =	vadd.s32 $0x180, v1;
	_ =	sdelay $0x3  }
0x20c: {  	[tilespmem:s17+$0x150] =	vst v8  }
0x20d: {  	v8 =	vld.idx.msk [tilespmem:v61+s2+$0x0], $0xffff  }
0x20e: {  	v62 =	vadd.s32 $0x180, v0;
	_ =	sdelay $0x3  }
0x20f: {  	[tilespmem:s17+$0x160] =	vst v8  }
0x210: {  	v8 =	vld.idx.msk [tilespmem:v62+s2+$0x0], $0xffff  }
0x211: {  	v6 =	vadd.s32 $0x1C0, v6;
	_ =	sdelay $0x3  }
0x212: {  	[tilespmem:s17+$0x170] =	vst v8  }
0x213: {  	v6 =	vld.idx.msk [tilespmem:v6+s2+$0x0], $0xffff  }
0x214: {  	v4 =	vadd.s32 $0x1C0, v4;
	_ =	sdelay $0x3  }
0x215: {  	[tilespmem:s17+$0x180] =	vst v6  }
0x216: {  	v4 =	vld.idx.msk [tilespmem:v4+s2+$0x0], $0xffff  }
0x217: {  	v63 =	vadd.s32 $0x1C0, v7;
	_ =	sdelay $0x3  }
0x218: {  	[tilespmem:s17+$0x190] =	vst v4  }
0x219: {  	v4 =	vld.idx.msk [tilespmem:v63+s2+$0x0], $0xffff  }
0x21a: {  	v5 =	vadd.s32 $0x1C0, v5;
	_ =	sdelay $0x3  }
0x21b: {  	[tilespmem:s17+$0x1A0] =	vst v4  }
0x21c: {  	v4 =	vld.idx.msk [tilespmem:v5+s2+$0x0], $0xffff  }
0x21d: {  	v3 =	vadd.s32 $0x1C0, v3;
	_ =	sdelay $0x3  }
0x21e: {  	[tilespmem:s17+$0x1B0] =	vst v4  }
0x21f: {  	v3 =	vld.idx.msk [tilespmem:v3+s2+$0x0], $0xffff  }
0x220: {  	v2 =	vadd.s32 $0x1C0, v2;
	_ =	sdelay $0x3  }
0x221: {  	[tilespmem:s17+$0x1C0] =	vst v3  }
0x222: {  	v2 =	vld.idx.msk [tilespmem:v2+s2+$0x0], $0xffff  }
0x223: {  	v1 =	vadd.s32 $0x1C0, v1;
	_ =	sdelay $0x3  }
0x224: {  	[tilespmem:s17+$0x1D0] =	vst v2  }
0x225: {  	v1 =	vld.idx.msk [tilespmem:v1+s2+$0x0], $0xffff  }
0x226: {  	v0 =	vadd.s32 $0x1C0, v0;
	_ =	sdelay $0x3  }
0x227: {  	[tilespmem:s17+$0x1E0] =	vst v1  }
0x228: {  	v0 =	vld.idx.msk [tilespmem:v0+s2+$0x0], $0xffff;
	_ =	sdelay $0x4  }
0x229: {  	s18 =	simm.s32 $0x10600;
	[tilespmem:s17+$0x1F0] =	vst v0;
	s17 =	simm.s32 $0x0  }
0x22a: {  	[hbm4b:s5+s17] =	stream.linear.scatter [tilespmem:s12], [sflag:$0x1], $0x4000, $0x38;
	[tilespmem:$0x14400] =	vst v63  }
.LBB2_4:
0x22b: {  	s19 =	sshra.s32 s17, $0x2  }
0x22c: {  	v7 =	vld [tilespmem:s19+$0xBC00];
	_ =	sdelay $0x4  }
0x22d: {  	v0 =	vadd.s32 $0x200, v7  }
0x22e: {  	v6 =	vld [tilespmem:s19+$0xBC10];
	_ =	sdelay $0x2  }
0x22f: {  	v5 =	vld [tilespmem:s19+$0xBC20]  }
0x230: {  	v8 =	vld.idx.msk [tilespmem:v0+s2+$0x0], $0xffff  }
0x231: {  	v4 =	vld [tilespmem:s19+$0xBC30];
	v9 =	vadd.s32 $0x200, v6  }
0x232: {  	v3 =	vld [tilespmem:s19+$0xBC40]  }
0x233: {  	v2 =	vld [tilespmem:s19+$0xBC50]  }
0x234: {  	v1 =	vld [tilespmem:s19+$0xBC60]  }
0x235: {  	v0 =	vld [tilespmem:s19+$0xBC70];
	[tilespmem:s18+$0xFFFFFE00] =	vst v8  }
0x236: {  	v8 =	vld.idx.msk [tilespmem:v9+s2+$0x0], $0xffff  }
0x237: {  	v62 =	vadd.s32 $0x200, v5;
	_ =	sdelay $0x3  }
0x238: {  	[tilespmem:s18+$0xFFFFFE10] =	vst v8  }
0x239: {  	v8 =	vld.idx.msk [tilespmem:v62+s2+$0x0], $0xffff  }
0x23a: {  	v63 =	vadd.s32 $0x200, v4;
	_ =	sdelay $0x3  }
0x23b: {  	[tilespmem:s18+$0xFFFFFE20] =	vst v8  }
0x23c: {  	v8 =	vld.idx.msk [tilespmem:v63+s2+$0x0], $0xffff  }
0x23d: {  	v12 =	vadd.s32 $0x200, v3;
	_ =	sdelay $0x3  }
0x23e: {  	[tilespmem:s18+$0xFFFFFE30] =	vst v8  }
0x23f: {  	v8 =	vld.idx.msk [tilespmem:v12+s2+$0x0], $0xffff  }
0x240: {  	v13 =	vadd.s32 $0x200, v2;
	_ =	sdelay $0x3  }
0x241: {  	[tilespmem:s18+$0xFFFFFE40] =	vst v8  }
0x242: {  	v8 =	vld.idx.msk [tilespmem:v13+s2+$0x0], $0xffff  }
0x243: {  	v14 =	vadd.s32 $0x200, v1;
	_ =	sdelay $0x3  }
0x244: {  	[tilespmem:s18+$0xFFFFFE50] =	vst v8  }
0x245: {  	v8 =	vld.idx.msk [tilespmem:v14+s2+$0x0], $0xffff  }
0x246: {  	v15 =	vadd.s32 $0x200, v0;
	_ =	sdelay $0x3  }
0x247: {  	[tilespmem:s18+$0xFFFFFE60] =	vst v8  }
0x248: {  	v8 =	vld.idx.msk [tilespmem:v15+s2+$0x0], $0xffff  }
0x249: {  	v16 =	vadd.s32 $0x240, v7;
	_ =	sdelay $0x3  }
0x24a: {  	[tilespmem:s18+$0xFFFFFE70] =	vst v8  }
0x24b: {  	v8 =	vld.idx.msk [tilespmem:v16+s2+$0x0], $0xffff  }
0x24c: {  	v17 =	vadd.s32 $0x240, v6;
	_ =	sdelay $0x3  }
0x24d: {  	[tilespmem:s18+$0xFFFFFE80] =	vst v8  }
0x24e: {  	v8 =	vld.idx.msk [tilespmem:v17+s2+$0x0], $0xffff  }
0x24f: {  	v18 =	vadd.s32 $0x240, v5;
	_ =	sdelay $0x3  }
0x250: {  	[tilespmem:s18+$0xFFFFFE90] =	vst v8  }
0x251: {  	v8 =	vld.idx.msk [tilespmem:v18+s2+$0x0], $0xffff  }
0x252: {  	v19 =	vadd.s32 $0x240, v4;
	_ =	sdelay $0x3  }
0x253: {  	[tilespmem:s18+$0xFFFFFEA0] =	vst v8  }
0x254: {  	v8 =	vld.idx.msk [tilespmem:v19+s2+$0x0], $0xffff  }
0x255: {  	v20 =	vadd.s32 $0x240, v3;
	_ =	sdelay $0x3  }
0x256: {  	[tilespmem:s18+$0xFFFFFEB0] =	vst v8  }
0x257: {  	v8 =	vld.idx.msk [tilespmem:v20+s2+$0x0], $0xffff  }
0x258: {  	v21 =	vadd.s32 $0x240, v2;
	_ =	sdelay $0x3  }
0x259: {  	[tilespmem:s18+$0xFFFFFEC0] =	vst v8  }
0x25a: {  	v8 =	vld.idx.msk [tilespmem:v21+s2+$0x0], $0xffff  }
0x25b: {  	v22 =	vadd.s32 $0x240, v1;
	_ =	sdelay $0x3  }
0x25c: {  	[tilespmem:s18+$0xFFFFFED0] =	vst v8  }
0x25d: {  	v8 =	vld.idx.msk [tilespmem:v22+s2+$0x0], $0xffff  }
0x25e: {  	v23 =	vadd.s32 $0x240, v0;
	_ =	sdelay $0x3  }
0x25f: {  	[tilespmem:s18+$0xFFFFFEE0] =	vst v8  }
0x260: {  	v8 =	vld.idx.msk [tilespmem:v23+s2+$0x0], $0xffff  }
0x261: {  	v24 =	vadd.s32 $0x280, v7;
	_ =	sdelay $0x3  }
0x262: {  	[tilespmem:s18+$0xFFFFFEF0] =	vst v8  }
0x263: {  	v8 =	vld.idx.msk [tilespmem:v24+s2+$0x0], $0xffff  }
0x264: {  	v25 =	vadd.s32 $0x280, v6;
	_ =	sdelay $0x3  }
0x265: {  	[tilespmem:s18+$0xFFFFFF00] =	vst v8  }
0x266: {  	v8 =	vld.idx.msk [tilespmem:v25+s2+$0x0], $0xffff  }
0x267: {  	v26 =	vadd.s32 $0x280, v5;
	_ =	sdelay $0x3  }
0x268: {  	[tilespmem:s18+$0xFFFFFF10] =	vst v8  }
0x269: {  	v8 =	vld.idx.msk [tilespmem:v26+s2+$0x0], $0xffff  }
0x26a: {  	v27 =	vadd.s32 $0x280, v4;
	_ =	sdelay $0x3  }
0x26b: {  	[tilespmem:s18+$0xFFFFFF20] =	vst v8  }
0x26c: {  	v8 =	vld.idx.msk [tilespmem:v27+s2+$0x0], $0xffff  }
0x26d: {  	v28 =	vadd.s32 $0x280, v3;
	_ =	sdelay $0x3  }
0x26e: {  	[tilespmem:s18+$0xFFFFFF30] =	vst v8  }
0x26f: {  	v8 =	vld.idx.msk [tilespmem:v28+s2+$0x0], $0xffff  }
0x270: {  	v29 =	vadd.s32 $0x280, v2;
	_ =	sdelay $0x3  }
0x271: {  	[tilespmem:s18+$0xFFFFFF40] =	vst v8  }
0x272: {  	v8 =	vld.idx.msk [tilespmem:v29+s2+$0x0], $0xffff  }
0x273: {  	v30 =	vadd.s32 $0x280, v1;
	_ =	sdelay $0x3  }
0x274: {  	[tilespmem:s18+$0xFFFFFF50] =	vst v8  }
0x275: {  	v8 =	vld.idx.msk [tilespmem:v30+s2+$0x0], $0xffff  }
0x276: {  	v31 =	vadd.s32 $0x280, v0;
	_ =	sdelay $0x3  }
0x277: {  	[tilespmem:s18+$0xFFFFFF60] =	vst v8  }
0x278: {  	v8 =	vld.idx.msk [tilespmem:v31+s2+$0x0], $0xffff  }
0x279: {  	v32 =	vadd.s32 $0x2C0, v7;
	_ =	sdelay $0x3  }
0x27a: {  	[tilespmem:s18+$0xFFFFFF70] =	vst v8  }
0x27b: {  	v8 =	vld.idx.msk [tilespmem:v32+s2+$0x0], $0xffff  }
0x27c: {  	v33 =	vadd.s32 $0x2C0, v6;
	_ =	sdelay $0x3  }
0x27d: {  	[tilespmem:s18+$0xFFFFFF80] =	vst v8  }
0x27e: {  	v8 =	vld.idx.msk [tilespmem:v33+s2+$0x0], $0xffff  }
0x27f: {  	v34 =	vadd.s32 $0x2C0, v5;
	_ =	sdelay $0x3  }
0x280: {  	[tilespmem:s18+$0xFFFFFF90] =	vst v8  }
0x281: {  	v8 =	vld.idx.msk [tilespmem:v34+s2+$0x0], $0xffff  }
0x282: {  	v35 =	vadd.s32 $0x2C0, v4;
	_ =	sdelay $0x3  }
0x283: {  	[tilespmem:s18+$0xFFFFFFA0] =	vst v8  }
0x284: {  	v8 =	vld.idx.msk [tilespmem:v35+s2+$0x0], $0xffff  }
0x285: {  	v36 =	vadd.s32 $0x2C0, v3;
	_ =	sdelay $0x3  }
0x286: {  	[tilespmem:s18+$0xFFFFFFB0] =	vst v8  }
0x287: {  	v8 =	vld.idx.msk [tilespmem:v36+s2+$0x0], $0xffff  }
0x288: {  	v37 =	vadd.s32 $0x2C0, v2;
	_ =	sdelay $0x3  }
0x289: {  	[tilespmem:s18+$0xFFFFFFC0] =	vst v8  }
0x28a: {  	v8 =	vld.idx.msk [tilespmem:v37+s2+$0x0], $0xffff  }
0x28b: {  	v38 =	vadd.s32 $0x2C0, v1;
	_ =	sdelay $0x3  }
0x28c: {  	[tilespmem:s18+$0xFFFFFFD0] =	vst v8  }
0x28d: {  	v8 =	vld.idx.msk [tilespmem:v38+s2+$0x0], $0xffff  }
0x28e: {  	v39 =	vadd.s32 $0x2C0, v0;
	_ =	sdelay $0x3  }
0x28f: {  	[tilespmem:s18+$0xFFFFFFE0] =	vst v8  }
0x290: {  	v8 =	vld.idx.msk [tilespmem:v39+s2+$0x0], $0xffff  }
0x291: {  	v40 =	vadd.s32 $0x300, v7;
	_ =	sdelay $0x3  }
0x292: {  	[tilespmem:s18+$0xFFFFFFF0] =	vst v8  }
0x293: {  	v8 =	vld.idx.msk [tilespmem:v40+s2+$0x0], $0xffff  }
0x294: {  	v41 =	vadd.s32 $0x300, v6;
	_ =	sdelay $0x3  }
0x295: {  	[tilespmem:s18+$0x0] =	vst v8  }
0x296: {  	v8 =	vld.idx.msk [tilespmem:v41+s2+$0x0], $0xffff  }
0x297: {  	v42 =	vadd.s32 $0x300, v5;
	_ =	sdelay $0x3  }
0x298: {  	[tilespmem:s18+$0x10] =	vst v8  }
0x299: {  	v8 =	vld.idx.msk [tilespmem:v42+s2+$0x0], $0xffff  }
0x29a: {  	v43 =	vadd.s32 $0x300, v4;
	_ =	sdelay $0x3  }
0x29b: {  	[tilespmem:s18+$0x20] =	vst v8  }
0x29c: {  	v8 =	vld.idx.msk [tilespmem:v43+s2+$0x0], $0xffff  }
0x29d: {  	v44 =	vadd.s32 $0x300, v3;
	_ =	sdelay $0x3  }
0x29e: {  	[tilespmem:s18+$0x30] =	vst v8  }
0x29f: {  	v8 =	vld.idx.msk [tilespmem:v44+s2+$0x0], $0xffff  }
0x2a0: {  	v45 =	vadd.s32 $0x300, v2;
	_ =	sdelay $0x3  }
0x2a1: {  	[tilespmem:s18+$0x40] =	vst v8  }
0x2a2: {  	v8 =	vld.idx.msk [tilespmem:v45+s2+$0x0], $0xffff  }
0x2a3: {  	v46 =	vadd.s32 $0x300, v1;
	_ =	sdelay $0x3  }
0x2a4: {  	[tilespmem:s18+$0x50] =	vst v8  }
0x2a5: {  	v8 =	vld.idx.msk [tilespmem:v46+s2+$0x0], $0xffff  }
0x2a6: {  	v47 =	vadd.s32 $0x300, v0;
	_ =	sdelay $0x3  }
0x2a7: {  	[tilespmem:s18+$0x60] =	vst v8  }
0x2a8: {  	v8 =	vld.idx.msk [tilespmem:v47+s2+$0x0], $0xffff  }
0x2a9: {  	v48 =	vadd.s32 $0x340, v7;
	_ =	sdelay $0x3  }
0x2aa: {  	[tilespmem:s18+$0x70] =	vst v8  }
0x2ab: {  	v8 =	vld.idx.msk [tilespmem:v48+s2+$0x0], $0xffff  }
0x2ac: {  	v49 =	vadd.s32 $0x340, v6;
	_ =	sdelay $0x3  }
0x2ad: {  	[tilespmem:s18+$0x80] =	vst v8  }
0x2ae: {  	v8 =	vld.idx.msk [tilespmem:v49+s2+$0x0], $0xffff  }
0x2af: {  	v50 =	vadd.s32 $0x340, v5;
	_ =	sdelay $0x3  }
0x2b0: {  	[tilespmem:s18+$0x90] =	vst v8  }
0x2b1: {  	v8 =	vld.idx.msk [tilespmem:v50+s2+$0x0], $0xffff  }
0x2b2: {  	v51 =	vadd.s32 $0x340, v4;
	_ =	sdelay $0x3  }
0x2b3: {  	[tilespmem:s18+$0xA0] =	vst v8  }
0x2b4: {  	v8 =	vld.idx.msk [tilespmem:v51+s2+$0x0], $0xffff  }
0x2b5: {  	v52 =	vadd.s32 $0x340, v3;
	_ =	sdelay $0x3  }
0x2b6: {  	[tilespmem:s18+$0xB0] =	vst v8  }
0x2b7: {  	v8 =	vld.idx.msk [tilespmem:v52+s2+$0x0], $0xffff  }
0x2b8: {  	v53 =	vadd.s32 $0x340, v2;
	_ =	sdelay $0x3  }
0x2b9: {  	[tilespmem:s18+$0xC0] =	vst v8  }
0x2ba: {  	v8 =	vld.idx.msk [tilespmem:v53+s2+$0x0], $0xffff  }
0x2bb: {  	v54 =	vadd.s32 $0x340, v1;
	_ =	sdelay $0x3  }
0x2bc: {  	[tilespmem:s18+$0xD0] =	vst v8  }
0x2bd: {  	v8 =	vld.idx.msk [tilespmem:v54+s2+$0x0], $0xffff  }
0x2be: {  	v55 =	vadd.s32 $0x340, v0;
	_ =	sdelay $0x3  }
0x2bf: {  	[tilespmem:s18+$0xE0] =	vst v8  }
0x2c0: {  	v8 =	vld.idx.msk [tilespmem:v55+s2+$0x0], $0xffff  }
0x2c1: {  	v56 =	vadd.s32 $0x380, v7;
	_ =	sdelay $0x3  }
0x2c2: {  	[tilespmem:s18+$0xF0] =	vst v8  }
0x2c3: {  	v8 =	vld.idx.msk [tilespmem:v56+s2+$0x0], $0xffff  }
0x2c4: {  	v57 =	vadd.s32 $0x380, v6;
	_ =	sdelay $0x3  }
0x2c5: {  	[tilespmem:s18+$0x100] =	vst v8  }
0x2c6: {  	v8 =	vld.idx.msk [tilespmem:v57+s2+$0x0], $0xffff  }
0x2c7: {  	v58 =	vadd.s32 $0x380, v5;
	_ =	sdelay $0x3  }
0x2c8: {  	[tilespmem:s18+$0x110] =	vst v8  }
0x2c9: {  	v8 =	vld.idx.msk [tilespmem:v58+s2+$0x0], $0xffff  }
0x2ca: {  	v59 =	vadd.s32 $0x380, v4;
	_ =	sdelay $0x3  }
0x2cb: {  	[tilespmem:s18+$0x120] =	vst v8  }
0x2cc: {  	v8 =	vld.idx.msk [tilespmem:v59+s2+$0x0], $0xffff  }
0x2cd: {  	v60 =	vadd.s32 $0x380, v3;
	_ =	sdelay $0x3  }
0x2ce: {  	[tilespmem:s18+$0x130] =	vst v8  }
0x2cf: {  	v8 =	vld.idx.msk [tilespmem:v60+s2+$0x0], $0xffff  }
0x2d0: {  	v61 =	vadd.s32 $0x380, v2;
	_ =	sdelay $0x3  }
0x2d1: {  	[tilespmem:s18+$0x140] =	vst v8  }
0x2d2: {  	v8 =	vld.idx.msk [tilespmem:v61+s2+$0x0], $0xffff  }
0x2d3: {  	v62 =	vadd.s32 $0x380, v1;
	_ =	sdelay $0x3  }
0x2d4: {  	[tilespmem:s18+$0x150] =	vst v8  }
0x2d5: {  	v8 =	vld.idx.msk [tilespmem:v62+s2+$0x0], $0xffff  }
0x2d6: {  	v63 =	vadd.s32 $0x380, v0;
	_ =	sdelay $0x3  }
0x2d7: {  	[tilespmem:s18+$0x160] =	vst v8  }
0x2d8: {  	v8 =	vld.idx.msk [tilespmem:v63+s2+$0x0], $0xffff  }
0x2d9: {  	v7 =	vadd.s32 $0x3C0, v7;
	_ =	sdelay $0x3  }
0x2da: {  	[tilespmem:s18+$0x170] =	vst v8  }
0x2db: {  	v7 =	vld.idx.msk [tilespmem:v7+s2+$0x0], $0xffff  }
0x2dc: {  	v6 =	vadd.s32 $0x3C0, v6;
	_ =	sdelay $0x3  }
0x2dd: {  	[tilespmem:s18+$0x180] =	vst v7  }
0x2de: {  	v6 =	vld.idx.msk [tilespmem:v6+s2+$0x0], $0xffff  }
0x2df: {  	v5 =	vadd.s32 $0x3C0, v5;
	_ =	sdelay $0x3  }
0x2e0: {  	[tilespmem:s18+$0x190] =	vst v6  }
0x2e1: {  	v5 =	vld.idx.msk [tilespmem:v5+s2+$0x0], $0xffff  }
0x2e2: {  	v4 =	vadd.s32 $0x3C0, v4;
	_ =	sdelay $0x3  }
0x2e3: {  	[tilespmem:s18+$0x1A0] =	vst v5  }
0x2e4: {  	v4 =	vld.idx.msk [tilespmem:v4+s2+$0x0], $0xffff  }
0x2e5: {  	v3 =	vadd.s32 $0x3C0, v3;
	_ =	sdelay $0x3  }
0x2e6: {  	[tilespmem:s18+$0x1B0] =	vst v4  }
0x2e7: {  	v3 =	vld.idx.msk [tilespmem:v3+s2+$0x0], $0xffff  }
0x2e8: {  	v2 =	vadd.s32 $0x3C0, v2;
	_ =	sdelay $0x3  }
0x2e9: {  	[tilespmem:s18+$0x1C0] =	vst v3  }
0x2ea: {  	v2 =	vld.idx.msk [tilespmem:v2+s2+$0x0], $0xffff  }
0x2eb: {  	v1 =	vadd.s32 $0x3C0, v1;
	_ =	sdelay $0x3  }
0x2ec: {  	[tilespmem:s18+$0x1D0] =	vst v2  }
0x2ed: {  	v1 =	vld.idx.msk [tilespmem:v1+s2+$0x0], $0xffff  }
0x2ee: {  	v0 =	vadd.s32 $0x3C0, v0;
	_ =	sdelay $0x3  }
0x2ef: {  	[tilespmem:s18+$0x1E0] =	vst v1  }
0x2f0: {  	p0 =	sne.s32 s17, $0x1E00;
	v0 =	vld.idx.msk [tilespmem:v0+s2+$0x0], $0xffff  }
.Ltmp1:
0x2f1: {  	_ = 	snop;
	(pc) =	sbr.rel @p0 .LBB2_4-.Ltmp1, $2  }
0x2f2: {  	_ =	sdelay $0x2  }
0x2f3: {  	s17 =	sadd.s32 $0x200, s17;
	[tilespmem:s18+$0x1F0] =	vst v0;
	s18 =	sadd.s32 $0x400, s18  }
0x2f4: {  	[hbm4b:s7+s2] =	stream.linear.scatter [tilespmem:s13], [sflag:$0x2], $0x4000, $0x38;
	[tilespmem:$0x14400] =	vst v63  }
0x2f5: {  	s17 =	simm.s32 $0x1  }
.LBB2_6:
0x2f6: {  	s18 =	sshll.u32 s17, $0xA  }
0x2f7: {  	_ =	swait.ge [sflag:s14], $0x4000;
	s19 =	sor.u32 $0x40, s18;
	s20 =	sor.u32 $0x80, s18  }
0x2f8: {  	[sflag:s14] =	ssyncset.done $0x0;
	s28 =	sor.u32 $0xC0, s18;
	s29 =	sor.u32 $0x100, s18;
	v2 =	vmov s18;
	v0 =	vmov s19  }
0x2f9: {  	s30 =	sor.u32 $0x140, s18;
	s31 =	sor.u32 $0x180, s18;
	s18 =	sor.u32 $0x1C0, s18;
	v1 =	vmov s20;
	v3 =	vmov s28;
	v4 =	vmov s29  }
0x2fa: {  	v5 =	vmov s30;
	[sflag:s14] =	ssyncadd.s32 $0xFFFFC000;
	v6 =	vmov s31;
	v7 =	vmov s18;
	s18 =	simm.s32 $0x0;
	s19 =	simm.s32 $0xC600  }
.LBB2_7:
0x2fb: {  	s20 =	sshra.s32 s18, $0x2  }
0x2fc: {  	v9 =	vld [tilespmem:s20+$0xBC00];
	_ =	sdelay $0x4  }
0x2fd: {  	v8 =	vand.u32 $0xFFFFFFF8, v9  }
0x2fe: {  	v11 =	vld [tilespmem:s20+$0xBC10];
	v9 =	vand.u32 $0x7, v9;
	v10 =	vadd.s32 v2, v8  }
0x2ff: {  	v12 =	vor.u32 v9, v10;
	_ =	sdelay $0x3  }
0x300: {  	v13 =	vld [tilespmem:s20+$0xBC20];
	v10 =	vand.u32 $0xFFFFFFF8, v11  }
0x301: {  	v11 =	vand.u32 $0x7, v11;
	v14 =	vadd.s32 v2, v10;
	v12 =	vld.idx.msk [tilespmem:v12+s2+$0x0], $0xffff  }
0x302: {  	v15 =	vld [tilespmem:s20+$0xBC30];
	v14 =	vor.u32 v11, v14  }
0x303: {  	v17 =	vld [tilespmem:s20+$0xBC40]  }
0x304: {  	v19 =	vld [tilespmem:s20+$0xBC50]  }
0x305: {  	v21 =	vld [tilespmem:s20+$0xBC60]  }
0x306: {  	v23 =	vld [tilespmem:s20+$0xBC70];
	[tilespmem:s19+$0xFFFFFE00] =	vst v12;
	v12 =	vand.u32 $0xFFFFFFF8, v13  }
0x307: {  	v13 =	vand.u32 $0x7, v13;
	v14 =	vld.idx.msk [tilespmem:v14+s2+$0x0], $0xffff;
	v16 =	vadd.s32 v2, v12  }
0x308: {  	v16 =	vor.u32 v13, v16;
	_ =	sdelay $0x3  }
0x309: {  	[tilespmem:s19+$0xFFFFFE10] =	vst v14;
	v14 =	vand.u32 $0xFFFFFFF8, v15  }
0x30a: {  	v15 =	vand.u32 $0x7, v15;
	v16 =	vld.idx.msk [tilespmem:v16+s2+$0x0], $0xffff;
	v18 =	vadd.s32 v2, v14  }
0x30b: {  	v18 =	vor.u32 v15, v18;
	_ =	sdelay $0x3  }
0x30c: {  	[tilespmem:s19+$0xFFFFFE20] =	vst v16;
	v16 =	vand.u32 $0xFFFFFFF8, v17  }
0x30d: {  	v17 =	vand.u32 $0x7, v17;
	v18 =	vld.idx.msk [tilespmem:v18+s2+$0x0], $0xffff;
	v20 =	vadd.s32 v2, v16  }
0x30e: {  	v20 =	vor.u32 v17, v20;
	_ =	sdelay $0x3  }
0x30f: {  	[tilespmem:s19+$0xFFFFFE30] =	vst v18;
	v18 =	vand.u32 $0xFFFFFFF8, v19  }
0x310: {  	v19 =	vand.u32 $0x7, v19;
	v20 =	vld.idx.msk [tilespmem:v20+s2+$0x0], $0xffff;
	v22 =	vadd.s32 v2, v18  }
0x311: {  	v22 =	vor.u32 v19, v22;
	_ =	sdelay $0x3  }
0x312: {  	[tilespmem:s19+$0xFFFFFE40] =	vst v20;
	v20 =	vand.u32 $0xFFFFFFF8, v21  }
0x313: {  	v21 =	vand.u32 $0x7, v21;
	v22 =	vld.idx.msk [tilespmem:v22+s2+$0x0], $0xffff;
	v24 =	vadd.s32 v2, v20  }
0x314: {  	v24 =	vor.u32 v21, v24;
	_ =	sdelay $0x3  }
0x315: {  	[tilespmem:s19+$0xFFFFFE50] =	vst v22;
	v22 =	vand.u32 $0xFFFFFFF8, v23  }
0x316: {  	v23 =	vand.u32 $0x7, v23;
	v24 =	vld.idx.msk [tilespmem:v24+s2+$0x0], $0xffff;
	v25 =	vadd.s32 v2, v22  }
0x317: {  	v25 =	vor.u32 v23, v25;
	_ =	sdelay $0x3  }
0x318: {  	[tilespmem:s19+$0xFFFFFE60] =	vst v24  }
0x319: {  	v45 =	vadd.s32 v0, v8;
	v24 =	vld.idx.msk [tilespmem:v25+s2+$0x0], $0xffff  }
0x31a: {  	v25 =	vor.u32 v9, v45;
	_ =	sdelay $0x3  }
0x31b: {  	[tilespmem:s19+$0xFFFFFE70] =	vst v24  }
0x31c: {  	v46 =	vadd.s32 v0, v10;
	v24 =	vld.idx.msk [tilespmem:v25+s2+$0x0], $0xffff  }
0x31d: {  	v25 =	vor.u32 v11, v46;
	_ =	sdelay $0x3  }
0x31e: {  	[tilespmem:s19+$0xFFFFFE80] =	vst v24  }
0x31f: {  	v47 =	vadd.s32 v0, v12;
	v24 =	vld.idx.msk [tilespmem:v25+s2+$0x0], $0xffff  }
0x320: {  	v25 =	vor.u32 v13, v47;
	_ =	sdelay $0x3  }
0x321: {  	[tilespmem:s19+$0xFFFFFE90] =	vst v24  }
0x322: {  	v48 =	vadd.s32 v0, v14;
	v24 =	vld.idx.msk [tilespmem:v25+s2+$0x0], $0xffff  }
0x323: {  	v25 =	vor.u32 v15, v48;
	_ =	sdelay $0x3  }
0x324: {  	[tilespmem:s19+$0xFFFFFEA0] =	vst v24  }
0x325: {  	v49 =	vadd.s32 v0, v16;
	v24 =	vld.idx.msk [tilespmem:v25+s2+$0x0], $0xffff  }
0x326: {  	v25 =	vor.u32 v17, v49;
	_ =	sdelay $0x3  }
0x327: {  	[tilespmem:s19+$0xFFFFFEB0] =	vst v24  }
0x328: {  	v50 =	vadd.s32 v0, v18;
	v24 =	vld.idx.msk [tilespmem:v25+s2+$0x0], $0xffff  }
0x329: {  	v25 =	vor.u32 v19, v50;
	_ =	sdelay $0x3  }
0x32a: {  	[tilespmem:s19+$0xFFFFFEC0] =	vst v24  }
0x32b: {  	v51 =	vadd.s32 v0, v20;
	v24 =	vld.idx.msk [tilespmem:v25+s2+$0x0], $0xffff  }
0x32c: {  	v25 =	vor.u32 v21, v51;
	_ =	sdelay $0x3  }
0x32d: {  	[tilespmem:s19+$0xFFFFFED0] =	vst v24  }
0x32e: {  	v52 =	vadd.s32 v0, v22;
	v24 =	vld.idx.msk [tilespmem:v25+s2+$0x0], $0xffff  }
0x32f: {  	v25 =	vor.u32 v23, v52;
	_ =	sdelay $0x3  }
0x330: {  	[tilespmem:s19+$0xFFFFFEE0] =	vst v24  }
0x331: {  	v53 =	vadd.s32 v1, v8;
	v24 =	vld.idx.msk [tilespmem:v25+s2+$0x0], $0xffff  }
0x332: {  	v25 =	vor.u32 v9, v53;
	_ =	sdelay $0x3  }
0x333: {  	[tilespmem:s19+$0xFFFFFEF0] =	vst v24  }
0x334: {  	v54 =	vadd.s32 v1, v10;
	v24 =	vld.idx.msk [tilespmem:v25+s2+$0x0], $0xffff  }
0x335: {  	v25 =	vor.u32 v11, v54;
	_ =	sdelay $0x3  }
0x336: {  	[tilespmem:s19+$0xFFFFFF00] =	vst v24  }
0x337: {  	v55 =	vadd.s32 v1, v12;
	v24 =	vld.idx.msk [tilespmem:v25+s2+$0x0], $0xffff  }
0x338: {  	v25 =	vor.u32 v13, v55;
	_ =	sdelay $0x3  }
0x339: {  	[tilespmem:s19+$0xFFFFFF10] =	vst v24  }
0x33a: {  	v56 =	vadd.s32 v1, v14;
	v24 =	vld.idx.msk [tilespmem:v25+s2+$0x0], $0xffff  }
0x33b: {  	v25 =	vor.u32 v15, v56;
	_ =	sdelay $0x3  }
0x33c: {  	[tilespmem:s19+$0xFFFFFF20] =	vst v24  }
0x33d: {  	v57 =	vadd.s32 v1, v16;
	v24 =	vld.idx.msk [tilespmem:v25+s2+$0x0], $0xffff  }
0x33e: {  	v25 =	vor.u32 v17, v57;
	_ =	sdelay $0x3  }
0x33f: {  	[tilespmem:s19+$0xFFFFFF30] =	vst v24  }
0x340: {  	v58 =	vadd.s32 v1, v18;
	v24 =	vld.idx.msk [tilespmem:v25+s2+$0x0], $0xffff  }
0x341: {  	v25 =	vor.u32 v19, v58;
	_ =	sdelay $0x3  }
0x342: {  	[tilespmem:s19+$0xFFFFFF40] =	vst v24  }
0x343: {  	v59 =	vadd.s32 v1, v20;
	v24 =	vld.idx.msk [tilespmem:v25+s2+$0x0], $0xffff  }
0x344: {  	v25 =	vor.u32 v21, v59;
	_ =	sdelay $0x3  }
0x345: {  	[tilespmem:s19+$0xFFFFFF50] =	vst v24  }
0x346: {  	v60 =	vadd.s32 v1, v22;
	v24 =	vld.idx.msk [tilespmem:v25+s2+$0x0], $0xffff  }
0x347: {  	v25 =	vor.u32 v23, v60;
	_ =	sdelay $0x3  }
0x348: {  	[tilespmem:s19+$0xFFFFFF60] =	vst v24  }
0x349: {  	v61 =	vadd.s32 v3, v8;
	v24 =	vld.idx.msk [tilespmem:v25+s2+$0x0], $0xffff  }
0x34a: {  	v25 =	vor.u32 v9, v61;
	_ =	sdelay $0x3  }
0x34b: {  	[tilespmem:s19+$0xFFFFFF70] =	vst v24  }
0x34c: {  	v62 =	vadd.s32 v3, v10;
	v24 =	vld.idx.msk [tilespmem:v25+s2+$0x0], $0xffff  }
0x34d: {  	v25 =	vor.u32 v11, v62;
	_ =	sdelay $0x3  }
0x34e: {  	[tilespmem:s19+$0xFFFFFF80] =	vst v24  }
0x34f: {  	v63 =	vadd.s32 v3, v12;
	v24 =	vld.idx.msk [tilespmem:v25+s2+$0x0], $0xffff  }
0x350: {  	v25 =	vor.u32 v13, v63;
	_ =	sdelay $0x3  }
0x351: {  	[tilespmem:s19+$0xFFFFFF90] =	vst v24  }
0x352: {  	v28 =	vadd.s32 v3, v14;
	v24 =	vld.idx.msk [tilespmem:v25+s2+$0x0], $0xffff  }
0x353: {  	v25 =	vor.u32 v15, v28;
	_ =	sdelay $0x3  }
0x354: {  	[tilespmem:s19+$0xFFFFFFA0] =	vst v24  }
0x355: {  	v29 =	vadd.s32 v3, v16;
	v24 =	vld.idx.msk [tilespmem:v25+s2+$0x0], $0xffff  }
0x356: {  	v25 =	vor.u32 v17, v29;
	_ =	sdelay $0x3  }
0x357: {  	[tilespmem:s19+$0xFFFFFFB0] =	vst v24  }
0x358: {  	v30 =	vadd.s32 v3, v18;
	v24 =	vld.idx.msk [tilespmem:v25+s2+$0x0], $0xffff  }
0x359: {  	v25 =	vor.u32 v19, v30;
	_ =	sdelay $0x3  }
0x35a: {  	[tilespmem:s19+$0xFFFFFFC0] =	vst v24  }
0x35b: {  	v31 =	vadd.s32 v3, v20;
	v24 =	vld.idx.msk [tilespmem:v25+s2+$0x0], $0xffff  }
0x35c: {  	v25 =	vor.u32 v21, v31;
	_ =	sdelay $0x3  }
0x35d: {  	[tilespmem:s19+$0xFFFFFFD0] =	vst v24  }
0x35e: {  	v32 =	vadd.s32 v3, v22;
	v24 =	vld.idx.msk [tilespmem:v25+s2+$0x0], $0xffff  }
0x35f: {  	v25 =	vor.u32 v23, v32;
	_ =	sdelay $0x3  }
0x360: {  	[tilespmem:s19+$0xFFFFFFE0] =	vst v24  }
0x361: {  	v33 =	vadd.s32 v4, v8;
	v24 =	vld.idx.msk [tilespmem:v25+s2+$0x0], $0xffff  }
0x362: {  	v25 =	vor.u32 v9, v33;
	_ =	sdelay $0x3  }
0x363: {  	[tilespmem:s19+$0xFFFFFFF0] =	vst v24  }
0x364: {  	v34 =	vadd.s32 v4, v10;
	v24 =	vld.idx.msk [tilespmem:v25+s2+$0x0], $0xffff  }
0x365: {  	v25 =	vor.u32 v11, v34;
	_ =	sdelay $0x3  }
0x366: {  	[tilespmem:s19+$0x0] =	vst v24  }
0x367: {  	v35 =	vadd.s32 v4, v12;
	v24 =	vld.idx.msk [tilespmem:v25+s2+$0x0], $0xffff  }
0x368: {  	v25 =	vor.u32 v13, v35;
	_ =	sdelay $0x3  }
0x369: {  	[tilespmem:s19+$0x10] =	vst v24  }
0x36a: {  	v36 =	vadd.s32 v4, v14;
	v24 =	vld.idx.msk [tilespmem:v25+s2+$0x0], $0xffff  }
0x36b: {  	v25 =	vor.u32 v15, v36;
	_ =	sdelay $0x3  }
0x36c: {  	[tilespmem:s19+$0x20] =	vst v24  }
0x36d: {  	v37 =	vadd.s32 v4, v16;
	v24 =	vld.idx.msk [tilespmem:v25+s2+$0x0], $0xffff  }
0x36e: {  	v25 =	vor.u32 v17, v37;
	_ =	sdelay $0x3  }
0x36f: {  	[tilespmem:s19+$0x30] =	vst v24  }
0x370: {  	v38 =	vadd.s32 v4, v18;
	v24 =	vld.idx.msk [tilespmem:v25+s2+$0x0], $0xffff  }
0x371: {  	v25 =	vor.u32 v19, v38;
	_ =	sdelay $0x3  }
0x372: {  	[tilespmem:s19+$0x40] =	vst v24  }
0x373: {  	v39 =	vadd.s32 v4, v20;
	v24 =	vld.idx.msk [tilespmem:v25+s2+$0x0], $0xffff  }
0x374: {  	v25 =	vor.u32 v21, v39;
	_ =	sdelay $0x3  }
0x375: {  	[tilespmem:s19+$0x50] =	vst v24  }
0x376: {  	v40 =	vadd.s32 v4, v22;
	v24 =	vld.idx.msk [tilespmem:v25+s2+$0x0], $0xffff  }
0x377: {  	v25 =	vor.u32 v23, v40;
	_ =	sdelay $0x3  }
0x378: {  	[tilespmem:s19+$0x60] =	vst v24  }
0x379: {  	v41 =	vadd.s32 v5, v8;
	v24 =	vld.idx.msk [tilespmem:v25+s2+$0x0], $0xffff  }
0x37a: {  	v25 =	vor.u32 v9, v41;
	_ =	sdelay $0x3  }
0x37b: {  	[tilespmem:s19+$0x70] =	vst v24  }
0x37c: {  	v42 =	vadd.s32 v5, v10;
	v24 =	vld.idx.msk [tilespmem:v25+s2+$0x0], $0xffff  }
0x37d: {  	v25 =	vor.u32 v11, v42;
	_ =	sdelay $0x3  }
0x37e: {  	[tilespmem:s19+$0x80] =	vst v24  }
0x37f: {  	v43 =	vadd.s32 v5, v12;
	v24 =	vld.idx.msk [tilespmem:v25+s2+$0x0], $0xffff  }
0x380: {  	v25 =	vor.u32 v13, v43;
	_ =	sdelay $0x3  }
0x381: {  	[tilespmem:s19+$0x90] =	vst v24  }
0x382: {  	v44 =	vadd.s32 v5, v14;
	v24 =	vld.idx.msk [tilespmem:v25+s2+$0x0], $0xffff  }
0x383: {  	v25 =	vor.u32 v15, v44;
	_ =	sdelay $0x3  }
0x384: {  	[tilespmem:s19+$0xA0] =	vst v24  }
0x385: {  	v45 =	vadd.s32 v5, v16;
	v24 =	vld.idx.msk [tilespmem:v25+s2+$0x0], $0xffff  }
0x386: {  	v25 =	vor.u32 v17, v45;
	_ =	sdelay $0x3  }
0x387: {  	[tilespmem:s19+$0xB0] =	vst v24  }
0x388: {  	v46 =	vadd.s32 v5, v18;
	v24 =	vld.idx.msk [tilespmem:v25+s2+$0x0], $0xffff  }
0x389: {  	v25 =	vor.u32 v19, v46;
	_ =	sdelay $0x3  }
0x38a: {  	[tilespmem:s19+$0xC0] =	vst v24  }
0x38b: {  	v47 =	vadd.s32 v5, v20;
	v24 =	vld.idx.msk [tilespmem:v25+s2+$0x0], $0xffff  }
0x38c: {  	v25 =	vor.u32 v21, v47;
	_ =	sdelay $0x3  }
0x38d: {  	[tilespmem:s19+$0xD0] =	vst v24  }
0x38e: {  	v48 =	vadd.s32 v5, v22;
	v24 =	vld.idx.msk [tilespmem:v25+s2+$0x0], $0xffff  }
0x38f: {  	v25 =	vor.u32 v23, v48;
	_ =	sdelay $0x3  }
0x390: {  	[tilespmem:s19+$0xE0] =	vst v24  }
0x391: {  	v49 =	vadd.s32 v6, v8;
	v24 =	vld.idx.msk [tilespmem:v25+s2+$0x0], $0xffff  }
0x392: {  	v25 =	vor.u32 v9, v49;
	_ =	sdelay $0x3  }
0x393: {  	[tilespmem:s19+$0xF0] =	vst v24  }
0x394: {  	v50 =	vadd.s32 v6, v10;
	v24 =	vld.idx.msk [tilespmem:v25+s2+$0x0], $0xffff  }
0x395: {  	v25 =	vor.u32 v11, v50;
	_ =	sdelay $0x3  }
0x396: {  	[tilespmem:s19+$0x100] =	vst v24  }
0x397: {  	v51 =	vadd.s32 v6, v12;
	v24 =	vld.idx.msk [tilespmem:v25+s2+$0x0], $0xffff  }
0x398: {  	v25 =	vor.u32 v13, v51;
	_ =	sdelay $0x3  }
0x399: {  	[tilespmem:s19+$0x110] =	vst v24  }
0x39a: {  	v52 =	vadd.s32 v6, v14;
	v24 =	vld.idx.msk [tilespmem:v25+s2+$0x0], $0xffff  }
0x39b: {  	v25 =	vor.u32 v15, v52;
	_ =	sdelay $0x3  }
0x39c: {  	[tilespmem:s19+$0x120] =	vst v24  }
0x39d: {  	v53 =	vadd.s32 v6, v16;
	v24 =	vld.idx.msk [tilespmem:v25+s2+$0x0], $0xffff  }
0x39e: {  	v25 =	vor.u32 v17, v53;
	_ =	sdelay $0x3  }
0x39f: {  	[tilespmem:s19+$0x130] =	vst v24  }
0x3a0: {  	v54 =	vadd.s32 v6, v18;
	v24 =	vld.idx.msk [tilespmem:v25+s2+$0x0], $0xffff  }
0x3a1: {  	v25 =	vor.u32 v19, v54;
	_ =	sdelay $0x3  }
0x3a2: {  	[tilespmem:s19+$0x140] =	vst v24  }
0x3a3: {  	v55 =	vadd.s32 v6, v20;
	v24 =	vld.idx.msk [tilespmem:v25+s2+$0x0], $0xffff  }
0x3a4: {  	v25 =	vor.u32 v21, v55;
	_ =	sdelay $0x3  }
0x3a5: {  	[tilespmem:s19+$0x150] =	vst v24  }
0x3a6: {  	v56 =	vadd.s32 v6, v22;
	v24 =	vld.idx.msk [tilespmem:v25+s2+$0x0], $0xffff  }
0x3a7: {  	v25 =	vor.u32 v23, v56;
	_ =	sdelay $0x3  }
0x3a8: {  	[tilespmem:s19+$0x160] =	vst v24  }
0x3a9: {  	v8 =	vadd.s32 v7, v8;
	v24 =	vld.idx.msk [tilespmem:v25+s2+$0x0], $0xffff  }
0x3aa: {  	v8 =	vor.u32 v9, v8;
	_ =	sdelay $0x3  }
0x3ab: {  	[tilespmem:s19+$0x170] =	vst v24  }
0x3ac: {  	v57 =	vadd.s32 v7, v10;
	v8 =	vld.idx.msk [tilespmem:v8+s2+$0x0], $0xffff  }
0x3ad: {  	v9 =	vor.u32 v11, v57;
	_ =	sdelay $0x3  }
0x3ae: {  	[tilespmem:s19+$0x180] =	vst v8  }
0x3af: {  	v58 =	vadd.s32 v7, v12;
	v8 =	vld.idx.msk [tilespmem:v9+s2+$0x0], $0xffff  }
0x3b0: {  	v9 =	vor.u32 v13, v58;
	_ =	sdelay $0x3  }
0x3b1: {  	[tilespmem:s19+$0x190] =	vst v8  }
0x3b2: {  	v59 =	vadd.s32 v7, v14;
	v8 =	vld.idx.msk [tilespmem:v9+s2+$0x0], $0xffff  }
0x3b3: {  	v9 =	vor.u32 v15, v59;
	_ =	sdelay $0x3  }
0x3b4: {  	[tilespmem:s19+$0x1A0] =	vst v8  }
0x3b5: {  	v60 =	vadd.s32 v7, v16;
	v8 =	vld.idx.msk [tilespmem:v9+s2+$0x0], $0xffff  }
0x3b6: {  	v9 =	vor.u32 v17, v60;
	_ =	sdelay $0x3  }
0x3b7: {  	[tilespmem:s19+$0x1B0] =	vst v8  }
0x3b8: {  	v61 =	vadd.s32 v7, v18;
	v8 =	vld.idx.msk [tilespmem:v9+s2+$0x0], $0xffff  }
0x3b9: {  	v9 =	vor.u32 v19, v61;
	_ =	sdelay $0x3  }
0x3ba: {  	[tilespmem:s19+$0x1C0] =	vst v8  }
0x3bb: {  	v62 =	vadd.s32 v7, v20;
	v8 =	vld.idx.msk [tilespmem:v9+s2+$0x0], $0xffff  }
0x3bc: {  	v9 =	vor.u32 v21, v62;
	_ =	sdelay $0x3  }
0x3bd: {  	[tilespmem:s19+$0x1D0] =	vst v8  }
0x3be: {  	v63 =	vadd.s32 v7, v22;
	v8 =	vld.idx.msk [tilespmem:v9+s2+$0x0], $0xffff  }
0x3bf: {  	v9 =	vor.u32 v23, v63;
	_ =	sdelay $0x3  }
0x3c0: {  	[tilespmem:s19+$0x1E0] =	vst v8  }
0x3c1: {  	p0 =	sne.s32 s18, $0x1E00;
	v8 =	vld.idx.msk [tilespmem:v9+s2+$0x0], $0xffff  }
.Ltmp2:
0x3c2: {  	_ = 	snop;
	(pc) =	sbr.rel @p0 .LBB2_7-.Ltmp2, $2  }
0x3c3: {  	_ =	sdelay $0x2  }
0x3c4: {  	s18 =	sadd.s32 $0x200, s18;
	[tilespmem:s19+$0x1F0] =	vst v8;
	s19 =	sadd.s32 $0x400, s19  }
0x3c5: {  	s18 =	sshll.u32 s17, $0x1  }
0x3c6: {  	s18 =	sadd.s32 s3, s18  }
0x3c7: {  	s18 =	sshll.u32 s18, $0xE  }
0x3c8: {  	s19 =	sadd.s32 s18, s8;
	s18 =	simm.s32 $0x0  }
0x3c9: {  	[hbm4b:s19+s18] =	stream.linear.scatter [tilespmem:s12], [sflag:$0x1], $0x4000, $0x38;
	[tilespmem:$0x14400] =	vst v63  }
0x3ca: {  	s19 =	sshllo.u32 s17, $0x1  }
0x3cb: {  	s20 =	sshll.u32 s19, $0x9  }
0x3cc: {  	_ =	swait.ge [sflag:s15], $0x4000;
	s21 =	sor.u32 $0x40, s20;
	s22 =	sor.u32 $0x80, s20  }
0x3cd: {  	[sflag:s15] =	ssyncset.done $0x0;
	s28 =	sor.u32 $0xC0, s20;
	s29 =	sor.u32 $0x100, s20;
	v2 =	vmov s20;
	v0 =	vmov s21  }
0x3ce: {  	s30 =	sor.u32 $0x140, s20;
	s31 =	sor.u32 $0x180, s20;
	s20 =	sor.u32 $0x1C0, s20;
	v1 =	vmov s22;
	v3 =	vmov s28;
	v4 =	vmov s29  }
0x3cf: {  	v5 =	vmov s30;
	[sflag:s15] =	ssyncadd.s32 $0xFFFFC000;
	v6 =	vmov s31;
	v7 =	vmov s20;
	s20 =	simm.s32 $0x10600  }
.LBB2_9:
0x3d0: {  	s21 =	sshra.s32 s18, $0x2  }
0x3d1: {  	v9 =	vld [tilespmem:s21+$0xBC00];
	_ =	sdelay $0x4  }
0x3d2: {  	v8 =	vand.u32 $0xFFFFFFF8, v9  }
0x3d3: {  	v11 =	vld [tilespmem:s21+$0xBC10];
	v9 =	vand.u32 $0x7, v9;
	v10 =	vadd.s32 v2, v8  }
0x3d4: {  	v12 =	vor.u32 v9, v10;
	_ =	sdelay $0x3  }
0x3d5: {  	v13 =	vld [tilespmem:s21+$0xBC20];
	v10 =	vand.u32 $0xFFFFFFF8, v11  }
0x3d6: {  	v11 =	vand.u32 $0x7, v11;
	v14 =	vadd.s32 v2, v10;
	v12 =	vld.idx.msk [tilespmem:v12+s2+$0x0], $0xffff  }
0x3d7: {  	v15 =	vld [tilespmem:s21+$0xBC30];
	v14 =	vor.u32 v11, v14  }
0x3d8: {  	v17 =	vld [tilespmem:s21+$0xBC40]  }
0x3d9: {  	v19 =	vld [tilespmem:s21+$0xBC50]  }
0x3da: {  	v21 =	vld [tilespmem:s21+$0xBC60]  }
0x3db: {  	v23 =	vld [tilespmem:s21+$0xBC70];
	[tilespmem:s20+$0xFFFFFE00] =	vst v12;
	v12 =	vand.u32 $0xFFFFFFF8, v13  }
0x3dc: {  	v13 =	vand.u32 $0x7, v13;
	v14 =	vld.idx.msk [tilespmem:v14+s2+$0x0], $0xffff;
	v16 =	vadd.s32 v2, v12  }
0x3dd: {  	v16 =	vor.u32 v13, v16;
	_ =	sdelay $0x3  }
0x3de: {  	[tilespmem:s20+$0xFFFFFE10] =	vst v14;
	v14 =	vand.u32 $0xFFFFFFF8, v15  }
0x3df: {  	v15 =	vand.u32 $0x7, v15;
	v16 =	vld.idx.msk [tilespmem:v16+s2+$0x0], $0xffff;
	v18 =	vadd.s32 v2, v14  }
0x3e0: {  	v18 =	vor.u32 v15, v18;
	_ =	sdelay $0x3  }
0x3e1: {  	[tilespmem:s20+$0xFFFFFE20] =	vst v16;
	v16 =	vand.u32 $0xFFFFFFF8, v17  }
0x3e2: {  	v17 =	vand.u32 $0x7, v17;
	v18 =	vld.idx.msk [tilespmem:v18+s2+$0x0], $0xffff;
	v20 =	vadd.s32 v2, v16  }
0x3e3: {  	v20 =	vor.u32 v17, v20;
	_ =	sdelay $0x3  }
0x3e4: {  	[tilespmem:s20+$0xFFFFFE30] =	vst v18;
	v18 =	vand.u32 $0xFFFFFFF8, v19  }
0x3e5: {  	v19 =	vand.u32 $0x7, v19;
	v20 =	vld.idx.msk [tilespmem:v20+s2+$0x0], $0xffff;
	v22 =	vadd.s32 v2, v18  }
0x3e6: {  	v22 =	vor.u32 v19, v22;
	_ =	sdelay $0x3  }
0x3e7: {  	[tilespmem:s20+$0xFFFFFE40] =	vst v20;
	v20 =	vand.u32 $0xFFFFFFF8, v21  }
0x3e8: {  	v21 =	vand.u32 $0x7, v21;
	v22 =	vld.idx.msk [tilespmem:v22+s2+$0x0], $0xffff;
	v24 =	vadd.s32 v2, v20  }
0x3e9: {  	v24 =	vor.u32 v21, v24;
	_ =	sdelay $0x3  }
0x3ea: {  	[tilespmem:s20+$0xFFFFFE50] =	vst v22;
	v22 =	vand.u32 $0xFFFFFFF8, v23  }
0x3eb: {  	v23 =	vand.u32 $0x7, v23;
	v24 =	vld.idx.msk [tilespmem:v24+s2+$0x0], $0xffff;
	v25 =	vadd.s32 v2, v22  }
0x3ec: {  	v25 =	vor.u32 v23, v25;
	_ =	sdelay $0x3  }
0x3ed: {  	[tilespmem:s20+$0xFFFFFE60] =	vst v24  }
0x3ee: {  	v45 =	vadd.s32 v0, v8;
	v24 =	vld.idx.msk [tilespmem:v25+s2+$0x0], $0xffff  }
0x3ef: {  	v25 =	vor.u32 v9, v45;
	_ =	sdelay $0x3  }
0x3f0: {  	[tilespmem:s20+$0xFFFFFE70] =	vst v24  }
0x3f1: {  	v46 =	vadd.s32 v0, v10;
	v24 =	vld.idx.msk [tilespmem:v25+s2+$0x0], $0xffff  }
0x3f2: {  	v25 =	vor.u32 v11, v46;
	_ =	sdelay $0x3  }
0x3f3: {  	[tilespmem:s20+$0xFFFFFE80] =	vst v24  }
0x3f4: {  	v47 =	vadd.s32 v0, v12;
	v24 =	vld.idx.msk [tilespmem:v25+s2+$0x0], $0xffff  }
0x3f5: {  	v25 =	vor.u32 v13, v47;
	_ =	sdelay $0x3  }
0x3f6: {  	[tilespmem:s20+$0xFFFFFE90] =	vst v24  }
0x3f7: {  	v48 =	vadd.s32 v0, v14;
	v24 =	vld.idx.msk [tilespmem:v25+s2+$0x0], $0xffff  }
0x3f8: {  	v25 =	vor.u32 v15, v48;
	_ =	sdelay $0x3  }
0x3f9: {  	[tilespmem:s20+$0xFFFFFEA0] =	vst v24  }
0x3fa: {  	v49 =	vadd.s32 v0, v16;
	v24 =	vld.idx.msk [tilespmem:v25+s2+$0x0], $0xffff  }
0x3fb: {  	v25 =	vor.u32 v17, v49;
	_ =	sdelay $0x3  }
0x3fc: {  	[tilespmem:s20+$0xFFFFFEB0] =	vst v24  }
0x3fd: {  	v50 =	vadd.s32 v0, v18;
	v24 =	vld.idx.msk [tilespmem:v25+s2+$0x0], $0xffff  }
0x3fe: {  	v25 =	vor.u32 v19, v50;
	_ =	sdelay $0x3  }
0x3ff: {  	[tilespmem:s20+$0xFFFFFEC0] =	vst v24  }
0x400: {  	v51 =	vadd.s32 v0, v20;
	v24 =	vld.idx.msk [tilespmem:v25+s2+$0x0], $0xffff  }
0x401: {  	v25 =	vor.u32 v21, v51;
	_ =	sdelay $0x3  }
0x402: {  	[tilespmem:s20+$0xFFFFFED0] =	vst v24  }
0x403: {  	v52 =	vadd.s32 v0, v22;
	v24 =	vld.idx.msk [tilespmem:v25+s2+$0x0], $0xffff  }
0x404: {  	v25 =	vor.u32 v23, v52;
	_ =	sdelay $0x3  }
0x405: {  	[tilespmem:s20+$0xFFFFFEE0] =	vst v24  }
0x406: {  	v53 =	vadd.s32 v1, v8;
	v24 =	vld.idx.msk [tilespmem:v25+s2+$0x0], $0xffff  }
0x407: {  	v25 =	vor.u32 v9, v53;
	_ =	sdelay $0x3  }
0x408: {  	[tilespmem:s20+$0xFFFFFEF0] =	vst v24  }
0x409: {  	v54 =	vadd.s32 v1, v10;
	v24 =	vld.idx.msk [tilespmem:v25+s2+$0x0], $0xffff  }
0x40a: {  	v25 =	vor.u32 v11, v54;
	_ =	sdelay $0x3  }
0x40b: {  	[tilespmem:s20+$0xFFFFFF00] =	vst v24  }
0x40c: {  	v55 =	vadd.s32 v1, v12;
	v24 =	vld.idx.msk [tilespmem:v25+s2+$0x0], $0xffff  }
0x40d: {  	v25 =	vor.u32 v13, v55;
	_ =	sdelay $0x3  }
0x40e: {  	[tilespmem:s20+$0xFFFFFF10] =	vst v24  }
0x40f: {  	v56 =	vadd.s32 v1, v14;
	v24 =	vld.idx.msk [tilespmem:v25+s2+$0x0], $0xffff  }
0x410: {  	v25 =	vor.u32 v15, v56;
	_ =	sdelay $0x3  }
0x411: {  	[tilespmem:s20+$0xFFFFFF20] =	vst v24  }
0x412: {  	v57 =	vadd.s32 v1, v16;
	v24 =	vld.idx.msk [tilespmem:v25+s2+$0x0], $0xffff  }
0x413: {  	v25 =	vor.u32 v17, v57;
	_ =	sdelay $0x3  }
0x414: {  	[tilespmem:s20+$0xFFFFFF30] =	vst v24  }
0x415: {  	v58 =	vadd.s32 v1, v18;
	v24 =	vld.idx.msk [tilespmem:v25+s2+$0x0], $0xffff  }
0x416: {  	v25 =	vor.u32 v19, v58;
	_ =	sdelay $0x3  }
0x417: {  	[tilespmem:s20+$0xFFFFFF40] =	vst v24  }
0x418: {  	v59 =	vadd.s32 v1, v20;
	v24 =	vld.idx.msk [tilespmem:v25+s2+$0x0], $0xffff  }
0x419: {  	v25 =	vor.u32 v21, v59;
	_ =	sdelay $0x3  }
0x41a: {  	[tilespmem:s20+$0xFFFFFF50] =	vst v24  }
0x41b: {  	v60 =	vadd.s32 v1, v22;
	v24 =	vld.idx.msk [tilespmem:v25+s2+$0x0], $0xffff  }
0x41c: {  	v25 =	vor.u32 v23, v60;
	_ =	sdelay $0x3  }
0x41d: {  	[tilespmem:s20+$0xFFFFFF60] =	vst v24  }
0x41e: {  	v61 =	vadd.s32 v3, v8;
	v24 =	vld.idx.msk [tilespmem:v25+s2+$0x0], $0xffff  }
0x41f: {  	v25 =	vor.u32 v9, v61;
	_ =	sdelay $0x3  }
0x420: {  	[tilespmem:s20+$0xFFFFFF70] =	vst v24  }
0x421: {  	v62 =	vadd.s32 v3, v10;
	v24 =	vld.idx.msk [tilespmem:v25+s2+$0x0], $0xffff  }
0x422: {  	v25 =	vor.u32 v11, v62;
	_ =	sdelay $0x3  }
0x423: {  	[tilespmem:s20+$0xFFFFFF80] =	vst v24  }
0x424: {  	v63 =	vadd.s32 v3, v12;
	v24 =	vld.idx.msk [tilespmem:v25+s2+$0x0], $0xffff  }
0x425: {  	v25 =	vor.u32 v13, v63;
	_ =	sdelay $0x3  }
0x426: {  	[tilespmem:s20+$0xFFFFFF90] =	vst v24  }
0x427: {  	v28 =	vadd.s32 v3, v14;
	v24 =	vld.idx.msk [tilespmem:v25+s2+$0x0], $0xffff  }
0x428: {  	v25 =	vor.u32 v15, v28;
	_ =	sdelay $0x3  }
0x429: {  	[tilespmem:s20+$0xFFFFFFA0] =	vst v24  }
0x42a: {  	v29 =	vadd.s32 v3, v16;
	v24 =	vld.idx.msk [tilespmem:v25+s2+$0x0], $0xffff  }
0x42b: {  	v25 =	vor.u32 v17, v29;
	_ =	sdelay $0x3  }
0x42c: {  	[tilespmem:s20+$0xFFFFFFB0] =	vst v24  }
0x42d: {  	v30 =	vadd.s32 v3, v18;
	v24 =	vld.idx.msk [tilespmem:v25+s2+$0x0], $0xffff  }
0x42e: {  	v25 =	vor.u32 v19, v30;
	_ =	sdelay $0x3  }
0x42f: {  	[tilespmem:s20+$0xFFFFFFC0] =	vst v24  }
0x430: {  	v31 =	vadd.s32 v3, v20;
	v24 =	vld.idx.msk [tilespmem:v25+s2+$0x0], $0xffff  }
0x431: {  	v25 =	vor.u32 v21, v31;
	_ =	sdelay $0x3  }
0x432: {  	[tilespmem:s20+$0xFFFFFFD0] =	vst v24  }
0x433: {  	v32 =	vadd.s32 v3, v22;
	v24 =	vld.idx.msk [tilespmem:v25+s2+$0x0], $0xffff  }
0x434: {  	v25 =	vor.u32 v23, v32;
	_ =	sdelay $0x3  }
0x435: {  	[tilespmem:s20+$0xFFFFFFE0] =	vst v24  }
0x436: {  	v33 =	vadd.s32 v4, v8;
	v24 =	vld.idx.msk [tilespmem:v25+s2+$0x0], $0xffff  }
0x437: {  	v25 =	vor.u32 v9, v33;
	_ =	sdelay $0x3  }
0x438: {  	[tilespmem:s20+$0xFFFFFFF0] =	vst v24  }
0x439: {  	v34 =	vadd.s32 v4, v10;
	v24 =	vld.idx.msk [tilespmem:v25+s2+$0x0], $0xffff  }
0x43a: {  	v25 =	vor.u32 v11, v34;
	_ =	sdelay $0x3  }
0x43b: {  	[tilespmem:s20+$0x0] =	vst v24  }
0x43c: {  	v35 =	vadd.s32 v4, v12;
	v24 =	vld.idx.msk [tilespmem:v25+s2+$0x0], $0xffff  }
0x43d: {  	v25 =	vor.u32 v13, v35;
	_ =	sdelay $0x3  }
0x43e: {  	[tilespmem:s20+$0x10] =	vst v24  }
0x43f: {  	v36 =	vadd.s32 v4, v14;
	v24 =	vld.idx.msk [tilespmem:v25+s2+$0x0], $0xffff  }
0x440: {  	v25 =	vor.u32 v15, v36;
	_ =	sdelay $0x3  }
0x441: {  	[tilespmem:s20+$0x20] =	vst v24  }
0x442: {  	v37 =	vadd.s32 v4, v16;
	v24 =	vld.idx.msk [tilespmem:v25+s2+$0x0], $0xffff  }
0x443: {  	v25 =	vor.u32 v17, v37;
	_ =	sdelay $0x3  }
0x444: {  	[tilespmem:s20+$0x30] =	vst v24  }
0x445: {  	v38 =	vadd.s32 v4, v18;
	v24 =	vld.idx.msk [tilespmem:v25+s2+$0x0], $0xffff  }
0x446: {  	v25 =	vor.u32 v19, v38;
	_ =	sdelay $0x3  }
0x447: {  	[tilespmem:s20+$0x40] =	vst v24  }
0x448: {  	v39 =	vadd.s32 v4, v20;
	v24 =	vld.idx.msk [tilespmem:v25+s2+$0x0], $0xffff  }
0x449: {  	v25 =	vor.u32 v21, v39;
	_ =	sdelay $0x3  }
0x44a: {  	[tilespmem:s20+$0x50] =	vst v24  }
0x44b: {  	v40 =	vadd.s32 v4, v22;
	v24 =	vld.idx.msk [tilespmem:v25+s2+$0x0], $0xffff  }
0x44c: {  	v25 =	vor.u32 v23, v40;
	_ =	sdelay $0x3  }
0x44d: {  	[tilespmem:s20+$0x60] =	vst v24  }
0x44e: {  	v41 =	vadd.s32 v5, v8;
	v24 =	vld.idx.msk [tilespmem:v25+s2+$0x0], $0xffff  }
0x44f: {  	v25 =	vor.u32 v9, v41;
	_ =	sdelay $0x3  }
0x450: {  	[tilespmem:s20+$0x70] =	vst v24  }
0x451: {  	v42 =	vadd.s32 v5, v10;
	v24 =	vld.idx.msk [tilespmem:v25+s2+$0x0], $0xffff  }
0x452: {  	v25 =	vor.u32 v11, v42;
	_ =	sdelay $0x3  }
0x453: {  	[tilespmem:s20+$0x80] =	vst v24  }
0x454: {  	v43 =	vadd.s32 v5, v12;
	v24 =	vld.idx.msk [tilespmem:v25+s2+$0x0], $0xffff  }
0x455: {  	v25 =	vor.u32 v13, v43;
	_ =	sdelay $0x3  }
0x456: {  	[tilespmem:s20+$0x90] =	vst v24  }
0x457: {  	v44 =	vadd.s32 v5, v14;
	v24 =	vld.idx.msk [tilespmem:v25+s2+$0x0], $0xffff  }
0x458: {  	v25 =	vor.u32 v15, v44;
	_ =	sdelay $0x3  }
0x459: {  	[tilespmem:s20+$0xA0] =	vst v24  }
0x45a: {  	v45 =	vadd.s32 v5, v16;
	v24 =	vld.idx.msk [tilespmem:v25+s2+$0x0], $0xffff  }
0x45b: {  	v25 =	vor.u32 v17, v45;
	_ =	sdelay $0x3  }
0x45c: {  	[tilespmem:s20+$0xB0] =	vst v24  }
0x45d: {  	v46 =	vadd.s32 v5, v18;
	v24 =	vld.idx.msk [tilespmem:v25+s2+$0x0], $0xffff  }
0x45e: {  	v25 =	vor.u32 v19, v46;
	_ =	sdelay $0x3  }
0x45f: {  	[tilespmem:s20+$0xC0] =	vst v24  }
0x460: {  	v47 =	vadd.s32 v5, v20;
	v24 =	vld.idx.msk [tilespmem:v25+s2+$0x0], $0xffff  }
0x461: {  	v25 =	vor.u32 v21, v47;
	_ =	sdelay $0x3  }
0x462: {  	[tilespmem:s20+$0xD0] =	vst v24  }
0x463: {  	v48 =	vadd.s32 v5, v22;
	v24 =	vld.idx.msk [tilespmem:v25+s2+$0x0], $0xffff  }
0x464: {  	v25 =	vor.u32 v23, v48;
	_ =	sdelay $0x3  }
0x465: {  	[tilespmem:s20+$0xE0] =	vst v24  }
0x466: {  	v49 =	vadd.s32 v6, v8;
	v24 =	vld.idx.msk [tilespmem:v25+s2+$0x0], $0xffff  }
0x467: {  	v25 =	vor.u32 v9, v49;
	_ =	sdelay $0x3  }
0x468: {  	[tilespmem:s20+$0xF0] =	vst v24  }
0x469: {  	v50 =	vadd.s32 v6, v10;
	v24 =	vld.idx.msk [tilespmem:v25+s2+$0x0], $0xffff  }
0x46a: {  	v25 =	vor.u32 v11, v50;
	_ =	sdelay $0x3  }
0x46b: {  	[tilespmem:s20+$0x100] =	vst v24  }
0x46c: {  	v51 =	vadd.s32 v6, v12;
	v24 =	vld.idx.msk [tilespmem:v25+s2+$0x0], $0xffff  }
0x46d: {  	v25 =	vor.u32 v13, v51;
	_ =	sdelay $0x3  }
0x46e: {  	[tilespmem:s20+$0x110] =	vst v24  }
0x46f: {  	v52 =	vadd.s32 v6, v14;
	v24 =	vld.idx.msk [tilespmem:v25+s2+$0x0], $0xffff  }
0x470: {  	v25 =	vor.u32 v15, v52;
	_ =	sdelay $0x3  }
0x471: {  	[tilespmem:s20+$0x120] =	vst v24  }
0x472: {  	v53 =	vadd.s32 v6, v16;
	v24 =	vld.idx.msk [tilespmem:v25+s2+$0x0], $0xffff  }
0x473: {  	v25 =	vor.u32 v17, v53;
	_ =	sdelay $0x3  }
0x474: {  	[tilespmem:s20+$0x130] =	vst v24  }
0x475: {  	v54 =	vadd.s32 v6, v18;
	v24 =	vld.idx.msk [tilespmem:v25+s2+$0x0], $0xffff  }
0x476: {  	v25 =	vor.u32 v19, v54;
	_ =	sdelay $0x3  }
0x477: {  	[tilespmem:s20+$0x140] =	vst v24  }
0x478: {  	v55 =	vadd.s32 v6, v20;
	v24 =	vld.idx.msk [tilespmem:v25+s2+$0x0], $0xffff  }
0x479: {  	v25 =	vor.u32 v21, v55;
	_ =	sdelay $0x3  }
0x47a: {  	[tilespmem:s20+$0x150] =	vst v24  }
0x47b: {  	v56 =	vadd.s32 v6, v22;
	v24 =	vld.idx.msk [tilespmem:v25+s2+$0x0], $0xffff  }
0x47c: {  	v25 =	vor.u32 v23, v56;
	_ =	sdelay $0x3  }
0x47d: {  	[tilespmem:s20+$0x160] =	vst v24  }
0x47e: {  	v8 =	vadd.s32 v7, v8;
	v24 =	vld.idx.msk [tilespmem:v25+s2+$0x0], $0xffff  }
0x47f: {  	v8 =	vor.u32 v9, v8;
	_ =	sdelay $0x3  }
0x480: {  	[tilespmem:s20+$0x170] =	vst v24  }
0x481: {  	v57 =	vadd.s32 v7, v10;
	v8 =	vld.idx.msk [tilespmem:v8+s2+$0x0], $0xffff  }
0x482: {  	v9 =	vor.u32 v11, v57;
	_ =	sdelay $0x3  }
0x483: {  	[tilespmem:s20+$0x180] =	vst v8  }
0x484: {  	v58 =	vadd.s32 v7, v12;
	v8 =	vld.idx.msk [tilespmem:v9+s2+$0x0], $0xffff  }
0x485: {  	v9 =	vor.u32 v13, v58;
	_ =	sdelay $0x3  }
0x486: {  	[tilespmem:s20+$0x190] =	vst v8  }
0x487: {  	v59 =	vadd.s32 v7, v14;
	v8 =	vld.idx.msk [tilespmem:v9+s2+$0x0], $0xffff  }
0x488: {  	v9 =	vor.u32 v15, v59;
	_ =	sdelay $0x3  }
0x489: {  	[tilespmem:s20+$0x1A0] =	vst v8  }
0x48a: {  	v60 =	vadd.s32 v7, v16;
	v8 =	vld.idx.msk [tilespmem:v9+s2+$0x0], $0xffff  }
0x48b: {  	v9 =	vor.u32 v17, v60;
	_ =	sdelay $0x3  }
0x48c: {  	[tilespmem:s20+$0x1B0] =	vst v8  }
0x48d: {  	v61 =	vadd.s32 v7, v18;
	v8 =	vld.idx.msk [tilespmem:v9+s2+$0x0], $0xffff  }
0x48e: {  	v9 =	vor.u32 v19, v61;
	_ =	sdelay $0x3  }
0x48f: {  	[tilespmem:s20+$0x1C0] =	vst v8  }
0x490: {  	v62 =	vadd.s32 v7, v20;
	v8 =	vld.idx.msk [tilespmem:v9+s2+$0x0], $0xffff  }
0x491: {  	v9 =	vor.u32 v21, v62;
	_ =	sdelay $0x3  }
0x492: {  	[tilespmem:s20+$0x1D0] =	vst v8  }
0x493: {  	v63 =	vadd.s32 v7, v22;
	v8 =	vld.idx.msk [tilespmem:v9+s2+$0x0], $0xffff  }
0x494: {  	v9 =	vor.u32 v23, v63;
	_ =	sdelay $0x3  }
0x495: {  	[tilespmem:s20+$0x1E0] =	vst v8  }
0x496: {  	p0 =	sne.s32 s18, $0x1E00;
	v8 =	vld.idx.msk [tilespmem:v9+s2+$0x0], $0xffff  }
.Ltmp3:
0x497: {  	_ = 	snop;
	(pc) =	sbr.rel @p0 .LBB2_9-.Ltmp3, $2  }
0x498: {  	_ =	sdelay $0x2  }
0x499: {  	s18 =	sadd.s32 $0x200, s18;
	[tilespmem:s20+$0x1F0] =	vst v8;
	s20 =	sadd.s32 $0x400, s20  }
0x49a: {  	s17 =	sadd.s32 $0x1, s17  }
0x49b: {  	p0 =	sne.s32 s17, $0x2F  }
.Ltmp4:
0x49c: {  	_ = 	snop;
	(pc) =	sbr.rel @p0 .LBB2_6-.Ltmp4, $4  }
0x49d: {  	s18 =	sadd.s32 s3, s19  }
0x49e: {  	s18 =	sshll.u32 s18, $0xE  }
0x49f: {  	s18 =	sadd.s32 s18, s8  }
0x4a0: {  	[hbm4b:s18+s2] =	stream.linear.scatter [tilespmem:s13], [sflag:$0x2], $0x4000, $0x38;
	[tilespmem:$0x14400] =	vst v63  }
0x4a1: {  	s16 =	sadd.s32 $0x1, s16  }
0x4a2: {  	_ =	swait.ge [sflag:s14], $0x4000;
	p0 =	sne.s32 s16, s9  }
.Ltmp5:
0x4a3: {  	[sflag:s14] =	ssyncset.done $0x0;
	(pc) =	sbr.rel @p0 .LBB2_1-.Ltmp5, $4  }
0x4a4: {  	[sflag:s14] =	ssyncadd.s32 $0xFFFFC000  }
0x4a5: {  	_ =	swait.ge [sflag:s15], $0x4000  }
0x4a6: {  	[sflag:s15] =	ssyncset.done $0x0  }
0x4a7: {  	[sflag:s15] =	ssyncadd.s32 $0xFFFFC000  }
0x4a8: {  	_ =	sfence.sel $0x180000  }
0x4a9: {  	[bflag:$0x0] =	sbarrier.arrive $0xFFFF  }
0x4aa: {  	p0 =	sne.s32 s1, $0x0;
	_ =	strace $0x90000047  }
0x4ab: {  	s0 =	sadd.s32 @!p0 $0x100000, s0;
	[bflag:$0x2] =	sbarrier.arrive $0xFFFF  }
0x4ac: {  	[sflag:s0] =	ssyncadd.tile.s32 @!p0 $0x1;
	_ =	shalt  }
.Lfunc_end2:
_tile_overlayer_lowered:
.L_overlay_start_2:
0x4ad: {  	(tag) =	ssettag $0x2  }
0x4ae: {  	s0 =	rddreg [dreg:$0x0];
	s2 =	stileid.u32  }
0x4af: {  	s1 =	rddreg [dreg:$0x1];
	p0 =	sne.s32 s2, $0x0  }
0x4b0: {  	s3 =	rddreg [dreg:$0x2];
	[bflag:$0x3] =	sbarrier.arrive $0xFFFF;
	s2 =	simm.s32 @!p0 $0x1C03  }
0x4b1: {  	[timem:s3], [sflag:s2] =	dma.local @!p0 [hbm:s0], s1  }
0x4b2: {  	s0 =	simm.s32 @!p0 $0x3  }
0x4b3: {  	_ =	swait.ge @!p0 [sflag:s0], s1  }
0x4b4: {  	s1 =	ssub.s32 @!p0 $0x0, s1;
	[sflag:s0] =	ssyncset.done @!p0 $0x0  }
0x4b5: {  	[sflag:s0] =	ssyncadd.s32 @!p0 s1  }
0x4b6: {  	[bflag:$0x3] =	sbarrier.arrive $0xFFFF  }
0x4b7: {  	_ =	shalt  }

</sc_bundles>
